<compile_context>
chip_gen: v7x
topology: tpu7x:2x2x1
jax: 0.10.2.dev20260603
libtpu: 0.0.44.dev20260713+nightly
codegen_flags: <defaults>
</compile_context>

<pallas_src>
import jax
import jax.numpy as jnp
from jax import lax
from jax.experimental import pallas as pl
from jax.experimental.pallas import tpu as pltpu
from jax.experimental.pallas import tpu_sc as plsc

N = 10000
D = 128
E = 320000

NC = 2
NS = 16
NW = NC * NS

EPW = E // NW
CHUNK = 80
NCHUNK = EPW // CHUNK
NPAD = 10240

BN = 1000


def _proj_body(x_ref, w_ref, b_ref, qk_ref):
    qk = lax.dot_general(
        x_ref[...], w_ref[...], (((1,), (1,)), ((), ())),
        preferred_element_type=jnp.float32)
    qk_ref[...] = qk + b_ref[0:1, :]


def _project(x, w, b2d):
    nb = N // BN
    return pl.pallas_call(
        _proj_body,
        grid=(2 * nb,),
        in_specs=[
            pl.BlockSpec((BN, D), lambda i: (i % nb, 0)),
            pl.BlockSpec((D, D), lambda i: (i // nb, 0)),
            pl.BlockSpec((8, D), lambda i: (i // nb, 0)),
        ],
        out_specs=pl.BlockSpec((BN, D), lambda i: (i, 0)),
        out_shape=jax.ShapeDtypeStruct((2 * N, D), jnp.float32),
    )(x, w, b2d)


def _edge_body(qk_hbm, sd_hbm, evals_hbm, smpart_hbm,
               src_all, dst_all, qr0, kr0, qr1, kr1, ev_all, parts, zbuf,
               sm_sh, sq0, sk0, sq1, sk1):
    cid = lax.axis_index("c")
    sid = lax.axis_index("s")
    wid = sid * NC + cid
    ebase = wid * EPW

    def _zero(i, _):
        zbuf[pl.ds(i * 16, 16)] = jnp.zeros((16,), jnp.float32)
        return 0
    lax.fori_loop(0, 640 // 16, _zero, 0)
    pltpu.sync_copy(zbuf, sm_sh.at[pl.ds(sid * 640, 640)])
    plsc.subcore_barrier()

    pltpu.sync_copy(sd_hbm.at[pl.ds(ebase, EPW)], src_all)
    pltpu.sync_copy(sd_hbm.at[pl.ds(E + ebase, EPW)], dst_all)

    lanes = lax.iota(jnp.int32, 16)

    def _issue(c, qrb, krb, sq, sk):
        off = c * CHUNK
        pltpu.async_copy(qk_hbm.at[src_all.at[pl.ds(off, CHUNK)]], qrb, sq)
        pltpu.async_copy(qk_hbm.at[dst_all.at[pl.ds(off, CHUNK)]], krb, sk)

    def _wait(c, qrb, krb, sq, sk):
        off = c * CHUNK
        pltpu.make_async_copy(
            qk_hbm.at[src_all.at[pl.ds(off, CHUNK)]], qrb, sq).wait()
        pltpu.make_async_copy(
            qk_hbm.at[dst_all.at[pl.ds(off, CHUNK)]], krb, sk).wait()

    def _compute(c, qrb, krb):
        def _group(g, _):
            for i in range(16):
                e = g * 16 + i
                p = qrb[e, pl.ds(0, 16)] * krb[e, pl.ds(0, 16)]
                for j in range(1, D // 16):
                    p = p + qrb[e, pl.ds(j * 16, 16)] * krb[e, pl.ds(j * 16, 16)]
                parts[i, pl.ds(0, 16)] = p
            acc = jnp.zeros((16,), jnp.float32)
            for j in range(16):
                col = jnp.full((16,), j, jnp.int32)
                acc = acc + plsc.load_gather(parts, [lanes, col])
            ev_all[pl.ds(c * CHUNK + g * 16, 16)] = jnp.exp(acc)
            return 0
        lax.fori_loop(0, CHUNK // 16, _group, 0)

    _issue(0, qr0, kr0, sq0, sk0)

    def _pipe(cc, _):
        c0 = cc * 2
        _issue(c0 + 1, qr1, kr1, sq1, sk1)
        _wait(c0, qr0, kr0, sq0, sk0)
        _compute(c0, qr0, kr0)
        _issue(c0 + 2, qr0, kr0, sq0, sk0)
        _wait(c0 + 1, qr1, kr1, sq1, sk1)
        _compute(c0 + 1, qr1, kr1)
        return 0
    lax.fori_loop(0, (NCHUNK - 1) // 2, _pipe, 0)
    _wait(NCHUNK - 1, qr0, kr0, sq0, sk0)
    _compute(NCHUNK - 1, qr0, kr0)

    pltpu.sync_copy(ev_all, evals_hbm.at[pl.ds(ebase, EPW)])
    pltpu.sync_copy(ev_all, sm_sh.at[src_all], add=True)

    plsc.subcore_barrier()

    @pl.when(sid == 0)
    def _():
        pltpu.sync_copy(sm_sh, smpart_hbm.at[pl.ds(cid * NPAD, NPAD)])


def _edge_call(qk, sd):
    mesh = plsc.VectorSubcoreMesh(core_axis_name="c", subcore_axis_name="s")
    f = pl.kernel(
        _edge_body,
        out_type=[
            jax.ShapeDtypeStruct((E,), jnp.float32),
            jax.ShapeDtypeStruct((NC * NPAD,), jnp.float32),
        ],
        mesh=mesh,
        compiler_params=pltpu.CompilerParams(needs_layout_passes=False),
        scratch_types=[
            pltpu.VMEM((EPW,), jnp.int32),
            pltpu.VMEM((EPW,), jnp.int32),
            pltpu.VMEM((CHUNK, D), jnp.float32),
            pltpu.VMEM((CHUNK, D), jnp.float32),
            pltpu.VMEM((CHUNK, D), jnp.float32),
            pltpu.VMEM((CHUNK, D), jnp.float32),
            pltpu.VMEM((EPW,), jnp.float32),
            pltpu.VMEM((16, 17), jnp.float32),
            pltpu.VMEM((640,), jnp.float32),
            pltpu.VMEM_SHARED((NPAD,), jnp.float32),
            pltpu.SemaphoreType.DMA,
            pltpu.SemaphoreType.DMA,
            pltpu.SemaphoreType.DMA,
            pltpu.SemaphoreType.DMA,
        ],
    )
    return f(qk, sd)


C2 = 2000


def _norm_body(evals_hbm, sd_hbm, smpart_hbm, v_hbm,
               sm0, sm1, src_all, ev_all, out_all, sem1, sem2, sem3, sem4):
    cid = lax.axis_index("c")
    sid = lax.axis_index("s")
    wid = sid * NC + cid
    ebase = wid * EPW

    cp1 = pltpu.async_copy(smpart_hbm.at[pl.ds(0, NPAD)], sm0, sem1)
    cp2 = pltpu.async_copy(smpart_hbm.at[pl.ds(NPAD, NPAD)], sm1, sem2)
    cp3 = pltpu.async_copy(sd_hbm.at[pl.ds(ebase, EPW)], src_all, sem3)
    cp4 = pltpu.async_copy(evals_hbm.at[pl.ds(ebase, EPW)], ev_all, sem4)
    cp1.wait()
    cp2.wait()
    cp3.wait()
    cp4.wait()

    def _group(g, _):
        sl = pl.ds(g * 16, 16)
        s = src_all[sl]
        sg = plsc.load_gather(sm0, [s]) + plsc.load_gather(sm1, [s])
        out_all[sl] = ev_all[sl] / sg
        return 0
    lax.fori_loop(0, EPW // 16, _group, 0)

    pltpu.sync_copy(out_all, v_hbm.at[pl.ds(ebase, EPW)])


def _norm_call(evals, sd, smpart):
    mesh = plsc.VectorSubcoreMesh(core_axis_name="c", subcore_axis_name="s")
    f = pl.kernel(
        _norm_body,
        out_type=jax.ShapeDtypeStruct((E,), jnp.float32),
        mesh=mesh,
        compiler_params=pltpu.CompilerParams(needs_layout_passes=False),
        scratch_types=[
            pltpu.VMEM((NPAD,), jnp.float32),
            pltpu.VMEM((NPAD,), jnp.float32),
            pltpu.VMEM((EPW,), jnp.int32),
            pltpu.VMEM((EPW,), jnp.float32),
            pltpu.VMEM((EPW,), jnp.float32),
            pltpu.SemaphoreType.DMA,
            pltpu.SemaphoreType.DMA,
            pltpu.SemaphoreType.DMA,
            pltpu.SemaphoreType.DMA,
        ],
    )
    return f(evals, sd, smpart)


def kernel(x, edge_index, W, b):
    b2d = jnp.broadcast_to(b, (8, 2 * D)).reshape(8, 2, D).transpose(1, 0, 2)
    b2d = b2d.reshape(2 * 8, D)
    qk = _project(x, W, b2d)
    src = edge_index[0]
    dst = edge_index[1]
    sd = jnp.concatenate([src, dst + N])
    evals, smpart = _edge_call(qk, sd)
    v = _norm_call(evals, sd, smpart)
    return (src, dst, v)

# --- scband reference (transcript-rebuilt; emitter-appended) ---
"""Pipeline reference for scband-dot-product-attention-23794118820323 (READ-ONLY COPY).

The authoritative reference and input builder live on the scoring server;
editing this copy changes nothing except your own understanding.
"""

import jax, jax.numpy as jnp
import numpy as np

N = 10000   # num_nodes
D = 128     # num_feats
E = 320000  # num_edges
H = 1       # num_heads


def setup_inputs(seed: int = 0) -> dict:
    key = jax.random.key(seed)
    k1, k2, k3 = jax.random.split(key, 3)
    x = jax.random.normal(k1, (N, D), dtype=jnp.float32)
    edge_index = jax.random.randint(k2, (2, E), 0, N).astype(jnp.int32)
    # qk_lin: Linear(D -> 2*H*D); torch default init ~ U(-1/sqrt(D), 1/sqrt(D))
    bound = 1.0 / np.sqrt(D)
    kW, kb = jax.random.split(k3)
    W = jax.random.uniform(kW, (2 * H * D, D), dtype=jnp.float32, minval=-bound, maxval=bound)
    b = jax.random.uniform(kb, (2 * H * D,), dtype=jnp.float32, minval=-bound, maxval=bound)
    return {"x": x, "edge_index": edge_index, "W": W, "b": b}


def reference(x, edge_index, W, b):
    # qk = self.qk_lin(x)
    qk = x @ W.T + b                          # [N, 2*H*D]
    # rearrange 'L (h hdim) -> L h hdim', hdim = 2*D
    qk = qk.reshape(N, H, 2 * D)
    # rearrange 'L h (split hdim) -> split h L hdim', split=2
    q = jnp.transpose(qk[:, :, :D], (1, 0, 2))   # [H, N, D]
    k = jnp.transpose(qk[:, :, D:], (1, 0, 2))   # [H, N, D]
    src = edge_index[0]
    dst = edge_index[1]
    # per-edge dot products: values[h, e] = <q[h, src[e]], k[h, dst[e]]>
    vals = jnp.sum(q[:, src, :] * k[:, dst, :], axis=-1)   # [H, E]
    # torch.sparse.softmax(attn, dim=2): normalize over columns per (head, row)
    seg = (jnp.arange(H, dtype=src.dtype)[:, None] * N + src[None, :]).reshape(-1)  # [H*E]
    v = vals.reshape(-1)
    mx = jax.ops.segment_max(v, seg, num_segments=H * N)
    v = jnp.exp(v - mx[seg])
    sm = jax.ops.segment_sum(v, seg, num_segments=H * N)
    v = v / sm[seg]
    # torch.sparse.sum(attn, dim=0) / num_heads: average values across heads
    v = v.reshape(H, E).sum(axis=0) / H
    # SparseTensor(row, col, value)
    return (src, dst, v)

if __name__ == "__main__":
    import jax
    _d = setup_inputs()
    print(jax.jit(kernel)(*tuple(_d.values())))

</pallas_src>

<mosaic_0001>
#map = affine_map<(d0, d1) -> (0, 0)>
#map1 = affine_map<(d0, d1) -> (0)>
module attributes {stable_mosaic.version = 14 : i64} {
  func.func @_edge_body(%arg0: i32, %arg1: i32, %arg2: memref<20000x128xf32, #tpu.memory_space<hbm>>, %arg3: memref<640000xi32, #tpu.memory_space<hbm>>, %arg4: memref<320000xf32, #tpu.memory_space<hbm>>, %arg5: memref<20480xf32, #tpu.memory_space<hbm>>, %arg6: memref<10000xi32, #tpu.memory_space<vmem>>, %arg7: memref<10000xi32, #tpu.memory_space<vmem>>, %arg8: memref<80x128xf32, #tpu.memory_space<vmem>>, %arg9: memref<80x128xf32, #tpu.memory_space<vmem>>, %arg10: memref<80x128xf32, #tpu.memory_space<vmem>>, %arg11: memref<80x128xf32, #tpu.memory_space<vmem>>, %arg12: memref<10000xf32, #tpu.memory_space<vmem>>, %arg13: memref<16x17xf32, #tpu.memory_space<vmem>>, %arg14: memref<640xf32, #tpu.memory_space<vmem>>, %arg15: memref<10240xf32, #tpu.memory_space<vmem_shared>>, %arg16: memref<!tpu.dma_semaphore, #tpu.memory_space<semaphore_mem>>, %arg17: memref<!tpu.dma_semaphore, #tpu.memory_space<semaphore_mem>>, %arg18: memref<!tpu.dma_semaphore, #tpu.memory_space<semaphore_mem>>, %arg19: memref<!tpu.dma_semaphore, #tpu.memory_space<semaphore_mem>>) attributes {dimension_semantics = [#tpu.dimension_semantics<core_parallel>, #tpu.dimension_semantics<subcore_parallel>], iteration_bounds = array<i64: 2, 16>, scalar_prefetch = 0 : i64, scratch_operands = 14 : i64, tpu.core_type = #tpu.core_type<sc_vector_subcore>, window_params = [{transform_indices = #map}, {transform_indices = #map1}, {transform_indices = #map1}, {transform_indices = #map1}]} {
    %mul3A = arith.constant 2 : i32
    %mul3A_0 = arith.muli %arg1, %mul3A : i32
    %add3A = arith.addi %mul3A_0, %arg0 : i32
    %mul3A_1 = arith.constant 10000 : i32
    %mul3A_2 = arith.muli %add3A, %mul3A_1 : i32
    %scan3A = arith.constant 0 : i32
    %scan3A_3 = arith.constant 0 : i32
    %scan3A_4 = arith.constant 40 : i32
    %scan3A_5 = arith.addi %scan3A_3, %scan3A_4 : i32
    %scan3A_6 = arith.constant 1 : i32
    %scan3A_7 = scf.for %scan3A_48 = %scan3A_3 to %scan3A_5 step %scan3A_6 iter_args(%scan3A_49 = %scan3A) -> (i32)  : i32 {
      %broadcast_in_dim3A = arith.constant 0.000000e+00 : f32
      %broadcast_in_dim3A_50 = vector.broadcast %broadcast_in_dim3A : f32 to vector<16xf32>
      %mul3A_51 = arith.constant 16 : i32
      %mul3A_52 = arith.muli %scan3A_48, %mul3A_51 : i32
      %swap3A = arith.index_cast %mul3A_52 : i32 to index
      %swap3A_53 = tpu.vector_load %arg14[%swap3A] {strides = array<i32>} : memref<640xf32, #tpu.memory_space<vmem>>, vector<16xf32>,
      tpu.vector_store %arg14[%swap3A], %broadcast_in_dim3A_50 {strides = array<i32>} : memref<640xf32, #tpu.memory_space<vmem>>, vector<16xf32>,
      %scan3A_54 = arith.constant 0 : i32
      scf.yield %scan3A_54 : i32
    }
    %scan3A_8 = arith.constant 40 : i32
    %mul3A_9 = arith.constant 640 : i32
    %mul3A_10 = arith.muli %arg1, %mul3A_9 : i32
    "tpu.region"() ({
      %run_scoped3A = tpu.sem_alloc : memref<!tpu.dma_semaphore, #tpu.memory_space<semaphore_mem>>
      %dma_start3A_48 = tpu.memref_slice %arg15[%mul3A_10] : memref<10240xf32, #tpu.memory_space<vmem_shared>> -> memref<640xf32, #tpu.memory_space<vmem_shared>>
      %dma_start3A_49 = tpu.memref_slice %arg15[%mul3A_10] : memref<10240xf32, #tpu.memory_space<vmem_shared>> -> memref<640xf32, #tpu.memory_space<vmem_shared>>
      tpu.enqueue_dma source(%arg14 : memref<640xf32, #tpu.memory_space<vmem>>) target(%dma_start3A_49 : memref<640xf32, #tpu.memory_space<vmem_shared>>) target_semaphore(%run_scoped3A : memref<!tpu.dma_semaphore, #tpu.memory_space<semaphore_mem>>)
      %dma_wait3A_50 = tpu.memref_slice %arg15[%mul3A_10] : memref<10240xf32, #tpu.memory_space<vmem_shared>> -> memref<640xf32, #tpu.memory_space<vmem_shared>>
      %dma_wait3A_51 = tpu.memref_slice %arg15[%mul3A_10] : memref<10240xf32, #tpu.memory_space<vmem_shared>> -> memref<640xf32, #tpu.memory_space<vmem_shared>>
      tpu.wait_dma2 semaphore(%run_scoped3A : memref<!tpu.dma_semaphore, #tpu.memory_space<semaphore_mem>>) src(%arg14 : memref<640xf32, #tpu.memory_space<vmem>>) dst(%dma_wait3A_51 : memref<640xf32, #tpu.memory_space<vmem_shared>>)
      tpu.yield
    }) : () -> ()
    %barrier3A = arith.constant 0 : index
    tpu.barrier barrier_id(%barrier3A)
    "tpu.region"() ({
      %run_scoped3A = tpu.sem_alloc : memref<!tpu.dma_semaphore, #tpu.memory_space<semaphore_mem>>
      %dma_start3A_48 = tpu.memref_slice %arg3[%mul3A_2] : memref<640000xi32, #tpu.memory_space<hbm>> -> memref<10000xi32, #tpu.memory_space<hbm>>
      %dma_start3A_49 = tpu.memref_slice %arg3[%mul3A_2] : memref<640000xi32, #tpu.memory_space<hbm>> -> memref<10000xi32, #tpu.memory_space<hbm>>
      tpu.enqueue_dma source(%dma_start3A_49 : memref<10000xi32, #tpu.memory_space<hbm>>) target(%arg6 : memref<10000xi32, #tpu.memory_space<vmem>>) target_semaphore(%run_scoped3A : memref<!tpu.dma_semaphore, #tpu.memory_space<semaphore_mem>>)
      %dma_wait3A_50 = tpu.memref_slice %arg3[%mul3A_2] : memref<640000xi32, #tpu.memory_space<hbm>> -> memref<10000xi32, #tpu.memory_space<hbm>>
      %dma_wait3A_51 = tpu.memref_slice %arg3[%mul3A_2] : memref<640000xi32, #tpu.memory_space<hbm>> -> memref<10000xi32, #tpu.memory_space<hbm>>
      tpu.wait_dma2 semaphore(%run_scoped3A : memref<!tpu.dma_semaphore, #tpu.memory_space<semaphore_mem>>) src(%dma_wait3A_51 : memref<10000xi32, #tpu.memory_space<hbm>>) dst(%arg6 : memref<10000xi32, #tpu.memory_space<vmem>>)
      tpu.yield
    }) : () -> ()
    %add3A_11 = arith.constant 320000 : i32
    %add3A_12 = arith.addi %add3A_11, %mul3A_2 : i32
    "tpu.region"() ({
      %run_scoped3A = tpu.sem_alloc : memref<!tpu.dma_semaphore, #tpu.memory_space<semaphore_mem>>
      %dma_start3A_48 = tpu.memref_slice %arg3[%add3A_12] : memref<640000xi32, #tpu.memory_space<hbm>> -> memref<10000xi32, #tpu.memory_space<hbm>>
      %dma_start3A_49 = tpu.memref_slice %arg3[%add3A_12] : memref<640000xi32, #tpu.memory_space<hbm>> -> memref<10000xi32, #tpu.memory_space<hbm>>
      tpu.enqueue_dma source(%dma_start3A_49 : memref<10000xi32, #tpu.memory_space<hbm>>) target(%arg7 : memref<10000xi32, #tpu.memory_space<vmem>>) target_semaphore(%run_scoped3A : memref<!tpu.dma_semaphore, #tpu.memory_space<semaphore_mem>>)
      %dma_wait3A_50 = tpu.memref_slice %arg3[%add3A_12] : memref<640000xi32, #tpu.memory_space<hbm>> -> memref<10000xi32, #tpu.memory_space<hbm>>
      %dma_wait3A_51 = tpu.memref_slice %arg3[%add3A_12] : memref<640000xi32, #tpu.memory_space<hbm>> -> memref<10000xi32, #tpu.memory_space<hbm>>
      tpu.wait_dma2 semaphore(%run_scoped3A : memref<!tpu.dma_semaphore, #tpu.memory_space<semaphore_mem>>) src(%dma_wait3A_51 : memref<10000xi32, #tpu.memory_space<hbm>>) dst(%arg7 : memref<10000xi32, #tpu.memory_space<vmem>>)
      tpu.yield
    }) : () -> ()
    %iota3A = tpu.iota {dimensions = array<i32: 0>} : vector<16xi32>
    %dma_start3A = arith.constant 0 : i32
    %dma_start3A_13 = tpu.memref_slice %arg6[%dma_start3A] : memref<10000xi32, #tpu.memory_space<vmem>> -> memref<80xi32, #tpu.memory_space<vmem>>
    %dma_start3A_14 = arith.constant 0 : i32
    %dma_start3A_15 = arith.constant 0 : i32
    %dma_start3A_16 = tpu.memref_slice %arg2[%dma_start3A_14, %dma_start3A_15] : memref<20000x128xf32, #tpu.memory_space<hbm>> -> memref<20000x128xf32, #tpu.memory_space<hbm>>
    tpu.enqueue_indirect_dma source(%dma_start3A_16 : memref<20000x128xf32, #tpu.memory_space<hbm>>) target(%arg8 : memref<80x128xf32, #tpu.memory_space<vmem>>) offsets(%dma_start3A_13 : memref<80xi32, #tpu.memory_space<vmem>>) semaphore(%arg16 : memref<!tpu.dma_semaphore, #tpu.memory_space<semaphore_mem>>)
    %dma_start3A_17 = arith.constant 0 : i32
    %dma_start3A_18 = tpu.memref_slice %arg7[%dma_start3A_17] : memref<10000xi32, #tpu.memory_space<vmem>> -> memref<80xi32, #tpu.memory_space<vmem>>
    %dma_start3A_19 = arith.constant 0 : i32
    %dma_start3A_20 = arith.constant 0 : i32
    %dma_start3A_21 = tpu.memref_slice %arg2[%dma_start3A_19, %dma_start3A_20] : memref<20000x128xf32, #tpu.memory_space<hbm>> -> memref<20000x128xf32, #tpu.memory_space<hbm>>
    tpu.enqueue_indirect_dma source(%dma_start3A_21 : memref<20000x128xf32, #tpu.memory_space<hbm>>) target(%arg9 : memref<80x128xf32, #tpu.memory_space<vmem>>) offsets(%dma_start3A_18 : memref<80xi32, #tpu.memory_space<vmem>>) semaphore(%arg17 : memref<!tpu.dma_semaphore, #tpu.memory_space<semaphore_mem>>)
    %scan3A_22 = arith.constant 0 : i32
    %scan3A_23 = arith.constant 0 : i32
    %scan3A_24 = arith.constant 62 : i32
    %scan3A_25 = arith.addi %scan3A_23, %scan3A_24 : i32
    %scan3A_26 = arith.constant 1 : i32
    %scan3A_27 = scf.for %scan3A_48 = %scan3A_23 to %scan3A_25 step %scan3A_26 iter_args(%scan3A_49 = %scan3A_22) -> (i32)  : i32 {
      %mul3A_50 = arith.constant 2 : i32
      %mul3A_51 = arith.muli %scan3A_48, %mul3A_50 : i32
      %add3A_52 = arith.constant 1 : i32
      %add3A_53 = arith.addi %mul3A_51, %add3A_52 : i32
      %mul3A_54 = arith.constant 80 : i32
      %mul3A_55 = arith.muli %add3A_53, %mul3A_54 : i32
      %dma_start3A_56 = tpu.memref_slice %arg6[%mul3A_55] : memref<10000xi32, #tpu.memory_space<vmem>> -> memref<80xi32, #tpu.memory_space<vmem>>
      %dma_start3A_57 = arith.constant 0 : i32
      %dma_start3A_58 = arith.constant 0 : i32
      %dma_start3A_59 = tpu.memref_slice %arg2[%dma_start3A_57, %dma_start3A_58] : memref<20000x128xf32, #tpu.memory_space<hbm>> -> memref<20000x128xf32, #tpu.memory_space<hbm>>
      tpu.enqueue_indirect_dma source(%dma_start3A_59 : memref<20000x128xf32, #tpu.memory_space<hbm>>) target(%arg10 : memref<80x128xf32, #tpu.memory_space<vmem>>) offsets(%dma_start3A_56 : memref<80xi32, #tpu.memory_space<vmem>>) semaphore(%arg18 : memref<!tpu.dma_semaphore, #tpu.memory_space<semaphore_mem>>)
      %dma_start3A_60 = tpu.memref_slice %arg7[%mul3A_55] : memref<10000xi32, #tpu.memory_space<vmem>> -> memref<80xi32, #tpu.memory_space<vmem>>
      %dma_start3A_61 = arith.constant 0 : i32
      %dma_start3A_62 = arith.constant 0 : i32
      %dma_start3A_63 = tpu.memref_slice %arg2[%dma_start3A_61, %dma_start3A_62] : memref<20000x128xf32, #tpu.memory_space<hbm>> -> memref<20000x128xf32, #tpu.memory_space<hbm>>
      tpu.enqueue_indirect_dma source(%dma_start3A_63 : memref<20000x128xf32, #tpu.memory_space<hbm>>) target(%arg11 : memref<80x128xf32, #tpu.memory_space<vmem>>) offsets(%dma_start3A_60 : memref<80xi32, #tpu.memory_space<vmem>>) semaphore(%arg19 : memref<!tpu.dma_semaphore, #tpu.memory_space<semaphore_mem>>)
      %mul3A_64 = arith.constant 80 : i32
      %mul3A_65 = arith.muli %mul3A_51, %mul3A_64 : i32
      %dma_wait3A_66 = tpu.memref_slice %arg6[%mul3A_65] : memref<10000xi32, #tpu.memory_space<vmem>> -> memref<80xi32, #tpu.memory_space<vmem>>
      %dma_wait3A_67 = arith.constant 0 : i32
      %dma_wait3A_68 = arith.constant 0 : i32
      %dma_wait3A_69 = tpu.memref_slice %arg2[%dma_wait3A_67, %dma_wait3A_68] : memref<20000x128xf32, #tpu.memory_space<hbm>> -> memref<20000x128xf32, #tpu.memory_space<hbm>>
      tpu.wait_indirect_dma semaphore(%arg16 : memref<!tpu.dma_semaphore, #tpu.memory_space<semaphore_mem>>) src(%dma_wait3A_69 : memref<20000x128xf32, #tpu.memory_space<hbm>>) dst(%arg8 : memref<80x128xf32, #tpu.memory_space<vmem>>)
      %dma_wait3A_70 = tpu.memref_slice %arg7[%mul3A_65] : memref<10000xi32, #tpu.memory_space<vmem>> -> memref<80xi32, #tpu.memory_space<vmem>>
      %dma_wait3A_71 = arith.constant 0 : i32
      %dma_wait3A_72 = arith.constant 0 : i32
      %dma_wait3A_73 = tpu.memref_slice %arg2[%dma_wait3A_71, %dma_wait3A_72] : memref<20000x128xf32, #tpu.memory_space<hbm>> -> memref<20000x128xf32, #tpu.memory_space<hbm>>
      tpu.wait_indirect_dma semaphore(%arg17 : memref<!tpu.dma_semaphore, #tpu.memory_space<semaphore_mem>>) src(%dma_wait3A_73 : memref<20000x128xf32, #tpu.memory_space<hbm>>) dst(%arg9 : memref<80x128xf32, #tpu.memory_space<vmem>>)
      %scan3A_74 = arith.constant 0 : i32
      %scan3A_75 = arith.constant 0 : i32
      %scan3A_76 = arith.constant 5 : i32
      %scan3A_77 = arith.addi %scan3A_75, %scan3A_76 : i32
      %scan3A_78 = arith.constant 1 : i32
      %scan3A_79 = scf.for %scan3A_115 = %scan3A_75 to %scan3A_77 step %scan3A_78 iter_args(%scan3A_116 = %scan3A_74) -> (i32)  : i32 {
        %mul3A_117 = arith.constant 16 : i32
        %mul3A_118 = arith.muli %scan3A_115, %mul3A_117 : i32
        %add3A_119 = arith.constant 0 : i32
        %add3A_120 = arith.addi %mul3A_118, %add3A_119 : i32
        %get3A = arith.index_cast %add3A_120 : i32 to index
        %get3A_121 = arith.constant 0 : index
        %get3A_122 = tpu.vector_load %arg8[%get3A, %get3A_121] {strides = array<i32>} : memref<80x128xf32, #tpu.memory_space<vmem>>, vector<16xf32>,
        %get3A_123 = arith.index_cast %add3A_120 : i32 to index
        %get3A_124 = arith.constant 0 : index
        %get3A_125 = tpu.vector_load %arg9[%get3A_123, %get3A_124] {strides = array<i32>} : memref<80x128xf32, #tpu.memory_space<vmem>>, vector<16xf32>,
        %mul3A_126 = arith.mulf %get3A_122, %get3A_125 : vector<16xf32>
        %get3A_127 = arith.index_cast %add3A_120 : i32 to index
        %get3A_128 = arith.constant 16 : index
        %get3A_129 = tpu.vector_load %arg8[%get3A_127, %get3A_128] {strides = array<i32>} : memref<80x128xf32, #tpu.memory_space<vmem>>, vector<16xf32>,
        %get3A_130 = arith.index_cast %add3A_120 : i32 to index
        %get3A_131 = arith.constant 16 : index
        %get3A_132 = tpu.vector_load %arg9[%get3A_130, %get3A_131] {strides = array<i32>} : memref<80x128xf32, #tpu.memory_space<vmem>>, vector<16xf32>,
        %mul3A_133 = arith.mulf %get3A_129, %get3A_132 : vector<16xf32>
        %add3A_134 = arith.addf %mul3A_126, %mul3A_133 : vector<16xf32>
        %get3A_135 = arith.index_cast %add3A_120 : i32 to index
        %get3A_136 = arith.constant 32 : index
        %get3A_137 = tpu.vector_load %arg8[%get3A_135, %get3A_136] {strides = array<i32>} : memref<80x128xf32, #tpu.memory_space<vmem>>, vector<16xf32>,
        %get3A_138 = arith.index_cast %add3A_120 : i32 to index
        %get3A_139 = arith.constant 32 : index
        %get3A_140 = tpu.vector_load %arg9[%get3A_138, %get3A_139] {strides = array<i32>} : memref<80x128xf32, #tpu.memory_space<vmem>>, vector<16xf32>,
        %mul3A_141 = arith.mulf %get3A_137, %get3A_140 : vector<16xf32>
        %add3A_142 = arith.addf %add3A_134, %mul3A_141 : vector<16xf32>
        %get3A_143 = arith.index_cast %add3A_120 : i32 to index
        %get3A_144 = arith.constant 48 : index
        %get3A_145 = tpu.vector_load %arg8[%get3A_143, %get3A_144] {strides = array<i32>} : memref<80x128xf32, #tpu.memory_space<vmem>>, vector<16xf32>,
        %get3A_146 = arith.index_cast %add3A_120 : i32 to index
        %get3A_147 = arith.constant 48 : index
        %get3A_148 = tpu.vector_load %arg9[%get3A_146, %get3A_147] {strides = array<i32>} : memref<80x128xf32, #tpu.memory_space<vmem>>, vector<16xf32>,
        %mul3A_149 = arith.mulf %get3A_145, %get3A_148 : vector<16xf32>
        %add3A_150 = arith.addf %add3A_142, %mul3A_149 : vector<16xf32>
        %get3A_151 = arith.index_cast %add3A_120 : i32 to index
        %get3A_152 = arith.constant 64 : index
        %get3A_153 = tpu.vector_load %arg8[%get3A_151, %get3A_152] {strides = array<i32>} : memref<80x128xf32, #tpu.memory_space<vmem>>, vector<16xf32>,
        %get3A_154 = arith.index_cast %add3A_120 : i32 to index
        %get3A_155 = arith.constant 64 : index
        %get3A_156 = tpu.vector_load %arg9[%get3A_154, %get3A_155] {strides = array<i32>} : memref<80x128xf32, #tpu.memory_space<vmem>>, vector<16xf32>,
        %mul3A_157 = arith.mulf %get3A_153, %get3A_156 : vector<16xf32>
        %add3A_158 = arith.addf %add3A_150, %mul3A_157 : vector<16xf32>
        %get3A_159 = arith.index_cast %add3A_120 : i32 to index
        %get3A_160 = arith.constant 80 : index
        %get3A_161 = tpu.vector_load %arg8[%get3A_159, %get3A_160] {strides = array<i32>} : memref<80x128xf32, #tpu.memory_space<vmem>>, vector<16xf32>,
        %get3A_162 = arith.index_cast %add3A_120 : i32 to index
        %get3A_163 = arith.constant 80 : index
        %get3A_164 = tpu.vector_load %arg9[%get3A_162, %get3A_163] {strides = array<i32>} : memref<80x128xf32, #tpu.memory_space<vmem>>, vector<16xf32>,
        %mul3A_165 = arith.mulf %get3A_161, %get3A_164 : vector<16xf32>
        %add3A_166 = arith.addf %add3A_158, %mul3A_165 : vector<16xf32>
        %get3A_167 = arith.index_cast %add3A_120 : i32 to index
        %get3A_168 = arith.constant 96 : index
        %get3A_169 = tpu.vector_load %arg8[%get3A_167, %get3A_168] {strides = array<i32>} : memref<80x128xf32, #tpu.memory_space<vmem>>, vector<16xf32>,
        %get3A_170 = arith.index_cast %add3A_120 : i32 to index
        %get3A_171 = arith.constant 96 : index
        %get3A_172 = tpu.vector_load %arg9[%get3A_170, %get3A_171] {strides = array<i32>} : memref<80x128xf32, #tpu.memory_space<vmem>>, vector<16xf32>,
        %mul3A_173 = arith.mulf %get3A_169, %get3A_172 : vector<16xf32>
        %add3A_174 = arith.addf %add3A_166, %mul3A_173 : vector<16xf32>
        %get3A_175 = arith.index_cast %add3A_120 : i32 to index
        %get3A_176 = arith.constant 112 : index
        %get3A_177 = tpu.vector_load %arg8[%get3A_175, %get3A_176] {strides = array<i32>} : memref<80x128xf32, #tpu.memory_space<vmem>>, vector<16xf32>,
        %get3A_178 = arith.index_cast %add3A_120 : i32 to index
        %get3A_179 = arith.constant 112 : index
        %get3A_180 = tpu.vector_load %arg9[%get3A_178, %get3A_179] {strides = array<i32>} : memref<80x128xf32, #tpu.memory_space<vmem>>, vector<16xf32>,
        %mul3A_181 = arith.mulf %get3A_177, %get3A_180 : vector<16xf32>
        %add3A_182 = arith.addf %add3A_174, %mul3A_181 : vector<16xf32>
        %swap3A = arith.constant 0 : i32
        %swap3A_183 = arith.index_cast %swap3A : i32 to index
        %swap3A_184 = arith.constant 0 : index
        %swap3A_185 = tpu.vector_load %arg13[%swap3A_183, %swap3A_184] {strides = array<i32>} : memref<16x17xf32, #tpu.memory_space<vmem>>, vector<16xf32>,
        tpu.vector_store %arg13[%swap3A_183, %swap3A_184], %add3A_182 {strides = array<i32>} : memref<16x17xf32, #tpu.memory_space<vmem>>, vector<16xf32>,
        %mul3A_186 = arith.constant 16 : i32
        %mul3A_187 = arith.muli %scan3A_115, %mul3A_186 : i32
        %add3A_188 = arith.constant 1 : i32
        %add3A_189 = arith.addi %mul3A_187, %add3A_188 : i32
        %get3A_190 = arith.index_cast %add3A_189 : i32 to index
        %get3A_191 = arith.constant 0 : index
        %get3A_192 = tpu.vector_load %arg8[%get3A_190, %get3A_191] {strides = array<i32>} : memref<80x128xf32, #tpu.memory_space<vmem>>, vector<16xf32>,
        %get3A_193 = arith.index_cast %add3A_189 : i32 to index
        %get3A_194 = arith.constant 0 : index
        %get3A_195 = tpu.vector_load %arg9[%get3A_193, %get3A_194] {strides = array<i32>} : memref<80x128xf32, #tpu.memory_space<vmem>>, vector<16xf32>,
        %mul3A_196 = arith.mulf %get3A_192, %get3A_195 : vector<16xf32>
        %get3A_197 = arith.index_cast %add3A_189 : i32 to index
        %get3A_198 = arith.constant 16 : index
        %get3A_199 = tpu.vector_load %arg8[%get3A_197, %get3A_198] {strides = array<i32>} : memref<80x128xf32, #tpu.memory_space<vmem>>, vector<16xf32>,
        %get3A_200 = arith.index_cast %add3A_189 : i32 to index
        %get3A_201 = arith.constant 16 : index
        %get3A_202 = tpu.vector_load %arg9[%get3A_200, %get3A_201] {strides = array<i32>} : memref<80x128xf32, #tpu.memory_space<vmem>>, vector<16xf32>,
        %mul3A_203 = arith.mulf %get3A_199, %get3A_202 : vector<16xf32>
        %add3A_204 = arith.addf %mul3A_196, %mul3A_203 : vector<16xf32>
        %get3A_205 = arith.index_cast %add3A_189 : i32 to index
        %get3A_206 = arith.constant 32 : index
        %get3A_207 = tpu.vector_load %arg8[%get3A_205, %get3A_206] {strides = array<i32>} : memref<80x128xf32, #tpu.memory_space<vmem>>, vector<16xf32>,
        %get3A_208 = arith.index_cast %add3A_189 : i32 to index
        %get3A_209 = arith.constant 32 : index
        %get3A_210 = tpu.vector_load %arg9[%get3A_208, %get3A_209] {strides = array<i32>} : memref<80x128xf32, #tpu.memory_space<vmem>>, vector<16xf32>,
        %mul3A_211 = arith.mulf %get3A_207, %get3A_210 : vector<16xf32>
        %add3A_212 = arith.addf %add3A_204, %mul3A_211 : vector<16xf32>
        %get3A_213 = arith.index_cast %add3A_189 : i32 to index
        %get3A_214 = arith.constant 48 : index
        %get3A_215 = tpu.vector_load %arg8[%get3A_213, %get3A_214] {strides = array<i32>} : memref<80x128xf32, #tpu.memory_space<vmem>>, vector<16xf32>,
        %get3A_216 = arith.index_cast %add3A_189 : i32 to index
        %get3A_217 = arith.constant 48 : index
        %get3A_218 = tpu.vector_load %arg9[%get3A_216, %get3A_217] {strides = array<i32>} : memref<80x128xf32, #tpu.memory_space<vmem>>, vector<16xf32>,
        %mul3A_219 = arith.mulf %get3A_215, %get3A_218 : vector<16xf32>
        %add3A_220 = arith.addf %add3A_212, %mul3A_219 : vector<16xf32>
        %get3A_221 = arith.index_cast %add3A_189 : i32 to index
        %get3A_222 = arith.constant 64 : index
        %get3A_223 = tpu.vector_load %arg8[%get3A_221, %get3A_222] {strides = array<i32>} : memref<80x128xf32, #tpu.memory_space<vmem>>, vector<16xf32>,
        %get3A_224 = arith.index_cast %add3A_189 : i32 to index
        %get3A_225 = arith.constant 64 : index
        %get3A_226 = tpu.vector_load %arg9[%get3A_224, %get3A_225] {strides = array<i32>} : memref<80x128xf32, #tpu.memory_space<vmem>>, vector<16xf32>,
        %mul3A_227 = arith.mulf %get3A_223, %get3A_226 : vector<16xf32>
        %add3A_228 = arith.addf %add3A_220, %mul3A_227 : vector<16xf32>
        %get3A_229 = arith.index_cast %add3A_189 : i32 to index
        %get3A_230 = arith.constant 80 : index
        %get3A_231 = tpu.vector_load %arg8[%get3A_229, %get3A_230] {strides = array<i32>} : memref<80x128xf32, #tpu.memory_space<vmem>>, vector<16xf32>,
        %get3A_232 = arith.index_cast %add3A_189 : i32 to index
        %get3A_233 = arith.constant 80 : index
        %get3A_234 = tpu.vector_load %arg9[%get3A_232, %get3A_233] {strides = array<i32>} : memref<80x128xf32, #tpu.memory_space<vmem>>, vector<16xf32>,
        %mul3A_235 = arith.mulf %get3A_231, %get3A_234 : vector<16xf32>
        %add3A_236 = arith.addf %add3A_228, %mul3A_235 : vector<16xf32>
        %get3A_237 = arith.index_cast %add3A_189 : i32 to index
        %get3A_238 = arith.constant 96 : index
        %get3A_239 = tpu.vector_load %arg8[%get3A_237, %get3A_238] {strides = array<i32>} : memref<80x128xf32, #tpu.memory_space<vmem>>, vector<16xf32>,
        %get3A_240 = arith.index_cast %add3A_189 : i32 to index
        %get3A_241 = arith.constant 96 : index
        %get3A_242 = tpu.vector_load %arg9[%get3A_240, %get3A_241] {strides = array<i32>} : memref<80x128xf32, #tpu.memory_space<vmem>>, vector<16xf32>,
        %mul3A_243 = arith.mulf %get3A_239, %get3A_242 : vector<16xf32>
        %add3A_244 = arith.addf %add3A_236, %mul3A_243 : vector<16xf32>
        %get3A_245 = arith.index_cast %add3A_189 : i32 to index
        %get3A_246 = arith.constant 112 : index
        %get3A_247 = tpu.vector_load %arg8[%get3A_245, %get3A_246] {strides = array<i32>} : memref<80x128xf32, #tpu.memory_space<vmem>>, vector<16xf32>,
        %get3A_248 = arith.index_cast %add3A_189 : i32 to index
        %get3A_249 = arith.constant 112 : index
        %get3A_250 = tpu.vector_load %arg9[%get3A_248, %get3A_249] {strides = array<i32>} : memref<80x128xf32, #tpu.memory_space<vmem>>, vector<16xf32>,
        %mul3A_251 = arith.mulf %get3A_247, %get3A_250 : vector<16xf32>
        %add3A_252 = arith.addf %add3A_244, %mul3A_251 : vector<16xf32>
        %swap3A_253 = arith.constant 1 : i32
        %swap3A_254 = arith.index_cast %swap3A_253 : i32 to index
        %swap3A_255 = arith.constant 0 : index
        %swap3A_256 = tpu.vector_load %arg13[%swap3A_254, %swap3A_255] {strides = array<i32>} : memref<16x17xf32, #tpu.memory_space<vmem>>, vector<16xf32>,
        tpu.vector_store %arg13[%swap3A_254, %swap3A_255], %add3A_252 {strides = array<i32>} : memref<16x17xf32, #tpu.memory_space<vmem>>, vector<16xf32>,
        %mul3A_257 = arith.constant 16 : i32
        %mul3A_258 = arith.muli %scan3A_115, %mul3A_257 : i32
        %add3A_259 = arith.constant 2 : i32
        %add3A_260 = arith.addi %mul3A_258, %add3A_259 : i32
        %get3A_261 = arith.index_cast %add3A_260 : i32 to index
        %get3A_262 = arith.constant 0 : index
        %get3A_263 = tpu.vector_load %arg8[%get3A_261, %get3A_262] {strides = array<i32>} : memref<80x128xf32, #tpu.memory_space<vmem>>, vector<16xf32>,
        %get3A_264 = arith.index_cast %add3A_260 : i32 to index
        %get3A_265 = arith.constant 0 : index
        %get3A_266 = tpu.vector_load %arg9[%get3A_264, %get3A_265] {strides = array<i32>} : memref<80x128xf32, #tpu.memory_space<vmem>>, vector<16xf32>,
        %mul3A_267 = arith.mulf %get3A_263, %get3A_266 : vector<16xf32>
        %get3A_268 = arith.index_cast %add3A_260 : i32 to index
        %get3A_269 = arith.constant 16 : index
        %get3A_270 = tpu.vector_load %arg8[%get3A_268, %get3A_269] {strides = array<i32>} : memref<80x128xf32, #tpu.memory_space<vmem>>, vector<16xf32>,
        %get3A_271 = arith.index_cast %add3A_260 : i32 to index
        %get3A_272 = arith.constant 16 : index
        %get3A_273 = tpu.vector_load %arg9[%get3A_271, %get3A_272] {strides = array<i32>} : memref<80x128xf32, #tpu.memory_space<vmem>>, vector<16xf32>,
        %mul3A_274 = arith.mulf %get3A_270, %get3A_273 : vector<16xf32>
        %add3A_275 = arith.addf %mul3A_267, %mul3A_274 : vector<16xf32>
        %get3A_276 = arith.index_cast %add3A_260 : i32 to index
        %get3A_277 = arith.constant 32 : index
        %get3A_278 = tpu.vector_load %arg8[%get3A_276, %get3A_277] {strides = array<i32>} : memref<80x128xf32, #tpu.memory_space<vmem>>, vector<16xf32>,
        %get3A_279 = arith.index_cast %add3A_260 : i32 to index
        %get3A_280 = arith.constant 32 : index
        %get3A_281 = tpu.vector_load %arg9[%get3A_279, %get3A_280] {strides = array<i32>} : memref<80x128xf32, #tpu.memory_space<vmem>>, vector<16xf32>,
        %mul3A_282 = arith.mulf %get3A_278, %get3A_281 : vector<16xf32>
        %add3A_283 = arith.addf %add3A_275, %mul3A_282 : vector<16xf32>
        %get3A_284 = arith.index_cast %add3A_260 : i32 to index
        %get3A_285 = arith.constant 48 : index
        %get3A_286 = tpu.vector_load %arg8[%get3A_284, %get3A_285] {strides = array<i32>} : memref<80x128xf32, #tpu.memory_space<vmem>>, vector<16xf32>,
        %get3A_287 = arith.index_cast %add3A_260 : i32 to index
        %get3A_288 = arith.constant 48 : index
        %get3A_289 = tpu.vector_load %arg9[%get3A_287, %get3A_288] {strides = array<i32>} : memref<80x128xf32, #tpu.memory_space<vmem>>, vector<16xf32>,
        %mul3A_290 = arith.mulf %get3A_286, %get3A_289 : vector<16xf32>
        %add3A_291 = arith.addf %add3A_283, %mul3A_290 : vector<16xf32>
        %get3A_292 = arith.index_cast %add3A_260 : i32 to index
        %get3A_293 = arith.constant 64 : index
        %get3A_294 = tpu.vector_load %arg8[%get3A_292, %get3A_293] {strides = array<i32>} : memref<80x128xf32, #tpu.memory_space<vmem>>, vector<16xf32>,
        %get3A_295 = arith.index_cast %add3A_260 : i32 to index
        %get3A_296 = arith.constant 64 : index
        %get3A_297 = tpu.vector_load %arg9[%get3A_295, %get3A_296] {strides = array<i32>} : memref<80x128xf32, #tpu.memory_space<vmem>>, vector<16xf32>,
        %mul3A_298 = arith.mulf %get3A_294, %get3A_297 : vector<16xf32>
        %add3A_299 = arith.addf %add3A_291, %mul3A_298 : vector<16xf32>
        %get3A_300 = arith.index_cast %add3A_260 : i32 to index
        %get3A_301 = arith.constant 80 : index
        %get3A_302 = tpu.vector_load %arg8[%get3A_300, %get3A_301] {strides = array<i32>} : memref<80x128xf32, #tpu.memory_space<vmem>>, vector<16xf32>,
        %get3A_303 = arith.index_cast %add3A_260 : i32 to index
        %get3A_304 = arith.constant 80 : index
        %get3A_305 = tpu.vector_load %arg9[%get3A_303, %get3A_304] {strides = array<i32>} : memref<80x128xf32, #tpu.memory_space<vmem>>, vector<16xf32>,
        %mul3A_306 = arith.mulf %get3A_302, %get3A_305 : vector<16xf32>
        %add3A_307 = arith.addf %add3A_299, %mul3A_306 : vector<16xf32>
        %get3A_308 = arith.index_cast %add3A_260 : i32 to index
        %get3A_309 = arith.constant 96 : index
        %get3A_310 = tpu.vector_load %arg8[%get3A_308, %get3A_309] {strides = array<i32>} : memref<80x128xf32, #tpu.memory_space<vmem>>, vector<16xf32>,
        %get3A_311 = arith.index_cast %add3A_260 : i32 to index
        %get3A_312 = arith.constant 96 : index
        %get3A_313 = tpu.vector_load %arg9[%get3A_311, %get3A_312] {strides = array<i32>} : memref<80x128xf32, #tpu.memory_space<vmem>>, vector<16xf32>,
        %mul3A_314 = arith.mulf %get3A_310, %get3A_313 : vector<16xf32>
        %add3A_315 = arith.addf %add3A_307, %mul3A_314 : vector<16xf32>
        %get3A_316 = arith.index_cast %add3A_260 : i32 to index
        %get3A_317 = arith.constant 112 : index
        %get3A_318 = tpu.vector_load %arg8[%get3A_316, %get3A_317] {strides = array<i32>} : memref<80x128xf32, #tpu.memory_space<vmem>>, vector<16xf32>,
        %get3A_319 = arith.index_cast %add3A_260 : i32 to index
        %get3A_320 = arith.constant 112 : index
        %get3A_321 = tpu.vector_load %arg9[%get3A_319, %get3A_320] {strides = array<i32>} : memref<80x128xf32, #tpu.memory_space<vmem>>, vector<16xf32>,
        %mul3A_322 = arith.mulf %get3A_318, %get3A_321 : vector<16xf32>
        %add3A_323 = arith.addf %add3A_315, %mul3A_322 : vector<16xf32>
        %swap3A_324 = arith.constant 2 : i32
        %swap3A_325 = arith.index_cast %swap3A_324 : i32 to index
        %swap3A_326 = arith.constant 0 : index
        %swap3A_327 = tpu.vector_load %arg13[%swap3A_325, %swap3A_326] {strides = array<i32>} : memref<16x17xf32, #tpu.memory_space<vmem>>, vector<16xf32>,
        tpu.vector_store %arg13[%swap3A_325, %swap3A_326], %add3A_323 {strides = array<i32>} : memref<16x17xf32, #tpu.memory_space<vmem>>, vector<16xf32>,
        %mul3A_328 = arith.constant 16 : i32
        %mul3A_329 = arith.muli %scan3A_115, %mul3A_328 : i32
        %add3A_330 = arith.constant 3 : i32
        %add3A_331 = arith.addi %mul3A_329, %add3A_330 : i32
        %get3A_332 = arith.index_cast %add3A_331 : i32 to index
        %get3A_333 = arith.constant 0 : index
        %get3A_334 = tpu.vector_load %arg8[%get3A_332, %get3A_333] {strides = array<i32>} : memref<80x128xf32, #tpu.memory_space<vmem>>, vector<16xf32>,
        %get3A_335 = arith.index_cast %add3A_331 : i32 to index
        %get3A_336 = arith.constant 0 : index
        %get3A_337 = tpu.vector_load %arg9[%get3A_335, %get3A_336] {strides = array<i32>} : memref<80x128xf32, #tpu.memory_space<vmem>>, vector<16xf32>,
        %mul3A_338 = arith.mulf %get3A_334, %get3A_337 : vector<16xf32>
        %get3A_339 = arith.index_cast %add3A_331 : i32 to index
        %get3A_340 = arith.constant 16 : index
        %get3A_341 = tpu.vector_load %arg8[%get3A_339, %get3A_340] {strides = array<i32>} : memref<80x128xf32, #tpu.memory_space<vmem>>, vector<16xf32>,
        %get3A_342 = arith.index_cast %add3A_331 : i32 to index
        %get3A_343 = arith.constant 16 : index
        %get3A_344 = tpu.vector_load %arg9[%get3A_342, %get3A_343] {strides = array<i32>} : memref<80x128xf32, #tpu.memory_space<vmem>>, vector<16xf32>,
        %mul3A_345 = arith.mulf %get3A_341, %get3A_344 : vector<16xf32>
        %add3A_346 = arith.addf %mul3A_338, %mul3A_345 : vector<16xf32>
        %get3A_347 = arith.index_cast %add3A_331 : i32 to index
        %get3A_348 = arith.constant 32 : index
        %get3A_349 = tpu.vector_load %arg8[%get3A_347, %get3A_348] {strides = array<i32>} : memref<80x128xf32, #tpu.memory_space<vmem>>, vector<16xf32>,
        %get3A_350 = arith.index_cast %add3A_331 : i32 to index
        %get3A_351 = arith.constant 32 : index
        %get3A_352 = tpu.vector_load %arg9[%get3A_350, %get3A_351] {strides = array<i32>} : memref<80x128xf32, #tpu.memory_space<vmem>>, vector<16xf32>,
        %mul3A_353 = arith.mulf %get3A_349, %get3A_352 : vector<16xf32>
        %add3A_354 = arith.addf %add3A_346, %mul3A_353 : vector<16xf32>
        %get3A_355 = arith.index_cast %add3A_331 : i32 to index
        %get3A_356 = arith.constant 48 : index
        %get3A_357 = tpu.vector_load %arg8[%get3A_355, %get3A_356] {strides = array<i32>} : memref<80x128xf32, #tpu.memory_space<vmem>>, vector<16xf32>,
        %get3A_358 = arith.index_cast %add3A_331 : i32 to index
        %get3A_359 = arith.constant 48 : index
        %get3A_360 = tpu.vector_load %arg9[%get3A_358, %get3A_359] {strides = array<i32>} : memref<80x128xf32, #tpu.memory_space<vmem>>, vector<16xf32>,
        %mul3A_361 = arith.mulf %get3A_357, %get3A_360 : vector<16xf32>
        %add3A_362 = arith.addf %add3A_354, %mul3A_361 : vector<16xf32>
        %get3A_363 = arith.index_cast %add3A_331 : i32 to index
        %get3A_364 = arith.constant 64 : index
        %get3A_365 = tpu.vector_load %arg8[%get3A_363, %get3A_364] {strides = array<i32>} : memref<80x128xf32, #tpu.memory_space<vmem>>, vector<16xf32>,
        %get3A_366 = arith.index_cast %add3A_331 : i32 to index
        %get3A_367 = arith.constant 64 : index
        %get3A_368 = tpu.vector_load %arg9[%get3A_366, %get3A_367] {strides = array<i32>} : memref<80x128xf32, #tpu.memory_space<vmem>>, vector<16xf32>,
        %mul3A_369 = arith.mulf %get3A_365, %get3A_368 : vector<16xf32>
        %add3A_370 = arith.addf %add3A_362, %mul3A_369 : vector<16xf32>
        %get3A_371 = arith.index_cast %add3A_331 : i32 to index
        %get3A_372 = arith.constant 80 : index
        %get3A_373 = tpu.vector_load %arg8[%get3A_371, %get3A_372] {strides = array<i32>} : memref<80x128xf32, #tpu.memory_space<vmem>>, vector<16xf32>,
        %get3A_374 = arith.index_cast %add3A_331 : i32 to index
        %get3A_375 = arith.constant 80 : index
        %get3A_376 = tpu.vector_load %arg9[%get3A_374, %get3A_375] {strides = array<i32>} : memref<80x128xf32, #tpu.memory_space<vmem>>, vector<16xf32>,
        %mul3A_377 = arith.mulf %get3A_373, %get3A_376 : vector<16xf32>
        %add3A_378 = arith.addf %add3A_370, %mul3A_377 : vector<16xf32>
        %get3A_379 = arith.index_cast %add3A_331 : i32 to index
        %get3A_380 = arith.constant 96 : index
        %get3A_381 = tpu.vector_load %arg8[%get3A_379, %get3A_380] {strides = array<i32>} : memref<80x128xf32, #tpu.memory_space<vmem>>, vector<16xf32>,
        %get3A_382 = arith.index_cast %add3A_331 : i32 to index
        %get3A_383 = arith.constant 96 : index
        %get3A_384 = tpu.vector_load %arg9[%get3A_382, %get3A_383] {strides = array<i32>} : memref<80x128xf32, #tpu.memory_space<vmem>>, vector<16xf32>,
        %mul3A_385 = arith.mulf %get3A_381, %get3A_384 : vector<16xf32>
        %add3A_386 = arith.addf %add3A_378, %mul3A_385 : vector<16xf32>
        %get3A_387 = arith.index_cast %add3A_331 : i32 to index
        %get3A_388 = arith.constant 112 : index
        %get3A_389 = tpu.vector_load %arg8[%get3A_387, %get3A_388] {strides = array<i32>} : memref<80x128xf32, #tpu.memory_space<vmem>>, vector<16xf32>,
        %get3A_390 = arith.index_cast %add3A_331 : i32 to index
        %get3A_391 = arith.constant 112 : index
        %get3A_392 = tpu.vector_load %arg9[%get3A_390, %get3A_391] {strides = array<i32>} : memref<80x128xf32, #tpu.memory_space<vmem>>, vector<16xf32>,
        %mul3A_393 = arith.mulf %get3A_389, %get3A_392 : vector<16xf32>
        %add3A_394 = arith.addf %add3A_386, %mul3A_393 : vector<16xf32>
        %swap3A_395 = arith.constant 3 : i32
        %swap3A_396 = arith.index_cast %swap3A_395 : i32 to index
        %swap3A_397 = arith.constant 0 : index
        %swap3A_398 = tpu.vector_load %arg13[%swap3A_396, %swap3A_397] {strides = array<i32>} : memref<16x17xf32, #tpu.memory_space<vmem>>, vector<16xf32>,
        tpu.vector_store %arg13[%swap3A_396, %swap3A_397], %add3A_394 {strides = array<i32>} : memref<16x17xf32, #tpu.memory_space<vmem>>, vector<16xf32>,
        %mul3A_399 = arith.constant 16 : i32
        %mul3A_400 = arith.muli %scan3A_115, %mul3A_399 : i32
        %add3A_401 = arith.constant 4 : i32
        %add3A_402 = arith.addi %mul3A_400, %add3A_401 : i32
        %get3A_403 = arith.index_cast %add3A_402 : i32 to index
        %get3A_404 = arith.constant 0 : index
        %get3A_405 = tpu.vector_load %arg8[%get3A_403, %get3A_404] {strides = array<i32>} : memref<80x128xf32, #tpu.memory_space<vmem>>, vector<16xf32>,
        %get3A_406 = arith.index_cast %add3A_402 : i32 to index
        %get3A_407 = arith.constant 0 : index
        %get3A_408 = tpu.vector_load %arg9[%get3A_406, %get3A_407] {strides = array<i32>} : memref<80x128xf32, #tpu.memory_space<vmem>>, vector<16xf32>,
        %mul3A_409 = arith.mulf %get3A_405, %get3A_408 : vector<16xf32>
        %get3A_410 = arith.index_cast %add3A_402 : i32 to index
        %get3A_411 = arith.constant 16 : index
        %get3A_412 = tpu.vector_load %arg8[%get3A_410, %get3A_411] {strides = array<i32>} : memref<80x128xf32, #tpu.memory_space<vmem>>, vector<16xf32>,
        %get3A_413 = arith.index_cast %add3A_402 : i32 to index
        %get3A_414 = arith.constant 16 : index
        %get3A_415 = tpu.vector_load %arg9[%get3A_413, %get3A_414] {strides = array<i32>} : memref<80x128xf32, #tpu.memory_space<vmem>>, vector<16xf32>,
        %mul3A_416 = arith.mulf %get3A_412, %get3A_415 : vector<16xf32>
        %add3A_417 = arith.addf %mul3A_409, %mul3A_416 : vector<16xf32>
        %get3A_418 = arith.index_cast %add3A_402 : i32 to index
        %get3A_419 = arith.constant 32 : index
        %get3A_420 = tpu.vector_load %arg8[%get3A_418, %get3A_419] {strides = array<i32>} : memref<80x128xf32, #tpu.memory_space<vmem>>, vector<16xf32>,
        %get3A_421 = arith.index_cast %add3A_402 : i32 to index
        %get3A_422 = arith.constant 32 : index
        %get3A_423 = tpu.vector_load %arg9[%get3A_421, %get3A_422] {strides = array<i32>} : memref<80x128xf32, #tpu.memory_space<vmem>>, vector<16xf32>,
        %mul3A_424 = arith.mulf %get3A_420, %get3A_423 : vector<16xf32>
        %add3A_425 = arith.addf %add3A_417, %mul3A_424 : vector<16xf32>
        %get3A_426 = arith.index_cast %add3A_402 : i32 to index
        %get3A_427 = arith.constant 48 : index
        %get3A_428 = tpu.vector_load %arg8[%get3A_426, %get3A_427] {strides = array<i32>} : memref<80x128xf32, #tpu.memory_space<vmem>>, vector<16xf32>,
        %get3A_429 = arith.index_cast %add3A_402 : i32 to index
        %get3A_430 = arith.constant 48 : index
        %get3A_431 = tpu.vector_load %arg9[%get3A_429, %get3A_430] {strides = array<i32>} : memref<80x128xf32, #tpu.memory_space<vmem>>, vector<16xf32>,
        %mul3A_432 = arith.mulf %get3A_428, %get3A_431 : vector<16xf32>
        %add3A_433 = arith.addf %add3A_425, %mul3A_432 : vector<16xf32>
        %get3A_434 = arith.index_cast %add3A_402 : i32 to index
        %get3A_435 = arith.constant 64 : index
        %get3A_436 = tpu.vector_load %arg8[%get3A_434, %get3A_435] {strides = array<i32>} : memref<80x128xf32, #tpu.memory_space<vmem>>, vector<16xf32>,
        %get3A_437 = arith.index_cast %add3A_402 : i32 to index
        %get3A_438 = arith.constant 64 : index
        %get3A_439 = tpu.vector_load %arg9[%get3A_437, %get3A_438] {strides = array<i32>} : memref<80x128xf32, #tpu.memory_space<vmem>>, vector<16xf32>,
        %mul3A_440 = arith.mulf %get3A_436, %get3A_439 : vector<16xf32>
        %add3A_441 = arith.addf %add3A_433, %mul3A_440 : vector<16xf32>
        %get3A_442 = arith.index_cast %add3A_402 : i32 to index
        %get3A_443 = arith.constant 80 : index
        %get3A_444 = tpu.vector_load %arg8[%get3A_442, %get3A_443] {strides = array<i32>} : memref<80x128xf32, #tpu.memory_space<vmem>>, vector<16xf32>,
        %get3A_445 = arith.index_cast %add3A_402 : i32 to index
        %get3A_446 = arith.constant 80 : index
        %get3A_447 = tpu.vector_load %arg9[%get3A_445, %get3A_446] {strides = array<i32>} : memref<80x128xf32, #tpu.memory_space<vmem>>, vector<16xf32>,
        %mul3A_448 = arith.mulf %get3A_444, %get3A_447 : vector<16xf32>
        %add3A_449 = arith.addf %add3A_441, %mul3A_448 : vector<16xf32>
        %get3A_450 = arith.index_cast %add3A_402 : i32 to index
        %get3A_451 = arith.constant 96 : index
        %get3A_452 = tpu.vector_load %arg8[%get3A_450, %get3A_451] {strides = array<i32>} : memref<80x128xf32, #tpu.memory_space<vmem>>, vector<16xf32>,
        %get3A_453 = arith.index_cast %add3A_402 : i32 to index
        %get3A_454 = arith.constant 96 : index
        %get3A_455 = tpu.vector_load %arg9[%get3A_453, %get3A_454] {strides = array<i32>} : memref<80x128xf32, #tpu.memory_space<vmem>>, vector<16xf32>,
        %mul3A_456 = arith.mulf %get3A_452, %get3A_455 : vector<16xf32>
        %add3A_457 = arith.addf %add3A_449, %mul3A_456 : vector<16xf32>
        %get3A_458 = arith.index_cast %add3A_402 : i32 to index
        %get3A_459 = arith.constant 112 : index
        %get3A_460 = tpu.vector_load %arg8[%get3A_458, %get3A_459] {strides = array<i32>} : memref<80x128xf32, #tpu.memory_space<vmem>>, vector<16xf32>,
        %get3A_461 = arith.index_cast %add3A_402 : i32 to index
        %get3A_462 = arith.constant 112 : index
        %get3A_463 = tpu.vector_load %arg9[%get3A_461, %get3A_462] {strides = array<i32>} : memref<80x128xf32, #tpu.memory_space<vmem>>, vector<16xf32>,
        %mul3A_464 = arith.mulf %get3A_460, %get3A_463 : vector<16xf32>
        %add3A_465 = arith.addf %add3A_457, %mul3A_464 : vector<16xf32>
        %swap3A_466 = arith.constant 4 : i32
        %swap3A_467 = arith.index_cast %swap3A_466 : i32 to index
        %swap3A_468 = arith.constant 0 : index
        %swap3A_469 = tpu.vector_load %arg13[%swap3A_467, %swap3A_468] {strides = array<i32>} : memref<16x17xf32, #tpu.memory_space<vmem>>, vector<16xf32>,
        tpu.vector_store %arg13[%swap3A_467, %swap3A_468], %add3A_465 {strides = array<i32>} : memref<16x17xf32, #tpu.memory_space<vmem>>, vector<16xf32>,
        %mul3A_470 = arith.constant 16 : i32
        %mul3A_471 = arith.muli %scan3A_115, %mul3A_470 : i32
        %add3A_472 = arith.constant 5 : i32
        %add3A_473 = arith.addi %mul3A_471, %add3A_472 : i32
        %get3A_474 = arith.index_cast %add3A_473 : i32 to index
        %get3A_475 = arith.constant 0 : index
        %get3A_476 = tpu.vector_load %arg8[%get3A_474, %get3A_475] {strides = array<i32>} : memref<80x128xf32, #tpu.memory_space<vmem>>, vector<16xf32>,
        %get3A_477 = arith.index_cast %add3A_473 : i32 to index
        %get3A_478 = arith.constant 0 : index
        %get3A_479 = tpu.vector_load %arg9[%get3A_477, %get3A_478] {strides = array<i32>} : memref<80x128xf32, #tpu.memory_space<vmem>>, vector<16xf32>,
        %mul3A_480 = arith.mulf %get3A_476, %get3A_479 : vector<16xf32>
        %get3A_481 = arith.index_cast %add3A_473 : i32 to index
        %get3A_482 = arith.constant 16 : index
        %get3A_483 = tpu.vector_load %arg8[%get3A_481, %get3A_482] {strides = array<i32>} : memref<80x128xf32, #tpu.memory_space<vmem>>, vector<16xf32>,
        %get3A_484 = arith.index_cast %add3A_473 : i32 to index
        %get3A_485 = arith.constant 16 : index
        %get3A_486 = tpu.vector_load %arg9[%get3A_484, %get3A_485] {strides = array<i32>} : memref<80x128xf32, #tpu.memory_space<vmem>>, vector<16xf32>,
        %mul3A_487 = arith.mulf %get3A_483, %get3A_486 : vector<16xf32>
        %add3A_488 = arith.addf %mul3A_480, %mul3A_487 : vector<16xf32>
        %get3A_489 = arith.index_cast %add3A_473 : i32 to index
        %get3A_490 = arith.constant 32 : index
        %get3A_491 = tpu.vector_load %arg8[%get3A_489, %get3A_490] {strides = array<i32>} : memref<80x128xf32, #tpu.memory_space<vmem>>, vector<16xf32>,
        %get3A_492 = arith.index_cast %add3A_473 : i32 to index
        %get3A_493 = arith.constant 32 : index
        %get3A_494 = tpu.vector_load %arg9[%get3A_492, %get3A_493] {strides = array<i32>} : memref<80x128xf32, #tpu.memory_space<vmem>>, vector<16xf32>,
        %mul3A_495 = arith.mulf %get3A_491, %get3A_494 : vector<16xf32>
        %add3A_496 = arith.addf %add3A_488, %mul3A_495 : vector<16xf32>
        %get3A_497 = arith.index_cast %add3A_473 : i32 to index
        %get3A_498 = arith.constant 48 : index
        %get3A_499 = tpu.vector_load %arg8[%get3A_497, %get3A_498] {strides = array<i32>} : memref<80x128xf32, #tpu.memory_space<vmem>>, vector<16xf32>,
        %get3A_500 = arith.index_cast %add3A_473 : i32 to index
        %get3A_501 = arith.constant 48 : index
        %get3A_502 = tpu.vector_load %arg9[%get3A_500, %get3A_501] {strides = array<i32>} : memref<80x128xf32, #tpu.memory_space<vmem>>, vector<16xf32>,
        %mul3A_503 = arith.mulf %get3A_499, %get3A_502 : vector<16xf32>
        %add3A_504 = arith.addf %add3A_496, %mul3A_503 : vector<16xf32>
        %get3A_505 = arith.index_cast %add3A_473 : i32 to index
        %get3A_506 = arith.constant 64 : index
        %get3A_507 = tpu.vector_load %arg8[%get3A_505, %get3A_506] {strides = array<i32>} : memref<80x128xf32, #tpu.memory_space<vmem>>, vector<16xf32>,
        %get3A_508 = arith.index_cast %add3A_473 : i32 to index
        %get3A_509 = arith.constant 64 : index
        %get3A_510 = tpu.vector_load %arg9[%get3A_508, %get3A_509] {strides = array<i32>} : memref<80x128xf32, #tpu.memory_space<vmem>>, vector<16xf32>,
        %mul3A_511 = arith.mulf %get3A_507, %get3A_510 : vector<16xf32>
        %add3A_512 = arith.addf %add3A_504, %mul3A_511 : vector<16xf32>
        %get3A_513 = arith.index_cast %add3A_473 : i32 to index
        %get3A_514 = arith.constant 80 : index
        %get3A_515 = tpu.vector_load %arg8[%get3A_513, %get3A_514] {strides = array<i32>} : memref<80x128xf32, #tpu.memory_space<vmem>>, vector<16xf32>,
        %get3A_516 = arith.index_cast %add3A_473 : i32 to index
        %get3A_517 = arith.constant 80 : index
        %get3A_518 = tpu.vector_load %arg9[%get3A_516, %get3A_517] {strides = array<i32>} : memref<80x128xf32, #tpu.memory_space<vmem>>, vector<16xf32>,
        %mul3A_519 = arith.mulf %get3A_515, %get3A_518 : vector<16xf32>
        %add3A_520 = arith.addf %add3A_512, %mul3A_519 : vector<16xf32>
        %get3A_521 = arith.index_cast %add3A_473 : i32 to index
        %get3A_522 = arith.constant 96 : index
        %get3A_523 = tpu.vector_load %arg8[%get3A_521, %get3A_522] {strides = array<i32>} : memref<80x128xf32, #tpu.memory_space<vmem>>, vector<16xf32>,
        %get3A_524 = arith.index_cast %add3A_473 : i32 to index
        %get3A_525 = arith.constant 96 : index
        %get3A_526 = tpu.vector_load %arg9[%get3A_524, %get3A_525] {strides = array<i32>} : memref<80x128xf32, #tpu.memory_space<vmem>>, vector<16xf32>,
        %mul3A_527 = arith.mulf %get3A_523, %get3A_526 : vector<16xf32>
        %add3A_528 = arith.addf %add3A_520, %mul3A_527 : vector<16xf32>
        %get3A_529 = arith.index_cast %add3A_473 : i32 to index
        %get3A_530 = arith.constant 112 : index
        %get3A_531 = tpu.vector_load %arg8[%get3A_529, %get3A_530] {strides = array<i32>} : memref<80x128xf32, #tpu.memory_space<vmem>>, vector<16xf32>,
        %get3A_532 = arith.index_cast %add3A_473 : i32 to index
        %get3A_533 = arith.constant 112 : index
        %get3A_534 = tpu.vector_load %arg9[%get3A_532, %get3A_533] {strides = array<i32>} : memref<80x128xf32, #tpu.memory_space<vmem>>, vector<16xf32>,
        %mul3A_535 = arith.mulf %get3A_531, %get3A_534 : vector<16xf32>
        %add3A_536 = arith.addf %add3A_528, %mul3A_535 : vector<16xf32>
        %swap3A_537 = arith.constant 5 : i32
        %swap3A_538 = arith.index_cast %swap3A_537 : i32 to index
        %swap3A_539 = arith.constant 0 : index
        %swap3A_540 = tpu.vector_load %arg13[%swap3A_538, %swap3A_539] {strides = array<i32>} : memref<16x17xf32, #tpu.memory_space<vmem>>, vector<16xf32>,
        tpu.vector_store %arg13[%swap3A_538, %swap3A_539], %add3A_536 {strides = array<i32>} : memref<16x17xf32, #tpu.memory_space<vmem>>, vector<16xf32>,
        %mul3A_541 = arith.constant 16 : i32
        %mul3A_542 = arith.muli %scan3A_115, %mul3A_541 : i32
        %add3A_543 = arith.constant 6 : i32
        %add3A_544 = arith.addi %mul3A_542, %add3A_543 : i32
        %get3A_545 = arith.index_cast %add3A_544 : i32 to index
        %get3A_546 = arith.constant 0 : index
        %get3A_547 = tpu.vector_load %arg8[%get3A_545, %get3A_546] {strides = array<i32>} : memref<80x128xf32, #tpu.memory_space<vmem>>, vector<16xf32>,
        %get3A_548 = arith.index_cast %add3A_544 : i32 to index
        %get3A_549 = arith.constant 0 : index
        %get3A_550 = tpu.vector_load %arg9[%get3A_548, %get3A_549] {strides = array<i32>} : memref<80x128xf32, #tpu.memory_space<vmem>>, vector<16xf32>,
        %mul3A_551 = arith.mulf %get3A_547, %get3A_550 : vector<16xf32>
        %get3A_552 = arith.index_cast %add3A_544 : i32 to index
        %get3A_553 = arith.constant 16 : index
        %get3A_554 = tpu.vector_load %arg8[%get3A_552, %get3A_553] {strides = array<i32>} : memref<80x128xf32, #tpu.memory_space<vmem>>, vector<16xf32>,
        %get3A_555 = arith.index_cast %add3A_544 : i32 to index
        %get3A_556 = arith.constant 16 : index
        %get3A_557 = tpu.vector_load %arg9[%get3A_555, %get3A_556] {strides = array<i32>} : memref<80x128xf32, #tpu.memory_space<vmem>>, vector<16xf32>,
        %mul3A_558 = arith.mulf %get3A_554, %get3A_557 : vector<16xf32>
        %add3A_559 = arith.addf %mul3A_551, %mul3A_558 : vector<16xf32>
        %get3A_560 = arith.index_cast %add3A_544 : i32 to index
        %get3A_561 = arith.constant 32 : index
        %get3A_562 = tpu.vector_load %arg8[%get3A_560, %get3A_561] {strides = array<i32>} : memref<80x128xf32, #tpu.memory_space<vmem>>, vector<16xf32>,
        %get3A_563 = arith.index_cast %add3A_544 : i32 to index
        %get3A_564 = arith.constant 32 : index
        %get3A_565 = tpu.vector_load %arg9[%get3A_563, %get3A_564] {strides = array<i32>} : memref<80x128xf32, #tpu.memory_space<vmem>>, vector<16xf32>,
        %mul3A_566 = arith.mulf %get3A_562, %get3A_565 : vector<16xf32>
        %add3A_567 = arith.addf %add3A_559, %mul3A_566 : vector<16xf32>
        %get3A_568 = arith.index_cast %add3A_544 : i32 to index
        %get3A_569 = arith.constant 48 : index
        %get3A_570 = tpu.vector_load %arg8[%get3A_568, %get3A_569] {strides = array<i32>} : memref<80x128xf32, #tpu.memory_space<vmem>>, vector<16xf32>,
        %get3A_571 = arith.index_cast %add3A_544 : i32 to index
        %get3A_572 = arith.constant 48 : index
        %get3A_573 = tpu.vector_load %arg9[%get3A_571, %get3A_572] {strides = array<i32>} : memref<80x128xf32, #tpu.memory_space<vmem>>, vector<16xf32>,
        %mul3A_574 = arith.mulf %get3A_570, %get3A_573 : vector<16xf32>
        %add3A_575 = arith.addf %add3A_567, %mul3A_574 : vector<16xf32>
        %get3A_576 = arith.index_cast %add3A_544 : i32 to index
        %get3A_577 = arith.constant 64 : index
        %get3A_578 = tpu.vector_load %arg8[%get3A_576, %get3A_577] {strides = array<i32>} : memref<80x128xf32, #tpu.memory_space<vmem>>, vector<16xf32>,
        %get3A_579 = arith.index_cast %add3A_544 : i32 to index
        %get3A_580 = arith.constant 64 : index
        %get3A_581 = tpu.vector_load %arg9[%get3A_579, %get3A_580] {strides = array<i32>} : memref<80x128xf32, #tpu.memory_space<vmem>>, vector<16xf32>,
        %mul3A_582 = arith.mulf %get3A_578, %get3A_581 : vector<16xf32>
        %add3A_583 = arith.addf %add3A_575, %mul3A_582 : vector<16xf32>
        %get3A_584 = arith.index_cast %add3A_544 : i32 to index
        %get3A_585 = arith.constant 80 : index
        %get3A_586 = tpu.vector_load %arg8[%get3A_584, %get3A_585] {strides = array<i32>} : memref<80x128xf32, #tpu.memory_space<vmem>>, vector<16xf32>,
        %get3A_587 = arith.index_cast %add3A_544 : i32 to index
        %get3A_588 = arith.constant 80 : index
        %get3A_589 = tpu.vector_load %arg9[%get3A_587, %get3A_588] {strides = array<i32>} : memref<80x128xf32, #tpu.memory_space<vmem>>, vector<16xf32>,
        %mul3A_590 = arith.mulf %get3A_586, %get3A_589 : vector<16xf32>
        %add3A_591 = arith.addf %add3A_583, %mul3A_590 : vector<16xf32>
        %get3A_592 = arith.index_cast %add3A_544 : i32 to index
        %get3A_593 = arith.constant 96 : index
        %get3A_594 = tpu.vector_load %arg8[%get3A_592, %get3A_593] {strides = array<i32>} : memref<80x128xf32, #tpu.memory_space<vmem>>, vector<16xf32>,
        %get3A_595 = arith.index_cast %add3A_544 : i32 to index
        %get3A_596 = arith.constant 96 : index
        %get3A_597 = tpu.vector_load %arg9[%get3A_595, %get3A_596] {strides = array<i32>} : memref<80x128xf32, #tpu.memory_space<vmem>>, vector<16xf32>,
        %mul3A_598 = arith.mulf %get3A_594, %get3A_597 : vector<16xf32>
        %add3A_599 = arith.addf %add3A_591, %mul3A_598 : vector<16xf32>
        %get3A_600 = arith.index_cast %add3A_544 : i32 to index
        %get3A_601 = arith.constant 112 : index
        %get3A_602 = tpu.vector_load %arg8[%get3A_600, %get3A_601] {strides = array<i32>} : memref<80x128xf32, #tpu.memory_space<vmem>>, vector<16xf32>,
        %get3A_603 = arith.index_cast %add3A_544 : i32 to index
        %get3A_604 = arith.constant 112 : index
        %get3A_605 = tpu.vector_load %arg9[%get3A_603, %get3A_604] {strides = array<i32>} : memref<80x128xf32, #tpu.memory_space<vmem>>, vector<16xf32>,
        %mul3A_606 = arith.mulf %get3A_602, %get3A_605 : vector<16xf32>
        %add3A_607 = arith.addf %add3A_599, %mul3A_606 : vector<16xf32>
        %swap3A_608 = arith.constant 6 : i32
        %swap3A_609 = arith.index_cast %swap3A_608 : i32 to index
        %swap3A_610 = arith.constant 0 : index
        %swap3A_611 = tpu.vector_load %arg13[%swap3A_609, %swap3A_610] {strides = array<i32>} : memref<16x17xf32, #tpu.memory_space<vmem>>, vector<16xf32>,
        tpu.vector_store %arg13[%swap3A_609, %swap3A_610], %add3A_607 {strides = array<i32>} : memref<16x17xf32, #tpu.memory_space<vmem>>, vector<16xf32>,
        %mul3A_612 = arith.constant 16 : i32
        %mul3A_613 = arith.muli %scan3A_115, %mul3A_612 : i32
        %add3A_614 = arith.constant 7 : i32
        %add3A_615 = arith.addi %mul3A_613, %add3A_614 : i32
        %get3A_616 = arith.index_cast %add3A_615 : i32 to index
        %get3A_617 = arith.constant 0 : index
        %get3A_618 = tpu.vector_load %arg8[%get3A_616, %get3A_617] {strides = array<i32>} : memref<80x128xf32, #tpu.memory_space<vmem>>, vector<16xf32>,
        %get3A_619 = arith.index_cast %add3A_615 : i32 to index
        %get3A_620 = arith.constant 0 : index
        %get3A_621 = tpu.vector_load %arg9[%get3A_619, %get3A_620] {strides = array<i32>} : memref<80x128xf32, #tpu.memory_space<vmem>>, vector<16xf32>,
        %mul3A_622 = arith.mulf %get3A_618, %get3A_621 : vector<16xf32>
        %get3A_623 = arith.index_cast %add3A_615 : i32 to index
        %get3A_624 = arith.constant 16 : index
        %get3A_625 = tpu.vector_load %arg8[%get3A_623, %get3A_624] {strides = array<i32>} : memref<80x128xf32, #tpu.memory_space<vmem>>, vector<16xf32>,
        %get3A_626 = arith.index_cast %add3A_615 : i32 to index
        %get3A_627 = arith.constant 16 : index
        %get3A_628 = tpu.vector_load %arg9[%get3A_626, %get3A_627] {strides = array<i32>} : memref<80x128xf32, #tpu.memory_space<vmem>>, vector<16xf32>,
        %mul3A_629 = arith.mulf %get3A_625, %get3A_628 : vector<16xf32>
        %add3A_630 = arith.addf %mul3A_622, %mul3A_629 : vector<16xf32>
        %get3A_631 = arith.index_cast %add3A_615 : i32 to index
        %get3A_632 = arith.constant 32 : index
        %get3A_633 = tpu.vector_load %arg8[%get3A_631, %get3A_632] {strides = array<i32>} : memref<80x128xf32, #tpu.memory_space<vmem>>, vector<16xf32>,
        %get3A_634 = arith.index_cast %add3A_615 : i32 to index
        %get3A_635 = arith.constant 32 : index
        %get3A_636 = tpu.vector_load %arg9[%get3A_634, %get3A_635] {strides = array<i32>} : memref<80x128xf32, #tpu.memory_space<vmem>>, vector<16xf32>,
        %mul3A_637 = arith.mulf %get3A_633, %get3A_636 : vector<16xf32>
        %add3A_638 = arith.addf %add3A_630, %mul3A_637 : vector<16xf32>
        %get3A_639 = arith.index_cast %add3A_615 : i32 to index
        %get3A_640 = arith.constant 48 : index
        %get3A_641 = tpu.vector_load %arg8[%get3A_639, %get3A_640] {strides = array<i32>} : memref<80x128xf32, #tpu.memory_space<vmem>>, vector<16xf32>,
        %get3A_642 = arith.index_cast %add3A_615 : i32 to index
        %get3A_643 = arith.constant 48 : index
        %get3A_644 = tpu.vector_load %arg9[%get3A_642, %get3A_643] {strides = array<i32>} : memref<80x128xf32, #tpu.memory_space<vmem>>, vector<16xf32>,
        %mul3A_645 = arith.mulf %get3A_641, %get3A_644 : vector<16xf32>
        %add3A_646 = arith.addf %add3A_638, %mul3A_645 : vector<16xf32>
        %get3A_647 = arith.index_cast %add3A_615 : i32 to index
        %get3A_648 = arith.constant 64 : index
        %get3A_649 = tpu.vector_load %arg8[%get3A_647, %get3A_648] {strides = array<i32>} : memref<80x128xf32, #tpu.memory_space<vmem>>, vector<16xf32>,
        %get3A_650 = arith.index_cast %add3A_615 : i32 to index
        %get3A_651 = arith.constant 64 : index
        %get3A_652 = tpu.vector_load %arg9[%get3A_650, %get3A_651] {strides = array<i32>} : memref<80x128xf32, #tpu.memory_space<vmem>>, vector<16xf32>,
        %mul3A_653 = arith.mulf %get3A_649, %get3A_652 : vector<16xf32>
        %add3A_654 = arith.addf %add3A_646, %mul3A_653 : vector<16xf32>
        %get3A_655 = arith.index_cast %add3A_615 : i32 to index
        %get3A_656 = arith.constant 80 : index
        %get3A_657 = tpu.vector_load %arg8[%get3A_655, %get3A_656] {strides = array<i32>} : memref<80x128xf32, #tpu.memory_space<vmem>>, vector<16xf32>,
        %get3A_658 = arith.index_cast %add3A_615 : i32 to index
        %get3A_659 = arith.constant 80 : index
        %get3A_660 = tpu.vector_load %arg9[%get3A_658, %get3A_659] {strides = array<i32>} : memref<80x128xf32, #tpu.memory_space<vmem>>, vector<16xf32>,
        %mul3A_661 = arith.mulf %get3A_657, %get3A_660 : vector<16xf32>
        %add3A_662 = arith.addf %add3A_654, %mul3A_661 : vector<16xf32>
        %get3A_663 = arith.index_cast %add3A_615 : i32 to index
        %get3A_664 = arith.constant 96 : index
        %get3A_665 = tpu.vector_load %arg8[%get3A_663, %get3A_664] {strides = array<i32>} : memref<80x128xf32, #tpu.memory_space<vmem>>, vector<16xf32>,
        %get3A_666 = arith.index_cast %add3A_615 : i32 to index
        %get3A_667 = arith.constant 96 : index
        %get3A_668 = tpu.vector_load %arg9[%get3A_666, %get3A_667] {strides = array<i32>} : memref<80x128xf32, #tpu.memory_space<vmem>>, vector<16xf32>,
        %mul3A_669 = arith.mulf %get3A_665, %get3A_668 : vector<16xf32>
        %add3A_670 = arith.addf %add3A_662, %mul3A_669 : vector<16xf32>
        %get3A_671 = arith.index_cast %add3A_615 : i32 to index
        %get3A_672 = arith.constant 112 : index
        %get3A_673 = tpu.vector_load %arg8[%get3A_671, %get3A_672] {strides = array<i32>} : memref<80x128xf32, #tpu.memory_space<vmem>>, vector<16xf32>,
        %get3A_674 = arith.index_cast %add3A_615 : i32 to index
        %get3A_675 = arith.constant 112 : index
        %get3A_676 = tpu.vector_load %arg9[%get3A_674, %get3A_675] {strides = array<i32>} : memref<80x128xf32, #tpu.memory_space<vmem>>, vector<16xf32>,
        %mul3A_677 = arith.mulf %get3A_673, %get3A_676 : vector<16xf32>
        %add3A_678 = arith.addf %add3A_670, %mul3A_677 : vector<16xf32>
        %swap3A_679 = arith.constant 7 : i32
        %swap3A_680 = arith.index_cast %swap3A_679 : i32 to index
        %swap3A_681 = arith.constant 0 : index
        %swap3A_682 = tpu.vector_load %arg13[%swap3A_680, %swap3A_681] {strides = array<i32>} : memref<16x17xf32, #tpu.memory_space<vmem>>, vector<16xf32>,
        tpu.vector_store %arg13[%swap3A_680, %swap3A_681], %add3A_678 {strides = array<i32>} : memref<16x17xf32, #tpu.memory_space<vmem>>, vector<16xf32>,
        %mul3A_683 = arith.constant 16 : i32
        %mul3A_684 = arith.muli %scan3A_115, %mul3A_683 : i32
        %add3A_685 = arith.constant 8 : i32
        %add3A_686 = arith.addi %mul3A_684, %add3A_685 : i32
        %get3A_687 = arith.index_cast %add3A_686 : i32 to index
        %get3A_688 = arith.constant 0 : index
        %get3A_689 = tpu.vector_load %arg8[%get3A_687, %get3A_688] {strides = array<i32>} : memref<80x128xf32, #tpu.memory_space<vmem>>, vector<16xf32>,
        %get3A_690 = arith.index_cast %add3A_686 : i32 to index
        %get3A_691 = arith.constant 0 : index
        %get3A_692 = tpu.vector_load %arg9[%get3A_690, %get3A_691] {strides = array<i32>} : memref<80x128xf32, #tpu.memory_space<vmem>>, vector<16xf32>,
        %mul3A_693 = arith.mulf %get3A_689, %get3A_692 : vector<16xf32>
        %get3A_694 = arith.index_cast %add3A_686 : i32 to index
        %get3A_695 = arith.constant 16 : index
        %get3A_696 = tpu.vector_load %arg8[%get3A_694, %get3A_695] {strides = array<i32>} : memref<80x128xf32, #tpu.memory_space<vmem>>, vector<16xf32>,
        %get3A_697 = arith.index_cast %add3A_686 : i32 to index
        %get3A_698 = arith.constant 16 : index
        %get3A_699 = tpu.vector_load %arg9[%get3A_697, %get3A_698] {strides = array<i32>} : memref<80x128xf32, #tpu.memory_space<vmem>>, vector<16xf32>,
        %mul3A_700 = arith.mulf %get3A_696, %get3A_699 : vector<16xf32>
        %add3A_701 = arith.addf %mul3A_693, %mul3A_700 : vector<16xf32>
        %get3A_702 = arith.index_cast %add3A_686 : i32 to index
        %get3A_703 = arith.constant 32 : index
        %get3A_704 = tpu.vector_load %arg8[%get3A_702, %get3A_703] {strides = array<i32>} : memref<80x128xf32, #tpu.memory_space<vmem>>, vector<16xf32>,
        %get3A_705 = arith.index_cast %add3A_686 : i32 to index
        %get3A_706 = arith.constant 32 : index
        %get3A_707 = tpu.vector_load %arg9[%get3A_705, %get3A_706] {strides = array<i32>} : memref<80x128xf32, #tpu.memory_space<vmem>>, vector<16xf32>,
        %mul3A_708 = arith.mulf %get3A_704, %get3A_707 : vector<16xf32>
        %add3A_709 = arith.addf %add3A_701, %mul3A_708 : vector<16xf32>
        %get3A_710 = arith.index_cast %add3A_686 : i32 to index
        %get3A_711 = arith.constant 48 : index
        %get3A_712 = tpu.vector_load %arg8[%get3A_710, %get3A_711] {strides = array<i32>} : memref<80x128xf32, #tpu.memory_space<vmem>>, vector<16xf32>,
        %get3A_713 = arith.index_cast %add3A_686 : i32 to index
        %get3A_714 = arith.constant 48 : index
        %get3A_715 = tpu.vector_load %arg9[%get3A_713, %get3A_714] {strides = array<i32>} : memref<80x128xf32, #tpu.memory_space<vmem>>, vector<16xf32>,
        %mul3A_716 = arith.mulf %get3A_712, %get3A_715 : vector<16xf32>
        %add3A_717 = arith.addf %add3A_709, %mul3A_716 : vector<16xf32>
        %get3A_718 = arith.index_cast %add3A_686 : i32 to index
        %get3A_719 = arith.constant 64 : index
        %get3A_720 = tpu.vector_load %arg8[%get3A_718, %get3A_719] {strides = array<i32>} : memref<80x128xf32, #tpu.memory_space<vmem>>, vector<16xf32>,
        %get3A_721 = arith.index_cast %add3A_686 : i32 to index
        %get3A_722 = arith.constant 64 : index
        %get3A_723 = tpu.vector_load %arg9[%get3A_721, %get3A_722] {strides = array<i32>} : memref<80x128xf32, #tpu.memory_space<vmem>>, vector<16xf32>,
        %mul3A_724 = arith.mulf %get3A_720, %get3A_723 : vector<16xf32>
        %add3A_725 = arith.addf %add3A_717, %mul3A_724 : vector<16xf32>
        %get3A_726 = arith.index_cast %add3A_686 : i32 to index
        %get3A_727 = arith.constant 80 : index
        %get3A_728 = tpu.vector_load %arg8[%get3A_726, %get3A_727] {strides = array<i32>} : memref<80x128xf32, #tpu.memory_space<vmem>>, vector<16xf32>,
        %get3A_729 = arith.index_cast %add3A_686 : i32 to index
        %get3A_730 = arith.constant 80 : index
        %get3A_731 = tpu.vector_load %arg9[%get3A_729, %get3A_730] {strides = array<i32>} : memref<80x128xf32, #tpu.memory_space<vmem>>, vector<16xf32>,
        %mul3A_732 = arith.mulf %get3A_728, %get3A_731 : vector<16xf32>
        %add3A_733 = arith.addf %add3A_725, %mul3A_732 : vector<16xf32>
        %get3A_734 = arith.index_cast %add3A_686 : i32 to index
        %get3A_735 = arith.constant 96 : index
        %get3A_736 = tpu.vector_load %arg8[%get3A_734, %get3A_735] {strides = array<i32>} : memref<80x128xf32, #tpu.memory_space<vmem>>, vector<16xf32>,
        %get3A_737 = arith.index_cast %add3A_686 : i32 to index
        %get3A_738 = arith.constant 96 : index
        %get3A_739 = tpu.vector_load %arg9[%get3A_737, %get3A_738] {strides = array<i32>} : memref<80x128xf32, #tpu.memory_space<vmem>>, vector<16xf32>,
        %mul3A_740 = arith.mulf %get3A_736, %get3A_739 : vector<16xf32>
        %add3A_741 = arith.addf %add3A_733, %mul3A_740 : vector<16xf32>
        %get3A_742 = arith.index_cast %add3A_686 : i32 to index
        %get3A_743 = arith.constant 112 : index
        %get3A_744 = tpu.vector_load %arg8[%get3A_742, %get3A_743] {strides = array<i32>} : memref<80x128xf32, #tpu.memory_space<vmem>>, vector<16xf32>,
        %get3A_745 = arith.index_cast %add3A_686 : i32 to index
        %get3A_746 = arith.constant 112 : index
        %get3A_747 = tpu.vector_load %arg9[%get3A_745, %get3A_746] {strides = array<i32>} : memref<80x128xf32, #tpu.memory_space<vmem>>, vector<16xf32>,
        %mul3A_748 = arith.mulf %get3A_744, %get3A_747 : vector<16xf32>
        %add3A_749 = arith.addf %add3A_741, %mul3A_748 : vector<16xf32>
        %swap3A_750 = arith.constant 8 : i32
        %swap3A_751 = arith.index_cast %swap3A_750 : i32 to index
        %swap3A_752 = arith.constant 0 : index
        %swap3A_753 = tpu.vector_load %arg13[%swap3A_751, %swap3A_752] {strides = array<i32>} : memref<16x17xf32, #tpu.memory_space<vmem>>, vector<16xf32>,
        tpu.vector_store %arg13[%swap3A_751, %swap3A_752], %add3A_749 {strides = array<i32>} : memref<16x17xf32, #tpu.memory_space<vmem>>, vector<16xf32>,
        %mul3A_754 = arith.constant 16 : i32
        %mul3A_755 = arith.muli %scan3A_115, %mul3A_754 : i32
        %add3A_756 = arith.constant 9 : i32
        %add3A_757 = arith.addi %mul3A_755, %add3A_756 : i32
        %get3A_758 = arith.index_cast %add3A_757 : i32 to index
        %get3A_759 = arith.constant 0 : index
        %get3A_760 = tpu.vector_load %arg8[%get3A_758, %get3A_759] {strides = array<i32>} : memref<80x128xf32, #tpu.memory_space<vmem>>, vector<16xf32>,
        %get3A_761 = arith.index_cast %add3A_757 : i32 to index
        %get3A_762 = arith.constant 0 : index
        %get3A_763 = tpu.vector_load %arg9[%get3A_761, %get3A_762] {strides = array<i32>} : memref<80x128xf32, #tpu.memory_space<vmem>>, vector<16xf32>,
        %mul3A_764 = arith.mulf %get3A_760, %get3A_763 : vector<16xf32>
        %get3A_765 = arith.index_cast %add3A_757 : i32 to index
        %get3A_766 = arith.constant 16 : index
        %get3A_767 = tpu.vector_load %arg8[%get3A_765, %get3A_766] {strides = array<i32>} : memref<80x128xf32, #tpu.memory_space<vmem>>, vector<16xf32>,
        %get3A_768 = arith.index_cast %add3A_757 : i32 to index
        %get3A_769 = arith.constant 16 : index
        %get3A_770 = tpu.vector_load %arg9[%get3A_768, %get3A_769] {strides = array<i32>} : memref<80x128xf32, #tpu.memory_space<vmem>>, vector<16xf32>,
        %mul3A_771 = arith.mulf %get3A_767, %get3A_770 : vector<16xf32>
        %add3A_772 = arith.addf %mul3A_764, %mul3A_771 : vector<16xf32>
        %get3A_773 = arith.index_cast %add3A_757 : i32 to index
        %get3A_774 = arith.constant 32 : index
        %get3A_775 = tpu.vector_load %arg8[%get3A_773, %get3A_774] {strides = array<i32>} : memref<80x128xf32, #tpu.memory_space<vmem>>, vector<16xf32>,
        %get3A_776 = arith.index_cast %add3A_757 : i32 to index
        %get3A_777 = arith.constant 32 : index
        %get3A_778 = tpu.vector_load %arg9[%get3A_776, %get3A_777] {strides = array<i32>} : memref<80x128xf32, #tpu.memory_space<vmem>>, vector<16xf32>,
        %mul3A_779 = arith.mulf %get3A_775, %get3A_778 : vector<16xf32>
        %add3A_780 = arith.addf %add3A_772, %mul3A_779 : vector<16xf32>
        %get3A_781 = arith.index_cast %add3A_757 : i32 to index
        %get3A_782 = arith.constant 48 : index
        %get3A_783 = tpu.vector_load %arg8[%get3A_781, %get3A_782] {strides = array<i32>} : memref<80x128xf32, #tpu.memory_space<vmem>>, vector<16xf32>,
        %get3A_784 = arith.index_cast %add3A_757 : i32 to index
        %get3A_785 = arith.constant 48 : index
        %get3A_786 = tpu.vector_load %arg9[%get3A_784, %get3A_785] {strides = array<i32>} : memref<80x128xf32, #tpu.memory_space<vmem>>, vector<16xf32>,
        %mul3A_787 = arith.mulf %get3A_783, %get3A_786 : vector<16xf32>
        %add3A_788 = arith.addf %add3A_780, %mul3A_787 : vector<16xf32>
        %get3A_789 = arith.index_cast %add3A_757 : i32 to index
        %get3A_790 = arith.constant 64 : index
        %get3A_791 = tpu.vector_load %arg8[%get3A_789, %get3A_790] {strides = array<i32>} : memref<80x128xf32, #tpu.memory_space<vmem>>, vector<16xf32>,
        %get3A_792 = arith.index_cast %add3A_757 : i32 to index
        %get3A_793 = arith.constant 64 : index
        %get3A_794 = tpu.vector_load %arg9[%get3A_792, %get3A_793] {strides = array<i32>} : memref<80x128xf32, #tpu.memory_space<vmem>>, vector<16xf32>,
        %mul3A_795 = arith.mulf %get3A_791, %get3A_794 : vector<16xf32>
        %add3A_796 = arith.addf %add3A_788, %mul3A_795 : vector<16xf32>
        %get3A_797 = arith.index_cast %add3A_757 : i32 to index
        %get3A_798 = arith.constant 80 : index
        %get3A_799 = tpu.vector_load %arg8[%get3A_797, %get3A_798] {strides = array<i32>} : memref<80x128xf32, #tpu.memory_space<vmem>>, vector<16xf32>,
        %get3A_800 = arith.index_cast %add3A_757 : i32 to index
        %get3A_801 = arith.constant 80 : index
        %get3A_802 = tpu.vector_load %arg9[%get3A_800, %get3A_801] {strides = array<i32>} : memref<80x128xf32, #tpu.memory_space<vmem>>, vector<16xf32>,
        %mul3A_803 = arith.mulf %get3A_799, %get3A_802 : vector<16xf32>
        %add3A_804 = arith.addf %add3A_796, %mul3A_803 : vector<16xf32>
        %get3A_805 = arith.index_cast %add3A_757 : i32 to index
        %get3A_806 = arith.constant 96 : index
        %get3A_807 = tpu.vector_load %arg8[%get3A_805, %get3A_806] {strides = array<i32>} : memref<80x128xf32, #tpu.memory_space<vmem>>, vector<16xf32>,
        %get3A_808 = arith.index_cast %add3A_757 : i32 to index
        %get3A_809 = arith.constant 96 : index
        %get3A_810 = tpu.vector_load %arg9[%get3A_808, %get3A_809] {strides = array<i32>} : memref<80x128xf32, #tpu.memory_space<vmem>>, vector<16xf32>,
        %mul3A_811 = arith.mulf %get3A_807, %get3A_810 : vector<16xf32>
        %add3A_812 = arith.addf %add3A_804, %mul3A_811 : vector<16xf32>
        %get3A_813 = arith.index_cast %add3A_757 : i32 to index
        %get3A_814 = arith.constant 112 : index
        %get3A_815 = tpu.vector_load %arg8[%get3A_813, %get3A_814] {strides = array<i32>} : memref<80x128xf32, #tpu.memory_space<vmem>>, vector<16xf32>,
        %get3A_816 = arith.index_cast %add3A_757 : i32 to index
        %get3A_817 = arith.constant 112 : index
        %get3A_818 = tpu.vector_load %arg9[%get3A_816, %get3A_817] {strides = array<i32>} : memref<80x128xf32, #tpu.memory_space<vmem>>, vector<16xf32>,
        %mul3A_819 = arith.mulf %get3A_815, %get3A_818 : vector<16xf32>
        %add3A_820 = arith.addf %add3A_812, %mul3A_819 : vector<16xf32>
        %swap3A_821 = arith.constant 9 : i32
        %swap3A_822 = arith.index_cast %swap3A_821 : i32 to index
        %swap3A_823 = arith.constant 0 : index
        %swap3A_824 = tpu.vector_load %arg13[%swap3A_822, %swap3A_823] {strides = array<i32>} : memref<16x17xf32, #tpu.memory_space<vmem>>, vector<16xf32>,
        tpu.vector_store %arg13[%swap3A_822, %swap3A_823], %add3A_820 {strides = array<i32>} : memref<16x17xf32, #tpu.memory_space<vmem>>, vector<16xf32>,
        %mul3A_825 = arith.constant 16 : i32
        %mul3A_826 = arith.muli %scan3A_115, %mul3A_825 : i32
        %add3A_827 = arith.constant 10 : i32
        %add3A_828 = arith.addi %mul3A_826, %add3A_827 : i32
        %get3A_829 = arith.index_cast %add3A_828 : i32 to index
        %get3A_830 = arith.constant 0 : index
        %get3A_831 = tpu.vector_load %arg8[%get3A_829, %get3A_830] {strides = array<i32>} : memref<80x128xf32, #tpu.memory_space<vmem>>, vector<16xf32>,
        %get3A_832 = arith.index_cast %add3A_828 : i32 to index
        %get3A_833 = arith.constant 0 : index
        %get3A_834 = tpu.vector_load %arg9[%get3A_832, %get3A_833] {strides = array<i32>} : memref<80x128xf32, #tpu.memory_space<vmem>>, vector<16xf32>,
        %mul3A_835 = arith.mulf %get3A_831, %get3A_834 : vector<16xf32>
        %get3A_836 = arith.index_cast %add3A_828 : i32 to index
        %get3A_837 = arith.constant 16 : index
        %get3A_838 = tpu.vector_load %arg8[%get3A_836, %get3A_837] {strides = array<i32>} : memref<80x128xf32, #tpu.memory_space<vmem>>, vector<16xf32>,
        %get3A_839 = arith.index_cast %add3A_828 : i32 to index
        %get3A_840 = arith.constant 16 : index
        %get3A_841 = tpu.vector_load %arg9[%get3A_839, %get3A_840] {strides = array<i32>} : memref<80x128xf32, #tpu.memory_space<vmem>>, vector<16xf32>,
        %mul3A_842 = arith.mulf %get3A_838, %get3A_841 : vector<16xf32>
        %add3A_843 = arith.addf %mul3A_835, %mul3A_842 : vector<16xf32>
        %get3A_844 = arith.index_cast %add3A_828 : i32 to index
        %get3A_845 = arith.constant 32 : index
        %get3A_846 = tpu.vector_load %arg8[%get3A_844, %get3A_845] {strides = array<i32>} : memref<80x128xf32, #tpu.memory_space<vmem>>, vector<16xf32>,
        %get3A_847 = arith.index_cast %add3A_828 : i32 to index
        %get3A_848 = arith.constant 32 : index
        %get3A_849 = tpu.vector_load %arg9[%get3A_847, %get3A_848] {strides = array<i32>} : memref<80x128xf32, #tpu.memory_space<vmem>>, vector<16xf32>,
        %mul3A_850 = arith.mulf %get3A_846, %get3A_849 : vector<16xf32>
        %add3A_851 = arith.addf %add3A_843, %mul3A_850 : vector<16xf32>
        %get3A_852 = arith.index_cast %add3A_828 : i32 to index
        %get3A_853 = arith.constant 48 : index
        %get3A_854 = tpu.vector_load %arg8[%get3A_852, %get3A_853] {strides = array<i32>} : memref<80x128xf32, #tpu.memory_space<vmem>>, vector<16xf32>,
        %get3A_855 = arith.index_cast %add3A_828 : i32 to index
        %get3A_856 = arith.constant 48 : index
        %get3A_857 = tpu.vector_load %arg9[%get3A_855, %get3A_856] {strides = array<i32>} : memref<80x128xf32, #tpu.memory_space<vmem>>, vector<16xf32>,
        %mul3A_858 = arith.mulf %get3A_854, %get3A_857 : vector<16xf32>
        %add3A_859 = arith.addf %add3A_851, %mul3A_858 : vector<16xf32>
        %get3A_860 = arith.index_cast %add3A_828 : i32 to index
        %get3A_861 = arith.constant 64 : index
        %get3A_862 = tpu.vector_load %arg8[%get3A_860, %get3A_861] {strides = array<i32>} : memref<80x128xf32, #tpu.memory_space<vmem>>, vector<16xf32>,
        %get3A_863 = arith.index_cast %add3A_828 : i32 to index
        %get3A_864 = arith.constant 64 : index
        %get3A_865 = tpu.vector_load %arg9[%get3A_863, %get3A_864] {strides = array<i32>} : memref<80x128xf32, #tpu.memory_space<vmem>>, vector<16xf32>,
        %mul3A_866 = arith.mulf %get3A_862, %get3A_865 : vector<16xf32>
        %add3A_867 = arith.addf %add3A_859, %mul3A_866 : vector<16xf32>
        %get3A_868 = arith.index_cast %add3A_828 : i32 to index
        %get3A_869 = arith.constant 80 : index
        %get3A_870 = tpu.vector_load %arg8[%get3A_868, %get3A_869] {strides = array<i32>} : memref<80x128xf32, #tpu.memory_space<vmem>>, vector<16xf32>,
        %get3A_871 = arith.index_cast %add3A_828 : i32 to index
        %get3A_872 = arith.constant 80 : index
        %get3A_873 = tpu.vector_load %arg9[%get3A_871, %get3A_872] {strides = array<i32>} : memref<80x128xf32, #tpu.memory_space<vmem>>, vector<16xf32>,
        %mul3A_874 = arith.mulf %get3A_870, %get3A_873 : vector<16xf32>
        %add3A_875 = arith.addf %add3A_867, %mul3A_874 : vector<16xf32>
        %get3A_876 = arith.index_cast %add3A_828 : i32 to index
        %get3A_877 = arith.constant 96 : index
        %get3A_878 = tpu.vector_load %arg8[%get3A_876, %get3A_877] {strides = array<i32>} : memref<80x128xf32, #tpu.memory_space<vmem>>, vector<16xf32>,
        %get3A_879 = arith.index_cast %add3A_828 : i32 to index
        %get3A_880 = arith.constant 96 : index
        %get3A_881 = tpu.vector_load %arg9[%get3A_879, %get3A_880] {strides = array<i32>} : memref<80x128xf32, #tpu.memory_space<vmem>>, vector<16xf32>,
        %mul3A_882 = arith.mulf %get3A_878, %get3A_881 : vector<16xf32>
        %add3A_883 = arith.addf %add3A_875, %mul3A_882 : vector<16xf32>
        %get3A_884 = arith.index_cast %add3A_828 : i32 to index
        %get3A_885 = arith.constant 112 : index
        %get3A_886 = tpu.vector_load %arg8[%get3A_884, %get3A_885] {strides = array<i32>} : memref<80x128xf32, #tpu.memory_space<vmem>>, vector<16xf32>,
        %get3A_887 = arith.index_cast %add3A_828 : i32 to index
        %get3A_888 = arith.constant 112 : index
        %get3A_889 = tpu.vector_load %arg9[%get3A_887, %get3A_888] {strides = array<i32>} : memref<80x128xf32, #tpu.memory_space<vmem>>, vector<16xf32>,
        %mul3A_890 = arith.mulf %get3A_886, %get3A_889 : vector<16xf32>
        %add3A_891 = arith.addf %add3A_883, %mul3A_890 : vector<16xf32>
        %swap3A_892 = arith.constant 10 : i32
        %swap3A_893 = arith.index_cast %swap3A_892 : i32 to index
        %swap3A_894 = arith.constant 0 : index
        %swap3A_895 = tpu.vector_load %arg13[%swap3A_893, %swap3A_894] {strides = array<i32>} : memref<16x17xf32, #tpu.memory_space<vmem>>, vector<16xf32>,
        tpu.vector_store %arg13[%swap3A_893, %swap3A_894], %add3A_891 {strides = array<i32>} : memref<16x17xf32, #tpu.memory_space<vmem>>, vector<16xf32>,
        %mul3A_896 = arith.constant 16 : i32
        %mul3A_897 = arith.muli %scan3A_115, %mul3A_896 : i32
        %add3A_898 = arith.constant 11 : i32
        %add3A_899 = arith.addi %mul3A_897, %add3A_898 : i32
        %get3A_900 = arith.index_cast %add3A_899 : i32 to index
        %get3A_901 = arith.constant 0 : index
        %get3A_902 = tpu.vector_load %arg8[%get3A_900, %get3A_901] {strides = array<i32>} : memref<80x128xf32, #tpu.memory_space<vmem>>, vector<16xf32>,
        %get3A_903 = arith.index_cast %add3A_899 : i32 to index
        %get3A_904 = arith.constant 0 : index
        %get3A_905 = tpu.vector_load %arg9[%get3A_903, %get3A_904] {strides = array<i32>} : memref<80x128xf32, #tpu.memory_space<vmem>>, vector<16xf32>,
        %mul3A_906 = arith.mulf %get3A_902, %get3A_905 : vector<16xf32>
        %get3A_907 = arith.index_cast %add3A_899 : i32 to index
        %get3A_908 = arith.constant 16 : index
        %get3A_909 = tpu.vector_load %arg8[%get3A_907, %get3A_908] {strides = array<i32>} : memref<80x128xf32, #tpu.memory_space<vmem>>, vector<16xf32>,
        %get3A_910 = arith.index_cast %add3A_899 : i32 to index
        %get3A_911 = arith.constant 16 : index
        %get3A_912 = tpu.vector_load %arg9[%get3A_910, %get3A_911] {strides = array<i32>} : memref<80x128xf32, #tpu.memory_space<vmem>>, vector<16xf32>,
        %mul3A_913 = arith.mulf %get3A_909, %get3A_912 : vector<16xf32>
        %add3A_914 = arith.addf %mul3A_906, %mul3A_913 : vector<16xf32>
        %get3A_915 = arith.index_cast %add3A_899 : i32 to index
        %get3A_916 = arith.constant 32 : index
        %get3A_917 = tpu.vector_load %arg8[%get3A_915, %get3A_916] {strides = array<i32>} : memref<80x128xf32, #tpu.memory_space<vmem>>, vector<16xf32>,
        %get3A_918 = arith.index_cast %add3A_899 : i32 to index
        %get3A_919 = arith.constant 32 : index
        %get3A_920 = tpu.vector_load %arg9[%get3A_918, %get3A_919] {strides = array<i32>} : memref<80x128xf32, #tpu.memory_space<vmem>>, vector<16xf32>,
        %mul3A_921 = arith.mulf %get3A_917, %get3A_920 : vector<16xf32>
        %add3A_922 = arith.addf %add3A_914, %mul3A_921 : vector<16xf32>
        %get3A_923 = arith.index_cast %add3A_899 : i32 to index
        %get3A_924 = arith.constant 48 : index
        %get3A_925 = tpu.vector_load %arg8[%get3A_923, %get3A_924] {strides = array<i32>} : memref<80x128xf32, #tpu.memory_space<vmem>>, vector<16xf32>,
        %get3A_926 = arith.index_cast %add3A_899 : i32 to index
        %get3A_927 = arith.constant 48 : index
        %get3A_928 = tpu.vector_load %arg9[%get3A_926, %get3A_927] {strides = array<i32>} : memref<80x128xf32, #tpu.memory_space<vmem>>, vector<16xf32>,
        %mul3A_929 = arith.mulf %get3A_925, %get3A_928 : vector<16xf32>
        %add3A_930 = arith.addf %add3A_922, %mul3A_929 : vector<16xf32>
        %get3A_931 = arith.index_cast %add3A_899 : i32 to index
        %get3A_932 = arith.constant 64 : index
        %get3A_933 = tpu.vector_load %arg8[%get3A_931, %get3A_932] {strides = array<i32>} : memref<80x128xf32, #tpu.memory_space<vmem>>, vector<16xf32>,
        %get3A_934 = arith.index_cast %add3A_899 : i32 to index
        %get3A_935 = arith.constant 64 : index
        %get3A_936 = tpu.vector_load %arg9[%get3A_934, %get3A_935] {strides = array<i32>} : memref<80x128xf32, #tpu.memory_space<vmem>>, vector<16xf32>,
        %mul3A_937 = arith.mulf %get3A_933, %get3A_936 : vector<16xf32>
        %add3A_938 = arith.addf %add3A_930, %mul3A_937 : vector<16xf32>
        %get3A_939 = arith.index_cast %add3A_899 : i32 to index
        %get3A_940 = arith.constant 80 : index
        %get3A_941 = tpu.vector_load %arg8[%get3A_939, %get3A_940] {strides = array<i32>} : memref<80x128xf32, #tpu.memory_space<vmem>>, vector<16xf32>,
        %get3A_942 = arith.index_cast %add3A_899 : i32 to index
        %get3A_943 = arith.constant 80 : index
        %get3A_944 = tpu.vector_load %arg9[%get3A_942, %get3A_943] {strides = array<i32>} : memref<80x128xf32, #tpu.memory_space<vmem>>, vector<16xf32>,
        %mul3A_945 = arith.mulf %get3A_941, %get3A_944 : vector<16xf32>
        %add3A_946 = arith.addf %add3A_938, %mul3A_945 : vector<16xf32>
        %get3A_947 = arith.index_cast %add3A_899 : i32 to index
        %get3A_948 = arith.constant 96 : index
        %get3A_949 = tpu.vector_load %arg8[%get3A_947, %get3A_948] {strides = array<i32>} : memref<80x128xf32, #tpu.memory_space<vmem>>, vector<16xf32>,
        %get3A_950 = arith.index_cast %add3A_899 : i32 to index
        %get3A_951 = arith.constant 96 : index
        %get3A_952 = tpu.vector_load %arg9[%get3A_950, %get3A_951] {strides = array<i32>} : memref<80x128xf32, #tpu.memory_space<vmem>>, vector<16xf32>,
        %mul3A_953 = arith.mulf %get3A_949, %get3A_952 : vector<16xf32>
        %add3A_954 = arith.addf %add3A_946, %mul3A_953 : vector<16xf32>
        %get3A_955 = arith.index_cast %add3A_899 : i32 to index
        %get3A_956 = arith.constant 112 : index
        %get3A_957 = tpu.vector_load %arg8[%get3A_955, %get3A_956] {strides = array<i32>} : memref<80x128xf32, #tpu.memory_space<vmem>>, vector<16xf32>,
        %get3A_958 = arith.index_cast %add3A_899 : i32 to index
        %get3A_959 = arith.constant 112 : index
        %get3A_960 = tpu.vector_load %arg9[%get3A_958, %get3A_959] {strides = array<i32>} : memref<80x128xf32, #tpu.memory_space<vmem>>, vector<16xf32>,
        %mul3A_961 = arith.mulf %get3A_957, %get3A_960 : vector<16xf32>
        %add3A_962 = arith.addf %add3A_954, %mul3A_961 : vector<16xf32>
        %swap3A_963 = arith.constant 11 : i32
        %swap3A_964 = arith.index_cast %swap3A_963 : i32 to index
        %swap3A_965 = arith.constant 0 : index
        %swap3A_966 = tpu.vector_load %arg13[%swap3A_964, %swap3A_965] {strides = array<i32>} : memref<16x17xf32, #tpu.memory_space<vmem>>, vector<16xf32>,
        tpu.vector_store %arg13[%swap3A_964, %swap3A_965], %add3A_962 {strides = array<i32>} : memref<16x17xf32, #tpu.memory_space<vmem>>, vector<16xf32>,
        %mul3A_967 = arith.constant 16 : i32
        %mul3A_968 = arith.muli %scan3A_115, %mul3A_967 : i32
        %add3A_969 = arith.constant 12 : i32
        %add3A_970 = arith.addi %mul3A_968, %add3A_969 : i32
        %get3A_971 = arith.index_cast %add3A_970 : i32 to index
        %get3A_972 = arith.constant 0 : index
        %get3A_973 = tpu.vector_load %arg8[%get3A_971, %get3A_972] {strides = array<i32>} : memref<80x128xf32, #tpu.memory_space<vmem>>, vector<16xf32>,
        %get3A_974 = arith.index_cast %add3A_970 : i32 to index
        %get3A_975 = arith.constant 0 : index
        %get3A_976 = tpu.vector_load %arg9[%get3A_974, %get3A_975] {strides = array<i32>} : memref<80x128xf32, #tpu.memory_space<vmem>>, vector<16xf32>,
        %mul3A_977 = arith.mulf %get3A_973, %get3A_976 : vector<16xf32>
        %get3A_978 = arith.index_cast %add3A_970 : i32 to index
        %get3A_979 = arith.constant 16 : index
        %get3A_980 = tpu.vector_load %arg8[%get3A_978, %get3A_979] {strides = array<i32>} : memref<80x128xf32, #tpu.memory_space<vmem>>, vector<16xf32>,
        %get3A_981 = arith.index_cast %add3A_970 : i32 to index
        %get3A_982 = arith.constant 16 : index
        %get3A_983 = tpu.vector_load %arg9[%get3A_981, %get3A_982] {strides = array<i32>} : memref<80x128xf32, #tpu.memory_space<vmem>>, vector<16xf32>,
        %mul3A_984 = arith.mulf %get3A_980, %get3A_983 : vector<16xf32>
        %add3A_985 = arith.addf %mul3A_977, %mul3A_984 : vector<16xf32>
        %get3A_986 = arith.index_cast %add3A_970 : i32 to index
        %get3A_987 = arith.constant 32 : index
        %get3A_988 = tpu.vector_load %arg8[%get3A_986, %get3A_987] {strides = array<i32>} : memref<80x128xf32, #tpu.memory_space<vmem>>, vector<16xf32>,
        %get3A_989 = arith.index_cast %add3A_970 : i32 to index
        %get3A_990 = arith.constant 32 : index
        %get3A_991 = tpu.vector_load %arg9[%get3A_989, %get3A_990] {strides = array<i32>} : memref<80x128xf32, #tpu.memory_space<vmem>>, vector<16xf32>,
        %mul3A_992 = arith.mulf %get3A_988, %get3A_991 : vector<16xf32>
        %add3A_993 = arith.addf %add3A_985, %mul3A_992 : vector<16xf32>
        %get3A_994 = arith.index_cast %add3A_970 : i32 to index
        %get3A_995 = arith.constant 48 : index
        %get3A_996 = tpu.vector_load %arg8[%get3A_994, %get3A_995] {strides = array<i32>} : memref<80x128xf32, #tpu.memory_space<vmem>>, vector<16xf32>,
        %get3A_997 = arith.index_cast %add3A_970 : i32 to index
        %get3A_998 = arith.constant 48 : index
        %get3A_999 = tpu.vector_load %arg9[%get3A_997, %get3A_998] {strides = array<i32>} : memref<80x128xf32, #tpu.memory_space<vmem>>, vector<16xf32>,
        %mul3A_1000 = arith.mulf %get3A_996, %get3A_999 : vector<16xf32>
        %add3A_1001 = arith.addf %add3A_993, %mul3A_1000 : vector<16xf32>
        %get3A_1002 = arith.index_cast %add3A_970 : i32 to index
        %get3A_1003 = arith.constant 64 : index
        %get3A_1004 = tpu.vector_load %arg8[%get3A_1002, %get3A_1003] {strides = array<i32>} : memref<80x128xf32, #tpu.memory_space<vmem>>, vector<16xf32>,
        %get3A_1005 = arith.index_cast %add3A_970 : i32 to index
        %get3A_1006 = arith.constant 64 : index
        %get3A_1007 = tpu.vector_load %arg9[%get3A_1005, %get3A_1006] {strides = array<i32>} : memref<80x128xf32, #tpu.memory_space<vmem>>, vector<16xf32>,
        %mul3A_1008 = arith.mulf %get3A_1004, %get3A_1007 : vector<16xf32>
        %add3A_1009 = arith.addf %add3A_1001, %mul3A_1008 : vector<16xf32>
        %get3A_1010 = arith.index_cast %add3A_970 : i32 to index
        %get3A_1011 = arith.constant 80 : index
        %get3A_1012 = tpu.vector_load %arg8[%get3A_1010, %get3A_1011] {strides = array<i32>} : memref<80x128xf32, #tpu.memory_space<vmem>>, vector<16xf32>,
        %get3A_1013 = arith.index_cast %add3A_970 : i32 to index
        %get3A_1014 = arith.constant 80 : index
        %get3A_1015 = tpu.vector_load %arg9[%get3A_1013, %get3A_1014] {strides = array<i32>} : memref<80x128xf32, #tpu.memory_space<vmem>>, vector<16xf32>,
        %mul3A_1016 = arith.mulf %get3A_1012, %get3A_1015 : vector<16xf32>
        %add3A_1017 = arith.addf %add3A_1009, %mul3A_1016 : vector<16xf32>
        %get3A_1018 = arith.index_cast %add3A_970 : i32 to index
        %get3A_1019 = arith.constant 96 : index
        %get3A_1020 = tpu.vector_load %arg8[%get3A_1018, %get3A_1019] {strides = array<i32>} : memref<80x128xf32, #tpu.memory_space<vmem>>, vector<16xf32>,
        %get3A_1021 = arith.index_cast %add3A_970 : i32 to index
        %get3A_1022 = arith.constant 96 : index
        %get3A_1023 = tpu.vector_load %arg9[%get3A_1021, %get3A_1022] {strides = array<i32>} : memref<80x128xf32, #tpu.memory_space<vmem>>, vector<16xf32>,
        %mul3A_1024 = arith.mulf %get3A_1020, %get3A_1023 : vector<16xf32>
        %add3A_1025 = arith.addf %add3A_1017, %mul3A_1024 : vector<16xf32>
        %get3A_1026 = arith.index_cast %add3A_970 : i32 to index
        %get3A_1027 = arith.constant 112 : index
        %get3A_1028 = tpu.vector_load %arg8[%get3A_1026, %get3A_1027] {strides = array<i32>} : memref<80x128xf32, #tpu.memory_space<vmem>>, vector<16xf32>,
        %get3A_1029 = arith.index_cast %add3A_970 : i32 to index
        %get3A_1030 = arith.constant 112 : index
        %get3A_1031 = tpu.vector_load %arg9[%get3A_1029, %get3A_1030] {strides = array<i32>} : memref<80x128xf32, #tpu.memory_space<vmem>>, vector<16xf32>,
        %mul3A_1032 = arith.mulf %get3A_1028, %get3A_1031 : vector<16xf32>
        %add3A_1033 = arith.addf %add3A_1025, %mul3A_1032 : vector<16xf32>
        %swap3A_1034 = arith.constant 12 : i32
        %swap3A_1035 = arith.index_cast %swap3A_1034 : i32 to index
        %swap3A_1036 = arith.constant 0 : index
        %swap3A_1037 = tpu.vector_load %arg13[%swap3A_1035, %swap3A_1036] {strides = array<i32>} : memref<16x17xf32, #tpu.memory_space<vmem>>, vector<16xf32>,
        tpu.vector_store %arg13[%swap3A_1035, %swap3A_1036], %add3A_1033 {strides = array<i32>} : memref<16x17xf32, #tpu.memory_space<vmem>>, vector<16xf32>,
        %mul3A_1038 = arith.constant 16 : i32
        %mul3A_1039 = arith.muli %scan3A_115, %mul3A_1038 : i32
        %add3A_1040 = arith.constant 13 : i32
        %add3A_1041 = arith.addi %mul3A_1039, %add3A_1040 : i32
        %get3A_1042 = arith.index_cast %add3A_1041 : i32 to index
        %get3A_1043 = arith.constant 0 : index
        %get3A_1044 = tpu.vector_load %arg8[%get3A_1042, %get3A_1043] {strides = array<i32>} : memref<80x128xf32, #tpu.memory_space<vmem>>, vector<16xf32>,
        %get3A_1045 = arith.index_cast %add3A_1041 : i32 to index
        %get3A_1046 = arith.constant 0 : index
        %get3A_1047 = tpu.vector_load %arg9[%get3A_1045, %get3A_1046] {strides = array<i32>} : memref<80x128xf32, #tpu.memory_space<vmem>>, vector<16xf32>,
        %mul3A_1048 = arith.mulf %get3A_1044, %get3A_1047 : vector<16xf32>
        %get3A_1049 = arith.index_cast %add3A_1041 : i32 to index
        %get3A_1050 = arith.constant 16 : index
        %get3A_1051 = tpu.vector_load %arg8[%get3A_1049, %get3A_1050] {strides = array<i32>} : memref<80x128xf32, #tpu.memory_space<vmem>>, vector<16xf32>,
        %get3A_1052 = arith.index_cast %add3A_1041 : i32 to index
        %get3A_1053 = arith.constant 16 : index
        %get3A_1054 = tpu.vector_load %arg9[%get3A_1052, %get3A_1053] {strides = array<i32>} : memref<80x128xf32, #tpu.memory_space<vmem>>, vector<16xf32>,
        %mul3A_1055 = arith.mulf %get3A_1051, %get3A_1054 : vector<16xf32>
        %add3A_1056 = arith.addf %mul3A_1048, %mul3A_1055 : vector<16xf32>
        %get3A_1057 = arith.index_cast %add3A_1041 : i32 to index
        %get3A_1058 = arith.constant 32 : index
        %get3A_1059 = tpu.vector_load %arg8[%get3A_1057, %get3A_1058] {strides = array<i32>} : memref<80x128xf32, #tpu.memory_space<vmem>>, vector<16xf32>,
        %get3A_1060 = arith.index_cast %add3A_1041 : i32 to index
        %get3A_1061 = arith.constant 32 : index
        %get3A_1062 = tpu.vector_load %arg9[%get3A_1060, %get3A_1061] {strides = array<i32>} : memref<80x128xf32, #tpu.memory_space<vmem>>, vector<16xf32>,
        %mul3A_1063 = arith.mulf %get3A_1059, %get3A_1062 : vector<16xf32>
        %add3A_1064 = arith.addf %add3A_1056, %mul3A_1063 : vector<16xf32>
        %get3A_1065 = arith.index_cast %add3A_1041 : i32 to index
        %get3A_1066 = arith.constant 48 : index
        %get3A_1067 = tpu.vector_load %arg8[%get3A_1065, %get3A_1066] {strides = array<i32>} : memref<80x128xf32, #tpu.memory_space<vmem>>, vector<16xf32>,
        %get3A_1068 = arith.index_cast %add3A_1041 : i32 to index
        %get3A_1069 = arith.constant 48 : index
        %get3A_1070 = tpu.vector_load %arg9[%get3A_1068, %get3A_1069] {strides = array<i32>} : memref<80x128xf32, #tpu.memory_space<vmem>>, vector<16xf32>,
        %mul3A_1071 = arith.mulf %get3A_1067, %get3A_1070 : vector<16xf32>
        %add3A_1072 = arith.addf %add3A_1064, %mul3A_1071 : vector<16xf32>
        %get3A_1073 = arith.index_cast %add3A_1041 : i32 to index
        %get3A_1074 = arith.constant 64 : index
        %get3A_1075 = tpu.vector_load %arg8[%get3A_1073, %get3A_1074] {strides = array<i32>} : memref<80x128xf32, #tpu.memory_space<vmem>>, vector<16xf32>,
        %get3A_1076 = arith.index_cast %add3A_1041 : i32 to index
        %get3A_1077 = arith.constant 64 : index
        %get3A_1078 = tpu.vector_load %arg9[%get3A_1076, %get3A_1077] {strides = array<i32>} : memref<80x128xf32, #tpu.memory_space<vmem>>, vector<16xf32>,
        %mul3A_1079 = arith.mulf %get3A_1075, %get3A_1078 : vector<16xf32>
        %add3A_1080 = arith.addf %add3A_1072, %mul3A_1079 : vector<16xf32>
        %get3A_1081 = arith.index_cast %add3A_1041 : i32 to index
        %get3A_1082 = arith.constant 80 : index
        %get3A_1083 = tpu.vector_load %arg8[%get3A_1081, %get3A_1082] {strides = array<i32>} : memref<80x128xf32, #tpu.memory_space<vmem>>, vector<16xf32>,
        %get3A_1084 = arith.index_cast %add3A_1041 : i32 to index
        %get3A_1085 = arith.constant 80 : index
        %get3A_1086 = tpu.vector_load %arg9[%get3A_1084, %get3A_1085] {strides = array<i32>} : memref<80x128xf32, #tpu.memory_space<vmem>>, vector<16xf32>,
        %mul3A_1087 = arith.mulf %get3A_1083, %get3A_1086 : vector<16xf32>
        %add3A_1088 = arith.addf %add3A_1080, %mul3A_1087 : vector<16xf32>
        %get3A_1089 = arith.index_cast %add3A_1041 : i32 to index
        %get3A_1090 = arith.constant 96 : index
        %get3A_1091 = tpu.vector_load %arg8[%get3A_1089, %get3A_1090] {strides = array<i32>} : memref<80x128xf32, #tpu.memory_space<vmem>>, vector<16xf32>,
        %get3A_1092 = arith.index_cast %add3A_1041 : i32 to index
        %get3A_1093 = arith.constant 96 : index
        %get3A_1094 = tpu.vector_load %arg9[%get3A_1092, %get3A_1093] {strides = array<i32>} : memref<80x128xf32, #tpu.memory_space<vmem>>, vector<16xf32>,
        %mul3A_1095 = arith.mulf %get3A_1091, %get3A_1094 : vector<16xf32>
        %add3A_1096 = arith.addf %add3A_1088, %mul3A_1095 : vector<16xf32>
        %get3A_1097 = arith.index_cast %add3A_1041 : i32 to index
        %get3A_1098 = arith.constant 112 : index
        %get3A_1099 = tpu.vector_load %arg8[%get3A_1097, %get3A_1098] {strides = array<i32>} : memref<80x128xf32, #tpu.memory_space<vmem>>, vector<16xf32>,
        %get3A_1100 = arith.index_cast %add3A_1041 : i32 to index
        %get3A_1101 = arith.constant 112 : index
        %get3A_1102 = tpu.vector_load %arg9[%get3A_1100, %get3A_1101] {strides = array<i32>} : memref<80x128xf32, #tpu.memory_space<vmem>>, vector<16xf32>,
        %mul3A_1103 = arith.mulf %get3A_1099, %get3A_1102 : vector<16xf32>
        %add3A_1104 = arith.addf %add3A_1096, %mul3A_1103 : vector<16xf32>
        %swap3A_1105 = arith.constant 13 : i32
        %swap3A_1106 = arith.index_cast %swap3A_1105 : i32 to index
        %swap3A_1107 = arith.constant 0 : index
        %swap3A_1108 = tpu.vector_load %arg13[%swap3A_1106, %swap3A_1107] {strides = array<i32>} : memref<16x17xf32, #tpu.memory_space<vmem>>, vector<16xf32>,
        tpu.vector_store %arg13[%swap3A_1106, %swap3A_1107], %add3A_1104 {strides = array<i32>} : memref<16x17xf32, #tpu.memory_space<vmem>>, vector<16xf32>,
        %mul3A_1109 = arith.constant 16 : i32
        %mul3A_1110 = arith.muli %scan3A_115, %mul3A_1109 : i32
        %add3A_1111 = arith.constant 14 : i32
        %add3A_1112 = arith.addi %mul3A_1110, %add3A_1111 : i32
        %get3A_1113 = arith.index_cast %add3A_1112 : i32 to index
        %get3A_1114 = arith.constant 0 : index
        %get3A_1115 = tpu.vector_load %arg8[%get3A_1113, %get3A_1114] {strides = array<i32>} : memref<80x128xf32, #tpu.memory_space<vmem>>, vector<16xf32>,
        %get3A_1116 = arith.index_cast %add3A_1112 : i32 to index
        %get3A_1117 = arith.constant 0 : index
        %get3A_1118 = tpu.vector_load %arg9[%get3A_1116, %get3A_1117] {strides = array<i32>} : memref<80x128xf32, #tpu.memory_space<vmem>>, vector<16xf32>,
        %mul3A_1119 = arith.mulf %get3A_1115, %get3A_1118 : vector<16xf32>
        %get3A_1120 = arith.index_cast %add3A_1112 : i32 to index
        %get3A_1121 = arith.constant 16 : index
        %get3A_1122 = tpu.vector_load %arg8[%get3A_1120, %get3A_1121] {strides = array<i32>} : memref<80x128xf32, #tpu.memory_space<vmem>>, vector<16xf32>,
        %get3A_1123 = arith.index_cast %add3A_1112 : i32 to index
        %get3A_1124 = arith.constant 16 : index
        %get3A_1125 = tpu.vector_load %arg9[%get3A_1123, %get3A_1124] {strides = array<i32>} : memref<80x128xf32, #tpu.memory_space<vmem>>, vector<16xf32>,
        %mul3A_1126 = arith.mulf %get3A_1122, %get3A_1125 : vector<16xf32>
        %add3A_1127 = arith.addf %mul3A_1119, %mul3A_1126 : vector<16xf32>
        %get3A_1128 = arith.index_cast %add3A_1112 : i32 to index
        %get3A_1129 = arith.constant 32 : index
        %get3A_1130 = tpu.vector_load %arg8[%get3A_1128, %get3A_1129] {strides = array<i32>} : memref<80x128xf32, #tpu.memory_space<vmem>>, vector<16xf32>,
        %get3A_1131 = arith.index_cast %add3A_1112 : i32 to index
        %get3A_1132 = arith.constant 32 : index
        %get3A_1133 = tpu.vector_load %arg9[%get3A_1131, %get3A_1132] {strides = array<i32>} : memref<80x128xf32, #tpu.memory_space<vmem>>, vector<16xf32>,
        %mul3A_1134 = arith.mulf %get3A_1130, %get3A_1133 : vector<16xf32>
        %add3A_1135 = arith.addf %add3A_1127, %mul3A_1134 : vector<16xf32>
        %get3A_1136 = arith.index_cast %add3A_1112 : i32 to index
        %get3A_1137 = arith.constant 48 : index
        %get3A_1138 = tpu.vector_load %arg8[%get3A_1136, %get3A_1137] {strides = array<i32>} : memref<80x128xf32, #tpu.memory_space<vmem>>, vector<16xf32>,
        %get3A_1139 = arith.index_cast %add3A_1112 : i32 to index
        %get3A_1140 = arith.constant 48 : index
        %get3A_1141 = tpu.vector_load %arg9[%get3A_1139, %get3A_1140] {strides = array<i32>} : memref<80x128xf32, #tpu.memory_space<vmem>>, vector<16xf32>,
        %mul3A_1142 = arith.mulf %get3A_1138, %get3A_1141 : vector<16xf32>
        %add3A_1143 = arith.addf %add3A_1135, %mul3A_1142 : vector<16xf32>
        %get3A_1144 = arith.index_cast %add3A_1112 : i32 to index
        %get3A_1145 = arith.constant 64 : index
        %get3A_1146 = tpu.vector_load %arg8[%get3A_1144, %get3A_1145] {strides = array<i32>} : memref<80x128xf32, #tpu.memory_space<vmem>>, vector<16xf32>,
        %get3A_1147 = arith.index_cast %add3A_1112 : i32 to index
        %get3A_1148 = arith.constant 64 : index
        %get3A_1149 = tpu.vector_load %arg9[%get3A_1147, %get3A_1148] {strides = array<i32>} : memref<80x128xf32, #tpu.memory_space<vmem>>, vector<16xf32>,
        %mul3A_1150 = arith.mulf %get3A_1146, %get3A_1149 : vector<16xf32>
        %add3A_1151 = arith.addf %add3A_1143, %mul3A_1150 : vector<16xf32>
        %get3A_1152 = arith.index_cast %add3A_1112 : i32 to index
        %get3A_1153 = arith.constant 80 : index
        %get3A_1154 = tpu.vector_load %arg8[%get3A_1152, %get3A_1153] {strides = array<i32>} : memref<80x128xf32, #tpu.memory_space<vmem>>, vector<16xf32>,
        %get3A_1155 = arith.index_cast %add3A_1112 : i32 to index
        %get3A_1156 = arith.constant 80 : index
        %get3A_1157 = tpu.vector_load %arg9[%get3A_1155, %get3A_1156] {strides = array<i32>} : memref<80x128xf32, #tpu.memory_space<vmem>>, vector<16xf32>,
        %mul3A_1158 = arith.mulf %get3A_1154, %get3A_1157 : vector<16xf32>
        %add3A_1159 = arith.addf %add3A_1151, %mul3A_1158 : vector<16xf32>
        %get3A_1160 = arith.index_cast %add3A_1112 : i32 to index
        %get3A_1161 = arith.constant 96 : index
        %get3A_1162 = tpu.vector_load %arg8[%get3A_1160, %get3A_1161] {strides = array<i32>} : memref<80x128xf32, #tpu.memory_space<vmem>>, vector<16xf32>,
        %get3A_1163 = arith.index_cast %add3A_1112 : i32 to index
        %get3A_1164 = arith.constant 96 : index
        %get3A_1165 = tpu.vector_load %arg9[%get3A_1163, %get3A_1164] {strides = array<i32>} : memref<80x128xf32, #tpu.memory_space<vmem>>, vector<16xf32>,
        %mul3A_1166 = arith.mulf %get3A_1162, %get3A_1165 : vector<16xf32>
        %add3A_1167 = arith.addf %add3A_1159, %mul3A_1166 : vector<16xf32>
        %get3A_1168 = arith.index_cast %add3A_1112 : i32 to index
        %get3A_1169 = arith.constant 112 : index
        %get3A_1170 = tpu.vector_load %arg8[%get3A_1168, %get3A_1169] {strides = array<i32>} : memref<80x128xf32, #tpu.memory_space<vmem>>, vector<16xf32>,
        %get3A_1171 = arith.index_cast %add3A_1112 : i32 to index
        %get3A_1172 = arith.constant 112 : index
        %get3A_1173 = tpu.vector_load %arg9[%get3A_1171, %get3A_1172] {strides = array<i32>} : memref<80x128xf32, #tpu.memory_space<vmem>>, vector<16xf32>,
        %mul3A_1174 = arith.mulf %get3A_1170, %get3A_1173 : vector<16xf32>
        %add3A_1175 = arith.addf %add3A_1167, %mul3A_1174 : vector<16xf32>
        %swap3A_1176 = arith.constant 14 : i32
        %swap3A_1177 = arith.index_cast %swap3A_1176 : i32 to index
        %swap3A_1178 = arith.constant 0 : index
        %swap3A_1179 = tpu.vector_load %arg13[%swap3A_1177, %swap3A_1178] {strides = array<i32>} : memref<16x17xf32, #tpu.memory_space<vmem>>, vector<16xf32>,
        tpu.vector_store %arg13[%swap3A_1177, %swap3A_1178], %add3A_1175 {strides = array<i32>} : memref<16x17xf32, #tpu.memory_space<vmem>>, vector<16xf32>,
        %mul3A_1180 = arith.constant 16 : i32
        %mul3A_1181 = arith.muli %scan3A_115, %mul3A_1180 : i32
        %add3A_1182 = arith.constant 15 : i32
        %add3A_1183 = arith.addi %mul3A_1181, %add3A_1182 : i32
        %get3A_1184 = arith.index_cast %add3A_1183 : i32 to index
        %get3A_1185 = arith.constant 0 : index
        %get3A_1186 = tpu.vector_load %arg8[%get3A_1184, %get3A_1185] {strides = array<i32>} : memref<80x128xf32, #tpu.memory_space<vmem>>, vector<16xf32>,
        %get3A_1187 = arith.index_cast %add3A_1183 : i32 to index
        %get3A_1188 = arith.constant 0 : index
        %get3A_1189 = tpu.vector_load %arg9[%get3A_1187, %get3A_1188] {strides = array<i32>} : memref<80x128xf32, #tpu.memory_space<vmem>>, vector<16xf32>,
        %mul3A_1190 = arith.mulf %get3A_1186, %get3A_1189 : vector<16xf32>
        %get3A_1191 = arith.index_cast %add3A_1183 : i32 to index
        %get3A_1192 = arith.constant 16 : index
        %get3A_1193 = tpu.vector_load %arg8[%get3A_1191, %get3A_1192] {strides = array<i32>} : memref<80x128xf32, #tpu.memory_space<vmem>>, vector<16xf32>,
        %get3A_1194 = arith.index_cast %add3A_1183 : i32 to index
        %get3A_1195 = arith.constant 16 : index
        %get3A_1196 = tpu.vector_load %arg9[%get3A_1194, %get3A_1195] {strides = array<i32>} : memref<80x128xf32, #tpu.memory_space<vmem>>, vector<16xf32>,
        %mul3A_1197 = arith.mulf %get3A_1193, %get3A_1196 : vector<16xf32>
        %add3A_1198 = arith.addf %mul3A_1190, %mul3A_1197 : vector<16xf32>
        %get3A_1199 = arith.index_cast %add3A_1183 : i32 to index
        %get3A_1200 = arith.constant 32 : index
        %get3A_1201 = tpu.vector_load %arg8[%get3A_1199, %get3A_1200] {strides = array<i32>} : memref<80x128xf32, #tpu.memory_space<vmem>>, vector<16xf32>,
        %get3A_1202 = arith.index_cast %add3A_1183 : i32 to index
        %get3A_1203 = arith.constant 32 : index
        %get3A_1204 = tpu.vector_load %arg9[%get3A_1202, %get3A_1203] {strides = array<i32>} : memref<80x128xf32, #tpu.memory_space<vmem>>, vector<16xf32>,
        %mul3A_1205 = arith.mulf %get3A_1201, %get3A_1204 : vector<16xf32>
        %add3A_1206 = arith.addf %add3A_1198, %mul3A_1205 : vector<16xf32>
        %get3A_1207 = arith.index_cast %add3A_1183 : i32 to index
        %get3A_1208 = arith.constant 48 : index
        %get3A_1209 = tpu.vector_load %arg8[%get3A_1207, %get3A_1208] {strides = array<i32>} : memref<80x128xf32, #tpu.memory_space<vmem>>, vector<16xf32>,
        %get3A_1210 = arith.index_cast %add3A_1183 : i32 to index
        %get3A_1211 = arith.constant 48 : index
        %get3A_1212 = tpu.vector_load %arg9[%get3A_1210, %get3A_1211] {strides = array<i32>} : memref<80x128xf32, #tpu.memory_space<vmem>>, vector<16xf32>,
        %mul3A_1213 = arith.mulf %get3A_1209, %get3A_1212 : vector<16xf32>
        %add3A_1214 = arith.addf %add3A_1206, %mul3A_1213 : vector<16xf32>
        %get3A_1215 = arith.index_cast %add3A_1183 : i32 to index
        %get3A_1216 = arith.constant 64 : index
        %get3A_1217 = tpu.vector_load %arg8[%get3A_1215, %get3A_1216] {strides = array<i32>} : memref<80x128xf32, #tpu.memory_space<vmem>>, vector<16xf32>,
        %get3A_1218 = arith.index_cast %add3A_1183 : i32 to index
        %get3A_1219 = arith.constant 64 : index
        %get3A_1220 = tpu.vector_load %arg9[%get3A_1218, %get3A_1219] {strides = array<i32>} : memref<80x128xf32, #tpu.memory_space<vmem>>, vector<16xf32>,
        %mul3A_1221 = arith.mulf %get3A_1217, %get3A_1220 : vector<16xf32>
        %add3A_1222 = arith.addf %add3A_1214, %mul3A_1221 : vector<16xf32>
        %get3A_1223 = arith.index_cast %add3A_1183 : i32 to index
        %get3A_1224 = arith.constant 80 : index
        %get3A_1225 = tpu.vector_load %arg8[%get3A_1223, %get3A_1224] {strides = array<i32>} : memref<80x128xf32, #tpu.memory_space<vmem>>, vector<16xf32>,
        %get3A_1226 = arith.index_cast %add3A_1183 : i32 to index
        %get3A_1227 = arith.constant 80 : index
        %get3A_1228 = tpu.vector_load %arg9[%get3A_1226, %get3A_1227] {strides = array<i32>} : memref<80x128xf32, #tpu.memory_space<vmem>>, vector<16xf32>,
        %mul3A_1229 = arith.mulf %get3A_1225, %get3A_1228 : vector<16xf32>
        %add3A_1230 = arith.addf %add3A_1222, %mul3A_1229 : vector<16xf32>
        %get3A_1231 = arith.index_cast %add3A_1183 : i32 to index
        %get3A_1232 = arith.constant 96 : index
        %get3A_1233 = tpu.vector_load %arg8[%get3A_1231, %get3A_1232] {strides = array<i32>} : memref<80x128xf32, #tpu.memory_space<vmem>>, vector<16xf32>,
        %get3A_1234 = arith.index_cast %add3A_1183 : i32 to index
        %get3A_1235 = arith.constant 96 : index
        %get3A_1236 = tpu.vector_load %arg9[%get3A_1234, %get3A_1235] {strides = array<i32>} : memref<80x128xf32, #tpu.memory_space<vmem>>, vector<16xf32>,
        %mul3A_1237 = arith.mulf %get3A_1233, %get3A_1236 : vector<16xf32>
        %add3A_1238 = arith.addf %add3A_1230, %mul3A_1237 : vector<16xf32>
        %get3A_1239 = arith.index_cast %add3A_1183 : i32 to index
        %get3A_1240 = arith.constant 112 : index
        %get3A_1241 = tpu.vector_load %arg8[%get3A_1239, %get3A_1240] {strides = array<i32>} : memref<80x128xf32, #tpu.memory_space<vmem>>, vector<16xf32>,
        %get3A_1242 = arith.index_cast %add3A_1183 : i32 to index
        %get3A_1243 = arith.constant 112 : index
        %get3A_1244 = tpu.vector_load %arg9[%get3A_1242, %get3A_1243] {strides = array<i32>} : memref<80x128xf32, #tpu.memory_space<vmem>>, vector<16xf32>,
        %mul3A_1245 = arith.mulf %get3A_1241, %get3A_1244 : vector<16xf32>
        %add3A_1246 = arith.addf %add3A_1238, %mul3A_1245 : vector<16xf32>
        %swap3A_1247 = arith.constant 15 : i32
        %swap3A_1248 = arith.index_cast %swap3A_1247 : i32 to index
        %swap3A_1249 = arith.constant 0 : index
        %swap3A_1250 = tpu.vector_load %arg13[%swap3A_1248, %swap3A_1249] {strides = array<i32>} : memref<16x17xf32, #tpu.memory_space<vmem>>, vector<16xf32>,
        tpu.vector_store %arg13[%swap3A_1248, %swap3A_1249], %add3A_1246 {strides = array<i32>} : memref<16x17xf32, #tpu.memory_space<vmem>>, vector<16xf32>,
        %broadcast_in_dim3A = arith.constant 0.000000e+00 : f32
        %broadcast_in_dim3A_1251 = vector.broadcast %broadcast_in_dim3A : f32 to vector<16xf32>
        %broadcast_in_dim3A_1252 = arith.constant 0 : i32
        %broadcast_in_dim3A_1253 = vector.broadcast %broadcast_in_dim3A_1252 : i32 to vector<16xi32>
        %gather3A = tpu.vector_load_idx %arg13[%iota3A, %broadcast_in_dim3A_1253] : memref<16x17xf32, #tpu.memory_space<vmem>>[vector<16xi32>, vector<16xi32>], vector<16xf32>,
        %add3A_1254 = arith.addf %broadcast_in_dim3A_1251, %gather3A : vector<16xf32>
        %broadcast_in_dim3A_1255 = arith.constant 1 : i32
        %broadcast_in_dim3A_1256 = vector.broadcast %broadcast_in_dim3A_1255 : i32 to vector<16xi32>
        %gather3A_1257 = tpu.vector_load_idx %arg13[%iota3A, %broadcast_in_dim3A_1256] : memref<16x17xf32, #tpu.memory_space<vmem>>[vector<16xi32>, vector<16xi32>], vector<16xf32>,
        %add3A_1258 = arith.addf %add3A_1254, %gather3A_1257 : vector<16xf32>
        %broadcast_in_dim3A_1259 = arith.constant 2 : i32
        %broadcast_in_dim3A_1260 = vector.broadcast %broadcast_in_dim3A_1259 : i32 to vector<16xi32>
        %gather3A_1261 = tpu.vector_load_idx %arg13[%iota3A, %broadcast_in_dim3A_1260] : memref<16x17xf32, #tpu.memory_space<vmem>>[vector<16xi32>, vector<16xi32>], vector<16xf32>,
        %add3A_1262 = arith.addf %add3A_1258, %gather3A_1261 : vector<16xf32>
        %broadcast_in_dim3A_1263 = arith.constant 3 : i32
        %broadcast_in_dim3A_1264 = vector.broadcast %broadcast_in_dim3A_1263 : i32 to vector<16xi32>
        %gather3A_1265 = tpu.vector_load_idx %arg13[%iota3A, %broadcast_in_dim3A_1264] : memref<16x17xf32, #tpu.memory_space<vmem>>[vector<16xi32>, vector<16xi32>], vector<16xf32>,
        %add3A_1266 = arith.addf %add3A_1262, %gather3A_1265 : vector<16xf32>
        %broadcast_in_dim3A_1267 = arith.constant 4 : i32
        %broadcast_in_dim3A_1268 = vector.broadcast %broadcast_in_dim3A_1267 : i32 to vector<16xi32>
        %gather3A_1269 = tpu.vector_load_idx %arg13[%iota3A, %broadcast_in_dim3A_1268] : memref<16x17xf32, #tpu.memory_space<vmem>>[vector<16xi32>, vector<16xi32>], vector<16xf32>,
        %add3A_1270 = arith.addf %add3A_1266, %gather3A_1269 : vector<16xf32>
        %broadcast_in_dim3A_1271 = arith.constant 5 : i32
        %broadcast_in_dim3A_1272 = vector.broadcast %broadcast_in_dim3A_1271 : i32 to vector<16xi32>
        %gather3A_1273 = tpu.vector_load_idx %arg13[%iota3A, %broadcast_in_dim3A_1272] : memref<16x17xf32, #tpu.memory_space<vmem>>[vector<16xi32>, vector<16xi32>], vector<16xf32>,
        %add3A_1274 = arith.addf %add3A_1270, %gather3A_1273 : vector<16xf32>
        %broadcast_in_dim3A_1275 = arith.constant 6 : i32
        %broadcast_in_dim3A_1276 = vector.broadcast %broadcast_in_dim3A_1275 : i32 to vector<16xi32>
        %gather3A_1277 = tpu.vector_load_idx %arg13[%iota3A, %broadcast_in_dim3A_1276] : memref<16x17xf32, #tpu.memory_space<vmem>>[vector<16xi32>, vector<16xi32>], vector<16xf32>,
        %add3A_1278 = arith.addf %add3A_1274, %gather3A_1277 : vector<16xf32>
        %broadcast_in_dim3A_1279 = arith.constant 7 : i32
        %broadcast_in_dim3A_1280 = vector.broadcast %broadcast_in_dim3A_1279 : i32 to vector<16xi32>
        %gather3A_1281 = tpu.vector_load_idx %arg13[%iota3A, %broadcast_in_dim3A_1280] : memref<16x17xf32, #tpu.memory_space<vmem>>[vector<16xi32>, vector<16xi32>], vector<16xf32>,
        %add3A_1282 = arith.addf %add3A_1278, %gather3A_1281 : vector<16xf32>
        %broadcast_in_dim3A_1283 = arith.constant 8 : i32
        %broadcast_in_dim3A_1284 = vector.broadcast %broadcast_in_dim3A_1283 : i32 to vector<16xi32>
        %gather3A_1285 = tpu.vector_load_idx %arg13[%iota3A, %broadcast_in_dim3A_1284] : memref<16x17xf32, #tpu.memory_space<vmem>>[vector<16xi32>, vector<16xi32>], vector<16xf32>,
        %add3A_1286 = arith.addf %add3A_1282, %gather3A_1285 : vector<16xf32>
        %broadcast_in_dim3A_1287 = arith.constant 9 : i32
        %broadcast_in_dim3A_1288 = vector.broadcast %broadcast_in_dim3A_1287 : i32 to vector<16xi32>
        %gather3A_1289 = tpu.vector_load_idx %arg13[%iota3A, %broadcast_in_dim3A_1288] : memref<16x17xf32, #tpu.memory_space<vmem>>[vector<16xi32>, vector<16xi32>], vector<16xf32>,
        %add3A_1290 = arith.addf %add3A_1286, %gather3A_1289 : vector<16xf32>
        %broadcast_in_dim3A_1291 = arith.constant 10 : i32
        %broadcast_in_dim3A_1292 = vector.broadcast %broadcast_in_dim3A_1291 : i32 to vector<16xi32>
        %gather3A_1293 = tpu.vector_load_idx %arg13[%iota3A, %broadcast_in_dim3A_1292] : memref<16x17xf32, #tpu.memory_space<vmem>>[vector<16xi32>, vector<16xi32>], vector<16xf32>,
        %add3A_1294 = arith.addf %add3A_1290, %gather3A_1293 : vector<16xf32>
        %broadcast_in_dim3A_1295 = arith.constant 11 : i32
        %broadcast_in_dim3A_1296 = vector.broadcast %broadcast_in_dim3A_1295 : i32 to vector<16xi32>
        %gather3A_1297 = tpu.vector_load_idx %arg13[%iota3A, %broadcast_in_dim3A_1296] : memref<16x17xf32, #tpu.memory_space<vmem>>[vector<16xi32>, vector<16xi32>], vector<16xf32>,
        %add3A_1298 = arith.addf %add3A_1294, %gather3A_1297 : vector<16xf32>
        %broadcast_in_dim3A_1299 = arith.constant 12 : i32
        %broadcast_in_dim3A_1300 = vector.broadcast %broadcast_in_dim3A_1299 : i32 to vector<16xi32>
        %gather3A_1301 = tpu.vector_load_idx %arg13[%iota3A, %broadcast_in_dim3A_1300] : memref<16x17xf32, #tpu.memory_space<vmem>>[vector<16xi32>, vector<16xi32>], vector<16xf32>,
        %add3A_1302 = arith.addf %add3A_1298, %gather3A_1301 : vector<16xf32>
        %broadcast_in_dim3A_1303 = arith.constant 13 : i32
        %broadcast_in_dim3A_1304 = vector.broadcast %broadcast_in_dim3A_1303 : i32 to vector<16xi32>
        %gather3A_1305 = tpu.vector_load_idx %arg13[%iota3A, %broadcast_in_dim3A_1304] : memref<16x17xf32, #tpu.memory_space<vmem>>[vector<16xi32>, vector<16xi32>], vector<16xf32>,
        %add3A_1306 = arith.addf %add3A_1302, %gather3A_1305 : vector<16xf32>
        %broadcast_in_dim3A_1307 = arith.constant 14 : i32
        %broadcast_in_dim3A_1308 = vector.broadcast %broadcast_in_dim3A_1307 : i32 to vector<16xi32>
        %gather3A_1309 = tpu.vector_load_idx %arg13[%iota3A, %broadcast_in_dim3A_1308] : memref<16x17xf32, #tpu.memory_space<vmem>>[vector<16xi32>, vector<16xi32>], vector<16xf32>,
        %add3A_1310 = arith.addf %add3A_1306, %gather3A_1309 : vector<16xf32>
        %broadcast_in_dim3A_1311 = arith.constant 15 : i32
        %broadcast_in_dim3A_1312 = vector.broadcast %broadcast_in_dim3A_1311 : i32 to vector<16xi32>
        %gather3A_1313 = tpu.vector_load_idx %arg13[%iota3A, %broadcast_in_dim3A_1312] : memref<16x17xf32, #tpu.memory_space<vmem>>[vector<16xi32>, vector<16xi32>], vector<16xf32>,
        %add3A_1314 = arith.addf %add3A_1310, %gather3A_1313 : vector<16xf32>
        %exp3A = math.exp %add3A_1314 : vector<16xf32>
        %mul3A_1315 = arith.constant 80 : i32
        %mul3A_1316 = arith.muli %mul3A_51, %mul3A_1315 : i32
        %mul3A_1317 = arith.constant 16 : i32
        %mul3A_1318 = arith.muli %scan3A_115, %mul3A_1317 : i32
        %add3A_1319 = arith.addi %mul3A_1316, %mul3A_1318 : i32
        %swap3A_1320 = arith.index_cast %add3A_1319 : i32 to index
        %swap3A_1321 = tpu.vector_load %arg12[%swap3A_1320] {strides = array<i32>} : memref<10000xf32, #tpu.memory_space<vmem>>, vector<16xf32>,
        tpu.vector_store %arg12[%swap3A_1320], %exp3A {strides = array<i32>} : memref<10000xf32, #tpu.memory_space<vmem>>, vector<16xf32>,
        %scan3A_1322 = arith.constant 0 : i32
        scf.yield %scan3A_1322 : i32
      }
      %scan3A_80 = arith.constant 5 : i32
      %add3A_81 = arith.constant 2 : i32
      %add3A_82 = arith.addi %mul3A_51, %add3A_81 : i32
      %mul3A_83 = arith.constant 80 : i32
      %mul3A_84 = arith.muli %add3A_82, %mul3A_83 : i32
      %dma_start3A_85 = tpu.memref_slice %arg6[%mul3A_84] : memref<10000xi32, #tpu.memory_space<vmem>> -> memref<80xi32, #tpu.memory_space<vmem>>
      %dma_start3A_86 = arith.constant 0 : i32
      %dma_start3A_87 = arith.constant 0 : i32
      %dma_start3A_88 = tpu.memref_slice %arg2[%dma_start3A_86, %dma_start3A_87] : memref<20000x128xf32, #tpu.memory_space<hbm>> -> memref<20000x128xf32, #tpu.memory_space<hbm>>
      tpu.enqueue_indirect_dma source(%dma_start3A_88 : memref<20000x128xf32, #tpu.memory_space<hbm>>) target(%arg8 : memref<80x128xf32, #tpu.memory_space<vmem>>) offsets(%dma_start3A_85 : memref<80xi32, #tpu.memory_space<vmem>>) semaphore(%arg16 : memref<!tpu.dma_semaphore, #tpu.memory_space<semaphore_mem>>)
      %dma_start3A_89 = tpu.memref_slice %arg7[%mul3A_84] : memref<10000xi32, #tpu.memory_space<vmem>> -> memref<80xi32, #tpu.memory_space<vmem>>
      %dma_start3A_90 = arith.constant 0 : i32
      %dma_start3A_91 = arith.constant 0 : i32
      %dma_start3A_92 = tpu.memref_slice %arg2[%dma_start3A_90, %dma_start3A_91] : memref<20000x128xf32, #tpu.memory_space<hbm>> -> memref<20000x128xf32, #tpu.memory_space<hbm>>
      tpu.enqueue_indirect_dma source(%dma_start3A_92 : memref<20000x128xf32, #tpu.memory_space<hbm>>) target(%arg9 : memref<80x128xf32, #tpu.memory_space<vmem>>) offsets(%dma_start3A_89 : memref<80xi32, #tpu.memory_space<vmem>>) semaphore(%arg17 : memref<!tpu.dma_semaphore, #tpu.memory_space<semaphore_mem>>)
      %add3A_93 = arith.constant 1 : i32
      %add3A_94 = arith.addi %mul3A_51, %add3A_93 : i32
      %mul3A_95 = arith.constant 80 : i32
      %mul3A_96 = arith.muli %add3A_94, %mul3A_95 : i32
      %dma_wait3A_97 = tpu.memref_slice %arg6[%mul3A_96] : memref<10000xi32, #tpu.memory_space<vmem>> -> memref<80xi32, #tpu.memory_space<vmem>>
      %dma_wait3A_98 = arith.constant 0 : i32
      %dma_wait3A_99 = arith.constant 0 : i32
      %dma_wait3A_100 = tpu.memref_slice %arg2[%dma_wait3A_98, %dma_wait3A_99] : memref<20000x128xf32, #tpu.memory_space<hbm>> -> memref<20000x128xf32, #tpu.memory_space<hbm>>
      tpu.wait_indirect_dma semaphore(%arg18 : memref<!tpu.dma_semaphore, #tpu.memory_space<semaphore_mem>>) src(%dma_wait3A_100 : memref<20000x128xf32, #tpu.memory_space<hbm>>) dst(%arg10 : memref<80x128xf32, #tpu.memory_space<vmem>>)
      %dma_wait3A_101 = tpu.memref_slice %arg7[%mul3A_96] : memref<10000xi32, #tpu.memory_space<vmem>> -> memref<80xi32, #tpu.memory_space<vmem>>
      %dma_wait3A_102 = arith.constant 0 : i32
      %dma_wait3A_103 = arith.constant 0 : i32
      %dma_wait3A_104 = tpu.memref_slice %arg2[%dma_wait3A_102, %dma_wait3A_103] : memref<20000x128xf32, #tpu.memory_space<hbm>> -> memref<20000x128xf32, #tpu.memory_space<hbm>>
      tpu.wait_indirect_dma semaphore(%arg19 : memref<!tpu.dma_semaphore, #tpu.memory_space<semaphore_mem>>) src(%dma_wait3A_104 : memref<20000x128xf32, #tpu.memory_space<hbm>>) dst(%arg11 : memref<80x128xf32, #tpu.memory_space<vmem>>)
      %add3A_105 = arith.constant 1 : i32
      %add3A_106 = arith.addi %mul3A_51, %add3A_105 : i32
      %scan3A_107 = arith.constant 0 : i32
      %scan3A_108 = arith.constant 0 : i32
      %scan3A_109 = arith.constant 5 : i32
      %scan3A_110 = arith.addi %scan3A_108, %scan3A_109 : i32
      %scan3A_111 = arith.constant 1 : i32
      %scan3A_112 = scf.for %scan3A_115 = %scan3A_108 to %scan3A_110 step %scan3A_111 iter_args(%scan3A_116 = %scan3A_107) -> (i32)  : i32 {
        %mul3A_117 = arith.constant 16 : i32
        %mul3A_118 = arith.muli %scan3A_115, %mul3A_117 : i32
        %add3A_119 = arith.constant 0 : i32
        %add3A_120 = arith.addi %mul3A_118, %add3A_119 : i32
        %get3A = arith.index_cast %add3A_120 : i32 to index
        %get3A_121 = arith.constant 0 : index
        %get3A_122 = tpu.vector_load %arg10[%get3A, %get3A_121] {strides = array<i32>} : memref<80x128xf32, #tpu.memory_space<vmem>>, vector<16xf32>,
        %get3A_123 = arith.index_cast %add3A_120 : i32 to index
        %get3A_124 = arith.constant 0 : index
        %get3A_125 = tpu.vector_load %arg11[%get3A_123, %get3A_124] {strides = array<i32>} : memref<80x128xf32, #tpu.memory_space<vmem>>, vector<16xf32>,
        %mul3A_126 = arith.mulf %get3A_122, %get3A_125 : vector<16xf32>
        %get3A_127 = arith.index_cast %add3A_120 : i32 to index
        %get3A_128 = arith.constant 16 : index
        %get3A_129 = tpu.vector_load %arg10[%get3A_127, %get3A_128] {strides = array<i32>} : memref<80x128xf32, #tpu.memory_space<vmem>>, vector<16xf32>,
        %get3A_130 = arith.index_cast %add3A_120 : i32 to index
        %get3A_131 = arith.constant 16 : index
        %get3A_132 = tpu.vector_load %arg11[%get3A_130, %get3A_131] {strides = array<i32>} : memref<80x128xf32, #tpu.memory_space<vmem>>, vector<16xf32>,
        %mul3A_133 = arith.mulf %get3A_129, %get3A_132 : vector<16xf32>
        %add3A_134 = arith.addf %mul3A_126, %mul3A_133 : vector<16xf32>
        %get3A_135 = arith.index_cast %add3A_120 : i32 to index
        %get3A_136 = arith.constant 32 : index
        %get3A_137 = tpu.vector_load %arg10[%get3A_135, %get3A_136] {strides = array<i32>} : memref<80x128xf32, #tpu.memory_space<vmem>>, vector<16xf32>,
        %get3A_138 = arith.index_cast %add3A_120 : i32 to index
        %get3A_139 = arith.constant 32 : index
        %get3A_140 = tpu.vector_load %arg11[%get3A_138, %get3A_139] {strides = array<i32>} : memref<80x128xf32, #tpu.memory_space<vmem>>, vector<16xf32>,
        %mul3A_141 = arith.mulf %get3A_137, %get3A_140 : vector<16xf32>
        %add3A_142 = arith.addf %add3A_134, %mul3A_141 : vector<16xf32>
        %get3A_143 = arith.index_cast %add3A_120 : i32 to index
        %get3A_144 = arith.constant 48 : index
        %get3A_145 = tpu.vector_load %arg10[%get3A_143, %get3A_144] {strides = array<i32>} : memref<80x128xf32, #tpu.memory_space<vmem>>, vector<16xf32>,
        %get3A_146 = arith.index_cast %add3A_120 : i32 to index
        %get3A_147 = arith.constant 48 : index
        %get3A_148 = tpu.vector_load %arg11[%get3A_146, %get3A_147] {strides = array<i32>} : memref<80x128xf32, #tpu.memory_space<vmem>>, vector<16xf32>,
        %mul3A_149 = arith.mulf %get3A_145, %get3A_148 : vector<16xf32>
        %add3A_150 = arith.addf %add3A_142, %mul3A_149 : vector<16xf32>
        %get3A_151 = arith.index_cast %add3A_120 : i32 to index
        %get3A_152 = arith.constant 64 : index
        %get3A_153 = tpu.vector_load %arg10[%get3A_151, %get3A_152] {strides = array<i32>} : memref<80x128xf32, #tpu.memory_space<vmem>>, vector<16xf32>,
        %get3A_154 = arith.index_cast %add3A_120 : i32 to index
        %get3A_155 = arith.constant 64 : index
        %get3A_156 = tpu.vector_load %arg11[%get3A_154, %get3A_155] {strides = array<i32>} : memref<80x128xf32, #tpu.memory_space<vmem>>, vector<16xf32>,
        %mul3A_157 = arith.mulf %get3A_153, %get3A_156 : vector<16xf32>
        %add3A_158 = arith.addf %add3A_150, %mul3A_157 : vector<16xf32>
        %get3A_159 = arith.index_cast %add3A_120 : i32 to index
        %get3A_160 = arith.constant 80 : index
        %get3A_161 = tpu.vector_load %arg10[%get3A_159, %get3A_160] {strides = array<i32>} : memref<80x128xf32, #tpu.memory_space<vmem>>, vector<16xf32>,
        %get3A_162 = arith.index_cast %add3A_120 : i32 to index
        %get3A_163 = arith.constant 80 : index
        %get3A_164 = tpu.vector_load %arg11[%get3A_162, %get3A_163] {strides = array<i32>} : memref<80x128xf32, #tpu.memory_space<vmem>>, vector<16xf32>,
        %mul3A_165 = arith.mulf %get3A_161, %get3A_164 : vector<16xf32>
        %add3A_166 = arith.addf %add3A_158, %mul3A_165 : vector<16xf32>
        %get3A_167 = arith.index_cast %add3A_120 : i32 to index
        %get3A_168 = arith.constant 96 : index
        %get3A_169 = tpu.vector_load %arg10[%get3A_167, %get3A_168] {strides = array<i32>} : memref<80x128xf32, #tpu.memory_space<vmem>>, vector<16xf32>,
        %get3A_170 = arith.index_cast %add3A_120 : i32 to index
        %get3A_171 = arith.constant 96 : index
        %get3A_172 = tpu.vector_load %arg11[%get3A_170, %get3A_171] {strides = array<i32>} : memref<80x128xf32, #tpu.memory_space<vmem>>, vector<16xf32>,
        %mul3A_173 = arith.mulf %get3A_169, %get3A_172 : vector<16xf32>
        %add3A_174 = arith.addf %add3A_166, %mul3A_173 : vector<16xf32>
        %get3A_175 = arith.index_cast %add3A_120 : i32 to index
        %get3A_176 = arith.constant 112 : index
        %get3A_177 = tpu.vector_load %arg10[%get3A_175, %get3A_176] {strides = array<i32>} : memref<80x128xf32, #tpu.memory_space<vmem>>, vector<16xf32>,
        %get3A_178 = arith.index_cast %add3A_120 : i32 to index
        %get3A_179 = arith.constant 112 : index
        %get3A_180 = tpu.vector_load %arg11[%get3A_178, %get3A_179] {strides = array<i32>} : memref<80x128xf32, #tpu.memory_space<vmem>>, vector<16xf32>,
        %mul3A_181 = arith.mulf %get3A_177, %get3A_180 : vector<16xf32>
        %add3A_182 = arith.addf %add3A_174, %mul3A_181 : vector<16xf32>
        %swap3A = arith.constant 0 : i32
        %swap3A_183 = arith.index_cast %swap3A : i32 to index
        %swap3A_184 = arith.constant 0 : index
        %swap3A_185 = tpu.vector_load %arg13[%swap3A_183, %swap3A_184] {strides = array<i32>} : memref<16x17xf32, #tpu.memory_space<vmem>>, vector<16xf32>,
        tpu.vector_store %arg13[%swap3A_183, %swap3A_184], %add3A_182 {strides = array<i32>} : memref<16x17xf32, #tpu.memory_space<vmem>>, vector<16xf32>,
        %mul3A_186 = arith.constant 16 : i32
        %mul3A_187 = arith.muli %scan3A_115, %mul3A_186 : i32
        %add3A_188 = arith.constant 1 : i32
        %add3A_189 = arith.addi %mul3A_187, %add3A_188 : i32
        %get3A_190 = arith.index_cast %add3A_189 : i32 to index
        %get3A_191 = arith.constant 0 : index
        %get3A_192 = tpu.vector_load %arg10[%get3A_190, %get3A_191] {strides = array<i32>} : memref<80x128xf32, #tpu.memory_space<vmem>>, vector<16xf32>,
        %get3A_193 = arith.index_cast %add3A_189 : i32 to index
        %get3A_194 = arith.constant 0 : index
        %get3A_195 = tpu.vector_load %arg11[%get3A_193, %get3A_194] {strides = array<i32>} : memref<80x128xf32, #tpu.memory_space<vmem>>, vector<16xf32>,
        %mul3A_196 = arith.mulf %get3A_192, %get3A_195 : vector<16xf32>
        %get3A_197 = arith.index_cast %add3A_189 : i32 to index
        %get3A_198 = arith.constant 16 : index
        %get3A_199 = tpu.vector_load %arg10[%get3A_197, %get3A_198] {strides = array<i32>} : memref<80x128xf32, #tpu.memory_space<vmem>>, vector<16xf32>,
        %get3A_200 = arith.index_cast %add3A_189 : i32 to index
        %get3A_201 = arith.constant 16 : index
        %get3A_202 = tpu.vector_load %arg11[%get3A_200, %get3A_201] {strides = array<i32>} : memref<80x128xf32, #tpu.memory_space<vmem>>, vector<16xf32>,
        %mul3A_203 = arith.mulf %get3A_199, %get3A_202 : vector<16xf32>
        %add3A_204 = arith.addf %mul3A_196, %mul3A_203 : vector<16xf32>
        %get3A_205 = arith.index_cast %add3A_189 : i32 to index
        %get3A_206 = arith.constant 32 : index
        %get3A_207 = tpu.vector_load %arg10[%get3A_205, %get3A_206] {strides = array<i32>} : memref<80x128xf32, #tpu.memory_space<vmem>>, vector<16xf32>,
        %get3A_208 = arith.index_cast %add3A_189 : i32 to index
        %get3A_209 = arith.constant 32 : index
        %get3A_210 = tpu.vector_load %arg11[%get3A_208, %get3A_209] {strides = array<i32>} : memref<80x128xf32, #tpu.memory_space<vmem>>, vector<16xf32>,
        %mul3A_211 = arith.mulf %get3A_207, %get3A_210 : vector<16xf32>
        %add3A_212 = arith.addf %add3A_204, %mul3A_211 : vector<16xf32>
        %get3A_213 = arith.index_cast %add3A_189 : i32 to index
        %get3A_214 = arith.constant 48 : index
        %get3A_215 = tpu.vector_load %arg10[%get3A_213, %get3A_214] {strides = array<i32>} : memref<80x128xf32, #tpu.memory_space<vmem>>, vector<16xf32>,
        %get3A_216 = arith.index_cast %add3A_189 : i32 to index
        %get3A_217 = arith.constant 48 : index
        %get3A_218 = tpu.vector_load %arg11[%get3A_216, %get3A_217] {strides = array<i32>} : memref<80x128xf32, #tpu.memory_space<vmem>>, vector<16xf32>,
        %mul3A_219 = arith.mulf %get3A_215, %get3A_218 : vector<16xf32>
        %add3A_220 = arith.addf %add3A_212, %mul3A_219 : vector<16xf32>
        %get3A_221 = arith.index_cast %add3A_189 : i32 to index
        %get3A_222 = arith.constant 64 : index
        %get3A_223 = tpu.vector_load %arg10[%get3A_221, %get3A_222] {strides = array<i32>} : memref<80x128xf32, #tpu.memory_space<vmem>>, vector<16xf32>,
        %get3A_224 = arith.index_cast %add3A_189 : i32 to index
        %get3A_225 = arith.constant 64 : index
        %get3A_226 = tpu.vector_load %arg11[%get3A_224, %get3A_225] {strides = array<i32>} : memref<80x128xf32, #tpu.memory_space<vmem>>, vector<16xf32>,
        %mul3A_227 = arith.mulf %get3A_223, %get3A_226 : vector<16xf32>
        %add3A_228 = arith.addf %add3A_220, %mul3A_227 : vector<16xf32>
        %get3A_229 = arith.index_cast %add3A_189 : i32 to index
        %get3A_230 = arith.constant 80 : index
        %get3A_231 = tpu.vector_load %arg10[%get3A_229, %get3A_230] {strides = array<i32>} : memref<80x128xf32, #tpu.memory_space<vmem>>, vector<16xf32>,
        %get3A_232 = arith.index_cast %add3A_189 : i32 to index
        %get3A_233 = arith.constant 80 : index
        %get3A_234 = tpu.vector_load %arg11[%get3A_232, %get3A_233] {strides = array<i32>} : memref<80x128xf32, #tpu.memory_space<vmem>>, vector<16xf32>,
        %mul3A_235 = arith.mulf %get3A_231, %get3A_234 : vector<16xf32>
        %add3A_236 = arith.addf %add3A_228, %mul3A_235 : vector<16xf32>
        %get3A_237 = arith.index_cast %add3A_189 : i32 to index
        %get3A_238 = arith.constant 96 : index
        %get3A_239 = tpu.vector_load %arg10[%get3A_237, %get3A_238] {strides = array<i32>} : memref<80x128xf32, #tpu.memory_space<vmem>>, vector<16xf32>,
        %get3A_240 = arith.index_cast %add3A_189 : i32 to index
        %get3A_241 = arith.constant 96 : index
        %get3A_242 = tpu.vector_load %arg11[%get3A_240, %get3A_241] {strides = array<i32>} : memref<80x128xf32, #tpu.memory_space<vmem>>, vector<16xf32>,
        %mul3A_243 = arith.mulf %get3A_239, %get3A_242 : vector<16xf32>
        %add3A_244 = arith.addf %add3A_236, %mul3A_243 : vector<16xf32>
        %get3A_245 = arith.index_cast %add3A_189 : i32 to index
        %get3A_246 = arith.constant 112 : index
        %get3A_247 = tpu.vector_load %arg10[%get3A_245, %get3A_246] {strides = array<i32>} : memref<80x128xf32, #tpu.memory_space<vmem>>, vector<16xf32>,
        %get3A_248 = arith.index_cast %add3A_189 : i32 to index
        %get3A_249 = arith.constant 112 : index
        %get3A_250 = tpu.vector_load %arg11[%get3A_248, %get3A_249] {strides = array<i32>} : memref<80x128xf32, #tpu.memory_space<vmem>>, vector<16xf32>,
        %mul3A_251 = arith.mulf %get3A_247, %get3A_250 : vector<16xf32>
        %add3A_252 = arith.addf %add3A_244, %mul3A_251 : vector<16xf32>
        %swap3A_253 = arith.constant 1 : i32
        %swap3A_254 = arith.index_cast %swap3A_253 : i32 to index
        %swap3A_255 = arith.constant 0 : index
        %swap3A_256 = tpu.vector_load %arg13[%swap3A_254, %swap3A_255] {strides = array<i32>} : memref<16x17xf32, #tpu.memory_space<vmem>>, vector<16xf32>,
        tpu.vector_store %arg13[%swap3A_254, %swap3A_255], %add3A_252 {strides = array<i32>} : memref<16x17xf32, #tpu.memory_space<vmem>>, vector<16xf32>,
        %mul3A_257 = arith.constant 16 : i32
        %mul3A_258 = arith.muli %scan3A_115, %mul3A_257 : i32
        %add3A_259 = arith.constant 2 : i32
        %add3A_260 = arith.addi %mul3A_258, %add3A_259 : i32
        %get3A_261 = arith.index_cast %add3A_260 : i32 to index
        %get3A_262 = arith.constant 0 : index
        %get3A_263 = tpu.vector_load %arg10[%get3A_261, %get3A_262] {strides = array<i32>} : memref<80x128xf32, #tpu.memory_space<vmem>>, vector<16xf32>,
        %get3A_264 = arith.index_cast %add3A_260 : i32 to index
        %get3A_265 = arith.constant 0 : index
        %get3A_266 = tpu.vector_load %arg11[%get3A_264, %get3A_265] {strides = array<i32>} : memref<80x128xf32, #tpu.memory_space<vmem>>, vector<16xf32>,
        %mul3A_267 = arith.mulf %get3A_263, %get3A_266 : vector<16xf32>
        %get3A_268 = arith.index_cast %add3A_260 : i32 to index
        %get3A_269 = arith.constant 16 : index
        %get3A_270 = tpu.vector_load %arg10[%get3A_268, %get3A_269] {strides = array<i32>} : memref<80x128xf32, #tpu.memory_space<vmem>>, vector<16xf32>,
        %get3A_271 = arith.index_cast %add3A_260 : i32 to index
        %get3A_272 = arith.constant 16 : index
        %get3A_273 = tpu.vector_load %arg11[%get3A_271, %get3A_272] {strides = array<i32>} : memref<80x128xf32, #tpu.memory_space<vmem>>, vector<16xf32>,
        %mul3A_274 = arith.mulf %get3A_270, %get3A_273 : vector<16xf32>
        %add3A_275 = arith.addf %mul3A_267, %mul3A_274 : vector<16xf32>
        %get3A_276 = arith.index_cast %add3A_260 : i32 to index
        %get3A_277 = arith.constant 32 : index
        %get3A_278 = tpu.vector_load %arg10[%get3A_276, %get3A_277] {strides = array<i32>} : memref<80x128xf32, #tpu.memory_space<vmem>>, vector<16xf32>,
        %get3A_279 = arith.index_cast %add3A_260 : i32 to index
        %get3A_280 = arith.constant 32 : index
        %get3A_281 = tpu.vector_load %arg11[%get3A_279, %get3A_280] {strides = array<i32>} : memref<80x128xf32, #tpu.memory_space<vmem>>, vector<16xf32>,
        %mul3A_282 = arith.mulf %get3A_278, %get3A_281 : vector<16xf32>
        %add3A_283 = arith.addf %add3A_275, %mul3A_282 : vector<16xf32>
        %get3A_284 = arith.index_cast %add3A_260 : i32 to index
        %get3A_285 = arith.constant 48 : index
        %get3A_286 = tpu.vector_load %arg10[%get3A_284, %get3A_285] {strides = array<i32>} : memref<80x128xf32, #tpu.memory_space<vmem>>, vector<16xf32>,
        %get3A_287 = arith.index_cast %add3A_260 : i32 to index
        %get3A_288 = arith.constant 48 : index
        %get3A_289 = tpu.vector_load %arg11[%get3A_287, %get3A_288] {strides = array<i32>} : memref<80x128xf32, #tpu.memory_space<vmem>>, vector<16xf32>,
        %mul3A_290 = arith.mulf %get3A_286, %get3A_289 : vector<16xf32>
        %add3A_291 = arith.addf %add3A_283, %mul3A_290 : vector<16xf32>
        %get3A_292 = arith.index_cast %add3A_260 : i32 to index
        %get3A_293 = arith.constant 64 : index
        %get3A_294 = tpu.vector_load %arg10[%get3A_292, %get3A_293] {strides = array<i32>} : memref<80x128xf32, #tpu.memory_space<vmem>>, vector<16xf32>,
        %get3A_295 = arith.index_cast %add3A_260 : i32 to index
        %get3A_296 = arith.constant 64 : index
        %get3A_297 = tpu.vector_load %arg11[%get3A_295, %get3A_296] {strides = array<i32>} : memref<80x128xf32, #tpu.memory_space<vmem>>, vector<16xf32>,
        %mul3A_298 = arith.mulf %get3A_294, %get3A_297 : vector<16xf32>
        %add3A_299 = arith.addf %add3A_291, %mul3A_298 : vector<16xf32>
        %get3A_300 = arith.index_cast %add3A_260 : i32 to index
        %get3A_301 = arith.constant 80 : index
        %get3A_302 = tpu.vector_load %arg10[%get3A_300, %get3A_301] {strides = array<i32>} : memref<80x128xf32, #tpu.memory_space<vmem>>, vector<16xf32>,
        %get3A_303 = arith.index_cast %add3A_260 : i32 to index
        %get3A_304 = arith.constant 80 : index
        %get3A_305 = tpu.vector_load %arg11[%get3A_303, %get3A_304] {strides = array<i32>} : memref<80x128xf32, #tpu.memory_space<vmem>>, vector<16xf32>,
        %mul3A_306 = arith.mulf %get3A_302, %get3A_305 : vector<16xf32>
        %add3A_307 = arith.addf %add3A_299, %mul3A_306 : vector<16xf32>
        %get3A_308 = arith.index_cast %add3A_260 : i32 to index
        %get3A_309 = arith.constant 96 : index
        %get3A_310 = tpu.vector_load %arg10[%get3A_308, %get3A_309] {strides = array<i32>} : memref<80x128xf32, #tpu.memory_space<vmem>>, vector<16xf32>,
        %get3A_311 = arith.index_cast %add3A_260 : i32 to index
        %get3A_312 = arith.constant 96 : index
        %get3A_313 = tpu.vector_load %arg11[%get3A_311, %get3A_312] {strides = array<i32>} : memref<80x128xf32, #tpu.memory_space<vmem>>, vector<16xf32>,
        %mul3A_314 = arith.mulf %get3A_310, %get3A_313 : vector<16xf32>
        %add3A_315 = arith.addf %add3A_307, %mul3A_314 : vector<16xf32>
        %get3A_316 = arith.index_cast %add3A_260 : i32 to index
        %get3A_317 = arith.constant 112 : index
        %get3A_318 = tpu.vector_load %arg10[%get3A_316, %get3A_317] {strides = array<i32>} : memref<80x128xf32, #tpu.memory_space<vmem>>, vector<16xf32>,
        %get3A_319 = arith.index_cast %add3A_260 : i32 to index
        %get3A_320 = arith.constant 112 : index
        %get3A_321 = tpu.vector_load %arg11[%get3A_319, %get3A_320] {strides = array<i32>} : memref<80x128xf32, #tpu.memory_space<vmem>>, vector<16xf32>,
        %mul3A_322 = arith.mulf %get3A_318, %get3A_321 : vector<16xf32>
        %add3A_323 = arith.addf %add3A_315, %mul3A_322 : vector<16xf32>
        %swap3A_324 = arith.constant 2 : i32
        %swap3A_325 = arith.index_cast %swap3A_324 : i32 to index
        %swap3A_326 = arith.constant 0 : index
        %swap3A_327 = tpu.vector_load %arg13[%swap3A_325, %swap3A_326] {strides = array<i32>} : memref<16x17xf32, #tpu.memory_space<vmem>>, vector<16xf32>,
        tpu.vector_store %arg13[%swap3A_325, %swap3A_326], %add3A_323 {strides = array<i32>} : memref<16x17xf32, #tpu.memory_space<vmem>>, vector<16xf32>,
        %mul3A_328 = arith.constant 16 : i32
        %mul3A_329 = arith.muli %scan3A_115, %mul3A_328 : i32
        %add3A_330 = arith.constant 3 : i32
        %add3A_331 = arith.addi %mul3A_329, %add3A_330 : i32
        %get3A_332 = arith.index_cast %add3A_331 : i32 to index
        %get3A_333 = arith.constant 0 : index
        %get3A_334 = tpu.vector_load %arg10[%get3A_332, %get3A_333] {strides = array<i32>} : memref<80x128xf32, #tpu.memory_space<vmem>>, vector<16xf32>,
        %get3A_335 = arith.index_cast %add3A_331 : i32 to index
        %get3A_336 = arith.constant 0 : index
        %get3A_337 = tpu.vector_load %arg11[%get3A_335, %get3A_336] {strides = array<i32>} : memref<80x128xf32, #tpu.memory_space<vmem>>, vector<16xf32>,
        %mul3A_338 = arith.mulf %get3A_334, %get3A_337 : vector<16xf32>
        %get3A_339 = arith.index_cast %add3A_331 : i32 to index
        %get3A_340 = arith.constant 16 : index
        %get3A_341 = tpu.vector_load %arg10[%get3A_339, %get3A_340] {strides = array<i32>} : memref<80x128xf32, #tpu.memory_space<vmem>>, vector<16xf32>,
        %get3A_342 = arith.index_cast %add3A_331 : i32 to index
        %get3A_343 = arith.constant 16 : index
        %get3A_344 = tpu.vector_load %arg11[%get3A_342, %get3A_343] {strides = array<i32>} : memref<80x128xf32, #tpu.memory_space<vmem>>, vector<16xf32>,
        %mul3A_345 = arith.mulf %get3A_341, %get3A_344 : vector<16xf32>
        %add3A_346 = arith.addf %mul3A_338, %mul3A_345 : vector<16xf32>
        %get3A_347 = arith.index_cast %add3A_331 : i32 to index
        %get3A_348 = arith.constant 32 : index
        %get3A_349 = tpu.vector_load %arg10[%get3A_347, %get3A_348] {strides = array<i32>} : memref<80x128xf32, #tpu.memory_space<vmem>>, vector<16xf32>,
        %get3A_350 = arith.index_cast %add3A_331 : i32 to index
        %get3A_351 = arith.constant 32 : index
        %get3A_352 = tpu.vector_load %arg11[%get3A_350, %get3A_351] {strides = array<i32>} : memref<80x128xf32, #tpu.memory_space<vmem>>, vector<16xf32>,
        %mul3A_353 = arith.mulf %get3A_349, %get3A_352 : vector<16xf32>
        %add3A_354 = arith.addf %add3A_346, %mul3A_353 : vector<16xf32>
        %get3A_355 = arith.index_cast %add3A_331 : i32 to index
        %get3A_356 = arith.constant 48 : index
        %get3A_357 = tpu.vector_load %arg10[%get3A_355, %get3A_356] {strides = array<i32>} : memref<80x128xf32, #tpu.memory_space<vmem>>, vector<16xf32>,
        %get3A_358 = arith.index_cast %add3A_331 : i32 to index
        %get3A_359 = arith.constant 48 : index
        %get3A_360 = tpu.vector_load %arg11[%get3A_358, %get3A_359] {strides = array<i32>} : memref<80x128xf32, #tpu.memory_space<vmem>>, vector<16xf32>,
        %mul3A_361 = arith.mulf %get3A_357, %get3A_360 : vector<16xf32>
        %add3A_362 = arith.addf %add3A_354, %mul3A_361 : vector<16xf32>
        %get3A_363 = arith.index_cast %add3A_331 : i32 to index
        %get3A_364 = arith.constant 64 : index
        %get3A_365 = tpu.vector_load %arg10[%get3A_363, %get3A_364] {strides = array<i32>} : memref<80x128xf32, #tpu.memory_space<vmem>>, vector<16xf32>,
        %get3A_366 = arith.index_cast %add3A_331 : i32 to index
        %get3A_367 = arith.constant 64 : index
        %get3A_368 = tpu.vector_load %arg11[%get3A_366, %get3A_367] {strides = array<i32>} : memref<80x128xf32, #tpu.memory_space<vmem>>, vector<16xf32>,
        %mul3A_369 = arith.mulf %get3A_365, %get3A_368 : vector<16xf32>
        %add3A_370 = arith.addf %add3A_362, %mul3A_369 : vector<16xf32>
        %get3A_371 = arith.index_cast %add3A_331 : i32 to index
        %get3A_372 = arith.constant 80 : index
        %get3A_373 = tpu.vector_load %arg10[%get3A_371, %get3A_372] {strides = array<i32>} : memref<80x128xf32, #tpu.memory_space<vmem>>, vector<16xf32>,
        %get3A_374 = arith.index_cast %add3A_331 : i32 to index
        %get3A_375 = arith.constant 80 : index
        %get3A_376 = tpu.vector_load %arg11[%get3A_374, %get3A_375] {strides = array<i32>} : memref<80x128xf32, #tpu.memory_space<vmem>>, vector<16xf32>,
        %mul3A_377 = arith.mulf %get3A_373, %get3A_376 : vector<16xf32>
        %add3A_378 = arith.addf %add3A_370, %mul3A_377 : vector<16xf32>
        %get3A_379 = arith.index_cast %add3A_331 : i32 to index
        %get3A_380 = arith.constant 96 : index
        %get3A_381 = tpu.vector_load %arg10[%get3A_379, %get3A_380] {strides = array<i32>} : memref<80x128xf32, #tpu.memory_space<vmem>>, vector<16xf32>,
        %get3A_382 = arith.index_cast %add3A_331 : i32 to index
        %get3A_383 = arith.constant 96 : index
        %get3A_384 = tpu.vector_load %arg11[%get3A_382, %get3A_383] {strides = array<i32>} : memref<80x128xf32, #tpu.memory_space<vmem>>, vector<16xf32>,
        %mul3A_385 = arith.mulf %get3A_381, %get3A_384 : vector<16xf32>
        %add3A_386 = arith.addf %add3A_378, %mul3A_385 : vector<16xf32>
        %get3A_387 = arith.index_cast %add3A_331 : i32 to index
        %get3A_388 = arith.constant 112 : index
        %get3A_389 = tpu.vector_load %arg10[%get3A_387, %get3A_388] {strides = array<i32>} : memref<80x128xf32, #tpu.memory_space<vmem>>, vector<16xf32>,
        %get3A_390 = arith.index_cast %add3A_331 : i32 to index
        %get3A_391 = arith.constant 112 : index
        %get3A_392 = tpu.vector_load %arg11[%get3A_390, %get3A_391] {strides = array<i32>} : memref<80x128xf32, #tpu.memory_space<vmem>>, vector<16xf32>,
        %mul3A_393 = arith.mulf %get3A_389, %get3A_392 : vector<16xf32>
        %add3A_394 = arith.addf %add3A_386, %mul3A_393 : vector<16xf32>
        %swap3A_395 = arith.constant 3 : i32
        %swap3A_396 = arith.index_cast %swap3A_395 : i32 to index
        %swap3A_397 = arith.constant 0 : index
        %swap3A_398 = tpu.vector_load %arg13[%swap3A_396, %swap3A_397] {strides = array<i32>} : memref<16x17xf32, #tpu.memory_space<vmem>>, vector<16xf32>,
        tpu.vector_store %arg13[%swap3A_396, %swap3A_397], %add3A_394 {strides = array<i32>} : memref<16x17xf32, #tpu.memory_space<vmem>>, vector<16xf32>,
        %mul3A_399 = arith.constant 16 : i32
        %mul3A_400 = arith.muli %scan3A_115, %mul3A_399 : i32
        %add3A_401 = arith.constant 4 : i32
        %add3A_402 = arith.addi %mul3A_400, %add3A_401 : i32
        %get3A_403 = arith.index_cast %add3A_402 : i32 to index
        %get3A_404 = arith.constant 0 : index
        %get3A_405 = tpu.vector_load %arg10[%get3A_403, %get3A_404] {strides = array<i32>} : memref<80x128xf32, #tpu.memory_space<vmem>>, vector<16xf32>,
        %get3A_406 = arith.index_cast %add3A_402 : i32 to index
        %get3A_407 = arith.constant 0 : index
        %get3A_408 = tpu.vector_load %arg11[%get3A_406, %get3A_407] {strides = array<i32>} : memref<80x128xf32, #tpu.memory_space<vmem>>, vector<16xf32>,
        %mul3A_409 = arith.mulf %get3A_405, %get3A_408 : vector<16xf32>
        %get3A_410 = arith.index_cast %add3A_402 : i32 to index
        %get3A_411 = arith.constant 16 : index
        %get3A_412 = tpu.vector_load %arg10[%get3A_410, %get3A_411] {strides = array<i32>} : memref<80x128xf32, #tpu.memory_space<vmem>>, vector<16xf32>,
        %get3A_413 = arith.index_cast %add3A_402 : i32 to index
        %get3A_414 = arith.constant 16 : index
        %get3A_415 = tpu.vector_load %arg11[%get3A_413, %get3A_414] {strides = array<i32>} : memref<80x128xf32, #tpu.memory_space<vmem>>, vector<16xf32>,
        %mul3A_416 = arith.mulf %get3A_412, %get3A_415 : vector<16xf32>
        %add3A_417 = arith.addf %mul3A_409, %mul3A_416 : vector<16xf32>
        %get3A_418 = arith.index_cast %add3A_402 : i32 to index
        %get3A_419 = arith.constant 32 : index
        %get3A_420 = tpu.vector_load %arg10[%get3A_418, %get3A_419] {strides = array<i32>} : memref<80x128xf32, #tpu.memory_space<vmem>>, vector<16xf32>,
        %get3A_421 = arith.index_cast %add3A_402 : i32 to index
        %get3A_422 = arith.constant 32 : index
        %get3A_423 = tpu.vector_load %arg11[%get3A_421, %get3A_422] {strides = array<i32>} : memref<80x128xf32, #tpu.memory_space<vmem>>, vector<16xf32>,
        %mul3A_424 = arith.mulf %get3A_420, %get3A_423 : vector<16xf32>
        %add3A_425 = arith.addf %add3A_417, %mul3A_424 : vector<16xf32>
        %get3A_426 = arith.index_cast %add3A_402 : i32 to index
        %get3A_427 = arith.constant 48 : index
        %get3A_428 = tpu.vector_load %arg10[%get3A_426, %get3A_427] {strides = array<i32>} : memref<80x128xf32, #tpu.memory_space<vmem>>, vector<16xf32>,
        %get3A_429 = arith.index_cast %add3A_402 : i32 to index
        %get3A_430 = arith.constant 48 : index
        %get3A_431 = tpu.vector_load %arg11[%get3A_429, %get3A_430] {strides = array<i32>} : memref<80x128xf32, #tpu.memory_space<vmem>>, vector<16xf32>,
        %mul3A_432 = arith.mulf %get3A_428, %get3A_431 : vector<16xf32>
        %add3A_433 = arith.addf %add3A_425, %mul3A_432 : vector<16xf32>
        %get3A_434 = arith.index_cast %add3A_402 : i32 to index
        %get3A_435 = arith.constant 64 : index
        %get3A_436 = tpu.vector_load %arg10[%get3A_434, %get3A_435] {strides = array<i32>} : memref<80x128xf32, #tpu.memory_space<vmem>>, vector<16xf32>,
        %get3A_437 = arith.index_cast %add3A_402 : i32 to index
        %get3A_438 = arith.constant 64 : index
        %get3A_439 = tpu.vector_load %arg11[%get3A_437, %get3A_438] {strides = array<i32>} : memref<80x128xf32, #tpu.memory_space<vmem>>, vector<16xf32>,
        %mul3A_440 = arith.mulf %get3A_436, %get3A_439 : vector<16xf32>
        %add3A_441 = arith.addf %add3A_433, %mul3A_440 : vector<16xf32>
        %get3A_442 = arith.index_cast %add3A_402 : i32 to index
        %get3A_443 = arith.constant 80 : index
        %get3A_444 = tpu.vector_load %arg10[%get3A_442, %get3A_443] {strides = array<i32>} : memref<80x128xf32, #tpu.memory_space<vmem>>, vector<16xf32>,
        %get3A_445 = arith.index_cast %add3A_402 : i32 to index
        %get3A_446 = arith.constant 80 : index
        %get3A_447 = tpu.vector_load %arg11[%get3A_445, %get3A_446] {strides = array<i32>} : memref<80x128xf32, #tpu.memory_space<vmem>>, vector<16xf32>,
        %mul3A_448 = arith.mulf %get3A_444, %get3A_447 : vector<16xf32>
        %add3A_449 = arith.addf %add3A_441, %mul3A_448 : vector<16xf32>
        %get3A_450 = arith.index_cast %add3A_402 : i32 to index
        %get3A_451 = arith.constant 96 : index
        %get3A_452 = tpu.vector_load %arg10[%get3A_450, %get3A_451] {strides = array<i32>} : memref<80x128xf32, #tpu.memory_space<vmem>>, vector<16xf32>,
        %get3A_453 = arith.index_cast %add3A_402 : i32 to index
        %get3A_454 = arith.constant 96 : index
        %get3A_455 = tpu.vector_load %arg11[%get3A_453, %get3A_454] {strides = array<i32>} : memref<80x128xf32, #tpu.memory_space<vmem>>, vector<16xf32>,
        %mul3A_456 = arith.mulf %get3A_452, %get3A_455 : vector<16xf32>
        %add3A_457 = arith.addf %add3A_449, %mul3A_456 : vector<16xf32>
        %get3A_458 = arith.index_cast %add3A_402 : i32 to index
        %get3A_459 = arith.constant 112 : index
        %get3A_460 = tpu.vector_load %arg10[%get3A_458, %get3A_459] {strides = array<i32>} : memref<80x128xf32, #tpu.memory_space<vmem>>, vector<16xf32>,
        %get3A_461 = arith.index_cast %add3A_402 : i32 to index
        %get3A_462 = arith.constant 112 : index
        %get3A_463 = tpu.vector_load %arg11[%get3A_461, %get3A_462] {strides = array<i32>} : memref<80x128xf32, #tpu.memory_space<vmem>>, vector<16xf32>,
        %mul3A_464 = arith.mulf %get3A_460, %get3A_463 : vector<16xf32>
        %add3A_465 = arith.addf %add3A_457, %mul3A_464 : vector<16xf32>
        %swap3A_466 = arith.constant 4 : i32
        %swap3A_467 = arith.index_cast %swap3A_466 : i32 to index
        %swap3A_468 = arith.constant 0 : index
        %swap3A_469 = tpu.vector_load %arg13[%swap3A_467, %swap3A_468] {strides = array<i32>} : memref<16x17xf32, #tpu.memory_space<vmem>>, vector<16xf32>,
        tpu.vector_store %arg13[%swap3A_467, %swap3A_468], %add3A_465 {strides = array<i32>} : memref<16x17xf32, #tpu.memory_space<vmem>>, vector<16xf32>,
        %mul3A_470 = arith.constant 16 : i32
        %mul3A_471 = arith.muli %scan3A_115, %mul3A_470 : i32
        %add3A_472 = arith.constant 5 : i32
        %add3A_473 = arith.addi %mul3A_471, %add3A_472 : i32
        %get3A_474 = arith.index_cast %add3A_473 : i32 to index
        %get3A_475 = arith.constant 0 : index
        %get3A_476 = tpu.vector_load %arg10[%get3A_474, %get3A_475] {strides = array<i32>} : memref<80x128xf32, #tpu.memory_space<vmem>>, vector<16xf32>,
        %get3A_477 = arith.index_cast %add3A_473 : i32 to index
        %get3A_478 = arith.constant 0 : index
        %get3A_479 = tpu.vector_load %arg11[%get3A_477, %get3A_478] {strides = array<i32>} : memref<80x128xf32, #tpu.memory_space<vmem>>, vector<16xf32>,
        %mul3A_480 = arith.mulf %get3A_476, %get3A_479 : vector<16xf32>
        %get3A_481 = arith.index_cast %add3A_473 : i32 to index
        %get3A_482 = arith.constant 16 : index
        %get3A_483 = tpu.vector_load %arg10[%get3A_481, %get3A_482] {strides = array<i32>} : memref<80x128xf32, #tpu.memory_space<vmem>>, vector<16xf32>,
        %get3A_484 = arith.index_cast %add3A_473 : i32 to index
        %get3A_485 = arith.constant 16 : index
        %get3A_486 = tpu.vector_load %arg11[%get3A_484, %get3A_485] {strides = array<i32>} : memref<80x128xf32, #tpu.memory_space<vmem>>, vector<16xf32>,
        %mul3A_487 = arith.mulf %get3A_483, %get3A_486 : vector<16xf32>
        %add3A_488 = arith.addf %mul3A_480, %mul3A_487 : vector<16xf32>
        %get3A_489 = arith.index_cast %add3A_473 : i32 to index
        %get3A_490 = arith.constant 32 : index
        %get3A_491 = tpu.vector_load %arg10[%get3A_489, %get3A_490] {strides = array<i32>} : memref<80x128xf32, #tpu.memory_space<vmem>>, vector<16xf32>,
        %get3A_492 = arith.index_cast %add3A_473 : i32 to index
        %get3A_493 = arith.constant 32 : index
        %get3A_494 = tpu.vector_load %arg11[%get3A_492, %get3A_493] {strides = array<i32>} : memref<80x128xf32, #tpu.memory_space<vmem>>, vector<16xf32>,
        %mul3A_495 = arith.mulf %get3A_491, %get3A_494 : vector<16xf32>
        %add3A_496 = arith.addf %add3A_488, %mul3A_495 : vector<16xf32>
        %get3A_497 = arith.index_cast %add3A_473 : i32 to index
        %get3A_498 = arith.constant 48 : index
        %get3A_499 = tpu.vector_load %arg10[%get3A_497, %get3A_498] {strides = array<i32>} : memref<80x128xf32, #tpu.memory_space<vmem>>, vector<16xf32>,
        %get3A_500 = arith.index_cast %add3A_473 : i32 to index
        %get3A_501 = arith.constant 48 : index
        %get3A_502 = tpu.vector_load %arg11[%get3A_500, %get3A_501] {strides = array<i32>} : memref<80x128xf32, #tpu.memory_space<vmem>>, vector<16xf32>,
        %mul3A_503 = arith.mulf %get3A_499, %get3A_502 : vector<16xf32>
        %add3A_504 = arith.addf %add3A_496, %mul3A_503 : vector<16xf32>
        %get3A_505 = arith.index_cast %add3A_473 : i32 to index
        %get3A_506 = arith.constant 64 : index
        %get3A_507 = tpu.vector_load %arg10[%get3A_505, %get3A_506] {strides = array<i32>} : memref<80x128xf32, #tpu.memory_space<vmem>>, vector<16xf32>,
        %get3A_508 = arith.index_cast %add3A_473 : i32 to index
        %get3A_509 = arith.constant 64 : index
        %get3A_510 = tpu.vector_load %arg11[%get3A_508, %get3A_509] {strides = array<i32>} : memref<80x128xf32, #tpu.memory_space<vmem>>, vector<16xf32>,
        %mul3A_511 = arith.mulf %get3A_507, %get3A_510 : vector<16xf32>
        %add3A_512 = arith.addf %add3A_504, %mul3A_511 : vector<16xf32>
        %get3A_513 = arith.index_cast %add3A_473 : i32 to index
        %get3A_514 = arith.constant 80 : index
        %get3A_515 = tpu.vector_load %arg10[%get3A_513, %get3A_514] {strides = array<i32>} : memref<80x128xf32, #tpu.memory_space<vmem>>, vector<16xf32>,
        %get3A_516 = arith.index_cast %add3A_473 : i32 to index
        %get3A_517 = arith.constant 80 : index
        %get3A_518 = tpu.vector_load %arg11[%get3A_516, %get3A_517] {strides = array<i32>} : memref<80x128xf32, #tpu.memory_space<vmem>>, vector<16xf32>,
        %mul3A_519 = arith.mulf %get3A_515, %get3A_518 : vector<16xf32>
        %add3A_520 = arith.addf %add3A_512, %mul3A_519 : vector<16xf32>
        %get3A_521 = arith.index_cast %add3A_473 : i32 to index
        %get3A_522 = arith.constant 96 : index
        %get3A_523 = tpu.vector_load %arg10[%get3A_521, %get3A_522] {strides = array<i32>} : memref<80x128xf32, #tpu.memory_space<vmem>>, vector<16xf32>,
        %get3A_524 = arith.index_cast %add3A_473 : i32 to index
        %get3A_525 = arith.constant 96 : index
        %get3A_526 = tpu.vector_load %arg11[%get3A_524, %get3A_525] {strides = array<i32>} : memref<80x128xf32, #tpu.memory_space<vmem>>, vector<16xf32>,
        %mul3A_527 = arith.mulf %get3A_523, %get3A_526 : vector<16xf32>
        %add3A_528 = arith.addf %add3A_520, %mul3A_527 : vector<16xf32>
        %get3A_529 = arith.index_cast %add3A_473 : i32 to index
        %get3A_530 = arith.constant 112 : index
        %get3A_531 = tpu.vector_load %arg10[%get3A_529, %get3A_530] {strides = array<i32>} : memref<80x128xf32, #tpu.memory_space<vmem>>, vector<16xf32>,
        %get3A_532 = arith.index_cast %add3A_473 : i32 to index
        %get3A_533 = arith.constant 112 : index
        %get3A_534 = tpu.vector_load %arg11[%get3A_532, %get3A_533] {strides = array<i32>} : memref<80x128xf32, #tpu.memory_space<vmem>>, vector<16xf32>,
        %mul3A_535 = arith.mulf %get3A_531, %get3A_534 : vector<16xf32>
        %add3A_536 = arith.addf %add3A_528, %mul3A_535 : vector<16xf32>
        %swap3A_537 = arith.constant 5 : i32
        %swap3A_538 = arith.index_cast %swap3A_537 : i32 to index
        %swap3A_539 = arith.constant 0 : index
        %swap3A_540 = tpu.vector_load %arg13[%swap3A_538, %swap3A_539] {strides = array<i32>} : memref<16x17xf32, #tpu.memory_space<vmem>>, vector<16xf32>,
        tpu.vector_store %arg13[%swap3A_538, %swap3A_539], %add3A_536 {strides = array<i32>} : memref<16x17xf32, #tpu.memory_space<vmem>>, vector<16xf32>,
        %mul3A_541 = arith.constant 16 : i32
        %mul3A_542 = arith.muli %scan3A_115, %mul3A_541 : i32
        %add3A_543 = arith.constant 6 : i32
        %add3A_544 = arith.addi %mul3A_542, %add3A_543 : i32
        %get3A_545 = arith.index_cast %add3A_544 : i32 to index
        %get3A_546 = arith.constant 0 : index
        %get3A_547 = tpu.vector_load %arg10[%get3A_545, %get3A_546] {strides = array<i32>} : memref<80x128xf32, #tpu.memory_space<vmem>>, vector<16xf32>,
        %get3A_548 = arith.index_cast %add3A_544 : i32 to index
        %get3A_549 = arith.constant 0 : index
        %get3A_550 = tpu.vector_load %arg11[%get3A_548, %get3A_549] {strides = array<i32>} : memref<80x128xf32, #tpu.memory_space<vmem>>, vector<16xf32>,
        %mul3A_551 = arith.mulf %get3A_547, %get3A_550 : vector<16xf32>
        %get3A_552 = arith.index_cast %add3A_544 : i32 to index
        %get3A_553 = arith.constant 16 : index
        %get3A_554 = tpu.vector_load %arg10[%get3A_552, %get3A_553] {strides = array<i32>} : memref<80x128xf32, #tpu.memory_space<vmem>>, vector<16xf32>,
        %get3A_555 = arith.index_cast %add3A_544 : i32 to index
        %get3A_556 = arith.constant 16 : index
        %get3A_557 = tpu.vector_load %arg11[%get3A_555, %get3A_556] {strides = array<i32>} : memref<80x128xf32, #tpu.memory_space<vmem>>, vector<16xf32>,
        %mul3A_558 = arith.mulf %get3A_554, %get3A_557 : vector<16xf32>
        %add3A_559 = arith.addf %mul3A_551, %mul3A_558 : vector<16xf32>
        %get3A_560 = arith.index_cast %add3A_544 : i32 to index
        %get3A_561 = arith.constant 32 : index
        %get3A_562 = tpu.vector_load %arg10[%get3A_560, %get3A_561] {strides = array<i32>} : memref<80x128xf32, #tpu.memory_space<vmem>>, vector<16xf32>,
        %get3A_563 = arith.index_cast %add3A_544 : i32 to index
        %get3A_564 = arith.constant 32 : index
        %get3A_565 = tpu.vector_load %arg11[%get3A_563, %get3A_564] {strides = array<i32>} : memref<80x128xf32, #tpu.memory_space<vmem>>, vector<16xf32>,
        %mul3A_566 = arith.mulf %get3A_562, %get3A_565 : vector<16xf32>
        %add3A_567 = arith.addf %add3A_559, %mul3A_566 : vector<16xf32>
        %get3A_568 = arith.index_cast %add3A_544 : i32 to index
        %get3A_569 = arith.constant 48 : index
        %get3A_570 = tpu.vector_load %arg10[%get3A_568, %get3A_569] {strides = array<i32>} : memref<80x128xf32, #tpu.memory_space<vmem>>, vector<16xf32>,
        %get3A_571 = arith.index_cast %add3A_544 : i32 to index
        %get3A_572 = arith.constant 48 : index
        %get3A_573 = tpu.vector_load %arg11[%get3A_571, %get3A_572] {strides = array<i32>} : memref<80x128xf32, #tpu.memory_space<vmem>>, vector<16xf32>,
        %mul3A_574 = arith.mulf %get3A_570, %get3A_573 : vector<16xf32>
        %add3A_575 = arith.addf %add3A_567, %mul3A_574 : vector<16xf32>
        %get3A_576 = arith.index_cast %add3A_544 : i32 to index
        %get3A_577 = arith.constant 64 : index
        %get3A_578 = tpu.vector_load %arg10[%get3A_576, %get3A_577] {strides = array<i32>} : memref<80x128xf32, #tpu.memory_space<vmem>>, vector<16xf32>,
        %get3A_579 = arith.index_cast %add3A_544 : i32 to index
        %get3A_580 = arith.constant 64 : index
        %get3A_581 = tpu.vector_load %arg11[%get3A_579, %get3A_580] {strides = array<i32>} : memref<80x128xf32, #tpu.memory_space<vmem>>, vector<16xf32>,
        %mul3A_582 = arith.mulf %get3A_578, %get3A_581 : vector<16xf32>
        %add3A_583 = arith.addf %add3A_575, %mul3A_582 : vector<16xf32>
        %get3A_584 = arith.index_cast %add3A_544 : i32 to index
        %get3A_585 = arith.constant 80 : index
        %get3A_586 = tpu.vector_load %arg10[%get3A_584, %get3A_585] {strides = array<i32>} : memref<80x128xf32, #tpu.memory_space<vmem>>, vector<16xf32>,
        %get3A_587 = arith.index_cast %add3A_544 : i32 to index
        %get3A_588 = arith.constant 80 : index
        %get3A_589 = tpu.vector_load %arg11[%get3A_587, %get3A_588] {strides = array<i32>} : memref<80x128xf32, #tpu.memory_space<vmem>>, vector<16xf32>,
        %mul3A_590 = arith.mulf %get3A_586, %get3A_589 : vector<16xf32>
        %add3A_591 = arith.addf %add3A_583, %mul3A_590 : vector<16xf32>
        %get3A_592 = arith.index_cast %add3A_544 : i32 to index
        %get3A_593 = arith.constant 96 : index
        %get3A_594 = tpu.vector_load %arg10[%get3A_592, %get3A_593] {strides = array<i32>} : memref<80x128xf32, #tpu.memory_space<vmem>>, vector<16xf32>,
        %get3A_595 = arith.index_cast %add3A_544 : i32 to index
        %get3A_596 = arith.constant 96 : index
        %get3A_597 = tpu.vector_load %arg11[%get3A_595, %get3A_596] {strides = array<i32>} : memref<80x128xf32, #tpu.memory_space<vmem>>, vector<16xf32>,
        %mul3A_598 = arith.mulf %get3A_594, %get3A_597 : vector<16xf32>
        %add3A_599 = arith.addf %add3A_591, %mul3A_598 : vector<16xf32>
        %get3A_600 = arith.index_cast %add3A_544 : i32 to index
        %get3A_601 = arith.constant 112 : index
        %get3A_602 = tpu.vector_load %arg10[%get3A_600, %get3A_601] {strides = array<i32>} : memref<80x128xf32, #tpu.memory_space<vmem>>, vector<16xf32>,
        %get3A_603 = arith.index_cast %add3A_544 : i32 to index
        %get3A_604 = arith.constant 112 : index
        %get3A_605 = tpu.vector_load %arg11[%get3A_603, %get3A_604] {strides = array<i32>} : memref<80x128xf32, #tpu.memory_space<vmem>>, vector<16xf32>,
        %mul3A_606 = arith.mulf %get3A_602, %get3A_605 : vector<16xf32>
        %add3A_607 = arith.addf %add3A_599, %mul3A_606 : vector<16xf32>
        %swap3A_608 = arith.constant 6 : i32
        %swap3A_609 = arith.index_cast %swap3A_608 : i32 to index
        %swap3A_610 = arith.constant 0 : index
        %swap3A_611 = tpu.vector_load %arg13[%swap3A_609, %swap3A_610] {strides = array<i32>} : memref<16x17xf32, #tpu.memory_space<vmem>>, vector<16xf32>,
        tpu.vector_store %arg13[%swap3A_609, %swap3A_610], %add3A_607 {strides = array<i32>} : memref<16x17xf32, #tpu.memory_space<vmem>>, vector<16xf32>,
        %mul3A_612 = arith.constant 16 : i32
        %mul3A_613 = arith.muli %scan3A_115, %mul3A_612 : i32
        %add3A_614 = arith.constant 7 : i32
        %add3A_615 = arith.addi %mul3A_613, %add3A_614 : i32
        %get3A_616 = arith.index_cast %add3A_615 : i32 to index
        %get3A_617 = arith.constant 0 : index
        %get3A_618 = tpu.vector_load %arg10[%get3A_616, %get3A_617] {strides = array<i32>} : memref<80x128xf32, #tpu.memory_space<vmem>>, vector<16xf32>,
        %get3A_619 = arith.index_cast %add3A_615 : i32 to index
        %get3A_620 = arith.constant 0 : index
        %get3A_621 = tpu.vector_load %arg11[%get3A_619, %get3A_620] {strides = array<i32>} : memref<80x128xf32, #tpu.memory_space<vmem>>, vector<16xf32>,
        %mul3A_622 = arith.mulf %get3A_618, %get3A_621 : vector<16xf32>
        %get3A_623 = arith.index_cast %add3A_615 : i32 to index
        %get3A_624 = arith.constant 16 : index
        %get3A_625 = tpu.vector_load %arg10[%get3A_623, %get3A_624] {strides = array<i32>} : memref<80x128xf32, #tpu.memory_space<vmem>>, vector<16xf32>,
        %get3A_626 = arith.index_cast %add3A_615 : i32 to index
        %get3A_627 = arith.constant 16 : index
        %get3A_628 = tpu.vector_load %arg11[%get3A_626, %get3A_627] {strides = array<i32>} : memref<80x128xf32, #tpu.memory_space<vmem>>, vector<16xf32>,
        %mul3A_629 = arith.mulf %get3A_625, %get3A_628 : vector<16xf32>
        %add3A_630 = arith.addf %mul3A_622, %mul3A_629 : vector<16xf32>
        %get3A_631 = arith.index_cast %add3A_615 : i32 to index
        %get3A_632 = arith.constant 32 : index
        %get3A_633 = tpu.vector_load %arg10[%get3A_631, %get3A_632] {strides = array<i32>} : memref<80x128xf32, #tpu.memory_space<vmem>>, vector<16xf32>,
        %get3A_634 = arith.index_cast %add3A_615 : i32 to index
        %get3A_635 = arith.constant 32 : index
        %get3A_636 = tpu.vector_load %arg11[%get3A_634, %get3A_635] {strides = array<i32>} : memref<80x128xf32, #tpu.memory_space<vmem>>, vector<16xf32>,
        %mul3A_637 = arith.mulf %get3A_633, %get3A_636 : vector<16xf32>
        %add3A_638 = arith.addf %add3A_630, %mul3A_637 : vector<16xf32>
        %get3A_639 = arith.index_cast %add3A_615 : i32 to index
        %get3A_640 = arith.constant 48 : index
        %get3A_641 = tpu.vector_load %arg10[%get3A_639, %get3A_640] {strides = array<i32>} : memref<80x128xf32, #tpu.memory_space<vmem>>, vector<16xf32>,
        %get3A_642 = arith.index_cast %add3A_615 : i32 to index
        %get3A_643 = arith.constant 48 : index
        %get3A_644 = tpu.vector_load %arg11[%get3A_642, %get3A_643] {strides = array<i32>} : memref<80x128xf32, #tpu.memory_space<vmem>>, vector<16xf32>,
        %mul3A_645 = arith.mulf %get3A_641, %get3A_644 : vector<16xf32>
        %add3A_646 = arith.addf %add3A_638, %mul3A_645 : vector<16xf32>
        %get3A_647 = arith.index_cast %add3A_615 : i32 to index
        %get3A_648 = arith.constant 64 : index
        %get3A_649 = tpu.vector_load %arg10[%get3A_647, %get3A_648] {strides = array<i32>} : memref<80x128xf32, #tpu.memory_space<vmem>>, vector<16xf32>,
        %get3A_650 = arith.index_cast %add3A_615 : i32 to index
        %get3A_651 = arith.constant 64 : index
        %get3A_652 = tpu.vector_load %arg11[%get3A_650, %get3A_651] {strides = array<i32>} : memref<80x128xf32, #tpu.memory_space<vmem>>, vector<16xf32>,
        %mul3A_653 = arith.mulf %get3A_649, %get3A_652 : vector<16xf32>
        %add3A_654 = arith.addf %add3A_646, %mul3A_653 : vector<16xf32>
        %get3A_655 = arith.index_cast %add3A_615 : i32 to index
        %get3A_656 = arith.constant 80 : index
        %get3A_657 = tpu.vector_load %arg10[%get3A_655, %get3A_656] {strides = array<i32>} : memref<80x128xf32, #tpu.memory_space<vmem>>, vector<16xf32>,
        %get3A_658 = arith.index_cast %add3A_615 : i32 to index
        %get3A_659 = arith.constant 80 : index
        %get3A_660 = tpu.vector_load %arg11[%get3A_658, %get3A_659] {strides = array<i32>} : memref<80x128xf32, #tpu.memory_space<vmem>>, vector<16xf32>,
        %mul3A_661 = arith.mulf %get3A_657, %get3A_660 : vector<16xf32>
        %add3A_662 = arith.addf %add3A_654, %mul3A_661 : vector<16xf32>
        %get3A_663 = arith.index_cast %add3A_615 : i32 to index
        %get3A_664 = arith.constant 96 : index
        %get3A_665 = tpu.vector_load %arg10[%get3A_663, %get3A_664] {strides = array<i32>} : memref<80x128xf32, #tpu.memory_space<vmem>>, vector<16xf32>,
        %get3A_666 = arith.index_cast %add3A_615 : i32 to index
        %get3A_667 = arith.constant 96 : index
        %get3A_668 = tpu.vector_load %arg11[%get3A_666, %get3A_667] {strides = array<i32>} : memref<80x128xf32, #tpu.memory_space<vmem>>, vector<16xf32>,
        %mul3A_669 = arith.mulf %get3A_665, %get3A_668 : vector<16xf32>
        %add3A_670 = arith.addf %add3A_662, %mul3A_669 : vector<16xf32>
        %get3A_671 = arith.index_cast %add3A_615 : i32 to index
        %get3A_672 = arith.constant 112 : index
        %get3A_673 = tpu.vector_load %arg10[%get3A_671, %get3A_672] {strides = array<i32>} : memref<80x128xf32, #tpu.memory_space<vmem>>, vector<16xf32>,
        %get3A_674 = arith.index_cast %add3A_615 : i32 to index
        %get3A_675 = arith.constant 112 : index
        %get3A_676 = tpu.vector_load %arg11[%get3A_674, %get3A_675] {strides = array<i32>} : memref<80x128xf32, #tpu.memory_space<vmem>>, vector<16xf32>,
        %mul3A_677 = arith.mulf %get3A_673, %get3A_676 : vector<16xf32>
        %add3A_678 = arith.addf %add3A_670, %mul3A_677 : vector<16xf32>
        %swap3A_679 = arith.constant 7 : i32
        %swap3A_680 = arith.index_cast %swap3A_679 : i32 to index
        %swap3A_681 = arith.constant 0 : index
        %swap3A_682 = tpu.vector_load %arg13[%swap3A_680, %swap3A_681] {strides = array<i32>} : memref<16x17xf32, #tpu.memory_space<vmem>>, vector<16xf32>,
        tpu.vector_store %arg13[%swap3A_680, %swap3A_681], %add3A_678 {strides = array<i32>} : memref<16x17xf32, #tpu.memory_space<vmem>>, vector<16xf32>,
        %mul3A_683 = arith.constant 16 : i32
        %mul3A_684 = arith.muli %scan3A_115, %mul3A_683 : i32
        %add3A_685 = arith.constant 8 : i32
        %add3A_686 = arith.addi %mul3A_684, %add3A_685 : i32
        %get3A_687 = arith.index_cast %add3A_686 : i32 to index
        %get3A_688 = arith.constant 0 : index
        %get3A_689 = tpu.vector_load %arg10[%get3A_687, %get3A_688] {strides = array<i32>} : memref<80x128xf32, #tpu.memory_space<vmem>>, vector<16xf32>,
        %get3A_690 = arith.index_cast %add3A_686 : i32 to index
        %get3A_691 = arith.constant 0 : index
        %get3A_692 = tpu.vector_load %arg11[%get3A_690, %get3A_691] {strides = array<i32>} : memref<80x128xf32, #tpu.memory_space<vmem>>, vector<16xf32>,
        %mul3A_693 = arith.mulf %get3A_689, %get3A_692 : vector<16xf32>
        %get3A_694 = arith.index_cast %add3A_686 : i32 to index
        %get3A_695 = arith.constant 16 : index
        %get3A_696 = tpu.vector_load %arg10[%get3A_694, %get3A_695] {strides = array<i32>} : memref<80x128xf32, #tpu.memory_space<vmem>>, vector<16xf32>,
        %get3A_697 = arith.index_cast %add3A_686 : i32 to index
        %get3A_698 = arith.constant 16 : index
        %get3A_699 = tpu.vector_load %arg11[%get3A_697, %get3A_698] {strides = array<i32>} : memref<80x128xf32, #tpu.memory_space<vmem>>, vector<16xf32>,
        %mul3A_700 = arith.mulf %get3A_696, %get3A_699 : vector<16xf32>
        %add3A_701 = arith.addf %mul3A_693, %mul3A_700 : vector<16xf32>
        %get3A_702 = arith.index_cast %add3A_686 : i32 to index
        %get3A_703 = arith.constant 32 : index
        %get3A_704 = tpu.vector_load %arg10[%get3A_702, %get3A_703] {strides = array<i32>} : memref<80x128xf32, #tpu.memory_space<vmem>>, vector<16xf32>,
        %get3A_705 = arith.index_cast %add3A_686 : i32 to index
        %get3A_706 = arith.constant 32 : index
        %get3A_707 = tpu.vector_load %arg11[%get3A_705, %get3A_706] {strides = array<i32>} : memref<80x128xf32, #tpu.memory_space<vmem>>, vector<16xf32>,
        %mul3A_708 = arith.mulf %get3A_704, %get3A_707 : vector<16xf32>
        %add3A_709 = arith.addf %add3A_701, %mul3A_708 : vector<16xf32>
        %get3A_710 = arith.index_cast %add3A_686 : i32 to index
        %get3A_711 = arith.constant 48 : index
        %get3A_712 = tpu.vector_load %arg10[%get3A_710, %get3A_711] {strides = array<i32>} : memref<80x128xf32, #tpu.memory_space<vmem>>, vector<16xf32>,
        %get3A_713 = arith.index_cast %add3A_686 : i32 to index
        %get3A_714 = arith.constant 48 : index
        %get3A_715 = tpu.vector_load %arg11[%get3A_713, %get3A_714] {strides = array<i32>} : memref<80x128xf32, #tpu.memory_space<vmem>>, vector<16xf32>,
        %mul3A_716 = arith.mulf %get3A_712, %get3A_715 : vector<16xf32>
        %add3A_717 = arith.addf %add3A_709, %mul3A_716 : vector<16xf32>
        %get3A_718 = arith.index_cast %add3A_686 : i32 to index
        %get3A_719 = arith.constant 64 : index
        %get3A_720 = tpu.vector_load %arg10[%get3A_718, %get3A_719] {strides = array<i32>} : memref<80x128xf32, #tpu.memory_space<vmem>>, vector<16xf32>,
        %get3A_721 = arith.index_cast %add3A_686 : i32 to index
        %get3A_722 = arith.constant 64 : index
        %get3A_723 = tpu.vector_load %arg11[%get3A_721, %get3A_722] {strides = array<i32>} : memref<80x128xf32, #tpu.memory_space<vmem>>, vector<16xf32>,
        %mul3A_724 = arith.mulf %get3A_720, %get3A_723 : vector<16xf32>
        %add3A_725 = arith.addf %add3A_717, %mul3A_724 : vector<16xf32>
        %get3A_726 = arith.index_cast %add3A_686 : i32 to index
        %get3A_727 = arith.constant 80 : index
        %get3A_728 = tpu.vector_load %arg10[%get3A_726, %get3A_727] {strides = array<i32>} : memref<80x128xf32, #tpu.memory_space<vmem>>, vector<16xf32>,
        %get3A_729 = arith.index_cast %add3A_686 : i32 to index
        %get3A_730 = arith.constant 80 : index
        %get3A_731 = tpu.vector_load %arg11[%get3A_729, %get3A_730] {strides = array<i32>} : memref<80x128xf32, #tpu.memory_space<vmem>>, vector<16xf32>,
        %mul3A_732 = arith.mulf %get3A_728, %get3A_731 : vector<16xf32>
        %add3A_733 = arith.addf %add3A_725, %mul3A_732 : vector<16xf32>
        %get3A_734 = arith.index_cast %add3A_686 : i32 to index
        %get3A_735 = arith.constant 96 : index
        %get3A_736 = tpu.vector_load %arg10[%get3A_734, %get3A_735] {strides = array<i32>} : memref<80x128xf32, #tpu.memory_space<vmem>>, vector<16xf32>,
        %get3A_737 = arith.index_cast %add3A_686 : i32 to index
        %get3A_738 = arith.constant 96 : index
        %get3A_739 = tpu.vector_load %arg11[%get3A_737, %get3A_738] {strides = array<i32>} : memref<80x128xf32, #tpu.memory_space<vmem>>, vector<16xf32>,
        %mul3A_740 = arith.mulf %get3A_736, %get3A_739 : vector<16xf32>
        %add3A_741 = arith.addf %add3A_733, %mul3A_740 : vector<16xf32>
        %get3A_742 = arith.index_cast %add3A_686 : i32 to index
        %get3A_743 = arith.constant 112 : index
        %get3A_744 = tpu.vector_load %arg10[%get3A_742, %get3A_743] {strides = array<i32>} : memref<80x128xf32, #tpu.memory_space<vmem>>, vector<16xf32>,
        %get3A_745 = arith.index_cast %add3A_686 : i32 to index
        %get3A_746 = arith.constant 112 : index
        %get3A_747 = tpu.vector_load %arg11[%get3A_745, %get3A_746] {strides = array<i32>} : memref<80x128xf32, #tpu.memory_space<vmem>>, vector<16xf32>,
        %mul3A_748 = arith.mulf %get3A_744, %get3A_747 : vector<16xf32>
        %add3A_749 = arith.addf %add3A_741, %mul3A_748 : vector<16xf32>
        %swap3A_750 = arith.constant 8 : i32
        %swap3A_751 = arith.index_cast %swap3A_750 : i32 to index
        %swap3A_752 = arith.constant 0 : index
        %swap3A_753 = tpu.vector_load %arg13[%swap3A_751, %swap3A_752] {strides = array<i32>} : memref<16x17xf32, #tpu.memory_space<vmem>>, vector<16xf32>,
        tpu.vector_store %arg13[%swap3A_751, %swap3A_752], %add3A_749 {strides = array<i32>} : memref<16x17xf32, #tpu.memory_space<vmem>>, vector<16xf32>,
        %mul3A_754 = arith.constant 16 : i32
        %mul3A_755 = arith.muli %scan3A_115, %mul3A_754 : i32
        %add3A_756 = arith.constant 9 : i32
        %add3A_757 = arith.addi %mul3A_755, %add3A_756 : i32
        %get3A_758 = arith.index_cast %add3A_757 : i32 to index
        %get3A_759 = arith.constant 0 : index
        %get3A_760 = tpu.vector_load %arg10[%get3A_758, %get3A_759] {strides = array<i32>} : memref<80x128xf32, #tpu.memory_space<vmem>>, vector<16xf32>,
        %get3A_761 = arith.index_cast %add3A_757 : i32 to index
        %get3A_762 = arith.constant 0 : index
        %get3A_763 = tpu.vector_load %arg11[%get3A_761, %get3A_762] {strides = array<i32>} : memref<80x128xf32, #tpu.memory_space<vmem>>, vector<16xf32>,
        %mul3A_764 = arith.mulf %get3A_760, %get3A_763 : vector<16xf32>
        %get3A_765 = arith.index_cast %add3A_757 : i32 to index
        %get3A_766 = arith.constant 16 : index
        %get3A_767 = tpu.vector_load %arg10[%get3A_765, %get3A_766] {strides = array<i32>} : memref<80x128xf32, #tpu.memory_space<vmem>>, vector<16xf32>,
        %get3A_768 = arith.index_cast %add3A_757 : i32 to index
        %get3A_769 = arith.constant 16 : index
        %get3A_770 = tpu.vector_load %arg11[%get3A_768, %get3A_769] {strides = array<i32>} : memref<80x128xf32, #tpu.memory_space<vmem>>, vector<16xf32>,
        %mul3A_771 = arith.mulf %get3A_767, %get3A_770 : vector<16xf32>
        %add3A_772 = arith.addf %mul3A_764, %mul3A_771 : vector<16xf32>
        %get3A_773 = arith.index_cast %add3A_757 : i32 to index
        %get3A_774 = arith.constant 32 : index
        %get3A_775 = tpu.vector_load %arg10[%get3A_773, %get3A_774] {strides = array<i32>} : memref<80x128xf32, #tpu.memory_space<vmem>>, vector<16xf32>,
        %get3A_776 = arith.index_cast %add3A_757 : i32 to index
        %get3A_777 = arith.constant 32 : index
        %get3A_778 = tpu.vector_load %arg11[%get3A_776, %get3A_777] {strides = array<i32>} : memref<80x128xf32, #tpu.memory_space<vmem>>, vector<16xf32>,
        %mul3A_779 = arith.mulf %get3A_775, %get3A_778 : vector<16xf32>
        %add3A_780 = arith.addf %add3A_772, %mul3A_779 : vector<16xf32>
        %get3A_781 = arith.index_cast %add3A_757 : i32 to index
        %get3A_782 = arith.constant 48 : index
        %get3A_783 = tpu.vector_load %arg10[%get3A_781, %get3A_782] {strides = array<i32>} : memref<80x128xf32, #tpu.memory_space<vmem>>, vector<16xf32>,
        %get3A_784 = arith.index_cast %add3A_757 : i32 to index
        %get3A_785 = arith.constant 48 : index
        %get3A_786 = tpu.vector_load %arg11[%get3A_784, %get3A_785] {strides = array<i32>} : memref<80x128xf32, #tpu.memory_space<vmem>>, vector<16xf32>,
        %mul3A_787 = arith.mulf %get3A_783, %get3A_786 : vector<16xf32>
        %add3A_788 = arith.addf %add3A_780, %mul3A_787 : vector<16xf32>
        %get3A_789 = arith.index_cast %add3A_757 : i32 to index
        %get3A_790 = arith.constant 64 : index
        %get3A_791 = tpu.vector_load %arg10[%get3A_789, %get3A_790] {strides = array<i32>} : memref<80x128xf32, #tpu.memory_space<vmem>>, vector<16xf32>,
        %get3A_792 = arith.index_cast %add3A_757 : i32 to index
        %get3A_793 = arith.constant 64 : index
        %get3A_794 = tpu.vector_load %arg11[%get3A_792, %get3A_793] {strides = array<i32>} : memref<80x128xf32, #tpu.memory_space<vmem>>, vector<16xf32>,
        %mul3A_795 = arith.mulf %get3A_791, %get3A_794 : vector<16xf32>
        %add3A_796 = arith.addf %add3A_788, %mul3A_795 : vector<16xf32>
        %get3A_797 = arith.index_cast %add3A_757 : i32 to index
        %get3A_798 = arith.constant 80 : index
        %get3A_799 = tpu.vector_load %arg10[%get3A_797, %get3A_798] {strides = array<i32>} : memref<80x128xf32, #tpu.memory_space<vmem>>, vector<16xf32>,
        %get3A_800 = arith.index_cast %add3A_757 : i32 to index
        %get3A_801 = arith.constant 80 : index
        %get3A_802 = tpu.vector_load %arg11[%get3A_800, %get3A_801] {strides = array<i32>} : memref<80x128xf32, #tpu.memory_space<vmem>>, vector<16xf32>,
        %mul3A_803 = arith.mulf %get3A_799, %get3A_802 : vector<16xf32>
        %add3A_804 = arith.addf %add3A_796, %mul3A_803 : vector<16xf32>
        %get3A_805 = arith.index_cast %add3A_757 : i32 to index
        %get3A_806 = arith.constant 96 : index
        %get3A_807 = tpu.vector_load %arg10[%get3A_805, %get3A_806] {strides = array<i32>} : memref<80x128xf32, #tpu.memory_space<vmem>>, vector<16xf32>,
        %get3A_808 = arith.index_cast %add3A_757 : i32 to index
        %get3A_809 = arith.constant 96 : index
        %get3A_810 = tpu.vector_load %arg11[%get3A_808, %get3A_809] {strides = array<i32>} : memref<80x128xf32, #tpu.memory_space<vmem>>, vector<16xf32>,
        %mul3A_811 = arith.mulf %get3A_807, %get3A_810 : vector<16xf32>
        %add3A_812 = arith.addf %add3A_804, %mul3A_811 : vector<16xf32>
        %get3A_813 = arith.index_cast %add3A_757 : i32 to index
        %get3A_814 = arith.constant 112 : index
        %get3A_815 = tpu.vector_load %arg10[%get3A_813, %get3A_814] {strides = array<i32>} : memref<80x128xf32, #tpu.memory_space<vmem>>, vector<16xf32>,
        %get3A_816 = arith.index_cast %add3A_757 : i32 to index
        %get3A_817 = arith.constant 112 : index
        %get3A_818 = tpu.vector_load %arg11[%get3A_816, %get3A_817] {strides = array<i32>} : memref<80x128xf32, #tpu.memory_space<vmem>>, vector<16xf32>,
        %mul3A_819 = arith.mulf %get3A_815, %get3A_818 : vector<16xf32>
        %add3A_820 = arith.addf %add3A_812, %mul3A_819 : vector<16xf32>
        %swap3A_821 = arith.constant 9 : i32
        %swap3A_822 = arith.index_cast %swap3A_821 : i32 to index
        %swap3A_823 = arith.constant 0 : index
        %swap3A_824 = tpu.vector_load %arg13[%swap3A_822, %swap3A_823] {strides = array<i32>} : memref<16x17xf32, #tpu.memory_space<vmem>>, vector<16xf32>,
        tpu.vector_store %arg13[%swap3A_822, %swap3A_823], %add3A_820 {strides = array<i32>} : memref<16x17xf32, #tpu.memory_space<vmem>>, vector<16xf32>,
        %mul3A_825 = arith.constant 16 : i32
        %mul3A_826 = arith.muli %scan3A_115, %mul3A_825 : i32
        %add3A_827 = arith.constant 10 : i32
        %add3A_828 = arith.addi %mul3A_826, %add3A_827 : i32
        %get3A_829 = arith.index_cast %add3A_828 : i32 to index
        %get3A_830 = arith.constant 0 : index
        %get3A_831 = tpu.vector_load %arg10[%get3A_829, %get3A_830] {strides = array<i32>} : memref<80x128xf32, #tpu.memory_space<vmem>>, vector<16xf32>,
        %get3A_832 = arith.index_cast %add3A_828 : i32 to index
        %get3A_833 = arith.constant 0 : index
        %get3A_834 = tpu.vector_load %arg11[%get3A_832, %get3A_833] {strides = array<i32>} : memref<80x128xf32, #tpu.memory_space<vmem>>, vector<16xf32>,
        %mul3A_835 = arith.mulf %get3A_831, %get3A_834 : vector<16xf32>
        %get3A_836 = arith.index_cast %add3A_828 : i32 to index
        %get3A_837 = arith.constant 16 : index
        %get3A_838 = tpu.vector_load %arg10[%get3A_836, %get3A_837] {strides = array<i32>} : memref<80x128xf32, #tpu.memory_space<vmem>>, vector<16xf32>,
        %get3A_839 = arith.index_cast %add3A_828 : i32 to index
        %get3A_840 = arith.constant 16 : index
        %get3A_841 = tpu.vector_load %arg11[%get3A_839, %get3A_840] {strides = array<i32>} : memref<80x128xf32, #tpu.memory_space<vmem>>, vector<16xf32>,
        %mul3A_842 = arith.mulf %get3A_838, %get3A_841 : vector<16xf32>
        %add3A_843 = arith.addf %mul3A_835, %mul3A_842 : vector<16xf32>
        %get3A_844 = arith.index_cast %add3A_828 : i32 to index
        %get3A_845 = arith.constant 32 : index
        %get3A_846 = tpu.vector_load %arg10[%get3A_844, %get3A_845] {strides = array<i32>} : memref<80x128xf32, #tpu.memory_space<vmem>>, vector<16xf32>,
        %get3A_847 = arith.index_cast %add3A_828 : i32 to index
        %get3A_848 = arith.constant 32 : index
        %get3A_849 = tpu.vector_load %arg11[%get3A_847, %get3A_848] {strides = array<i32>} : memref<80x128xf32, #tpu.memory_space<vmem>>, vector<16xf32>,
        %mul3A_850 = arith.mulf %get3A_846, %get3A_849 : vector<16xf32>
        %add3A_851 = arith.addf %add3A_843, %mul3A_850 : vector<16xf32>
        %get3A_852 = arith.index_cast %add3A_828 : i32 to index
        %get3A_853 = arith.constant 48 : index
        %get3A_854 = tpu.vector_load %arg10[%get3A_852, %get3A_853] {strides = array<i32>} : memref<80x128xf32, #tpu.memory_space<vmem>>, vector<16xf32>,
        %get3A_855 = arith.index_cast %add3A_828 : i32 to index
        %get3A_856 = arith.constant 48 : index
        %get3A_857 = tpu.vector_load %arg11[%get3A_855, %get3A_856] {strides = array<i32>} : memref<80x128xf32, #tpu.memory_space<vmem>>, vector<16xf32>,
        %mul3A_858 = arith.mulf %get3A_854, %get3A_857 : vector<16xf32>
        %add3A_859 = arith.addf %add3A_851, %mul3A_858 : vector<16xf32>
        %get3A_860 = arith.index_cast %add3A_828 : i32 to index
        %get3A_861 = arith.constant 64 : index
        %get3A_862 = tpu.vector_load %arg10[%get3A_860, %get3A_861] {strides = array<i32>} : memref<80x128xf32, #tpu.memory_space<vmem>>, vector<16xf32>,
        %get3A_863 = arith.index_cast %add3A_828 : i32 to index
        %get3A_864 = arith.constant 64 : index
        %get3A_865 = tpu.vector_load %arg11[%get3A_863, %get3A_864] {strides = array<i32>} : memref<80x128xf32, #tpu.memory_space<vmem>>, vector<16xf32>,
        %mul3A_866 = arith.mulf %get3A_862, %get3A_865 : vector<16xf32>
        %add3A_867 = arith.addf %add3A_859, %mul3A_866 : vector<16xf32>
        %get3A_868 = arith.index_cast %add3A_828 : i32 to index
        %get3A_869 = arith.constant 80 : index
        %get3A_870 = tpu.vector_load %arg10[%get3A_868, %get3A_869] {strides = array<i32>} : memref<80x128xf32, #tpu.memory_space<vmem>>, vector<16xf32>,
        %get3A_871 = arith.index_cast %add3A_828 : i32 to index
        %get3A_872 = arith.constant 80 : index
        %get3A_873 = tpu.vector_load %arg11[%get3A_871, %get3A_872] {strides = array<i32>} : memref<80x128xf32, #tpu.memory_space<vmem>>, vector<16xf32>,
        %mul3A_874 = arith.mulf %get3A_870, %get3A_873 : vector<16xf32>
        %add3A_875 = arith.addf %add3A_867, %mul3A_874 : vector<16xf32>
        %get3A_876 = arith.index_cast %add3A_828 : i32 to index
        %get3A_877 = arith.constant 96 : index
        %get3A_878 = tpu.vector_load %arg10[%get3A_876, %get3A_877] {strides = array<i32>} : memref<80x128xf32, #tpu.memory_space<vmem>>, vector<16xf32>,
        %get3A_879 = arith.index_cast %add3A_828 : i32 to index
        %get3A_880 = arith.constant 96 : index
        %get3A_881 = tpu.vector_load %arg11[%get3A_879, %get3A_880] {strides = array<i32>} : memref<80x128xf32, #tpu.memory_space<vmem>>, vector<16xf32>,
        %mul3A_882 = arith.mulf %get3A_878, %get3A_881 : vector<16xf32>
        %add3A_883 = arith.addf %add3A_875, %mul3A_882 : vector<16xf32>
        %get3A_884 = arith.index_cast %add3A_828 : i32 to index
        %get3A_885 = arith.constant 112 : index
        %get3A_886 = tpu.vector_load %arg10[%get3A_884, %get3A_885] {strides = array<i32>} : memref<80x128xf32, #tpu.memory_space<vmem>>, vector<16xf32>,
        %get3A_887 = arith.index_cast %add3A_828 : i32 to index
        %get3A_888 = arith.constant 112 : index
        %get3A_889 = tpu.vector_load %arg11[%get3A_887, %get3A_888] {strides = array<i32>} : memref<80x128xf32, #tpu.memory_space<vmem>>, vector<16xf32>,
        %mul3A_890 = arith.mulf %get3A_886, %get3A_889 : vector<16xf32>
        %add3A_891 = arith.addf %add3A_883, %mul3A_890 : vector<16xf32>
        %swap3A_892 = arith.constant 10 : i32
        %swap3A_893 = arith.index_cast %swap3A_892 : i32 to index
        %swap3A_894 = arith.constant 0 : index
        %swap3A_895 = tpu.vector_load %arg13[%swap3A_893, %swap3A_894] {strides = array<i32>} : memref<16x17xf32, #tpu.memory_space<vmem>>, vector<16xf32>,
        tpu.vector_store %arg13[%swap3A_893, %swap3A_894], %add3A_891 {strides = array<i32>} : memref<16x17xf32, #tpu.memory_space<vmem>>, vector<16xf32>,
        %mul3A_896 = arith.constant 16 : i32
        %mul3A_897 = arith.muli %scan3A_115, %mul3A_896 : i32
        %add3A_898 = arith.constant 11 : i32
        %add3A_899 = arith.addi %mul3A_897, %add3A_898 : i32
        %get3A_900 = arith.index_cast %add3A_899 : i32 to index
        %get3A_901 = arith.constant 0 : index
        %get3A_902 = tpu.vector_load %arg10[%get3A_900, %get3A_901] {strides = array<i32>} : memref<80x128xf32, #tpu.memory_space<vmem>>, vector<16xf32>,
        %get3A_903 = arith.index_cast %add3A_899 : i32 to index
        %get3A_904 = arith.constant 0 : index
        %get3A_905 = tpu.vector_load %arg11[%get3A_903, %get3A_904] {strides = array<i32>} : memref<80x128xf32, #tpu.memory_space<vmem>>, vector<16xf32>,
        %mul3A_906 = arith.mulf %get3A_902, %get3A_905 : vector<16xf32>
        %get3A_907 = arith.index_cast %add3A_899 : i32 to index
        %get3A_908 = arith.constant 16 : index
        %get3A_909 = tpu.vector_load %arg10[%get3A_907, %get3A_908] {strides = array<i32>} : memref<80x128xf32, #tpu.memory_space<vmem>>, vector<16xf32>,
        %get3A_910 = arith.index_cast %add3A_899 : i32 to index
        %get3A_911 = arith.constant 16 : index
        %get3A_912 = tpu.vector_load %arg11[%get3A_910, %get3A_911] {strides = array<i32>} : memref<80x128xf32, #tpu.memory_space<vmem>>, vector<16xf32>,
        %mul3A_913 = arith.mulf %get3A_909, %get3A_912 : vector<16xf32>
        %add3A_914 = arith.addf %mul3A_906, %mul3A_913 : vector<16xf32>
        %get3A_915 = arith.index_cast %add3A_899 : i32 to index
        %get3A_916 = arith.constant 32 : index
        %get3A_917 = tpu.vector_load %arg10[%get3A_915, %get3A_916] {strides = array<i32>} : memref<80x128xf32, #tpu.memory_space<vmem>>, vector<16xf32>,
        %get3A_918 = arith.index_cast %add3A_899 : i32 to index
        %get3A_919 = arith.constant 32 : index
        %get3A_920 = tpu.vector_load %arg11[%get3A_918, %get3A_919] {strides = array<i32>} : memref<80x128xf32, #tpu.memory_space<vmem>>, vector<16xf32>,
        %mul3A_921 = arith.mulf %get3A_917, %get3A_920 : vector<16xf32>
        %add3A_922 = arith.addf %add3A_914, %mul3A_921 : vector<16xf32>
        %get3A_923 = arith.index_cast %add3A_899 : i32 to index
        %get3A_924 = arith.constant 48 : index
        %get3A_925 = tpu.vector_load %arg10[%get3A_923, %get3A_924] {strides = array<i32>} : memref<80x128xf32, #tpu.memory_space<vmem>>, vector<16xf32>,
        %get3A_926 = arith.index_cast %add3A_899 : i32 to index
        %get3A_927 = arith.constant 48 : index
        %get3A_928 = tpu.vector_load %arg11[%get3A_926, %get3A_927] {strides = array<i32>} : memref<80x128xf32, #tpu.memory_space<vmem>>, vector<16xf32>,
        %mul3A_929 = arith.mulf %get3A_925, %get3A_928 : vector<16xf32>
        %add3A_930 = arith.addf %add3A_922, %mul3A_929 : vector<16xf32>
        %get3A_931 = arith.index_cast %add3A_899 : i32 to index
        %get3A_932 = arith.constant 64 : index
        %get3A_933 = tpu.vector_load %arg10[%get3A_931, %get3A_932] {strides = array<i32>} : memref<80x128xf32, #tpu.memory_space<vmem>>, vector<16xf32>,
        %get3A_934 = arith.index_cast %add3A_899 : i32 to index
        %get3A_935 = arith.constant 64 : index
        %get3A_936 = tpu.vector_load %arg11[%get3A_934, %get3A_935] {strides = array<i32>} : memref<80x128xf32, #tpu.memory_space<vmem>>, vector<16xf32>,
        %mul3A_937 = arith.mulf %get3A_933, %get3A_936 : vector<16xf32>
        %add3A_938 = arith.addf %add3A_930, %mul3A_937 : vector<16xf32>
        %get3A_939 = arith.index_cast %add3A_899 : i32 to index
        %get3A_940 = arith.constant 80 : index
        %get3A_941 = tpu.vector_load %arg10[%get3A_939, %get3A_940] {strides = array<i32>} : memref<80x128xf32, #tpu.memory_space<vmem>>, vector<16xf32>,
        %get3A_942 = arith.index_cast %add3A_899 : i32 to index
        %get3A_943 = arith.constant 80 : index
        %get3A_944 = tpu.vector_load %arg11[%get3A_942, %get3A_943] {strides = array<i32>} : memref<80x128xf32, #tpu.memory_space<vmem>>, vector<16xf32>,
        %mul3A_945 = arith.mulf %get3A_941, %get3A_944 : vector<16xf32>
        %add3A_946 = arith.addf %add3A_938, %mul3A_945 : vector<16xf32>
        %get3A_947 = arith.index_cast %add3A_899 : i32 to index
        %get3A_948 = arith.constant 96 : index
        %get3A_949 = tpu.vector_load %arg10[%get3A_947, %get3A_948] {strides = array<i32>} : memref<80x128xf32, #tpu.memory_space<vmem>>, vector<16xf32>,
        %get3A_950 = arith.index_cast %add3A_899 : i32 to index
        %get3A_951 = arith.constant 96 : index
        %get3A_952 = tpu.vector_load %arg11[%get3A_950, %get3A_951] {strides = array<i32>} : memref<80x128xf32, #tpu.memory_space<vmem>>, vector<16xf32>,
        %mul3A_953 = arith.mulf %get3A_949, %get3A_952 : vector<16xf32>
        %add3A_954 = arith.addf %add3A_946, %mul3A_953 : vector<16xf32>
        %get3A_955 = arith.index_cast %add3A_899 : i32 to index
        %get3A_956 = arith.constant 112 : index
        %get3A_957 = tpu.vector_load %arg10[%get3A_955, %get3A_956] {strides = array<i32>} : memref<80x128xf32, #tpu.memory_space<vmem>>, vector<16xf32>,
        %get3A_958 = arith.index_cast %add3A_899 : i32 to index
        %get3A_959 = arith.constant 112 : index
        %get3A_960 = tpu.vector_load %arg11[%get3A_958, %get3A_959] {strides = array<i32>} : memref<80x128xf32, #tpu.memory_space<vmem>>, vector<16xf32>,
        %mul3A_961 = arith.mulf %get3A_957, %get3A_960 : vector<16xf32>
        %add3A_962 = arith.addf %add3A_954, %mul3A_961 : vector<16xf32>
        %swap3A_963 = arith.constant 11 : i32
        %swap3A_964 = arith.index_cast %swap3A_963 : i32 to index
        %swap3A_965 = arith.constant 0 : index
        %swap3A_966 = tpu.vector_load %arg13[%swap3A_964, %swap3A_965] {strides = array<i32>} : memref<16x17xf32, #tpu.memory_space<vmem>>, vector<16xf32>,
        tpu.vector_store %arg13[%swap3A_964, %swap3A_965], %add3A_962 {strides = array<i32>} : memref<16x17xf32, #tpu.memory_space<vmem>>, vector<16xf32>,
        %mul3A_967 = arith.constant 16 : i32
        %mul3A_968 = arith.muli %scan3A_115, %mul3A_967 : i32
        %add3A_969 = arith.constant 12 : i32
        %add3A_970 = arith.addi %mul3A_968, %add3A_969 : i32
        %get3A_971 = arith.index_cast %add3A_970 : i32 to index
        %get3A_972 = arith.constant 0 : index
        %get3A_973 = tpu.vector_load %arg10[%get3A_971, %get3A_972] {strides = array<i32>} : memref<80x128xf32, #tpu.memory_space<vmem>>, vector<16xf32>,
        %get3A_974 = arith.index_cast %add3A_970 : i32 to index
        %get3A_975 = arith.constant 0 : index
        %get3A_976 = tpu.vector_load %arg11[%get3A_974, %get3A_975] {strides = array<i32>} : memref<80x128xf32, #tpu.memory_space<vmem>>, vector<16xf32>,
        %mul3A_977 = arith.mulf %get3A_973, %get3A_976 : vector<16xf32>
        %get3A_978 = arith.index_cast %add3A_970 : i32 to index
        %get3A_979 = arith.constant 16 : index
        %get3A_980 = tpu.vector_load %arg10[%get3A_978, %get3A_979] {strides = array<i32>} : memref<80x128xf32, #tpu.memory_space<vmem>>, vector<16xf32>,
        %get3A_981 = arith.index_cast %add3A_970 : i32 to index
        %get3A_982 = arith.constant 16 : index
        %get3A_983 = tpu.vector_load %arg11[%get3A_981, %get3A_982] {strides = array<i32>} : memref<80x128xf32, #tpu.memory_space<vmem>>, vector<16xf32>,
        %mul3A_984 = arith.mulf %get3A_980, %get3A_983 : vector<16xf32>
        %add3A_985 = arith.addf %mul3A_977, %mul3A_984 : vector<16xf32>
        %get3A_986 = arith.index_cast %add3A_970 : i32 to index
        %get3A_987 = arith.constant 32 : index
        %get3A_988 = tpu.vector_load %arg10[%get3A_986, %get3A_987] {strides = array<i32>} : memref<80x128xf32, #tpu.memory_space<vmem>>, vector<16xf32>,
        %get3A_989 = arith.index_cast %add3A_970 : i32 to index
        %get3A_990 = arith.constant 32 : index
        %get3A_991 = tpu.vector_load %arg11[%get3A_989, %get3A_990] {strides = array<i32>} : memref<80x128xf32, #tpu.memory_space<vmem>>, vector<16xf32>,
        %mul3A_992 = arith.mulf %get3A_988, %get3A_991 : vector<16xf32>
        %add3A_993 = arith.addf %add3A_985, %mul3A_992 : vector<16xf32>
        %get3A_994 = arith.index_cast %add3A_970 : i32 to index
        %get3A_995 = arith.constant 48 : index
        %get3A_996 = tpu.vector_load %arg10[%get3A_994, %get3A_995] {strides = array<i32>} : memref<80x128xf32, #tpu.memory_space<vmem>>, vector<16xf32>,
        %get3A_997 = arith.index_cast %add3A_970 : i32 to index
        %get3A_998 = arith.constant 48 : index
        %get3A_999 = tpu.vector_load %arg11[%get3A_997, %get3A_998] {strides = array<i32>} : memref<80x128xf32, #tpu.memory_space<vmem>>, vector<16xf32>,
        %mul3A_1000 = arith.mulf %get3A_996, %get3A_999 : vector<16xf32>
        %add3A_1001 = arith.addf %add3A_993, %mul3A_1000 : vector<16xf32>
        %get3A_1002 = arith.index_cast %add3A_970 : i32 to index
        %get3A_1003 = arith.constant 64 : index
        %get3A_1004 = tpu.vector_load %arg10[%get3A_1002, %get3A_1003] {strides = array<i32>} : memref<80x128xf32, #tpu.memory_space<vmem>>, vector<16xf32>,
        %get3A_1005 = arith.index_cast %add3A_970 : i32 to index
        %get3A_1006 = arith.constant 64 : index
        %get3A_1007 = tpu.vector_load %arg11[%get3A_1005, %get3A_1006] {strides = array<i32>} : memref<80x128xf32, #tpu.memory_space<vmem>>, vector<16xf32>,
        %mul3A_1008 = arith.mulf %get3A_1004, %get3A_1007 : vector<16xf32>
        %add3A_1009 = arith.addf %add3A_1001, %mul3A_1008 : vector<16xf32>
        %get3A_1010 = arith.index_cast %add3A_970 : i32 to index
        %get3A_1011 = arith.constant 80 : index
        %get3A_1012 = tpu.vector_load %arg10[%get3A_1010, %get3A_1011] {strides = array<i32>} : memref<80x128xf32, #tpu.memory_space<vmem>>, vector<16xf32>,
        %get3A_1013 = arith.index_cast %add3A_970 : i32 to index
        %get3A_1014 = arith.constant 80 : index
        %get3A_1015 = tpu.vector_load %arg11[%get3A_1013, %get3A_1014] {strides = array<i32>} : memref<80x128xf32, #tpu.memory_space<vmem>>, vector<16xf32>,
        %mul3A_1016 = arith.mulf %get3A_1012, %get3A_1015 : vector<16xf32>
        %add3A_1017 = arith.addf %add3A_1009, %mul3A_1016 : vector<16xf32>
        %get3A_1018 = arith.index_cast %add3A_970 : i32 to index
        %get3A_1019 = arith.constant 96 : index
        %get3A_1020 = tpu.vector_load %arg10[%get3A_1018, %get3A_1019] {strides = array<i32>} : memref<80x128xf32, #tpu.memory_space<vmem>>, vector<16xf32>,
        %get3A_1021 = arith.index_cast %add3A_970 : i32 to index
        %get3A_1022 = arith.constant 96 : index
        %get3A_1023 = tpu.vector_load %arg11[%get3A_1021, %get3A_1022] {strides = array<i32>} : memref<80x128xf32, #tpu.memory_space<vmem>>, vector<16xf32>,
        %mul3A_1024 = arith.mulf %get3A_1020, %get3A_1023 : vector<16xf32>
        %add3A_1025 = arith.addf %add3A_1017, %mul3A_1024 : vector<16xf32>
        %get3A_1026 = arith.index_cast %add3A_970 : i32 to index
        %get3A_1027 = arith.constant 112 : index
        %get3A_1028 = tpu.vector_load %arg10[%get3A_1026, %get3A_1027] {strides = array<i32>} : memref<80x128xf32, #tpu.memory_space<vmem>>, vector<16xf32>,
        %get3A_1029 = arith.index_cast %add3A_970 : i32 to index
        %get3A_1030 = arith.constant 112 : index
        %get3A_1031 = tpu.vector_load %arg11[%get3A_1029, %get3A_1030] {strides = array<i32>} : memref<80x128xf32, #tpu.memory_space<vmem>>, vector<16xf32>,
        %mul3A_1032 = arith.mulf %get3A_1028, %get3A_1031 : vector<16xf32>
        %add3A_1033 = arith.addf %add3A_1025, %mul3A_1032 : vector<16xf32>
        %swap3A_1034 = arith.constant 12 : i32
        %swap3A_1035 = arith.index_cast %swap3A_1034 : i32 to index
        %swap3A_1036 = arith.constant 0 : index
        %swap3A_1037 = tpu.vector_load %arg13[%swap3A_1035, %swap3A_1036] {strides = array<i32>} : memref<16x17xf32, #tpu.memory_space<vmem>>, vector<16xf32>,
        tpu.vector_store %arg13[%swap3A_1035, %swap3A_1036], %add3A_1033 {strides = array<i32>} : memref<16x17xf32, #tpu.memory_space<vmem>>, vector<16xf32>,
        %mul3A_1038 = arith.constant 16 : i32
        %mul3A_1039 = arith.muli %scan3A_115, %mul3A_1038 : i32
        %add3A_1040 = arith.constant 13 : i32
        %add3A_1041 = arith.addi %mul3A_1039, %add3A_1040 : i32
        %get3A_1042 = arith.index_cast %add3A_1041 : i32 to index
        %get3A_1043 = arith.constant 0 : index
        %get3A_1044 = tpu.vector_load %arg10[%get3A_1042, %get3A_1043] {strides = array<i32>} : memref<80x128xf32, #tpu.memory_space<vmem>>, vector<16xf32>,
        %get3A_1045 = arith.index_cast %add3A_1041 : i32 to index
        %get3A_1046 = arith.constant 0 : index
        %get3A_1047 = tpu.vector_load %arg11[%get3A_1045, %get3A_1046] {strides = array<i32>} : memref<80x128xf32, #tpu.memory_space<vmem>>, vector<16xf32>,
        %mul3A_1048 = arith.mulf %get3A_1044, %get3A_1047 : vector<16xf32>
        %get3A_1049 = arith.index_cast %add3A_1041 : i32 to index
        %get3A_1050 = arith.constant 16 : index
        %get3A_1051 = tpu.vector_load %arg10[%get3A_1049, %get3A_1050] {strides = array<i32>} : memref<80x128xf32, #tpu.memory_space<vmem>>, vector<16xf32>,
        %get3A_1052 = arith.index_cast %add3A_1041 : i32 to index
        %get3A_1053 = arith.constant 16 : index
        %get3A_1054 = tpu.vector_load %arg11[%get3A_1052, %get3A_1053] {strides = array<i32>} : memref<80x128xf32, #tpu.memory_space<vmem>>, vector<16xf32>,
        %mul3A_1055 = arith.mulf %get3A_1051, %get3A_1054 : vector<16xf32>
        %add3A_1056 = arith.addf %mul3A_1048, %mul3A_1055 : vector<16xf32>
        %get3A_1057 = arith.index_cast %add3A_1041 : i32 to index
        %get3A_1058 = arith.constant 32 : index
        %get3A_1059 = tpu.vector_load %arg10[%get3A_1057, %get3A_1058] {strides = array<i32>} : memref<80x128xf32, #tpu.memory_space<vmem>>, vector<16xf32>,
        %get3A_1060 = arith.index_cast %add3A_1041 : i32 to index
        %get3A_1061 = arith.constant 32 : index
        %get3A_1062 = tpu.vector_load %arg11[%get3A_1060, %get3A_1061] {strides = array<i32>} : memref<80x128xf32, #tpu.memory_space<vmem>>, vector<16xf32>,
        %mul3A_1063 = arith.mulf %get3A_1059, %get3A_1062 : vector<16xf32>
        %add3A_1064 = arith.addf %add3A_1056, %mul3A_1063 : vector<16xf32>
        %get3A_1065 = arith.index_cast %add3A_1041 : i32 to index
        %get3A_1066 = arith.constant 48 : index
        %get3A_1067 = tpu.vector_load %arg10[%get3A_1065, %get3A_1066] {strides = array<i32>} : memref<80x128xf32, #tpu.memory_space<vmem>>, vector<16xf32>,
        %get3A_1068 = arith.index_cast %add3A_1041 : i32 to index
        %get3A_1069 = arith.constant 48 : index
        %get3A_1070 = tpu.vector_load %arg11[%get3A_1068, %get3A_1069] {strides = array<i32>} : memref<80x128xf32, #tpu.memory_space<vmem>>, vector<16xf32>,
        %mul3A_1071 = arith.mulf %get3A_1067, %get3A_1070 : vector<16xf32>
        %add3A_1072 = arith.addf %add3A_1064, %mul3A_1071 : vector<16xf32>
        %get3A_1073 = arith.index_cast %add3A_1041 : i32 to index
        %get3A_1074 = arith.constant 64 : index
        %get3A_1075 = tpu.vector_load %arg10[%get3A_1073, %get3A_1074] {strides = array<i32>} : memref<80x128xf32, #tpu.memory_space<vmem>>, vector<16xf32>,
        %get3A_1076 = arith.index_cast %add3A_1041 : i32 to index
        %get3A_1077 = arith.constant 64 : index
        %get3A_1078 = tpu.vector_load %arg11[%get3A_1076, %get3A_1077] {strides = array<i32>} : memref<80x128xf32, #tpu.memory_space<vmem>>, vector<16xf32>,
        %mul3A_1079 = arith.mulf %get3A_1075, %get3A_1078 : vector<16xf32>
        %add3A_1080 = arith.addf %add3A_1072, %mul3A_1079 : vector<16xf32>
        %get3A_1081 = arith.index_cast %add3A_1041 : i32 to index
        %get3A_1082 = arith.constant 80 : index
        %get3A_1083 = tpu.vector_load %arg10[%get3A_1081, %get3A_1082] {strides = array<i32>} : memref<80x128xf32, #tpu.memory_space<vmem>>, vector<16xf32>,
        %get3A_1084 = arith.index_cast %add3A_1041 : i32 to index
        %get3A_1085 = arith.constant 80 : index
        %get3A_1086 = tpu.vector_load %arg11[%get3A_1084, %get3A_1085] {strides = array<i32>} : memref<80x128xf32, #tpu.memory_space<vmem>>, vector<16xf32>,
        %mul3A_1087 = arith.mulf %get3A_1083, %get3A_1086 : vector<16xf32>
        %add3A_1088 = arith.addf %add3A_1080, %mul3A_1087 : vector<16xf32>
        %get3A_1089 = arith.index_cast %add3A_1041 : i32 to index
        %get3A_1090 = arith.constant 96 : index
        %get3A_1091 = tpu.vector_load %arg10[%get3A_1089, %get3A_1090] {strides = array<i32>} : memref<80x128xf32, #tpu.memory_space<vmem>>, vector<16xf32>,
        %get3A_1092 = arith.index_cast %add3A_1041 : i32 to index
        %get3A_1093 = arith.constant 96 : index
        %get3A_1094 = tpu.vector_load %arg11[%get3A_1092, %get3A_1093] {strides = array<i32>} : memref<80x128xf32, #tpu.memory_space<vmem>>, vector<16xf32>,
        %mul3A_1095 = arith.mulf %get3A_1091, %get3A_1094 : vector<16xf32>
        %add3A_1096 = arith.addf %add3A_1088, %mul3A_1095 : vector<16xf32>
        %get3A_1097 = arith.index_cast %add3A_1041 : i32 to index
        %get3A_1098 = arith.constant 112 : index
        %get3A_1099 = tpu.vector_load %arg10[%get3A_1097, %get3A_1098] {strides = array<i32>} : memref<80x128xf32, #tpu.memory_space<vmem>>, vector<16xf32>,
        %get3A_1100 = arith.index_cast %add3A_1041 : i32 to index
        %get3A_1101 = arith.constant 112 : index
        %get3A_1102 = tpu.vector_load %arg11[%get3A_1100, %get3A_1101] {strides = array<i32>} : memref<80x128xf32, #tpu.memory_space<vmem>>, vector<16xf32>,
        %mul3A_1103 = arith.mulf %get3A_1099, %get3A_1102 : vector<16xf32>
        %add3A_1104 = arith.addf %add3A_1096, %mul3A_1103 : vector<16xf32>
        %swap3A_1105 = arith.constant 13 : i32
        %swap3A_1106 = arith.index_cast %swap3A_1105 : i32 to index
        %swap3A_1107 = arith.constant 0 : index
        %swap3A_1108 = tpu.vector_load %arg13[%swap3A_1106, %swap3A_1107] {strides = array<i32>} : memref<16x17xf32, #tpu.memory_space<vmem>>, vector<16xf32>,
        tpu.vector_store %arg13[%swap3A_1106, %swap3A_1107], %add3A_1104 {strides = array<i32>} : memref<16x17xf32, #tpu.memory_space<vmem>>, vector<16xf32>,
        %mul3A_1109 = arith.constant 16 : i32
        %mul3A_1110 = arith.muli %scan3A_115, %mul3A_1109 : i32
        %add3A_1111 = arith.constant 14 : i32
        %add3A_1112 = arith.addi %mul3A_1110, %add3A_1111 : i32
        %get3A_1113 = arith.index_cast %add3A_1112 : i32 to index
        %get3A_1114 = arith.constant 0 : index
        %get3A_1115 = tpu.vector_load %arg10[%get3A_1113, %get3A_1114] {strides = array<i32>} : memref<80x128xf32, #tpu.memory_space<vmem>>, vector<16xf32>,
        %get3A_1116 = arith.index_cast %add3A_1112 : i32 to index
        %get3A_1117 = arith.constant 0 : index
        %get3A_1118 = tpu.vector_load %arg11[%get3A_1116, %get3A_1117] {strides = array<i32>} : memref<80x128xf32, #tpu.memory_space<vmem>>, vector<16xf32>,
        %mul3A_1119 = arith.mulf %get3A_1115, %get3A_1118 : vector<16xf32>
        %get3A_1120 = arith.index_cast %add3A_1112 : i32 to index
        %get3A_1121 = arith.constant 16 : index
        %get3A_1122 = tpu.vector_load %arg10[%get3A_1120, %get3A_1121] {strides = array<i32>} : memref<80x128xf32, #tpu.memory_space<vmem>>, vector<16xf32>,
        %get3A_1123 = arith.index_cast %add3A_1112 : i32 to index
        %get3A_1124 = arith.constant 16 : index
        %get3A_1125 = tpu.vector_load %arg11[%get3A_1123, %get3A_1124] {strides = array<i32>} : memref<80x128xf32, #tpu.memory_space<vmem>>, vector<16xf32>,
        %mul3A_1126 = arith.mulf %get3A_1122, %get3A_1125 : vector<16xf32>
        %add3A_1127 = arith.addf %mul3A_1119, %mul3A_1126 : vector<16xf32>
        %get3A_1128 = arith.index_cast %add3A_1112 : i32 to index
        %get3A_1129 = arith.constant 32 : index
        %get3A_1130 = tpu.vector_load %arg10[%get3A_1128, %get3A_1129] {strides = array<i32>} : memref<80x128xf32, #tpu.memory_space<vmem>>, vector<16xf32>,
        %get3A_1131 = arith.index_cast %add3A_1112 : i32 to index
        %get3A_1132 = arith.constant 32 : index
        %get3A_1133 = tpu.vector_load %arg11[%get3A_1131, %get3A_1132] {strides = array<i32>} : memref<80x128xf32, #tpu.memory_space<vmem>>, vector<16xf32>,
        %mul3A_1134 = arith.mulf %get3A_1130, %get3A_1133 : vector<16xf32>
        %add3A_1135 = arith.addf %add3A_1127, %mul3A_1134 : vector<16xf32>
        %get3A_1136 = arith.index_cast %add3A_1112 : i32 to index
        %get3A_1137 = arith.constant 48 : index
        %get3A_1138 = tpu.vector_load %arg10[%get3A_1136, %get3A_1137] {strides = array<i32>} : memref<80x128xf32, #tpu.memory_space<vmem>>, vector<16xf32>,
        %get3A_1139 = arith.index_cast %add3A_1112 : i32 to index
        %get3A_1140 = arith.constant 48 : index
        %get3A_1141 = tpu.vector_load %arg11[%get3A_1139, %get3A_1140] {strides = array<i32>} : memref<80x128xf32, #tpu.memory_space<vmem>>, vector<16xf32>,
        %mul3A_1142 = arith.mulf %get3A_1138, %get3A_1141 : vector<16xf32>
        %add3A_1143 = arith.addf %add3A_1135, %mul3A_1142 : vector<16xf32>
        %get3A_1144 = arith.index_cast %add3A_1112 : i32 to index
        %get3A_1145 = arith.constant 64 : index
        %get3A_1146 = tpu.vector_load %arg10[%get3A_1144, %get3A_1145] {strides = array<i32>} : memref<80x128xf32, #tpu.memory_space<vmem>>, vector<16xf32>,
        %get3A_1147 = arith.index_cast %add3A_1112 : i32 to index
        %get3A_1148 = arith.constant 64 : index
        %get3A_1149 = tpu.vector_load %arg11[%get3A_1147, %get3A_1148] {strides = array<i32>} : memref<80x128xf32, #tpu.memory_space<vmem>>, vector<16xf32>,
        %mul3A_1150 = arith.mulf %get3A_1146, %get3A_1149 : vector<16xf32>
        %add3A_1151 = arith.addf %add3A_1143, %mul3A_1150 : vector<16xf32>
        %get3A_1152 = arith.index_cast %add3A_1112 : i32 to index
        %get3A_1153 = arith.constant 80 : index
        %get3A_1154 = tpu.vector_load %arg10[%get3A_1152, %get3A_1153] {strides = array<i32>} : memref<80x128xf32, #tpu.memory_space<vmem>>, vector<16xf32>,
        %get3A_1155 = arith.index_cast %add3A_1112 : i32 to index
        %get3A_1156 = arith.constant 80 : index
        %get3A_1157 = tpu.vector_load %arg11[%get3A_1155, %get3A_1156] {strides = array<i32>} : memref<80x128xf32, #tpu.memory_space<vmem>>, vector<16xf32>,
        %mul3A_1158 = arith.mulf %get3A_1154, %get3A_1157 : vector<16xf32>
        %add3A_1159 = arith.addf %add3A_1151, %mul3A_1158 : vector<16xf32>
        %get3A_1160 = arith.index_cast %add3A_1112 : i32 to index
        %get3A_1161 = arith.constant 96 : index
        %get3A_1162 = tpu.vector_load %arg10[%get3A_1160, %get3A_1161] {strides = array<i32>} : memref<80x128xf32, #tpu.memory_space<vmem>>, vector<16xf32>,
        %get3A_1163 = arith.index_cast %add3A_1112 : i32 to index
        %get3A_1164 = arith.constant 96 : index
        %get3A_1165 = tpu.vector_load %arg11[%get3A_1163, %get3A_1164] {strides = array<i32>} : memref<80x128xf32, #tpu.memory_space<vmem>>, vector<16xf32>,
        %mul3A_1166 = arith.mulf %get3A_1162, %get3A_1165 : vector<16xf32>
        %add3A_1167 = arith.addf %add3A_1159, %mul3A_1166 : vector<16xf32>
        %get3A_1168 = arith.index_cast %add3A_1112 : i32 to index
        %get3A_1169 = arith.constant 112 : index
        %get3A_1170 = tpu.vector_load %arg10[%get3A_1168, %get3A_1169] {strides = array<i32>} : memref<80x128xf32, #tpu.memory_space<vmem>>, vector<16xf32>,
        %get3A_1171 = arith.index_cast %add3A_1112 : i32 to index
        %get3A_1172 = arith.constant 112 : index
        %get3A_1173 = tpu.vector_load %arg11[%get3A_1171, %get3A_1172] {strides = array<i32>} : memref<80x128xf32, #tpu.memory_space<vmem>>, vector<16xf32>,
        %mul3A_1174 = arith.mulf %get3A_1170, %get3A_1173 : vector<16xf32>
        %add3A_1175 = arith.addf %add3A_1167, %mul3A_1174 : vector<16xf32>
        %swap3A_1176 = arith.constant 14 : i32
        %swap3A_1177 = arith.index_cast %swap3A_1176 : i32 to index
        %swap3A_1178 = arith.constant 0 : index
        %swap3A_1179 = tpu.vector_load %arg13[%swap3A_1177, %swap3A_1178] {strides = array<i32>} : memref<16x17xf32, #tpu.memory_space<vmem>>, vector<16xf32>,
        tpu.vector_store %arg13[%swap3A_1177, %swap3A_1178], %add3A_1175 {strides = array<i32>} : memref<16x17xf32, #tpu.memory_space<vmem>>, vector<16xf32>,
        %mul3A_1180 = arith.constant 16 : i32
        %mul3A_1181 = arith.muli %scan3A_115, %mul3A_1180 : i32
        %add3A_1182 = arith.constant 15 : i32
        %add3A_1183 = arith.addi %mul3A_1181, %add3A_1182 : i32
        %get3A_1184 = arith.index_cast %add3A_1183 : i32 to index
        %get3A_1185 = arith.constant 0 : index
        %get3A_1186 = tpu.vector_load %arg10[%get3A_1184, %get3A_1185] {strides = array<i32>} : memref<80x128xf32, #tpu.memory_space<vmem>>, vector<16xf32>,
        %get3A_1187 = arith.index_cast %add3A_1183 : i32 to index
        %get3A_1188 = arith.constant 0 : index
        %get3A_1189 = tpu.vector_load %arg11[%get3A_1187, %get3A_1188] {strides = array<i32>} : memref<80x128xf32, #tpu.memory_space<vmem>>, vector<16xf32>,
        %mul3A_1190 = arith.mulf %get3A_1186, %get3A_1189 : vector<16xf32>
        %get3A_1191 = arith.index_cast %add3A_1183 : i32 to index
        %get3A_1192 = arith.constant 16 : index
        %get3A_1193 = tpu.vector_load %arg10[%get3A_1191, %get3A_1192] {strides = array<i32>} : memref<80x128xf32, #tpu.memory_space<vmem>>, vector<16xf32>,
        %get3A_1194 = arith.index_cast %add3A_1183 : i32 to index
        %get3A_1195 = arith.constant 16 : index
        %get3A_1196 = tpu.vector_load %arg11[%get3A_1194, %get3A_1195] {strides = array<i32>} : memref<80x128xf32, #tpu.memory_space<vmem>>, vector<16xf32>,
        %mul3A_1197 = arith.mulf %get3A_1193, %get3A_1196 : vector<16xf32>
        %add3A_1198 = arith.addf %mul3A_1190, %mul3A_1197 : vector<16xf32>
        %get3A_1199 = arith.index_cast %add3A_1183 : i32 to index
        %get3A_1200 = arith.constant 32 : index
        %get3A_1201 = tpu.vector_load %arg10[%get3A_1199, %get3A_1200] {strides = array<i32>} : memref<80x128xf32, #tpu.memory_space<vmem>>, vector<16xf32>,
        %get3A_1202 = arith.index_cast %add3A_1183 : i32 to index
        %get3A_1203 = arith.constant 32 : index
        %get3A_1204 = tpu.vector_load %arg11[%get3A_1202, %get3A_1203] {strides = array<i32>} : memref<80x128xf32, #tpu.memory_space<vmem>>, vector<16xf32>,
        %mul3A_1205 = arith.mulf %get3A_1201, %get3A_1204 : vector<16xf32>
        %add3A_1206 = arith.addf %add3A_1198, %mul3A_1205 : vector<16xf32>
        %get3A_1207 = arith.index_cast %add3A_1183 : i32 to index
        %get3A_1208 = arith.constant 48 : index
        %get3A_1209 = tpu.vector_load %arg10[%get3A_1207, %get3A_1208] {strides = array<i32>} : memref<80x128xf32, #tpu.memory_space<vmem>>, vector<16xf32>,
        %get3A_1210 = arith.index_cast %add3A_1183 : i32 to index
        %get3A_1211 = arith.constant 48 : index
        %get3A_1212 = tpu.vector_load %arg11[%get3A_1210, %get3A_1211] {strides = array<i32>} : memref<80x128xf32, #tpu.memory_space<vmem>>, vector<16xf32>,
        %mul3A_1213 = arith.mulf %get3A_1209, %get3A_1212 : vector<16xf32>
        %add3A_1214 = arith.addf %add3A_1206, %mul3A_1213 : vector<16xf32>
        %get3A_1215 = arith.index_cast %add3A_1183 : i32 to index
        %get3A_1216 = arith.constant 64 : index
        %get3A_1217 = tpu.vector_load %arg10[%get3A_1215, %get3A_1216] {strides = array<i32>} : memref<80x128xf32, #tpu.memory_space<vmem>>, vector<16xf32>,
        %get3A_1218 = arith.index_cast %add3A_1183 : i32 to index
        %get3A_1219 = arith.constant 64 : index
        %get3A_1220 = tpu.vector_load %arg11[%get3A_1218, %get3A_1219] {strides = array<i32>} : memref<80x128xf32, #tpu.memory_space<vmem>>, vector<16xf32>,
        %mul3A_1221 = arith.mulf %get3A_1217, %get3A_1220 : vector<16xf32>
        %add3A_1222 = arith.addf %add3A_1214, %mul3A_1221 : vector<16xf32>
        %get3A_1223 = arith.index_cast %add3A_1183 : i32 to index
        %get3A_1224 = arith.constant 80 : index
        %get3A_1225 = tpu.vector_load %arg10[%get3A_1223, %get3A_1224] {strides = array<i32>} : memref<80x128xf32, #tpu.memory_space<vmem>>, vector<16xf32>,
        %get3A_1226 = arith.index_cast %add3A_1183 : i32 to index
        %get3A_1227 = arith.constant 80 : index
        %get3A_1228 = tpu.vector_load %arg11[%get3A_1226, %get3A_1227] {strides = array<i32>} : memref<80x128xf32, #tpu.memory_space<vmem>>, vector<16xf32>,
        %mul3A_1229 = arith.mulf %get3A_1225, %get3A_1228 : vector<16xf32>
        %add3A_1230 = arith.addf %add3A_1222, %mul3A_1229 : vector<16xf32>
        %get3A_1231 = arith.index_cast %add3A_1183 : i32 to index
        %get3A_1232 = arith.constant 96 : index
        %get3A_1233 = tpu.vector_load %arg10[%get3A_1231, %get3A_1232] {strides = array<i32>} : memref<80x128xf32, #tpu.memory_space<vmem>>, vector<16xf32>,
        %get3A_1234 = arith.index_cast %add3A_1183 : i32 to index
        %get3A_1235 = arith.constant 96 : index
        %get3A_1236 = tpu.vector_load %arg11[%get3A_1234, %get3A_1235] {strides = array<i32>} : memref<80x128xf32, #tpu.memory_space<vmem>>, vector<16xf32>,
        %mul3A_1237 = arith.mulf %get3A_1233, %get3A_1236 : vector<16xf32>
        %add3A_1238 = arith.addf %add3A_1230, %mul3A_1237 : vector<16xf32>
        %get3A_1239 = arith.index_cast %add3A_1183 : i32 to index
        %get3A_1240 = arith.constant 112 : index
        %get3A_1241 = tpu.vector_load %arg10[%get3A_1239, %get3A_1240] {strides = array<i32>} : memref<80x128xf32, #tpu.memory_space<vmem>>, vector<16xf32>,
        %get3A_1242 = arith.index_cast %add3A_1183 : i32 to index
        %get3A_1243 = arith.constant 112 : index
        %get3A_1244 = tpu.vector_load %arg11[%get3A_1242, %get3A_1243] {strides = array<i32>} : memref<80x128xf32, #tpu.memory_space<vmem>>, vector<16xf32>,
        %mul3A_1245 = arith.mulf %get3A_1241, %get3A_1244 : vector<16xf32>
        %add3A_1246 = arith.addf %add3A_1238, %mul3A_1245 : vector<16xf32>
        %swap3A_1247 = arith.constant 15 : i32
        %swap3A_1248 = arith.index_cast %swap3A_1247 : i32 to index
        %swap3A_1249 = arith.constant 0 : index
        %swap3A_1250 = tpu.vector_load %arg13[%swap3A_1248, %swap3A_1249] {strides = array<i32>} : memref<16x17xf32, #tpu.memory_space<vmem>>, vector<16xf32>,
        tpu.vector_store %arg13[%swap3A_1248, %swap3A_1249], %add3A_1246 {strides = array<i32>} : memref<16x17xf32, #tpu.memory_space<vmem>>, vector<16xf32>,
        %broadcast_in_dim3A = arith.constant 0.000000e+00 : f32
        %broadcast_in_dim3A_1251 = vector.broadcast %broadcast_in_dim3A : f32 to vector<16xf32>
        %broadcast_in_dim3A_1252 = arith.constant 0 : i32
        %broadcast_in_dim3A_1253 = vector.broadcast %broadcast_in_dim3A_1252 : i32 to vector<16xi32>
        %gather3A = tpu.vector_load_idx %arg13[%iota3A, %broadcast_in_dim3A_1253] : memref<16x17xf32, #tpu.memory_space<vmem>>[vector<16xi32>, vector<16xi32>], vector<16xf32>,
        %add3A_1254 = arith.addf %broadcast_in_dim3A_1251, %gather3A : vector<16xf32>
        %broadcast_in_dim3A_1255 = arith.constant 1 : i32
        %broadcast_in_dim3A_1256 = vector.broadcast %broadcast_in_dim3A_1255 : i32 to vector<16xi32>
        %gather3A_1257 = tpu.vector_load_idx %arg13[%iota3A, %broadcast_in_dim3A_1256] : memref<16x17xf32, #tpu.memory_space<vmem>>[vector<16xi32>, vector<16xi32>], vector<16xf32>,
        %add3A_1258 = arith.addf %add3A_1254, %gather3A_1257 : vector<16xf32>
        %broadcast_in_dim3A_1259 = arith.constant 2 : i32
        %broadcast_in_dim3A_1260 = vector.broadcast %broadcast_in_dim3A_1259 : i32 to vector<16xi32>
        %gather3A_1261 = tpu.vector_load_idx %arg13[%iota3A, %broadcast_in_dim3A_1260] : memref<16x17xf32, #tpu.memory_space<vmem>>[vector<16xi32>, vector<16xi32>], vector<16xf32>,
        %add3A_1262 = arith.addf %add3A_1258, %gather3A_1261 : vector<16xf32>
        %broadcast_in_dim3A_1263 = arith.constant 3 : i32
        %broadcast_in_dim3A_1264 = vector.broadcast %broadcast_in_dim3A_1263 : i32 to vector<16xi32>
        %gather3A_1265 = tpu.vector_load_idx %arg13[%iota3A, %broadcast_in_dim3A_1264] : memref<16x17xf32, #tpu.memory_space<vmem>>[vector<16xi32>, vector<16xi32>], vector<16xf32>,
        %add3A_1266 = arith.addf %add3A_1262, %gather3A_1265 : vector<16xf32>
        %broadcast_in_dim3A_1267 = arith.constant 4 : i32
        %broadcast_in_dim3A_1268 = vector.broadcast %broadcast_in_dim3A_1267 : i32 to vector<16xi32>
        %gather3A_1269 = tpu.vector_load_idx %arg13[%iota3A, %broadcast_in_dim3A_1268] : memref<16x17xf32, #tpu.memory_space<vmem>>[vector<16xi32>, vector<16xi32>], vector<16xf32>,
        %add3A_1270 = arith.addf %add3A_1266, %gather3A_1269 : vector<16xf32>
        %broadcast_in_dim3A_1271 = arith.constant 5 : i32
        %broadcast_in_dim3A_1272 = vector.broadcast %broadcast_in_dim3A_1271 : i32 to vector<16xi32>
        %gather3A_1273 = tpu.vector_load_idx %arg13[%iota3A, %broadcast_in_dim3A_1272] : memref<16x17xf32, #tpu.memory_space<vmem>>[vector<16xi32>, vector<16xi32>], vector<16xf32>,
        %add3A_1274 = arith.addf %add3A_1270, %gather3A_1273 : vector<16xf32>
        %broadcast_in_dim3A_1275 = arith.constant 6 : i32
        %broadcast_in_dim3A_1276 = vector.broadcast %broadcast_in_dim3A_1275 : i32 to vector<16xi32>
        %gather3A_1277 = tpu.vector_load_idx %arg13[%iota3A, %broadcast_in_dim3A_1276] : memref<16x17xf32, #tpu.memory_space<vmem>>[vector<16xi32>, vector<16xi32>], vector<16xf32>,
        %add3A_1278 = arith.addf %add3A_1274, %gather3A_1277 : vector<16xf32>
        %broadcast_in_dim3A_1279 = arith.constant 7 : i32
        %broadcast_in_dim3A_1280 = vector.broadcast %broadcast_in_dim3A_1279 : i32 to vector<16xi32>
        %gather3A_1281 = tpu.vector_load_idx %arg13[%iota3A, %broadcast_in_dim3A_1280] : memref<16x17xf32, #tpu.memory_space<vmem>>[vector<16xi32>, vector<16xi32>], vector<16xf32>,
        %add3A_1282 = arith.addf %add3A_1278, %gather3A_1281 : vector<16xf32>
        %broadcast_in_dim3A_1283 = arith.constant 8 : i32
        %broadcast_in_dim3A_1284 = vector.broadcast %broadcast_in_dim3A_1283 : i32 to vector<16xi32>
        %gather3A_1285 = tpu.vector_load_idx %arg13[%iota3A, %broadcast_in_dim3A_1284] : memref<16x17xf32, #tpu.memory_space<vmem>>[vector<16xi32>, vector<16xi32>], vector<16xf32>,
        %add3A_1286 = arith.addf %add3A_1282, %gather3A_1285 : vector<16xf32>
        %broadcast_in_dim3A_1287 = arith.constant 9 : i32
        %broadcast_in_dim3A_1288 = vector.broadcast %broadcast_in_dim3A_1287 : i32 to vector<16xi32>
        %gather3A_1289 = tpu.vector_load_idx %arg13[%iota3A, %broadcast_in_dim3A_1288] : memref<16x17xf32, #tpu.memory_space<vmem>>[vector<16xi32>, vector<16xi32>], vector<16xf32>,
        %add3A_1290 = arith.addf %add3A_1286, %gather3A_1289 : vector<16xf32>
        %broadcast_in_dim3A_1291 = arith.constant 10 : i32
        %broadcast_in_dim3A_1292 = vector.broadcast %broadcast_in_dim3A_1291 : i32 to vector<16xi32>
        %gather3A_1293 = tpu.vector_load_idx %arg13[%iota3A, %broadcast_in_dim3A_1292] : memref<16x17xf32, #tpu.memory_space<vmem>>[vector<16xi32>, vector<16xi32>], vector<16xf32>,
        %add3A_1294 = arith.addf %add3A_1290, %gather3A_1293 : vector<16xf32>
        %broadcast_in_dim3A_1295 = arith.constant 11 : i32
        %broadcast_in_dim3A_1296 = vector.broadcast %broadcast_in_dim3A_1295 : i32 to vector<16xi32>
        %gather3A_1297 = tpu.vector_load_idx %arg13[%iota3A, %broadcast_in_dim3A_1296] : memref<16x17xf32, #tpu.memory_space<vmem>>[vector<16xi32>, vector<16xi32>], vector<16xf32>,
        %add3A_1298 = arith.addf %add3A_1294, %gather3A_1297 : vector<16xf32>
        %broadcast_in_dim3A_1299 = arith.constant 12 : i32
        %broadcast_in_dim3A_1300 = vector.broadcast %broadcast_in_dim3A_1299 : i32 to vector<16xi32>
        %gather3A_1301 = tpu.vector_load_idx %arg13[%iota3A, %broadcast_in_dim3A_1300] : memref<16x17xf32, #tpu.memory_space<vmem>>[vector<16xi32>, vector<16xi32>], vector<16xf32>,
        %add3A_1302 = arith.addf %add3A_1298, %gather3A_1301 : vector<16xf32>
        %broadcast_in_dim3A_1303 = arith.constant 13 : i32
        %broadcast_in_dim3A_1304 = vector.broadcast %broadcast_in_dim3A_1303 : i32 to vector<16xi32>
        %gather3A_1305 = tpu.vector_load_idx %arg13[%iota3A, %broadcast_in_dim3A_1304] : memref<16x17xf32, #tpu.memory_space<vmem>>[vector<16xi32>, vector<16xi32>], vector<16xf32>,
        %add3A_1306 = arith.addf %add3A_1302, %gather3A_1305 : vector<16xf32>
        %broadcast_in_dim3A_1307 = arith.constant 14 : i32
        %broadcast_in_dim3A_1308 = vector.broadcast %broadcast_in_dim3A_1307 : i32 to vector<16xi32>
        %gather3A_1309 = tpu.vector_load_idx %arg13[%iota3A, %broadcast_in_dim3A_1308] : memref<16x17xf32, #tpu.memory_space<vmem>>[vector<16xi32>, vector<16xi32>], vector<16xf32>,
        %add3A_1310 = arith.addf %add3A_1306, %gather3A_1309 : vector<16xf32>
        %broadcast_in_dim3A_1311 = arith.constant 15 : i32
        %broadcast_in_dim3A_1312 = vector.broadcast %broadcast_in_dim3A_1311 : i32 to vector<16xi32>
        %gather3A_1313 = tpu.vector_load_idx %arg13[%iota3A, %broadcast_in_dim3A_1312] : memref<16x17xf32, #tpu.memory_space<vmem>>[vector<16xi32>, vector<16xi32>], vector<16xf32>,
        %add3A_1314 = arith.addf %add3A_1310, %gather3A_1313 : vector<16xf32>
        %exp3A = math.exp %add3A_1314 : vector<16xf32>
        %mul3A_1315 = arith.constant 80 : i32
        %mul3A_1316 = arith.muli %add3A_106, %mul3A_1315 : i32
        %mul3A_1317 = arith.constant 16 : i32
        %mul3A_1318 = arith.muli %scan3A_115, %mul3A_1317 : i32
        %add3A_1319 = arith.addi %mul3A_1316, %mul3A_1318 : i32
        %swap3A_1320 = arith.index_cast %add3A_1319 : i32 to index
        %swap3A_1321 = tpu.vector_load %arg12[%swap3A_1320] {strides = array<i32>} : memref<10000xf32, #tpu.memory_space<vmem>>, vector<16xf32>,
        tpu.vector_store %arg12[%swap3A_1320], %exp3A {strides = array<i32>} : memref<10000xf32, #tpu.memory_space<vmem>>, vector<16xf32>,
        %scan3A_1322 = arith.constant 0 : i32
        scf.yield %scan3A_1322 : i32
      }
      %scan3A_113 = arith.constant 5 : i32
      %scan3A_114 = arith.constant 0 : i32
      scf.yield %scan3A_114 : i32
    }
    %scan3A_28 = arith.constant 62 : i32
    %dma_wait3A = arith.constant 9920 : i32
    %dma_wait3A_29 = tpu.memref_slice %arg6[%dma_wait3A] : memref<10000xi32, #tpu.memory_space<vmem>> -> memref<80xi32, #tpu.memory_space<vmem>>
    %dma_wait3A_30 = arith.constant 0 : i32
    %dma_wait3A_31 = arith.constant 0 : i32
    %dma_wait3A_32 = tpu.memref_slice %arg2[%dma_wait3A_30, %dma_wait3A_31] : memref<20000x128xf32, #tpu.memory_space<hbm>> -> memref<20000x128xf32, #tpu.memory_space<hbm>>
    tpu.wait_indirect_dma semaphore(%arg16 : memref<!tpu.dma_semaphore, #tpu.memory_space<semaphore_mem>>) src(%dma_wait3A_32 : memref<20000x128xf32, #tpu.memory_space<hbm>>) dst(%arg8 : memref<80x128xf32, #tpu.memory_space<vmem>>)
    %dma_wait3A_33 = arith.constant 9920 : i32
    %dma_wait3A_34 = tpu.memref_slice %arg7[%dma_wait3A_33] : memref<10000xi32, #tpu.memory_space<vmem>> -> memref<80xi32, #tpu.memory_space<vmem>>
    %dma_wait3A_35 = arith.constant 0 : i32
    %dma_wait3A_36 = arith.constant 0 : i32
    %dma_wait3A_37 = tpu.memref_slice %arg2[%dma_wait3A_35, %dma_wait3A_36] : memref<20000x128xf32, #tpu.memory_space<hbm>> -> memref<20000x128xf32, #tpu.memory_space<hbm>>
    tpu.wait_indirect_dma semaphore(%arg17 : memref<!tpu.dma_semaphore, #tpu.memory_space<semaphore_mem>>) src(%dma_wait3A_37 : memref<20000x128xf32, #tpu.memory_space<hbm>>) dst(%arg9 : memref<80x128xf32, #tpu.memory_space<vmem>>)
    %scan3A_38 = arith.constant 0 : i32
    %scan3A_39 = arith.constant 0 : i32
    %scan3A_40 = arith.constant 5 : i32
    %scan3A_41 = arith.addi %scan3A_39, %scan3A_40 : i32
    %scan3A_42 = arith.constant 1 : i32
    %scan3A_43 = scf.for %scan3A_48 = %scan3A_39 to %scan3A_41 step %scan3A_42 iter_args(%scan3A_49 = %scan3A_38) -> (i32)  : i32 {
      %mul3A_50 = arith.constant 16 : i32
      %mul3A_51 = arith.muli %scan3A_48, %mul3A_50 : i32
      %add3A_52 = arith.constant 0 : i32
      %add3A_53 = arith.addi %mul3A_51, %add3A_52 : i32
      %get3A = arith.index_cast %add3A_53 : i32 to index
      %get3A_54 = arith.constant 0 : index
      %get3A_55 = tpu.vector_load %arg8[%get3A, %get3A_54] {strides = array<i32>} : memref<80x128xf32, #tpu.memory_space<vmem>>, vector<16xf32>,
      %get3A_56 = arith.index_cast %add3A_53 : i32 to index
      %get3A_57 = arith.constant 0 : index
      %get3A_58 = tpu.vector_load %arg9[%get3A_56, %get3A_57] {strides = array<i32>} : memref<80x128xf32, #tpu.memory_space<vmem>>, vector<16xf32>,
      %mul3A_59 = arith.mulf %get3A_55, %get3A_58 : vector<16xf32>
      %get3A_60 = arith.index_cast %add3A_53 : i32 to index
      %get3A_61 = arith.constant 16 : index
      %get3A_62 = tpu.vector_load %arg8[%get3A_60, %get3A_61] {strides = array<i32>} : memref<80x128xf32, #tpu.memory_space<vmem>>, vector<16xf32>,
      %get3A_63 = arith.index_cast %add3A_53 : i32 to index
      %get3A_64 = arith.constant 16 : index
      %get3A_65 = tpu.vector_load %arg9[%get3A_63, %get3A_64] {strides = array<i32>} : memref<80x128xf32, #tpu.memory_space<vmem>>, vector<16xf32>,
      %mul3A_66 = arith.mulf %get3A_62, %get3A_65 : vector<16xf32>
      %add3A_67 = arith.addf %mul3A_59, %mul3A_66 : vector<16xf32>
      %get3A_68 = arith.index_cast %add3A_53 : i32 to index
      %get3A_69 = arith.constant 32 : index
      %get3A_70 = tpu.vector_load %arg8[%get3A_68, %get3A_69] {strides = array<i32>} : memref<80x128xf32, #tpu.memory_space<vmem>>, vector<16xf32>,
      %get3A_71 = arith.index_cast %add3A_53 : i32 to index
      %get3A_72 = arith.constant 32 : index
      %get3A_73 = tpu.vector_load %arg9[%get3A_71, %get3A_72] {strides = array<i32>} : memref<80x128xf32, #tpu.memory_space<vmem>>, vector<16xf32>,
      %mul3A_74 = arith.mulf %get3A_70, %get3A_73 : vector<16xf32>
      %add3A_75 = arith.addf %add3A_67, %mul3A_74 : vector<16xf32>
      %get3A_76 = arith.index_cast %add3A_53 : i32 to index
      %get3A_77 = arith.constant 48 : index
      %get3A_78 = tpu.vector_load %arg8[%get3A_76, %get3A_77] {strides = array<i32>} : memref<80x128xf32, #tpu.memory_space<vmem>>, vector<16xf32>,
      %get3A_79 = arith.index_cast %add3A_53 : i32 to index
      %get3A_80 = arith.constant 48 : index
      %get3A_81 = tpu.vector_load %arg9[%get3A_79, %get3A_80] {strides = array<i32>} : memref<80x128xf32, #tpu.memory_space<vmem>>, vector<16xf32>,
      %mul3A_82 = arith.mulf %get3A_78, %get3A_81 : vector<16xf32>
      %add3A_83 = arith.addf %add3A_75, %mul3A_82 : vector<16xf32>
      %get3A_84 = arith.index_cast %add3A_53 : i32 to index
      %get3A_85 = arith.constant 64 : index
      %get3A_86 = tpu.vector_load %arg8[%get3A_84, %get3A_85] {strides = array<i32>} : memref<80x128xf32, #tpu.memory_space<vmem>>, vector<16xf32>,
      %get3A_87 = arith.index_cast %add3A_53 : i32 to index
      %get3A_88 = arith.constant 64 : index
      %get3A_89 = tpu.vector_load %arg9[%get3A_87, %get3A_88] {strides = array<i32>} : memref<80x128xf32, #tpu.memory_space<vmem>>, vector<16xf32>,
      %mul3A_90 = arith.mulf %get3A_86, %get3A_89 : vector<16xf32>
      %add3A_91 = arith.addf %add3A_83, %mul3A_90 : vector<16xf32>
      %get3A_92 = arith.index_cast %add3A_53 : i32 to index
      %get3A_93 = arith.constant 80 : index
      %get3A_94 = tpu.vector_load %arg8[%get3A_92, %get3A_93] {strides = array<i32>} : memref<80x128xf32, #tpu.memory_space<vmem>>, vector<16xf32>,
      %get3A_95 = arith.index_cast %add3A_53 : i32 to index
      %get3A_96 = arith.constant 80 : index
      %get3A_97 = tpu.vector_load %arg9[%get3A_95, %get3A_96] {strides = array<i32>} : memref<80x128xf32, #tpu.memory_space<vmem>>, vector<16xf32>,
      %mul3A_98 = arith.mulf %get3A_94, %get3A_97 : vector<16xf32>
      %add3A_99 = arith.addf %add3A_91, %mul3A_98 : vector<16xf32>
      %get3A_100 = arith.index_cast %add3A_53 : i32 to index
      %get3A_101 = arith.constant 96 : index
      %get3A_102 = tpu.vector_load %arg8[%get3A_100, %get3A_101] {strides = array<i32>} : memref<80x128xf32, #tpu.memory_space<vmem>>, vector<16xf32>,
      %get3A_103 = arith.index_cast %add3A_53 : i32 to index
      %get3A_104 = arith.constant 96 : index
      %get3A_105 = tpu.vector_load %arg9[%get3A_103, %get3A_104] {strides = array<i32>} : memref<80x128xf32, #tpu.memory_space<vmem>>, vector<16xf32>,
      %mul3A_106 = arith.mulf %get3A_102, %get3A_105 : vector<16xf32>
      %add3A_107 = arith.addf %add3A_99, %mul3A_106 : vector<16xf32>
      %get3A_108 = arith.index_cast %add3A_53 : i32 to index
      %get3A_109 = arith.constant 112 : index
      %get3A_110 = tpu.vector_load %arg8[%get3A_108, %get3A_109] {strides = array<i32>} : memref<80x128xf32, #tpu.memory_space<vmem>>, vector<16xf32>,
      %get3A_111 = arith.index_cast %add3A_53 : i32 to index
      %get3A_112 = arith.constant 112 : index
      %get3A_113 = tpu.vector_load %arg9[%get3A_111, %get3A_112] {strides = array<i32>} : memref<80x128xf32, #tpu.memory_space<vmem>>, vector<16xf32>,
      %mul3A_114 = arith.mulf %get3A_110, %get3A_113 : vector<16xf32>
      %add3A_115 = arith.addf %add3A_107, %mul3A_114 : vector<16xf32>
      %swap3A = arith.constant 0 : i32
      %swap3A_116 = arith.index_cast %swap3A : i32 to index
      %swap3A_117 = arith.constant 0 : index
      %swap3A_118 = tpu.vector_load %arg13[%swap3A_116, %swap3A_117] {strides = array<i32>} : memref<16x17xf32, #tpu.memory_space<vmem>>, vector<16xf32>,
      tpu.vector_store %arg13[%swap3A_116, %swap3A_117], %add3A_115 {strides = array<i32>} : memref<16x17xf32, #tpu.memory_space<vmem>>, vector<16xf32>,
      %mul3A_119 = arith.constant 16 : i32
      %mul3A_120 = arith.muli %scan3A_48, %mul3A_119 : i32
      %add3A_121 = arith.constant 1 : i32
      %add3A_122 = arith.addi %mul3A_120, %add3A_121 : i32
      %get3A_123 = arith.index_cast %add3A_122 : i32 to index
      %get3A_124 = arith.constant 0 : index
      %get3A_125 = tpu.vector_load %arg8[%get3A_123, %get3A_124] {strides = array<i32>} : memref<80x128xf32, #tpu.memory_space<vmem>>, vector<16xf32>,
      %get3A_126 = arith.index_cast %add3A_122 : i32 to index
      %get3A_127 = arith.constant 0 : index
      %get3A_128 = tpu.vector_load %arg9[%get3A_126, %get3A_127] {strides = array<i32>} : memref<80x128xf32, #tpu.memory_space<vmem>>, vector<16xf32>,
      %mul3A_129 = arith.mulf %get3A_125, %get3A_128 : vector<16xf32>
      %get3A_130 = arith.index_cast %add3A_122 : i32 to index
      %get3A_131 = arith.constant 16 : index
      %get3A_132 = tpu.vector_load %arg8[%get3A_130, %get3A_131] {strides = array<i32>} : memref<80x128xf32, #tpu.memory_space<vmem>>, vector<16xf32>,
      %get3A_133 = arith.index_cast %add3A_122 : i32 to index
      %get3A_134 = arith.constant 16 : index
      %get3A_135 = tpu.vector_load %arg9[%get3A_133, %get3A_134] {strides = array<i32>} : memref<80x128xf32, #tpu.memory_space<vmem>>, vector<16xf32>,
      %mul3A_136 = arith.mulf %get3A_132, %get3A_135 : vector<16xf32>
      %add3A_137 = arith.addf %mul3A_129, %mul3A_136 : vector<16xf32>
      %get3A_138 = arith.index_cast %add3A_122 : i32 to index
      %get3A_139 = arith.constant 32 : index
      %get3A_140 = tpu.vector_load %arg8[%get3A_138, %get3A_139] {strides = array<i32>} : memref<80x128xf32, #tpu.memory_space<vmem>>, vector<16xf32>,
      %get3A_141 = arith.index_cast %add3A_122 : i32 to index
      %get3A_142 = arith.constant 32 : index
      %get3A_143 = tpu.vector_load %arg9[%get3A_141, %get3A_142] {strides = array<i32>} : memref<80x128xf32, #tpu.memory_space<vmem>>, vector<16xf32>,
      %mul3A_144 = arith.mulf %get3A_140, %get3A_143 : vector<16xf32>
      %add3A_145 = arith.addf %add3A_137, %mul3A_144 : vector<16xf32>
      %get3A_146 = arith.index_cast %add3A_122 : i32 to index
      %get3A_147 = arith.constant 48 : index
      %get3A_148 = tpu.vector_load %arg8[%get3A_146, %get3A_147] {strides = array<i32>} : memref<80x128xf32, #tpu.memory_space<vmem>>, vector<16xf32>,
      %get3A_149 = arith.index_cast %add3A_122 : i32 to index
      %get3A_150 = arith.constant 48 : index
      %get3A_151 = tpu.vector_load %arg9[%get3A_149, %get3A_150] {strides = array<i32>} : memref<80x128xf32, #tpu.memory_space<vmem>>, vector<16xf32>,
      %mul3A_152 = arith.mulf %get3A_148, %get3A_151 : vector<16xf32>
      %add3A_153 = arith.addf %add3A_145, %mul3A_152 : vector<16xf32>
      %get3A_154 = arith.index_cast %add3A_122 : i32 to index
      %get3A_155 = arith.constant 64 : index
      %get3A_156 = tpu.vector_load %arg8[%get3A_154, %get3A_155] {strides = array<i32>} : memref<80x128xf32, #tpu.memory_space<vmem>>, vector<16xf32>,
      %get3A_157 = arith.index_cast %add3A_122 : i32 to index
      %get3A_158 = arith.constant 64 : index
      %get3A_159 = tpu.vector_load %arg9[%get3A_157, %get3A_158] {strides = array<i32>} : memref<80x128xf32, #tpu.memory_space<vmem>>, vector<16xf32>,
      %mul3A_160 = arith.mulf %get3A_156, %get3A_159 : vector<16xf32>
      %add3A_161 = arith.addf %add3A_153, %mul3A_160 : vector<16xf32>
      %get3A_162 = arith.index_cast %add3A_122 : i32 to index
      %get3A_163 = arith.constant 80 : index
      %get3A_164 = tpu.vector_load %arg8[%get3A_162, %get3A_163] {strides = array<i32>} : memref<80x128xf32, #tpu.memory_space<vmem>>, vector<16xf32>,
      %get3A_165 = arith.index_cast %add3A_122 : i32 to index
      %get3A_166 = arith.constant 80 : index
      %get3A_167 = tpu.vector_load %arg9[%get3A_165, %get3A_166] {strides = array<i32>} : memref<80x128xf32, #tpu.memory_space<vmem>>, vector<16xf32>,
      %mul3A_168 = arith.mulf %get3A_164, %get3A_167 : vector<16xf32>
      %add3A_169 = arith.addf %add3A_161, %mul3A_168 : vector<16xf32>
      %get3A_170 = arith.index_cast %add3A_122 : i32 to index
      %get3A_171 = arith.constant 96 : index
      %get3A_172 = tpu.vector_load %arg8[%get3A_170, %get3A_171] {strides = array<i32>} : memref<80x128xf32, #tpu.memory_space<vmem>>, vector<16xf32>,
      %get3A_173 = arith.index_cast %add3A_122 : i32 to index
      %get3A_174 = arith.constant 96 : index
      %get3A_175 = tpu.vector_load %arg9[%get3A_173, %get3A_174] {strides = array<i32>} : memref<80x128xf32, #tpu.memory_space<vmem>>, vector<16xf32>,
      %mul3A_176 = arith.mulf %get3A_172, %get3A_175 : vector<16xf32>
      %add3A_177 = arith.addf %add3A_169, %mul3A_176 : vector<16xf32>
      %get3A_178 = arith.index_cast %add3A_122 : i32 to index
      %get3A_179 = arith.constant 112 : index
      %get3A_180 = tpu.vector_load %arg8[%get3A_178, %get3A_179] {strides = array<i32>} : memref<80x128xf32, #tpu.memory_space<vmem>>, vector<16xf32>,
      %get3A_181 = arith.index_cast %add3A_122 : i32 to index
      %get3A_182 = arith.constant 112 : index
      %get3A_183 = tpu.vector_load %arg9[%get3A_181, %get3A_182] {strides = array<i32>} : memref<80x128xf32, #tpu.memory_space<vmem>>, vector<16xf32>,
      %mul3A_184 = arith.mulf %get3A_180, %get3A_183 : vector<16xf32>
      %add3A_185 = arith.addf %add3A_177, %mul3A_184 : vector<16xf32>
      %swap3A_186 = arith.constant 1 : i32
      %swap3A_187 = arith.index_cast %swap3A_186 : i32 to index
      %swap3A_188 = arith.constant 0 : index
      %swap3A_189 = tpu.vector_load %arg13[%swap3A_187, %swap3A_188] {strides = array<i32>} : memref<16x17xf32, #tpu.memory_space<vmem>>, vector<16xf32>,
      tpu.vector_store %arg13[%swap3A_187, %swap3A_188], %add3A_185 {strides = array<i32>} : memref<16x17xf32, #tpu.memory_space<vmem>>, vector<16xf32>,
      %mul3A_190 = arith.constant 16 : i32
      %mul3A_191 = arith.muli %scan3A_48, %mul3A_190 : i32
      %add3A_192 = arith.constant 2 : i32
      %add3A_193 = arith.addi %mul3A_191, %add3A_192 : i32
      %get3A_194 = arith.index_cast %add3A_193 : i32 to index
      %get3A_195 = arith.constant 0 : index
      %get3A_196 = tpu.vector_load %arg8[%get3A_194, %get3A_195] {strides = array<i32>} : memref<80x128xf32, #tpu.memory_space<vmem>>, vector<16xf32>,
      %get3A_197 = arith.index_cast %add3A_193 : i32 to index
      %get3A_198 = arith.constant 0 : index
      %get3A_199 = tpu.vector_load %arg9[%get3A_197, %get3A_198] {strides = array<i32>} : memref<80x128xf32, #tpu.memory_space<vmem>>, vector<16xf32>,
      %mul3A_200 = arith.mulf %get3A_196, %get3A_199 : vector<16xf32>
      %get3A_201 = arith.index_cast %add3A_193 : i32 to index
      %get3A_202 = arith.constant 16 : index
      %get3A_203 = tpu.vector_load %arg8[%get3A_201, %get3A_202] {strides = array<i32>} : memref<80x128xf32, #tpu.memory_space<vmem>>, vector<16xf32>,
      %get3A_204 = arith.index_cast %add3A_193 : i32 to index
      %get3A_205 = arith.constant 16 : index
      %get3A_206 = tpu.vector_load %arg9[%get3A_204, %get3A_205] {strides = array<i32>} : memref<80x128xf32, #tpu.memory_space<vmem>>, vector<16xf32>,
      %mul3A_207 = arith.mulf %get3A_203, %get3A_206 : vector<16xf32>
      %add3A_208 = arith.addf %mul3A_200, %mul3A_207 : vector<16xf32>
      %get3A_209 = arith.index_cast %add3A_193 : i32 to index
      %get3A_210 = arith.constant 32 : index
      %get3A_211 = tpu.vector_load %arg8[%get3A_209, %get3A_210] {strides = array<i32>} : memref<80x128xf32, #tpu.memory_space<vmem>>, vector<16xf32>,
      %get3A_212 = arith.index_cast %add3A_193 : i32 to index
      %get3A_213 = arith.constant 32 : index
      %get3A_214 = tpu.vector_load %arg9[%get3A_212, %get3A_213] {strides = array<i32>} : memref<80x128xf32, #tpu.memory_space<vmem>>, vector<16xf32>,
      %mul3A_215 = arith.mulf %get3A_211, %get3A_214 : vector<16xf32>
      %add3A_216 = arith.addf %add3A_208, %mul3A_215 : vector<16xf32>
      %get3A_217 = arith.index_cast %add3A_193 : i32 to index
      %get3A_218 = arith.constant 48 : index
      %get3A_219 = tpu.vector_load %arg8[%get3A_217, %get3A_218] {strides = array<i32>} : memref<80x128xf32, #tpu.memory_space<vmem>>, vector<16xf32>,
      %get3A_220 = arith.index_cast %add3A_193 : i32 to index
      %get3A_221 = arith.constant 48 : index
      %get3A_222 = tpu.vector_load %arg9[%get3A_220, %get3A_221] {strides = array<i32>} : memref<80x128xf32, #tpu.memory_space<vmem>>, vector<16xf32>,
      %mul3A_223 = arith.mulf %get3A_219, %get3A_222 : vector<16xf32>
      %add3A_224 = arith.addf %add3A_216, %mul3A_223 : vector<16xf32>
      %get3A_225 = arith.index_cast %add3A_193 : i32 to index
      %get3A_226 = arith.constant 64 : index
      %get3A_227 = tpu.vector_load %arg8[%get3A_225, %get3A_226] {strides = array<i32>} : memref<80x128xf32, #tpu.memory_space<vmem>>, vector<16xf32>,
      %get3A_228 = arith.index_cast %add3A_193 : i32 to index
      %get3A_229 = arith.constant 64 : index
      %get3A_230 = tpu.vector_load %arg9[%get3A_228, %get3A_229] {strides = array<i32>} : memref<80x128xf32, #tpu.memory_space<vmem>>, vector<16xf32>,
      %mul3A_231 = arith.mulf %get3A_227, %get3A_230 : vector<16xf32>
      %add3A_232 = arith.addf %add3A_224, %mul3A_231 : vector<16xf32>
      %get3A_233 = arith.index_cast %add3A_193 : i32 to index
      %get3A_234 = arith.constant 80 : index
      %get3A_235 = tpu.vector_load %arg8[%get3A_233, %get3A_234] {strides = array<i32>} : memref<80x128xf32, #tpu.memory_space<vmem>>, vector<16xf32>,
      %get3A_236 = arith.index_cast %add3A_193 : i32 to index
      %get3A_237 = arith.constant 80 : index
      %get3A_238 = tpu.vector_load %arg9[%get3A_236, %get3A_237] {strides = array<i32>} : memref<80x128xf32, #tpu.memory_space<vmem>>, vector<16xf32>,
      %mul3A_239 = arith.mulf %get3A_235, %get3A_238 : vector<16xf32>
      %add3A_240 = arith.addf %add3A_232, %mul3A_239 : vector<16xf32>
      %get3A_241 = arith.index_cast %add3A_193 : i32 to index
      %get3A_242 = arith.constant 96 : index
      %get3A_243 = tpu.vector_load %arg8[%get3A_241, %get3A_242] {strides = array<i32>} : memref<80x128xf32, #tpu.memory_space<vmem>>, vector<16xf32>,
      %get3A_244 = arith.index_cast %add3A_193 : i32 to index
      %get3A_245 = arith.constant 96 : index
      %get3A_246 = tpu.vector_load %arg9[%get3A_244, %get3A_245] {strides = array<i32>} : memref<80x128xf32, #tpu.memory_space<vmem>>, vector<16xf32>,
      %mul3A_247 = arith.mulf %get3A_243, %get3A_246 : vector<16xf32>
      %add3A_248 = arith.addf %add3A_240, %mul3A_247 : vector<16xf32>
      %get3A_249 = arith.index_cast %add3A_193 : i32 to index
      %get3A_250 = arith.constant 112 : index
      %get3A_251 = tpu.vector_load %arg8[%get3A_249, %get3A_250] {strides = array<i32>} : memref<80x128xf32, #tpu.memory_space<vmem>>, vector<16xf32>,
      %get3A_252 = arith.index_cast %add3A_193 : i32 to index
      %get3A_253 = arith.constant 112 : index
      %get3A_254 = tpu.vector_load %arg9[%get3A_252, %get3A_253] {strides = array<i32>} : memref<80x128xf32, #tpu.memory_space<vmem>>, vector<16xf32>,
      %mul3A_255 = arith.mulf %get3A_251, %get3A_254 : vector<16xf32>
      %add3A_256 = arith.addf %add3A_248, %mul3A_255 : vector<16xf32>
      %swap3A_257 = arith.constant 2 : i32
      %swap3A_258 = arith.index_cast %swap3A_257 : i32 to index
      %swap3A_259 = arith.constant 0 : index
      %swap3A_260 = tpu.vector_load %arg13[%swap3A_258, %swap3A_259] {strides = array<i32>} : memref<16x17xf32, #tpu.memory_space<vmem>>, vector<16xf32>,
      tpu.vector_store %arg13[%swap3A_258, %swap3A_259], %add3A_256 {strides = array<i32>} : memref<16x17xf32, #tpu.memory_space<vmem>>, vector<16xf32>,
      %mul3A_261 = arith.constant 16 : i32
      %mul3A_262 = arith.muli %scan3A_48, %mul3A_261 : i32
      %add3A_263 = arith.constant 3 : i32
      %add3A_264 = arith.addi %mul3A_262, %add3A_263 : i32
      %get3A_265 = arith.index_cast %add3A_264 : i32 to index
      %get3A_266 = arith.constant 0 : index
      %get3A_267 = tpu.vector_load %arg8[%get3A_265, %get3A_266] {strides = array<i32>} : memref<80x128xf32, #tpu.memory_space<vmem>>, vector<16xf32>,
      %get3A_268 = arith.index_cast %add3A_264 : i32 to index
      %get3A_269 = arith.constant 0 : index
      %get3A_270 = tpu.vector_load %arg9[%get3A_268, %get3A_269] {strides = array<i32>} : memref<80x128xf32, #tpu.memory_space<vmem>>, vector<16xf32>,
      %mul3A_271 = arith.mulf %get3A_267, %get3A_270 : vector<16xf32>
      %get3A_272 = arith.index_cast %add3A_264 : i32 to index
      %get3A_273 = arith.constant 16 : index
      %get3A_274 = tpu.vector_load %arg8[%get3A_272, %get3A_273] {strides = array<i32>} : memref<80x128xf32, #tpu.memory_space<vmem>>, vector<16xf32>,
      %get3A_275 = arith.index_cast %add3A_264 : i32 to index
      %get3A_276 = arith.constant 16 : index
      %get3A_277 = tpu.vector_load %arg9[%get3A_275, %get3A_276] {strides = array<i32>} : memref<80x128xf32, #tpu.memory_space<vmem>>, vector<16xf32>,
      %mul3A_278 = arith.mulf %get3A_274, %get3A_277 : vector<16xf32>
      %add3A_279 = arith.addf %mul3A_271, %mul3A_278 : vector<16xf32>
      %get3A_280 = arith.index_cast %add3A_264 : i32 to index
      %get3A_281 = arith.constant 32 : index
      %get3A_282 = tpu.vector_load %arg8[%get3A_280, %get3A_281] {strides = array<i32>} : memref<80x128xf32, #tpu.memory_space<vmem>>, vector<16xf32>,
      %get3A_283 = arith.index_cast %add3A_264 : i32 to index
      %get3A_284 = arith.constant 32 : index
      %get3A_285 = tpu.vector_load %arg9[%get3A_283, %get3A_284] {strides = array<i32>} : memref<80x128xf32, #tpu.memory_space<vmem>>, vector<16xf32>,
      %mul3A_286 = arith.mulf %get3A_282, %get3A_285 : vector<16xf32>
      %add3A_287 = arith.addf %add3A_279, %mul3A_286 : vector<16xf32>
      %get3A_288 = arith.index_cast %add3A_264 : i32 to index
      %get3A_289 = arith.constant 48 : index
      %get3A_290 = tpu.vector_load %arg8[%get3A_288, %get3A_289] {strides = array<i32>} : memref<80x128xf32, #tpu.memory_space<vmem>>, vector<16xf32>,
      %get3A_291 = arith.index_cast %add3A_264 : i32 to index
      %get3A_292 = arith.constant 48 : index
      %get3A_293 = tpu.vector_load %arg9[%get3A_291, %get3A_292] {strides = array<i32>} : memref<80x128xf32, #tpu.memory_space<vmem>>, vector<16xf32>,
      %mul3A_294 = arith.mulf %get3A_290, %get3A_293 : vector<16xf32>
      %add3A_295 = arith.addf %add3A_287, %mul3A_294 : vector<16xf32>
      %get3A_296 = arith.index_cast %add3A_264 : i32 to index
      %get3A_297 = arith.constant 64 : index
      %get3A_298 = tpu.vector_load %arg8[%get3A_296, %get3A_297] {strides = array<i32>} : memref<80x128xf32, #tpu.memory_space<vmem>>, vector<16xf32>,
      %get3A_299 = arith.index_cast %add3A_264 : i32 to index
      %get3A_300 = arith.constant 64 : index
      %get3A_301 = tpu.vector_load %arg9[%get3A_299, %get3A_300] {strides = array<i32>} : memref<80x128xf32, #tpu.memory_space<vmem>>, vector<16xf32>,
      %mul3A_302 = arith.mulf %get3A_298, %get3A_301 : vector<16xf32>
      %add3A_303 = arith.addf %add3A_295, %mul3A_302 : vector<16xf32>
      %get3A_304 = arith.index_cast %add3A_264 : i32 to index
      %get3A_305 = arith.constant 80 : index
      %get3A_306 = tpu.vector_load %arg8[%get3A_304, %get3A_305] {strides = array<i32>} : memref<80x128xf32, #tpu.memory_space<vmem>>, vector<16xf32>,
      %get3A_307 = arith.index_cast %add3A_264 : i32 to index
      %get3A_308 = arith.constant 80 : index
      %get3A_309 = tpu.vector_load %arg9[%get3A_307, %get3A_308] {strides = array<i32>} : memref<80x128xf32, #tpu.memory_space<vmem>>, vector<16xf32>,
      %mul3A_310 = arith.mulf %get3A_306, %get3A_309 : vector<16xf32>
      %add3A_311 = arith.addf %add3A_303, %mul3A_310 : vector<16xf32>
      %get3A_312 = arith.index_cast %add3A_264 : i32 to index
      %get3A_313 = arith.constant 96 : index
      %get3A_314 = tpu.vector_load %arg8[%get3A_312, %get3A_313] {strides = array<i32>} : memref<80x128xf32, #tpu.memory_space<vmem>>, vector<16xf32>,
      %get3A_315 = arith.index_cast %add3A_264 : i32 to index
      %get3A_316 = arith.constant 96 : index
      %get3A_317 = tpu.vector_load %arg9[%get3A_315, %get3A_316] {strides = array<i32>} : memref<80x128xf32, #tpu.memory_space<vmem>>, vector<16xf32>,
      %mul3A_318 = arith.mulf %get3A_314, %get3A_317 : vector<16xf32>
      %add3A_319 = arith.addf %add3A_311, %mul3A_318 : vector<16xf32>
      %get3A_320 = arith.index_cast %add3A_264 : i32 to index
      %get3A_321 = arith.constant 112 : index
      %get3A_322 = tpu.vector_load %arg8[%get3A_320, %get3A_321] {strides = array<i32>} : memref<80x128xf32, #tpu.memory_space<vmem>>, vector<16xf32>,
      %get3A_323 = arith.index_cast %add3A_264 : i32 to index
      %get3A_324 = arith.constant 112 : index
      %get3A_325 = tpu.vector_load %arg9[%get3A_323, %get3A_324] {strides = array<i32>} : memref<80x128xf32, #tpu.memory_space<vmem>>, vector<16xf32>,
      %mul3A_326 = arith.mulf %get3A_322, %get3A_325 : vector<16xf32>
      %add3A_327 = arith.addf %add3A_319, %mul3A_326 : vector<16xf32>
      %swap3A_328 = arith.constant 3 : i32
      %swap3A_329 = arith.index_cast %swap3A_328 : i32 to index
      %swap3A_330 = arith.constant 0 : index
      %swap3A_331 = tpu.vector_load %arg13[%swap3A_329, %swap3A_330] {strides = array<i32>} : memref<16x17xf32, #tpu.memory_space<vmem>>, vector<16xf32>,
      tpu.vector_store %arg13[%swap3A_329, %swap3A_330], %add3A_327 {strides = array<i32>} : memref<16x17xf32, #tpu.memory_space<vmem>>, vector<16xf32>,
      %mul3A_332 = arith.constant 16 : i32
      %mul3A_333 = arith.muli %scan3A_48, %mul3A_332 : i32
      %add3A_334 = arith.constant 4 : i32
      %add3A_335 = arith.addi %mul3A_333, %add3A_334 : i32
      %get3A_336 = arith.index_cast %add3A_335 : i32 to index
      %get3A_337 = arith.constant 0 : index
      %get3A_338 = tpu.vector_load %arg8[%get3A_336, %get3A_337] {strides = array<i32>} : memref<80x128xf32, #tpu.memory_space<vmem>>, vector<16xf32>,
      %get3A_339 = arith.index_cast %add3A_335 : i32 to index
      %get3A_340 = arith.constant 0 : index
      %get3A_341 = tpu.vector_load %arg9[%get3A_339, %get3A_340] {strides = array<i32>} : memref<80x128xf32, #tpu.memory_space<vmem>>, vector<16xf32>,
      %mul3A_342 = arith.mulf %get3A_338, %get3A_341 : vector<16xf32>
      %get3A_343 = arith.index_cast %add3A_335 : i32 to index
      %get3A_344 = arith.constant 16 : index
      %get3A_345 = tpu.vector_load %arg8[%get3A_343, %get3A_344] {strides = array<i32>} : memref<80x128xf32, #tpu.memory_space<vmem>>, vector<16xf32>,
      %get3A_346 = arith.index_cast %add3A_335 : i32 to index
      %get3A_347 = arith.constant 16 : index
      %get3A_348 = tpu.vector_load %arg9[%get3A_346, %get3A_347] {strides = array<i32>} : memref<80x128xf32, #tpu.memory_space<vmem>>, vector<16xf32>,
      %mul3A_349 = arith.mulf %get3A_345, %get3A_348 : vector<16xf32>
      %add3A_350 = arith.addf %mul3A_342, %mul3A_349 : vector<16xf32>
      %get3A_351 = arith.index_cast %add3A_335 : i32 to index
      %get3A_352 = arith.constant 32 : index
      %get3A_353 = tpu.vector_load %arg8[%get3A_351, %get3A_352] {strides = array<i32>} : memref<80x128xf32, #tpu.memory_space<vmem>>, vector<16xf32>,
      %get3A_354 = arith.index_cast %add3A_335 : i32 to index
      %get3A_355 = arith.constant 32 : index
      %get3A_356 = tpu.vector_load %arg9[%get3A_354, %get3A_355] {strides = array<i32>} : memref<80x128xf32, #tpu.memory_space<vmem>>, vector<16xf32>,
      %mul3A_357 = arith.mulf %get3A_353, %get3A_356 : vector<16xf32>
      %add3A_358 = arith.addf %add3A_350, %mul3A_357 : vector<16xf32>
      %get3A_359 = arith.index_cast %add3A_335 : i32 to index
      %get3A_360 = arith.constant 48 : index
      %get3A_361 = tpu.vector_load %arg8[%get3A_359, %get3A_360] {strides = array<i32>} : memref<80x128xf32, #tpu.memory_space<vmem>>, vector<16xf32>,
      %get3A_362 = arith.index_cast %add3A_335 : i32 to index
      %get3A_363 = arith.constant 48 : index
      %get3A_364 = tpu.vector_load %arg9[%get3A_362, %get3A_363] {strides = array<i32>} : memref<80x128xf32, #tpu.memory_space<vmem>>, vector<16xf32>,
      %mul3A_365 = arith.mulf %get3A_361, %get3A_364 : vector<16xf32>
      %add3A_366 = arith.addf %add3A_358, %mul3A_365 : vector<16xf32>
      %get3A_367 = arith.index_cast %add3A_335 : i32 to index
      %get3A_368 = arith.constant 64 : index
      %get3A_369 = tpu.vector_load %arg8[%get3A_367, %get3A_368] {strides = array<i32>} : memref<80x128xf32, #tpu.memory_space<vmem>>, vector<16xf32>,
      %get3A_370 = arith.index_cast %add3A_335 : i32 to index
      %get3A_371 = arith.constant 64 : index
      %get3A_372 = tpu.vector_load %arg9[%get3A_370, %get3A_371] {strides = array<i32>} : memref<80x128xf32, #tpu.memory_space<vmem>>, vector<16xf32>,
      %mul3A_373 = arith.mulf %get3A_369, %get3A_372 : vector<16xf32>
      %add3A_374 = arith.addf %add3A_366, %mul3A_373 : vector<16xf32>
      %get3A_375 = arith.index_cast %add3A_335 : i32 to index
      %get3A_376 = arith.constant 80 : index
      %get3A_377 = tpu.vector_load %arg8[%get3A_375, %get3A_376] {strides = array<i32>} : memref<80x128xf32, #tpu.memory_space<vmem>>, vector<16xf32>,
      %get3A_378 = arith.index_cast %add3A_335 : i32 to index
      %get3A_379 = arith.constant 80 : index
      %get3A_380 = tpu.vector_load %arg9[%get3A_378, %get3A_379] {strides = array<i32>} : memref<80x128xf32, #tpu.memory_space<vmem>>, vector<16xf32>,
      %mul3A_381 = arith.mulf %get3A_377, %get3A_380 : vector<16xf32>
      %add3A_382 = arith.addf %add3A_374, %mul3A_381 : vector<16xf32>
      %get3A_383 = arith.index_cast %add3A_335 : i32 to index
      %get3A_384 = arith.constant 96 : index
      %get3A_385 = tpu.vector_load %arg8[%get3A_383, %get3A_384] {strides = array<i32>} : memref<80x128xf32, #tpu.memory_space<vmem>>, vector<16xf32>,
      %get3A_386 = arith.index_cast %add3A_335 : i32 to index
      %get3A_387 = arith.constant 96 : index
      %get3A_388 = tpu.vector_load %arg9[%get3A_386, %get3A_387] {strides = array<i32>} : memref<80x128xf32, #tpu.memory_space<vmem>>, vector<16xf32>,
      %mul3A_389 = arith.mulf %get3A_385, %get3A_388 : vector<16xf32>
      %add3A_390 = arith.addf %add3A_382, %mul3A_389 : vector<16xf32>
      %get3A_391 = arith.index_cast %add3A_335 : i32 to index
      %get3A_392 = arith.constant 112 : index
      %get3A_393 = tpu.vector_load %arg8[%get3A_391, %get3A_392] {strides = array<i32>} : memref<80x128xf32, #tpu.memory_space<vmem>>, vector<16xf32>,
      %get3A_394 = arith.index_cast %add3A_335 : i32 to index
      %get3A_395 = arith.constant 112 : index
      %get3A_396 = tpu.vector_load %arg9[%get3A_394, %get3A_395] {strides = array<i32>} : memref<80x128xf32, #tpu.memory_space<vmem>>, vector<16xf32>,
      %mul3A_397 = arith.mulf %get3A_393, %get3A_396 : vector<16xf32>
      %add3A_398 = arith.addf %add3A_390, %mul3A_397 : vector<16xf32>
      %swap3A_399 = arith.constant 4 : i32
      %swap3A_400 = arith.index_cast %swap3A_399 : i32 to index
      %swap3A_401 = arith.constant 0 : index
      %swap3A_402 = tpu.vector_load %arg13[%swap3A_400, %swap3A_401] {strides = array<i32>} : memref<16x17xf32, #tpu.memory_space<vmem>>, vector<16xf32>,
      tpu.vector_store %arg13[%swap3A_400, %swap3A_401], %add3A_398 {strides = array<i32>} : memref<16x17xf32, #tpu.memory_space<vmem>>, vector<16xf32>,
      %mul3A_403 = arith.constant 16 : i32
      %mul3A_404 = arith.muli %scan3A_48, %mul3A_403 : i32
      %add3A_405 = arith.constant 5 : i32
      %add3A_406 = arith.addi %mul3A_404, %add3A_405 : i32
      %get3A_407 = arith.index_cast %add3A_406 : i32 to index
      %get3A_408 = arith.constant 0 : index
      %get3A_409 = tpu.vector_load %arg8[%get3A_407, %get3A_408] {strides = array<i32>} : memref<80x128xf32, #tpu.memory_space<vmem>>, vector<16xf32>,
      %get3A_410 = arith.index_cast %add3A_406 : i32 to index
      %get3A_411 = arith.constant 0 : index
      %get3A_412 = tpu.vector_load %arg9[%get3A_410, %get3A_411] {strides = array<i32>} : memref<80x128xf32, #tpu.memory_space<vmem>>, vector<16xf32>,
      %mul3A_413 = arith.mulf %get3A_409, %get3A_412 : vector<16xf32>
      %get3A_414 = arith.index_cast %add3A_406 : i32 to index
      %get3A_415 = arith.constant 16 : index
      %get3A_416 = tpu.vector_load %arg8[%get3A_414, %get3A_415] {strides = array<i32>} : memref<80x128xf32, #tpu.memory_space<vmem>>, vector<16xf32>,
      %get3A_417 = arith.index_cast %add3A_406 : i32 to index
      %get3A_418 = arith.constant 16 : index
      %get3A_419 = tpu.vector_load %arg9[%get3A_417, %get3A_418] {strides = array<i32>} : memref<80x128xf32, #tpu.memory_space<vmem>>, vector<16xf32>,
      %mul3A_420 = arith.mulf %get3A_416, %get3A_419 : vector<16xf32>
      %add3A_421 = arith.addf %mul3A_413, %mul3A_420 : vector<16xf32>
      %get3A_422 = arith.index_cast %add3A_406 : i32 to index
      %get3A_423 = arith.constant 32 : index
      %get3A_424 = tpu.vector_load %arg8[%get3A_422, %get3A_423] {strides = array<i32>} : memref<80x128xf32, #tpu.memory_space<vmem>>, vector<16xf32>,
      %get3A_425 = arith.index_cast %add3A_406 : i32 to index
      %get3A_426 = arith.constant 32 : index
      %get3A_427 = tpu.vector_load %arg9[%get3A_425, %get3A_426] {strides = array<i32>} : memref<80x128xf32, #tpu.memory_space<vmem>>, vector<16xf32>,
      %mul3A_428 = arith.mulf %get3A_424, %get3A_427 : vector<16xf32>
      %add3A_429 = arith.addf %add3A_421, %mul3A_428 : vector<16xf32>
      %get3A_430 = arith.index_cast %add3A_406 : i32 to index
      %get3A_431 = arith.constant 48 : index
      %get3A_432 = tpu.vector_load %arg8[%get3A_430, %get3A_431] {strides = array<i32>} : memref<80x128xf32, #tpu.memory_space<vmem>>, vector<16xf32>,
      %get3A_433 = arith.index_cast %add3A_406 : i32 to index
      %get3A_434 = arith.constant 48 : index
      %get3A_435 = tpu.vector_load %arg9[%get3A_433, %get3A_434] {strides = array<i32>} : memref<80x128xf32, #tpu.memory_space<vmem>>, vector<16xf32>,
      %mul3A_436 = arith.mulf %get3A_432, %get3A_435 : vector<16xf32>
      %add3A_437 = arith.addf %add3A_429, %mul3A_436 : vector<16xf32>
      %get3A_438 = arith.index_cast %add3A_406 : i32 to index
      %get3A_439 = arith.constant 64 : index
      %get3A_440 = tpu.vector_load %arg8[%get3A_438, %get3A_439] {strides = array<i32>} : memref<80x128xf32, #tpu.memory_space<vmem>>, vector<16xf32>,
      %get3A_441 = arith.index_cast %add3A_406 : i32 to index
      %get3A_442 = arith.constant 64 : index
      %get3A_443 = tpu.vector_load %arg9[%get3A_441, %get3A_442] {strides = array<i32>} : memref<80x128xf32, #tpu.memory_space<vmem>>, vector<16xf32>,
      %mul3A_444 = arith.mulf %get3A_440, %get3A_443 : vector<16xf32>
      %add3A_445 = arith.addf %add3A_437, %mul3A_444 : vector<16xf32>
      %get3A_446 = arith.index_cast %add3A_406 : i32 to index
      %get3A_447 = arith.constant 80 : index
      %get3A_448 = tpu.vector_load %arg8[%get3A_446, %get3A_447] {strides = array<i32>} : memref<80x128xf32, #tpu.memory_space<vmem>>, vector<16xf32>,
      %get3A_449 = arith.index_cast %add3A_406 : i32 to index
      %get3A_450 = arith.constant 80 : index
      %get3A_451 = tpu.vector_load %arg9[%get3A_449, %get3A_450] {strides = array<i32>} : memref<80x128xf32, #tpu.memory_space<vmem>>, vector<16xf32>,
      %mul3A_452 = arith.mulf %get3A_448, %get3A_451 : vector<16xf32>
      %add3A_453 = arith.addf %add3A_445, %mul3A_452 : vector<16xf32>
      %get3A_454 = arith.index_cast %add3A_406 : i32 to index
      %get3A_455 = arith.constant 96 : index
      %get3A_456 = tpu.vector_load %arg8[%get3A_454, %get3A_455] {strides = array<i32>} : memref<80x128xf32, #tpu.memory_space<vmem>>, vector<16xf32>,
      %get3A_457 = arith.index_cast %add3A_406 : i32 to index
      %get3A_458 = arith.constant 96 : index
      %get3A_459 = tpu.vector_load %arg9[%get3A_457, %get3A_458] {strides = array<i32>} : memref<80x128xf32, #tpu.memory_space<vmem>>, vector<16xf32>,
      %mul3A_460 = arith.mulf %get3A_456, %get3A_459 : vector<16xf32>
      %add3A_461 = arith.addf %add3A_453, %mul3A_460 : vector<16xf32>
      %get3A_462 = arith.index_cast %add3A_406 : i32 to index
      %get3A_463 = arith.constant 112 : index
      %get3A_464 = tpu.vector_load %arg8[%get3A_462, %get3A_463] {strides = array<i32>} : memref<80x128xf32, #tpu.memory_space<vmem>>, vector<16xf32>,
      %get3A_465 = arith.index_cast %add3A_406 : i32 to index
      %get3A_466 = arith.constant 112 : index
      %get3A_467 = tpu.vector_load %arg9[%get3A_465, %get3A_466] {strides = array<i32>} : memref<80x128xf32, #tpu.memory_space<vmem>>, vector<16xf32>,
      %mul3A_468 = arith.mulf %get3A_464, %get3A_467 : vector<16xf32>
      %add3A_469 = arith.addf %add3A_461, %mul3A_468 : vector<16xf32>
      %swap3A_470 = arith.constant 5 : i32
      %swap3A_471 = arith.index_cast %swap3A_470 : i32 to index
      %swap3A_472 = arith.constant 0 : index
      %swap3A_473 = tpu.vector_load %arg13[%swap3A_471, %swap3A_472] {strides = array<i32>} : memref<16x17xf32, #tpu.memory_space<vmem>>, vector<16xf32>,
      tpu.vector_store %arg13[%swap3A_471, %swap3A_472], %add3A_469 {strides = array<i32>} : memref<16x17xf32, #tpu.memory_space<vmem>>, vector<16xf32>,
      %mul3A_474 = arith.constant 16 : i32
      %mul3A_475 = arith.muli %scan3A_48, %mul3A_474 : i32
      %add3A_476 = arith.constant 6 : i32
      %add3A_477 = arith.addi %mul3A_475, %add3A_476 : i32
      %get3A_478 = arith.index_cast %add3A_477 : i32 to index
      %get3A_479 = arith.constant 0 : index
      %get3A_480 = tpu.vector_load %arg8[%get3A_478, %get3A_479] {strides = array<i32>} : memref<80x128xf32, #tpu.memory_space<vmem>>, vector<16xf32>,
      %get3A_481 = arith.index_cast %add3A_477 : i32 to index
      %get3A_482 = arith.constant 0 : index
      %get3A_483 = tpu.vector_load %arg9[%get3A_481, %get3A_482] {strides = array<i32>} : memref<80x128xf32, #tpu.memory_space<vmem>>, vector<16xf32>,
      %mul3A_484 = arith.mulf %get3A_480, %get3A_483 : vector<16xf32>
      %get3A_485 = arith.index_cast %add3A_477 : i32 to index
      %get3A_486 = arith.constant 16 : index
      %get3A_487 = tpu.vector_load %arg8[%get3A_485, %get3A_486] {strides = array<i32>} : memref<80x128xf32, #tpu.memory_space<vmem>>, vector<16xf32>,
      %get3A_488 = arith.index_cast %add3A_477 : i32 to index
      %get3A_489 = arith.constant 16 : index
      %get3A_490 = tpu.vector_load %arg9[%get3A_488, %get3A_489] {strides = array<i32>} : memref<80x128xf32, #tpu.memory_space<vmem>>, vector<16xf32>,
      %mul3A_491 = arith.mulf %get3A_487, %get3A_490 : vector<16xf32>
      %add3A_492 = arith.addf %mul3A_484, %mul3A_491 : vector<16xf32>
      %get3A_493 = arith.index_cast %add3A_477 : i32 to index
      %get3A_494 = arith.constant 32 : index
      %get3A_495 = tpu.vector_load %arg8[%get3A_493, %get3A_494] {strides = array<i32>} : memref<80x128xf32, #tpu.memory_space<vmem>>, vector<16xf32>,
      %get3A_496 = arith.index_cast %add3A_477 : i32 to index
      %get3A_497 = arith.constant 32 : index
      %get3A_498 = tpu.vector_load %arg9[%get3A_496, %get3A_497] {strides = array<i32>} : memref<80x128xf32, #tpu.memory_space<vmem>>, vector<16xf32>,
      %mul3A_499 = arith.mulf %get3A_495, %get3A_498 : vector<16xf32>
      %add3A_500 = arith.addf %add3A_492, %mul3A_499 : vector<16xf32>
      %get3A_501 = arith.index_cast %add3A_477 : i32 to index
      %get3A_502 = arith.constant 48 : index
      %get3A_503 = tpu.vector_load %arg8[%get3A_501, %get3A_502] {strides = array<i32>} : memref<80x128xf32, #tpu.memory_space<vmem>>, vector<16xf32>,
      %get3A_504 = arith.index_cast %add3A_477 : i32 to index
      %get3A_505 = arith.constant 48 : index
      %get3A_506 = tpu.vector_load %arg9[%get3A_504, %get3A_505] {strides = array<i32>} : memref<80x128xf32, #tpu.memory_space<vmem>>, vector<16xf32>,
      %mul3A_507 = arith.mulf %get3A_503, %get3A_506 : vector<16xf32>
      %add3A_508 = arith.addf %add3A_500, %mul3A_507 : vector<16xf32>
      %get3A_509 = arith.index_cast %add3A_477 : i32 to index
      %get3A_510 = arith.constant 64 : index
      %get3A_511 = tpu.vector_load %arg8[%get3A_509, %get3A_510] {strides = array<i32>} : memref<80x128xf32, #tpu.memory_space<vmem>>, vector<16xf32>,
      %get3A_512 = arith.index_cast %add3A_477 : i32 to index
      %get3A_513 = arith.constant 64 : index
      %get3A_514 = tpu.vector_load %arg9[%get3A_512, %get3A_513] {strides = array<i32>} : memref<80x128xf32, #tpu.memory_space<vmem>>, vector<16xf32>,
      %mul3A_515 = arith.mulf %get3A_511, %get3A_514 : vector<16xf32>
      %add3A_516 = arith.addf %add3A_508, %mul3A_515 : vector<16xf32>
      %get3A_517 = arith.index_cast %add3A_477 : i32 to index
      %get3A_518 = arith.constant 80 : index
      %get3A_519 = tpu.vector_load %arg8[%get3A_517, %get3A_518] {strides = array<i32>} : memref<80x128xf32, #tpu.memory_space<vmem>>, vector<16xf32>,
      %get3A_520 = arith.index_cast %add3A_477 : i32 to index
      %get3A_521 = arith.constant 80 : index
      %get3A_522 = tpu.vector_load %arg9[%get3A_520, %get3A_521] {strides = array<i32>} : memref<80x128xf32, #tpu.memory_space<vmem>>, vector<16xf32>,
      %mul3A_523 = arith.mulf %get3A_519, %get3A_522 : vector<16xf32>
      %add3A_524 = arith.addf %add3A_516, %mul3A_523 : vector<16xf32>
      %get3A_525 = arith.index_cast %add3A_477 : i32 to index
      %get3A_526 = arith.constant 96 : index
      %get3A_527 = tpu.vector_load %arg8[%get3A_525, %get3A_526] {strides = array<i32>} : memref<80x128xf32, #tpu.memory_space<vmem>>, vector<16xf32>,
      %get3A_528 = arith.index_cast %add3A_477 : i32 to index
      %get3A_529 = arith.constant 96 : index
      %get3A_530 = tpu.vector_load %arg9[%get3A_528, %get3A_529] {strides = array<i32>} : memref<80x128xf32, #tpu.memory_space<vmem>>, vector<16xf32>,
      %mul3A_531 = arith.mulf %get3A_527, %get3A_530 : vector<16xf32>
      %add3A_532 = arith.addf %add3A_524, %mul3A_531 : vector<16xf32>
      %get3A_533 = arith.index_cast %add3A_477 : i32 to index
      %get3A_534 = arith.constant 112 : index
      %get3A_535 = tpu.vector_load %arg8[%get3A_533, %get3A_534] {strides = array<i32>} : memref<80x128xf32, #tpu.memory_space<vmem>>, vector<16xf32>,
      %get3A_536 = arith.index_cast %add3A_477 : i32 to index
      %get3A_537 = arith.constant 112 : index
      %get3A_538 = tpu.vector_load %arg9[%get3A_536, %get3A_537] {strides = array<i32>} : memref<80x128xf32, #tpu.memory_space<vmem>>, vector<16xf32>,
      %mul3A_539 = arith.mulf %get3A_535, %get3A_538 : vector<16xf32>
      %add3A_540 = arith.addf %add3A_532, %mul3A_539 : vector<16xf32>
      %swap3A_541 = arith.constant 6 : i32
      %swap3A_542 = arith.index_cast %swap3A_541 : i32 to index
      %swap3A_543 = arith.constant 0 : index
      %swap3A_544 = tpu.vector_load %arg13[%swap3A_542, %swap3A_543] {strides = array<i32>} : memref<16x17xf32, #tpu.memory_space<vmem>>, vector<16xf32>,
      tpu.vector_store %arg13[%swap3A_542, %swap3A_543], %add3A_540 {strides = array<i32>} : memref<16x17xf32, #tpu.memory_space<vmem>>, vector<16xf32>,
      %mul3A_545 = arith.constant 16 : i32
      %mul3A_546 = arith.muli %scan3A_48, %mul3A_545 : i32
      %add3A_547 = arith.constant 7 : i32
      %add3A_548 = arith.addi %mul3A_546, %add3A_547 : i32
      %get3A_549 = arith.index_cast %add3A_548 : i32 to index
      %get3A_550 = arith.constant 0 : index
      %get3A_551 = tpu.vector_load %arg8[%get3A_549, %get3A_550] {strides = array<i32>} : memref<80x128xf32, #tpu.memory_space<vmem>>, vector<16xf32>,
      %get3A_552 = arith.index_cast %add3A_548 : i32 to index
      %get3A_553 = arith.constant 0 : index
      %get3A_554 = tpu.vector_load %arg9[%get3A_552, %get3A_553] {strides = array<i32>} : memref<80x128xf32, #tpu.memory_space<vmem>>, vector<16xf32>,
      %mul3A_555 = arith.mulf %get3A_551, %get3A_554 : vector<16xf32>
      %get3A_556 = arith.index_cast %add3A_548 : i32 to index
      %get3A_557 = arith.constant 16 : index
      %get3A_558 = tpu.vector_load %arg8[%get3A_556, %get3A_557] {strides = array<i32>} : memref<80x128xf32, #tpu.memory_space<vmem>>, vector<16xf32>,
      %get3A_559 = arith.index_cast %add3A_548 : i32 to index
      %get3A_560 = arith.constant 16 : index
      %get3A_561 = tpu.vector_load %arg9[%get3A_559, %get3A_560] {strides = array<i32>} : memref<80x128xf32, #tpu.memory_space<vmem>>, vector<16xf32>,
      %mul3A_562 = arith.mulf %get3A_558, %get3A_561 : vector<16xf32>
      %add3A_563 = arith.addf %mul3A_555, %mul3A_562 : vector<16xf32>
      %get3A_564 = arith.index_cast %add3A_548 : i32 to index
      %get3A_565 = arith.constant 32 : index
      %get3A_566 = tpu.vector_load %arg8[%get3A_564, %get3A_565] {strides = array<i32>} : memref<80x128xf32, #tpu.memory_space<vmem>>, vector<16xf32>,
      %get3A_567 = arith.index_cast %add3A_548 : i32 to index
      %get3A_568 = arith.constant 32 : index
      %get3A_569 = tpu.vector_load %arg9[%get3A_567, %get3A_568] {strides = array<i32>} : memref<80x128xf32, #tpu.memory_space<vmem>>, vector<16xf32>,
      %mul3A_570 = arith.mulf %get3A_566, %get3A_569 : vector<16xf32>
      %add3A_571 = arith.addf %add3A_563, %mul3A_570 : vector<16xf32>
      %get3A_572 = arith.index_cast %add3A_548 : i32 to index
      %get3A_573 = arith.constant 48 : index
      %get3A_574 = tpu.vector_load %arg8[%get3A_572, %get3A_573] {strides = array<i32>} : memref<80x128xf32, #tpu.memory_space<vmem>>, vector<16xf32>,
      %get3A_575 = arith.index_cast %add3A_548 : i32 to index
      %get3A_576 = arith.constant 48 : index
      %get3A_577 = tpu.vector_load %arg9[%get3A_575, %get3A_576] {strides = array<i32>} : memref<80x128xf32, #tpu.memory_space<vmem>>, vector<16xf32>,
      %mul3A_578 = arith.mulf %get3A_574, %get3A_577 : vector<16xf32>
      %add3A_579 = arith.addf %add3A_571, %mul3A_578 : vector<16xf32>
      %get3A_580 = arith.index_cast %add3A_548 : i32 to index
      %get3A_581 = arith.constant 64 : index
      %get3A_582 = tpu.vector_load %arg8[%get3A_580, %get3A_581] {strides = array<i32>} : memref<80x128xf32, #tpu.memory_space<vmem>>, vector<16xf32>,
      %get3A_583 = arith.index_cast %add3A_548 : i32 to index
      %get3A_584 = arith.constant 64 : index
      %get3A_585 = tpu.vector_load %arg9[%get3A_583, %get3A_584] {strides = array<i32>} : memref<80x128xf32, #tpu.memory_space<vmem>>, vector<16xf32>,
      %mul3A_586 = arith.mulf %get3A_582, %get3A_585 : vector<16xf32>
      %add3A_587 = arith.addf %add3A_579, %mul3A_586 : vector<16xf32>
      %get3A_588 = arith.index_cast %add3A_548 : i32 to index
      %get3A_589 = arith.constant 80 : index
      %get3A_590 = tpu.vector_load %arg8[%get3A_588, %get3A_589] {strides = array<i32>} : memref<80x128xf32, #tpu.memory_space<vmem>>, vector<16xf32>,
      %get3A_591 = arith.index_cast %add3A_548 : i32 to index
      %get3A_592 = arith.constant 80 : index
      %get3A_593 = tpu.vector_load %arg9[%get3A_591, %get3A_592] {strides = array<i32>} : memref<80x128xf32, #tpu.memory_space<vmem>>, vector<16xf32>,
      %mul3A_594 = arith.mulf %get3A_590, %get3A_593 : vector<16xf32>
      %add3A_595 = arith.addf %add3A_587, %mul3A_594 : vector<16xf32>
      %get3A_596 = arith.index_cast %add3A_548 : i32 to index
      %get3A_597 = arith.constant 96 : index
      %get3A_598 = tpu.vector_load %arg8[%get3A_596, %get3A_597] {strides = array<i32>} : memref<80x128xf32, #tpu.memory_space<vmem>>, vector<16xf32>,
      %get3A_599 = arith.index_cast %add3A_548 : i32 to index
      %get3A_600 = arith.constant 96 : index
      %get3A_601 = tpu.vector_load %arg9[%get3A_599, %get3A_600] {strides = array<i32>} : memref<80x128xf32, #tpu.memory_space<vmem>>, vector<16xf32>,
      %mul3A_602 = arith.mulf %get3A_598, %get3A_601 : vector<16xf32>
      %add3A_603 = arith.addf %add3A_595, %mul3A_602 : vector<16xf32>
      %get3A_604 = arith.index_cast %add3A_548 : i32 to index
      %get3A_605 = arith.constant 112 : index
      %get3A_606 = tpu.vector_load %arg8[%get3A_604, %get3A_605] {strides = array<i32>} : memref<80x128xf32, #tpu.memory_space<vmem>>, vector<16xf32>,
      %get3A_607 = arith.index_cast %add3A_548 : i32 to index
      %get3A_608 = arith.constant 112 : index
      %get3A_609 = tpu.vector_load %arg9[%get3A_607, %get3A_608] {strides = array<i32>} : memref<80x128xf32, #tpu.memory_space<vmem>>, vector<16xf32>,
      %mul3A_610 = arith.mulf %get3A_606, %get3A_609 : vector<16xf32>
      %add3A_611 = arith.addf %add3A_603, %mul3A_610 : vector<16xf32>
      %swap3A_612 = arith.constant 7 : i32
      %swap3A_613 = arith.index_cast %swap3A_612 : i32 to index
      %swap3A_614 = arith.constant 0 : index
      %swap3A_615 = tpu.vector_load %arg13[%swap3A_613, %swap3A_614] {strides = array<i32>} : memref<16x17xf32, #tpu.memory_space<vmem>>, vector<16xf32>,
      tpu.vector_store %arg13[%swap3A_613, %swap3A_614], %add3A_611 {strides = array<i32>} : memref<16x17xf32, #tpu.memory_space<vmem>>, vector<16xf32>,
      %mul3A_616 = arith.constant 16 : i32
      %mul3A_617 = arith.muli %scan3A_48, %mul3A_616 : i32
      %add3A_618 = arith.constant 8 : i32
      %add3A_619 = arith.addi %mul3A_617, %add3A_618 : i32
      %get3A_620 = arith.index_cast %add3A_619 : i32 to index
      %get3A_621 = arith.constant 0 : index
      %get3A_622 = tpu.vector_load %arg8[%get3A_620, %get3A_621] {strides = array<i32>} : memref<80x128xf32, #tpu.memory_space<vmem>>, vector<16xf32>,
      %get3A_623 = arith.index_cast %add3A_619 : i32 to index
      %get3A_624 = arith.constant 0 : index
      %get3A_625 = tpu.vector_load %arg9[%get3A_623, %get3A_624] {strides = array<i32>} : memref<80x128xf32, #tpu.memory_space<vmem>>, vector<16xf32>,
      %mul3A_626 = arith.mulf %get3A_622, %get3A_625 : vector<16xf32>
      %get3A_627 = arith.index_cast %add3A_619 : i32 to index
      %get3A_628 = arith.constant 16 : index
      %get3A_629 = tpu.vector_load %arg8[%get3A_627, %get3A_628] {strides = array<i32>} : memref<80x128xf32, #tpu.memory_space<vmem>>, vector<16xf32>,
      %get3A_630 = arith.index_cast %add3A_619 : i32 to index
      %get3A_631 = arith.constant 16 : index
      %get3A_632 = tpu.vector_load %arg9[%get3A_630, %get3A_631] {strides = array<i32>} : memref<80x128xf32, #tpu.memory_space<vmem>>, vector<16xf32>,
      %mul3A_633 = arith.mulf %get3A_629, %get3A_632 : vector<16xf32>
      %add3A_634 = arith.addf %mul3A_626, %mul3A_633 : vector<16xf32>
      %get3A_635 = arith.index_cast %add3A_619 : i32 to index
      %get3A_636 = arith.constant 32 : index
      %get3A_637 = tpu.vector_load %arg8[%get3A_635, %get3A_636] {strides = array<i32>} : memref<80x128xf32, #tpu.memory_space<vmem>>, vector<16xf32>,
      %get3A_638 = arith.index_cast %add3A_619 : i32 to index
      %get3A_639 = arith.constant 32 : index
      %get3A_640 = tpu.vector_load %arg9[%get3A_638, %get3A_639] {strides = array<i32>} : memref<80x128xf32, #tpu.memory_space<vmem>>, vector<16xf32>,
      %mul3A_641 = arith.mulf %get3A_637, %get3A_640 : vector<16xf32>
      %add3A_642 = arith.addf %add3A_634, %mul3A_641 : vector<16xf32>
      %get3A_643 = arith.index_cast %add3A_619 : i32 to index
      %get3A_644 = arith.constant 48 : index
      %get3A_645 = tpu.vector_load %arg8[%get3A_643, %get3A_644] {strides = array<i32>} : memref<80x128xf32, #tpu.memory_space<vmem>>, vector<16xf32>,
      %get3A_646 = arith.index_cast %add3A_619 : i32 to index
      %get3A_647 = arith.constant 48 : index
      %get3A_648 = tpu.vector_load %arg9[%get3A_646, %get3A_647] {strides = array<i32>} : memref<80x128xf32, #tpu.memory_space<vmem>>, vector<16xf32>,
      %mul3A_649 = arith.mulf %get3A_645, %get3A_648 : vector<16xf32>
      %add3A_650 = arith.addf %add3A_642, %mul3A_649 : vector<16xf32>
      %get3A_651 = arith.index_cast %add3A_619 : i32 to index
      %get3A_652 = arith.constant 64 : index
      %get3A_653 = tpu.vector_load %arg8[%get3A_651, %get3A_652] {strides = array<i32>} : memref<80x128xf32, #tpu.memory_space<vmem>>, vector<16xf32>,
      %get3A_654 = arith.index_cast %add3A_619 : i32 to index
      %get3A_655 = arith.constant 64 : index
      %get3A_656 = tpu.vector_load %arg9[%get3A_654, %get3A_655] {strides = array<i32>} : memref<80x128xf32, #tpu.memory_space<vmem>>, vector<16xf32>,
      %mul3A_657 = arith.mulf %get3A_653, %get3A_656 : vector<16xf32>
      %add3A_658 = arith.addf %add3A_650, %mul3A_657 : vector<16xf32>
      %get3A_659 = arith.index_cast %add3A_619 : i32 to index
      %get3A_660 = arith.constant 80 : index
      %get3A_661 = tpu.vector_load %arg8[%get3A_659, %get3A_660] {strides = array<i32>} : memref<80x128xf32, #tpu.memory_space<vmem>>, vector<16xf32>,
      %get3A_662 = arith.index_cast %add3A_619 : i32 to index
      %get3A_663 = arith.constant 80 : index
      %get3A_664 = tpu.vector_load %arg9[%get3A_662, %get3A_663] {strides = array<i32>} : memref<80x128xf32, #tpu.memory_space<vmem>>, vector<16xf32>,
      %mul3A_665 = arith.mulf %get3A_661, %get3A_664 : vector<16xf32>
      %add3A_666 = arith.addf %add3A_658, %mul3A_665 : vector<16xf32>
      %get3A_667 = arith.index_cast %add3A_619 : i32 to index
      %get3A_668 = arith.constant 96 : index
      %get3A_669 = tpu.vector_load %arg8[%get3A_667, %get3A_668] {strides = array<i32>} : memref<80x128xf32, #tpu.memory_space<vmem>>, vector<16xf32>,
      %get3A_670 = arith.index_cast %add3A_619 : i32 to index
      %get3A_671 = arith.constant 96 : index
      %get3A_672 = tpu.vector_load %arg9[%get3A_670, %get3A_671] {strides = array<i32>} : memref<80x128xf32, #tpu.memory_space<vmem>>, vector<16xf32>,
      %mul3A_673 = arith.mulf %get3A_669, %get3A_672 : vector<16xf32>
      %add3A_674 = arith.addf %add3A_666, %mul3A_673 : vector<16xf32>
      %get3A_675 = arith.index_cast %add3A_619 : i32 to index
      %get3A_676 = arith.constant 112 : index
      %get3A_677 = tpu.vector_load %arg8[%get3A_675, %get3A_676] {strides = array<i32>} : memref<80x128xf32, #tpu.memory_space<vmem>>, vector<16xf32>,
      %get3A_678 = arith.index_cast %add3A_619 : i32 to index
      %get3A_679 = arith.constant 112 : index
      %get3A_680 = tpu.vector_load %arg9[%get3A_678, %get3A_679] {strides = array<i32>} : memref<80x128xf32, #tpu.memory_space<vmem>>, vector<16xf32>,
      %mul3A_681 = arith.mulf %get3A_677, %get3A_680 : vector<16xf32>
      %add3A_682 = arith.addf %add3A_674, %mul3A_681 : vector<16xf32>
      %swap3A_683 = arith.constant 8 : i32
      %swap3A_684 = arith.index_cast %swap3A_683 : i32 to index
      %swap3A_685 = arith.constant 0 : index
      %swap3A_686 = tpu.vector_load %arg13[%swap3A_684, %swap3A_685] {strides = array<i32>} : memref<16x17xf32, #tpu.memory_space<vmem>>, vector<16xf32>,
      tpu.vector_store %arg13[%swap3A_684, %swap3A_685], %add3A_682 {strides = array<i32>} : memref<16x17xf32, #tpu.memory_space<vmem>>, vector<16xf32>,
      %mul3A_687 = arith.constant 16 : i32
      %mul3A_688 = arith.muli %scan3A_48, %mul3A_687 : i32
      %add3A_689 = arith.constant 9 : i32
      %add3A_690 = arith.addi %mul3A_688, %add3A_689 : i32
      %get3A_691 = arith.index_cast %add3A_690 : i32 to index
      %get3A_692 = arith.constant 0 : index
      %get3A_693 = tpu.vector_load %arg8[%get3A_691, %get3A_692] {strides = array<i32>} : memref<80x128xf32, #tpu.memory_space<vmem>>, vector<16xf32>,
      %get3A_694 = arith.index_cast %add3A_690 : i32 to index
      %get3A_695 = arith.constant 0 : index
      %get3A_696 = tpu.vector_load %arg9[%get3A_694, %get3A_695] {strides = array<i32>} : memref<80x128xf32, #tpu.memory_space<vmem>>, vector<16xf32>,
      %mul3A_697 = arith.mulf %get3A_693, %get3A_696 : vector<16xf32>
      %get3A_698 = arith.index_cast %add3A_690 : i32 to index
      %get3A_699 = arith.constant 16 : index
      %get3A_700 = tpu.vector_load %arg8[%get3A_698, %get3A_699] {strides = array<i32>} : memref<80x128xf32, #tpu.memory_space<vmem>>, vector<16xf32>,
      %get3A_701 = arith.index_cast %add3A_690 : i32 to index
      %get3A_702 = arith.constant 16 : index
      %get3A_703 = tpu.vector_load %arg9[%get3A_701, %get3A_702] {strides = array<i32>} : memref<80x128xf32, #tpu.memory_space<vmem>>, vector<16xf32>,
      %mul3A_704 = arith.mulf %get3A_700, %get3A_703 : vector<16xf32>
      %add3A_705 = arith.addf %mul3A_697, %mul3A_704 : vector<16xf32>
      %get3A_706 = arith.index_cast %add3A_690 : i32 to index
      %get3A_707 = arith.constant 32 : index
      %get3A_708 = tpu.vector_load %arg8[%get3A_706, %get3A_707] {strides = array<i32>} : memref<80x128xf32, #tpu.memory_space<vmem>>, vector<16xf32>,
      %get3A_709 = arith.index_cast %add3A_690 : i32 to index
      %get3A_710 = arith.constant 32 : index
      %get3A_711 = tpu.vector_load %arg9[%get3A_709, %get3A_710] {strides = array<i32>} : memref<80x128xf32, #tpu.memory_space<vmem>>, vector<16xf32>,
      %mul3A_712 = arith.mulf %get3A_708, %get3A_711 : vector<16xf32>
      %add3A_713 = arith.addf %add3A_705, %mul3A_712 : vector<16xf32>
      %get3A_714 = arith.index_cast %add3A_690 : i32 to index
      %get3A_715 = arith.constant 48 : index
      %get3A_716 = tpu.vector_load %arg8[%get3A_714, %get3A_715] {strides = array<i32>} : memref<80x128xf32, #tpu.memory_space<vmem>>, vector<16xf32>,
      %get3A_717 = arith.index_cast %add3A_690 : i32 to index
      %get3A_718 = arith.constant 48 : index
      %get3A_719 = tpu.vector_load %arg9[%get3A_717, %get3A_718] {strides = array<i32>} : memref<80x128xf32, #tpu.memory_space<vmem>>, vector<16xf32>,
      %mul3A_720 = arith.mulf %get3A_716, %get3A_719 : vector<16xf32>
      %add3A_721 = arith.addf %add3A_713, %mul3A_720 : vector<16xf32>
      %get3A_722 = arith.index_cast %add3A_690 : i32 to index
      %get3A_723 = arith.constant 64 : index
      %get3A_724 = tpu.vector_load %arg8[%get3A_722, %get3A_723] {strides = array<i32>} : memref<80x128xf32, #tpu.memory_space<vmem>>, vector<16xf32>,
      %get3A_725 = arith.index_cast %add3A_690 : i32 to index
      %get3A_726 = arith.constant 64 : index
      %get3A_727 = tpu.vector_load %arg9[%get3A_725, %get3A_726] {strides = array<i32>} : memref<80x128xf32, #tpu.memory_space<vmem>>, vector<16xf32>,
      %mul3A_728 = arith.mulf %get3A_724, %get3A_727 : vector<16xf32>
      %add3A_729 = arith.addf %add3A_721, %mul3A_728 : vector<16xf32>
      %get3A_730 = arith.index_cast %add3A_690 : i32 to index
      %get3A_731 = arith.constant 80 : index
      %get3A_732 = tpu.vector_load %arg8[%get3A_730, %get3A_731] {strides = array<i32>} : memref<80x128xf32, #tpu.memory_space<vmem>>, vector<16xf32>,
      %get3A_733 = arith.index_cast %add3A_690 : i32 to index
      %get3A_734 = arith.constant 80 : index
      %get3A_735 = tpu.vector_load %arg9[%get3A_733, %get3A_734] {strides = array<i32>} : memref<80x128xf32, #tpu.memory_space<vmem>>, vector<16xf32>,
      %mul3A_736 = arith.mulf %get3A_732, %get3A_735 : vector<16xf32>
      %add3A_737 = arith.addf %add3A_729, %mul3A_736 : vector<16xf32>
      %get3A_738 = arith.index_cast %add3A_690 : i32 to index
      %get3A_739 = arith.constant 96 : index
      %get3A_740 = tpu.vector_load %arg8[%get3A_738, %get3A_739] {strides = array<i32>} : memref<80x128xf32, #tpu.memory_space<vmem>>, vector<16xf32>,
      %get3A_741 = arith.index_cast %add3A_690 : i32 to index
      %get3A_742 = arith.constant 96 : index
      %get3A_743 = tpu.vector_load %arg9[%get3A_741, %get3A_742] {strides = array<i32>} : memref<80x128xf32, #tpu.memory_space<vmem>>, vector<16xf32>,
      %mul3A_744 = arith.mulf %get3A_740, %get3A_743 : vector<16xf32>
      %add3A_745 = arith.addf %add3A_737, %mul3A_744 : vector<16xf32>
      %get3A_746 = arith.index_cast %add3A_690 : i32 to index
      %get3A_747 = arith.constant 112 : index
      %get3A_748 = tpu.vector_load %arg8[%get3A_746, %get3A_747] {strides = array<i32>} : memref<80x128xf32, #tpu.memory_space<vmem>>, vector<16xf32>,
      %get3A_749 = arith.index_cast %add3A_690 : i32 to index
      %get3A_750 = arith.constant 112 : index
      %get3A_751 = tpu.vector_load %arg9[%get3A_749, %get3A_750] {strides = array<i32>} : memref<80x128xf32, #tpu.memory_space<vmem>>, vector<16xf32>,
      %mul3A_752 = arith.mulf %get3A_748, %get3A_751 : vector<16xf32>
      %add3A_753 = arith.addf %add3A_745, %mul3A_752 : vector<16xf32>
      %swap3A_754 = arith.constant 9 : i32
      %swap3A_755 = arith.index_cast %swap3A_754 : i32 to index
      %swap3A_756 = arith.constant 0 : index
      %swap3A_757 = tpu.vector_load %arg13[%swap3A_755, %swap3A_756] {strides = array<i32>} : memref<16x17xf32, #tpu.memory_space<vmem>>, vector<16xf32>,
      tpu.vector_store %arg13[%swap3A_755, %swap3A_756], %add3A_753 {strides = array<i32>} : memref<16x17xf32, #tpu.memory_space<vmem>>, vector<16xf32>,
      %mul3A_758 = arith.constant 16 : i32
      %mul3A_759 = arith.muli %scan3A_48, %mul3A_758 : i32
      %add3A_760 = arith.constant 10 : i32
      %add3A_761 = arith.addi %mul3A_759, %add3A_760 : i32
      %get3A_762 = arith.index_cast %add3A_761 : i32 to index
      %get3A_763 = arith.constant 0 : index
      %get3A_764 = tpu.vector_load %arg8[%get3A_762, %get3A_763] {strides = array<i32>} : memref<80x128xf32, #tpu.memory_space<vmem>>, vector<16xf32>,
      %get3A_765 = arith.index_cast %add3A_761 : i32 to index
      %get3A_766 = arith.constant 0 : index
      %get3A_767 = tpu.vector_load %arg9[%get3A_765, %get3A_766] {strides = array<i32>} : memref<80x128xf32, #tpu.memory_space<vmem>>, vector<16xf32>,
      %mul3A_768 = arith.mulf %get3A_764, %get3A_767 : vector<16xf32>
      %get3A_769 = arith.index_cast %add3A_761 : i32 to index
      %get3A_770 = arith.constant 16 : index
      %get3A_771 = tpu.vector_load %arg8[%get3A_769, %get3A_770] {strides = array<i32>} : memref<80x128xf32, #tpu.memory_space<vmem>>, vector<16xf32>,
      %get3A_772 = arith.index_cast %add3A_761 : i32 to index
      %get3A_773 = arith.constant 16 : index
      %get3A_774 = tpu.vector_load %arg9[%get3A_772, %get3A_773] {strides = array<i32>} : memref<80x128xf32, #tpu.memory_space<vmem>>, vector<16xf32>,
      %mul3A_775 = arith.mulf %get3A_771, %get3A_774 : vector<16xf32>
      %add3A_776 = arith.addf %mul3A_768, %mul3A_775 : vector<16xf32>
      %get3A_777 = arith.index_cast %add3A_761 : i32 to index
      %get3A_778 = arith.constant 32 : index
      %get3A_779 = tpu.vector_load %arg8[%get3A_777, %get3A_778] {strides = array<i32>} : memref<80x128xf32, #tpu.memory_space<vmem>>, vector<16xf32>,
      %get3A_780 = arith.index_cast %add3A_761 : i32 to index
      %get3A_781 = arith.constant 32 : index
      %get3A_782 = tpu.vector_load %arg9[%get3A_780, %get3A_781] {strides = array<i32>} : memref<80x128xf32, #tpu.memory_space<vmem>>, vector<16xf32>,
      %mul3A_783 = arith.mulf %get3A_779, %get3A_782 : vector<16xf32>
      %add3A_784 = arith.addf %add3A_776, %mul3A_783 : vector<16xf32>
      %get3A_785 = arith.index_cast %add3A_761 : i32 to index
      %get3A_786 = arith.constant 48 : index
      %get3A_787 = tpu.vector_load %arg8[%get3A_785, %get3A_786] {strides = array<i32>} : memref<80x128xf32, #tpu.memory_space<vmem>>, vector<16xf32>,
      %get3A_788 = arith.index_cast %add3A_761 : i32 to index
      %get3A_789 = arith.constant 48 : index
      %get3A_790 = tpu.vector_load %arg9[%get3A_788, %get3A_789] {strides = array<i32>} : memref<80x128xf32, #tpu.memory_space<vmem>>, vector<16xf32>,
      %mul3A_791 = arith.mulf %get3A_787, %get3A_790 : vector<16xf32>
      %add3A_792 = arith.addf %add3A_784, %mul3A_791 : vector<16xf32>
      %get3A_793 = arith.index_cast %add3A_761 : i32 to index
      %get3A_794 = arith.constant 64 : index
      %get3A_795 = tpu.vector_load %arg8[%get3A_793, %get3A_794] {strides = array<i32>} : memref<80x128xf32, #tpu.memory_space<vmem>>, vector<16xf32>,
      %get3A_796 = arith.index_cast %add3A_761 : i32 to index
      %get3A_797 = arith.constant 64 : index
      %get3A_798 = tpu.vector_load %arg9[%get3A_796, %get3A_797] {strides = array<i32>} : memref<80x128xf32, #tpu.memory_space<vmem>>, vector<16xf32>,
      %mul3A_799 = arith.mulf %get3A_795, %get3A_798 : vector<16xf32>
      %add3A_800 = arith.addf %add3A_792, %mul3A_799 : vector<16xf32>
      %get3A_801 = arith.index_cast %add3A_761 : i32 to index
      %get3A_802 = arith.constant 80 : index
      %get3A_803 = tpu.vector_load %arg8[%get3A_801, %get3A_802] {strides = array<i32>} : memref<80x128xf32, #tpu.memory_space<vmem>>, vector<16xf32>,
      %get3A_804 = arith.index_cast %add3A_761 : i32 to index
      %get3A_805 = arith.constant 80 : index
      %get3A_806 = tpu.vector_load %arg9[%get3A_804, %get3A_805] {strides = array<i32>} : memref<80x128xf32, #tpu.memory_space<vmem>>, vector<16xf32>,
      %mul3A_807 = arith.mulf %get3A_803, %get3A_806 : vector<16xf32>
      %add3A_808 = arith.addf %add3A_800, %mul3A_807 : vector<16xf32>
      %get3A_809 = arith.index_cast %add3A_761 : i32 to index
      %get3A_810 = arith.constant 96 : index
      %get3A_811 = tpu.vector_load %arg8[%get3A_809, %get3A_810] {strides = array<i32>} : memref<80x128xf32, #tpu.memory_space<vmem>>, vector<16xf32>,
      %get3A_812 = arith.index_cast %add3A_761 : i32 to index
      %get3A_813 = arith.constant 96 : index
      %get3A_814 = tpu.vector_load %arg9[%get3A_812, %get3A_813] {strides = array<i32>} : memref<80x128xf32, #tpu.memory_space<vmem>>, vector<16xf32>,
      %mul3A_815 = arith.mulf %get3A_811, %get3A_814 : vector<16xf32>
      %add3A_816 = arith.addf %add3A_808, %mul3A_815 : vector<16xf32>
      %get3A_817 = arith.index_cast %add3A_761 : i32 to index
      %get3A_818 = arith.constant 112 : index
      %get3A_819 = tpu.vector_load %arg8[%get3A_817, %get3A_818] {strides = array<i32>} : memref<80x128xf32, #tpu.memory_space<vmem>>, vector<16xf32>,
      %get3A_820 = arith.index_cast %add3A_761 : i32 to index
      %get3A_821 = arith.constant 112 : index
      %get3A_822 = tpu.vector_load %arg9[%get3A_820, %get3A_821] {strides = array<i32>} : memref<80x128xf32, #tpu.memory_space<vmem>>, vector<16xf32>,
      %mul3A_823 = arith.mulf %get3A_819, %get3A_822 : vector<16xf32>
      %add3A_824 = arith.addf %add3A_816, %mul3A_823 : vector<16xf32>
      %swap3A_825 = arith.constant 10 : i32
      %swap3A_826 = arith.index_cast %swap3A_825 : i32 to index
      %swap3A_827 = arith.constant 0 : index
      %swap3A_828 = tpu.vector_load %arg13[%swap3A_826, %swap3A_827] {strides = array<i32>} : memref<16x17xf32, #tpu.memory_space<vmem>>, vector<16xf32>,
      tpu.vector_store %arg13[%swap3A_826, %swap3A_827], %add3A_824 {strides = array<i32>} : memref<16x17xf32, #tpu.memory_space<vmem>>, vector<16xf32>,
      %mul3A_829 = arith.constant 16 : i32
      %mul3A_830 = arith.muli %scan3A_48, %mul3A_829 : i32
      %add3A_831 = arith.constant 11 : i32
      %add3A_832 = arith.addi %mul3A_830, %add3A_831 : i32
      %get3A_833 = arith.index_cast %add3A_832 : i32 to index
      %get3A_834 = arith.constant 0 : index
      %get3A_835 = tpu.vector_load %arg8[%get3A_833, %get3A_834] {strides = array<i32>} : memref<80x128xf32, #tpu.memory_space<vmem>>, vector<16xf32>,
      %get3A_836 = arith.index_cast %add3A_832 : i32 to index
      %get3A_837 = arith.constant 0 : index
      %get3A_838 = tpu.vector_load %arg9[%get3A_836, %get3A_837] {strides = array<i32>} : memref<80x128xf32, #tpu.memory_space<vmem>>, vector<16xf32>,
      %mul3A_839 = arith.mulf %get3A_835, %get3A_838 : vector<16xf32>
      %get3A_840 = arith.index_cast %add3A_832 : i32 to index
      %get3A_841 = arith.constant 16 : index
      %get3A_842 = tpu.vector_load %arg8[%get3A_840, %get3A_841] {strides = array<i32>} : memref<80x128xf32, #tpu.memory_space<vmem>>, vector<16xf32>,
      %get3A_843 = arith.index_cast %add3A_832 : i32 to index
      %get3A_844 = arith.constant 16 : index
      %get3A_845 = tpu.vector_load %arg9[%get3A_843, %get3A_844] {strides = array<i32>} : memref<80x128xf32, #tpu.memory_space<vmem>>, vector<16xf32>,
      %mul3A_846 = arith.mulf %get3A_842, %get3A_845 : vector<16xf32>
      %add3A_847 = arith.addf %mul3A_839, %mul3A_846 : vector<16xf32>
      %get3A_848 = arith.index_cast %add3A_832 : i32 to index
      %get3A_849 = arith.constant 32 : index
      %get3A_850 = tpu.vector_load %arg8[%get3A_848, %get3A_849] {strides = array<i32>} : memref<80x128xf32, #tpu.memory_space<vmem>>, vector<16xf32>,
      %get3A_851 = arith.index_cast %add3A_832 : i32 to index
      %get3A_852 = arith.constant 32 : index
      %get3A_853 = tpu.vector_load %arg9[%get3A_851, %get3A_852] {strides = array<i32>} : memref<80x128xf32, #tpu.memory_space<vmem>>, vector<16xf32>,
      %mul3A_854 = arith.mulf %get3A_850, %get3A_853 : vector<16xf32>
      %add3A_855 = arith.addf %add3A_847, %mul3A_854 : vector<16xf32>
      %get3A_856 = arith.index_cast %add3A_832 : i32 to index
      %get3A_857 = arith.constant 48 : index
      %get3A_858 = tpu.vector_load %arg8[%get3A_856, %get3A_857] {strides = array<i32>} : memref<80x128xf32, #tpu.memory_space<vmem>>, vector<16xf32>,
      %get3A_859 = arith.index_cast %add3A_832 : i32 to index
      %get3A_860 = arith.constant 48 : index
      %get3A_861 = tpu.vector_load %arg9[%get3A_859, %get3A_860] {strides = array<i32>} : memref<80x128xf32, #tpu.memory_space<vmem>>, vector<16xf32>,
      %mul3A_862 = arith.mulf %get3A_858, %get3A_861 : vector<16xf32>
      %add3A_863 = arith.addf %add3A_855, %mul3A_862 : vector<16xf32>
      %get3A_864 = arith.index_cast %add3A_832 : i32 to index
      %get3A_865 = arith.constant 64 : index
      %get3A_866 = tpu.vector_load %arg8[%get3A_864, %get3A_865] {strides = array<i32>} : memref<80x128xf32, #tpu.memory_space<vmem>>, vector<16xf32>,
      %get3A_867 = arith.index_cast %add3A_832 : i32 to index
      %get3A_868 = arith.constant 64 : index
      %get3A_869 = tpu.vector_load %arg9[%get3A_867, %get3A_868] {strides = array<i32>} : memref<80x128xf32, #tpu.memory_space<vmem>>, vector<16xf32>,
      %mul3A_870 = arith.mulf %get3A_866, %get3A_869 : vector<16xf32>
      %add3A_871 = arith.addf %add3A_863, %mul3A_870 : vector<16xf32>
      %get3A_872 = arith.index_cast %add3A_832 : i32 to index
      %get3A_873 = arith.constant 80 : index
      %get3A_874 = tpu.vector_load %arg8[%get3A_872, %get3A_873] {strides = array<i32>} : memref<80x128xf32, #tpu.memory_space<vmem>>, vector<16xf32>,
      %get3A_875 = arith.index_cast %add3A_832 : i32 to index
      %get3A_876 = arith.constant 80 : index
      %get3A_877 = tpu.vector_load %arg9[%get3A_875, %get3A_876] {strides = array<i32>} : memref<80x128xf32, #tpu.memory_space<vmem>>, vector<16xf32>,
      %mul3A_878 = arith.mulf %get3A_874, %get3A_877 : vector<16xf32>
      %add3A_879 = arith.addf %add3A_871, %mul3A_878 : vector<16xf32>
      %get3A_880 = arith.index_cast %add3A_832 : i32 to index
      %get3A_881 = arith.constant 96 : index
      %get3A_882 = tpu.vector_load %arg8[%get3A_880, %get3A_881] {strides = array<i32>} : memref<80x128xf32, #tpu.memory_space<vmem>>, vector<16xf32>,
      %get3A_883 = arith.index_cast %add3A_832 : i32 to index
      %get3A_884 = arith.constant 96 : index
      %get3A_885 = tpu.vector_load %arg9[%get3A_883, %get3A_884] {strides = array<i32>} : memref<80x128xf32, #tpu.memory_space<vmem>>, vector<16xf32>,
      %mul3A_886 = arith.mulf %get3A_882, %get3A_885 : vector<16xf32>
      %add3A_887 = arith.addf %add3A_879, %mul3A_886 : vector<16xf32>
      %get3A_888 = arith.index_cast %add3A_832 : i32 to index
      %get3A_889 = arith.constant 112 : index
      %get3A_890 = tpu.vector_load %arg8[%get3A_888, %get3A_889] {strides = array<i32>} : memref<80x128xf32, #tpu.memory_space<vmem>>, vector<16xf32>,
      %get3A_891 = arith.index_cast %add3A_832 : i32 to index
      %get3A_892 = arith.constant 112 : index
      %get3A_893 = tpu.vector_load %arg9[%get3A_891, %get3A_892] {strides = array<i32>} : memref<80x128xf32, #tpu.memory_space<vmem>>, vector<16xf32>,
      %mul3A_894 = arith.mulf %get3A_890, %get3A_893 : vector<16xf32>
      %add3A_895 = arith.addf %add3A_887, %mul3A_894 : vector<16xf32>
      %swap3A_896 = arith.constant 11 : i32
      %swap3A_897 = arith.index_cast %swap3A_896 : i32 to index
      %swap3A_898 = arith.constant 0 : index
      %swap3A_899 = tpu.vector_load %arg13[%swap3A_897, %swap3A_898] {strides = array<i32>} : memref<16x17xf32, #tpu.memory_space<vmem>>, vector<16xf32>,
      tpu.vector_store %arg13[%swap3A_897, %swap3A_898], %add3A_895 {strides = array<i32>} : memref<16x17xf32, #tpu.memory_space<vmem>>, vector<16xf32>,
      %mul3A_900 = arith.constant 16 : i32
      %mul3A_901 = arith.muli %scan3A_48, %mul3A_900 : i32
      %add3A_902 = arith.constant 12 : i32
      %add3A_903 = arith.addi %mul3A_901, %add3A_902 : i32
      %get3A_904 = arith.index_cast %add3A_903 : i32 to index
      %get3A_905 = arith.constant 0 : index
      %get3A_906 = tpu.vector_load %arg8[%get3A_904, %get3A_905] {strides = array<i32>} : memref<80x128xf32, #tpu.memory_space<vmem>>, vector<16xf32>,
      %get3A_907 = arith.index_cast %add3A_903 : i32 to index
      %get3A_908 = arith.constant 0 : index
      %get3A_909 = tpu.vector_load %arg9[%get3A_907, %get3A_908] {strides = array<i32>} : memref<80x128xf32, #tpu.memory_space<vmem>>, vector<16xf32>,
      %mul3A_910 = arith.mulf %get3A_906, %get3A_909 : vector<16xf32>
      %get3A_911 = arith.index_cast %add3A_903 : i32 to index
      %get3A_912 = arith.constant 16 : index
      %get3A_913 = tpu.vector_load %arg8[%get3A_911, %get3A_912] {strides = array<i32>} : memref<80x128xf32, #tpu.memory_space<vmem>>, vector<16xf32>,
      %get3A_914 = arith.index_cast %add3A_903 : i32 to index
      %get3A_915 = arith.constant 16 : index
      %get3A_916 = tpu.vector_load %arg9[%get3A_914, %get3A_915] {strides = array<i32>} : memref<80x128xf32, #tpu.memory_space<vmem>>, vector<16xf32>,
      %mul3A_917 = arith.mulf %get3A_913, %get3A_916 : vector<16xf32>
      %add3A_918 = arith.addf %mul3A_910, %mul3A_917 : vector<16xf32>
      %get3A_919 = arith.index_cast %add3A_903 : i32 to index
      %get3A_920 = arith.constant 32 : index
      %get3A_921 = tpu.vector_load %arg8[%get3A_919, %get3A_920] {strides = array<i32>} : memref<80x128xf32, #tpu.memory_space<vmem>>, vector<16xf32>,
      %get3A_922 = arith.index_cast %add3A_903 : i32 to index
      %get3A_923 = arith.constant 32 : index
      %get3A_924 = tpu.vector_load %arg9[%get3A_922, %get3A_923] {strides = array<i32>} : memref<80x128xf32, #tpu.memory_space<vmem>>, vector<16xf32>,
      %mul3A_925 = arith.mulf %get3A_921, %get3A_924 : vector<16xf32>
      %add3A_926 = arith.addf %add3A_918, %mul3A_925 : vector<16xf32>
      %get3A_927 = arith.index_cast %add3A_903 : i32 to index
      %get3A_928 = arith.constant 48 : index
      %get3A_929 = tpu.vector_load %arg8[%get3A_927, %get3A_928] {strides = array<i32>} : memref<80x128xf32, #tpu.memory_space<vmem>>, vector<16xf32>,
      %get3A_930 = arith.index_cast %add3A_903 : i32 to index
      %get3A_931 = arith.constant 48 : index
      %get3A_932 = tpu.vector_load %arg9[%get3A_930, %get3A_931] {strides = array<i32>} : memref<80x128xf32, #tpu.memory_space<vmem>>, vector<16xf32>,
      %mul3A_933 = arith.mulf %get3A_929, %get3A_932 : vector<16xf32>
      %add3A_934 = arith.addf %add3A_926, %mul3A_933 : vector<16xf32>
      %get3A_935 = arith.index_cast %add3A_903 : i32 to index
      %get3A_936 = arith.constant 64 : index
      %get3A_937 = tpu.vector_load %arg8[%get3A_935, %get3A_936] {strides = array<i32>} : memref<80x128xf32, #tpu.memory_space<vmem>>, vector<16xf32>,
      %get3A_938 = arith.index_cast %add3A_903 : i32 to index
      %get3A_939 = arith.constant 64 : index
      %get3A_940 = tpu.vector_load %arg9[%get3A_938, %get3A_939] {strides = array<i32>} : memref<80x128xf32, #tpu.memory_space<vmem>>, vector<16xf32>,
      %mul3A_941 = arith.mulf %get3A_937, %get3A_940 : vector<16xf32>
      %add3A_942 = arith.addf %add3A_934, %mul3A_941 : vector<16xf32>
      %get3A_943 = arith.index_cast %add3A_903 : i32 to index
      %get3A_944 = arith.constant 80 : index
      %get3A_945 = tpu.vector_load %arg8[%get3A_943, %get3A_944] {strides = array<i32>} : memref<80x128xf32, #tpu.memory_space<vmem>>, vector<16xf32>,
      %get3A_946 = arith.index_cast %add3A_903 : i32 to index
      %get3A_947 = arith.constant 80 : index
      %get3A_948 = tpu.vector_load %arg9[%get3A_946, %get3A_947] {strides = array<i32>} : memref<80x128xf32, #tpu.memory_space<vmem>>, vector<16xf32>,
      %mul3A_949 = arith.mulf %get3A_945, %get3A_948 : vector<16xf32>
      %add3A_950 = arith.addf %add3A_942, %mul3A_949 : vector<16xf32>
      %get3A_951 = arith.index_cast %add3A_903 : i32 to index
      %get3A_952 = arith.constant 96 : index
      %get3A_953 = tpu.vector_load %arg8[%get3A_951, %get3A_952] {strides = array<i32>} : memref<80x128xf32, #tpu.memory_space<vmem>>, vector<16xf32>,
      %get3A_954 = arith.index_cast %add3A_903 : i32 to index
      %get3A_955 = arith.constant 96 : index
      %get3A_956 = tpu.vector_load %arg9[%get3A_954, %get3A_955] {strides = array<i32>} : memref<80x128xf32, #tpu.memory_space<vmem>>, vector<16xf32>,
      %mul3A_957 = arith.mulf %get3A_953, %get3A_956 : vector<16xf32>
      %add3A_958 = arith.addf %add3A_950, %mul3A_957 : vector<16xf32>
      %get3A_959 = arith.index_cast %add3A_903 : i32 to index
      %get3A_960 = arith.constant 112 : index
      %get3A_961 = tpu.vector_load %arg8[%get3A_959, %get3A_960] {strides = array<i32>} : memref<80x128xf32, #tpu.memory_space<vmem>>, vector<16xf32>,
      %get3A_962 = arith.index_cast %add3A_903 : i32 to index
      %get3A_963 = arith.constant 112 : index
      %get3A_964 = tpu.vector_load %arg9[%get3A_962, %get3A_963] {strides = array<i32>} : memref<80x128xf32, #tpu.memory_space<vmem>>, vector<16xf32>,
      %mul3A_965 = arith.mulf %get3A_961, %get3A_964 : vector<16xf32>
      %add3A_966 = arith.addf %add3A_958, %mul3A_965 : vector<16xf32>
      %swap3A_967 = arith.constant 12 : i32
      %swap3A_968 = arith.index_cast %swap3A_967 : i32 to index
      %swap3A_969 = arith.constant 0 : index
      %swap3A_970 = tpu.vector_load %arg13[%swap3A_968, %swap3A_969] {strides = array<i32>} : memref<16x17xf32, #tpu.memory_space<vmem>>, vector<16xf32>,
      tpu.vector_store %arg13[%swap3A_968, %swap3A_969], %add3A_966 {strides = array<i32>} : memref<16x17xf32, #tpu.memory_space<vmem>>, vector<16xf32>,
      %mul3A_971 = arith.constant 16 : i32
      %mul3A_972 = arith.muli %scan3A_48, %mul3A_971 : i32
      %add3A_973 = arith.constant 13 : i32
      %add3A_974 = arith.addi %mul3A_972, %add3A_973 : i32
      %get3A_975 = arith.index_cast %add3A_974 : i32 to index
      %get3A_976 = arith.constant 0 : index
      %get3A_977 = tpu.vector_load %arg8[%get3A_975, %get3A_976] {strides = array<i32>} : memref<80x128xf32, #tpu.memory_space<vmem>>, vector<16xf32>,
      %get3A_978 = arith.index_cast %add3A_974 : i32 to index
      %get3A_979 = arith.constant 0 : index
      %get3A_980 = tpu.vector_load %arg9[%get3A_978, %get3A_979] {strides = array<i32>} : memref<80x128xf32, #tpu.memory_space<vmem>>, vector<16xf32>,
      %mul3A_981 = arith.mulf %get3A_977, %get3A_980 : vector<16xf32>
      %get3A_982 = arith.index_cast %add3A_974 : i32 to index
      %get3A_983 = arith.constant 16 : index
      %get3A_984 = tpu.vector_load %arg8[%get3A_982, %get3A_983] {strides = array<i32>} : memref<80x128xf32, #tpu.memory_space<vmem>>, vector<16xf32>,
      %get3A_985 = arith.index_cast %add3A_974 : i32 to index
      %get3A_986 = arith.constant 16 : index
      %get3A_987 = tpu.vector_load %arg9[%get3A_985, %get3A_986] {strides = array<i32>} : memref<80x128xf32, #tpu.memory_space<vmem>>, vector<16xf32>,
      %mul3A_988 = arith.mulf %get3A_984, %get3A_987 : vector<16xf32>
      %add3A_989 = arith.addf %mul3A_981, %mul3A_988 : vector<16xf32>
      %get3A_990 = arith.index_cast %add3A_974 : i32 to index
      %get3A_991 = arith.constant 32 : index
      %get3A_992 = tpu.vector_load %arg8[%get3A_990, %get3A_991] {strides = array<i32>} : memref<80x128xf32, #tpu.memory_space<vmem>>, vector<16xf32>,
      %get3A_993 = arith.index_cast %add3A_974 : i32 to index
      %get3A_994 = arith.constant 32 : index
      %get3A_995 = tpu.vector_load %arg9[%get3A_993, %get3A_994] {strides = array<i32>} : memref<80x128xf32, #tpu.memory_space<vmem>>, vector<16xf32>,
      %mul3A_996 = arith.mulf %get3A_992, %get3A_995 : vector<16xf32>
      %add3A_997 = arith.addf %add3A_989, %mul3A_996 : vector<16xf32>
      %get3A_998 = arith.index_cast %add3A_974 : i32 to index
      %get3A_999 = arith.constant 48 : index
      %get3A_1000 = tpu.vector_load %arg8[%get3A_998, %get3A_999] {strides = array<i32>} : memref<80x128xf32, #tpu.memory_space<vmem>>, vector<16xf32>,
      %get3A_1001 = arith.index_cast %add3A_974 : i32 to index
      %get3A_1002 = arith.constant 48 : index
      %get3A_1003 = tpu.vector_load %arg9[%get3A_1001, %get3A_1002] {strides = array<i32>} : memref<80x128xf32, #tpu.memory_space<vmem>>, vector<16xf32>,
      %mul3A_1004 = arith.mulf %get3A_1000, %get3A_1003 : vector<16xf32>
      %add3A_1005 = arith.addf %add3A_997, %mul3A_1004 : vector<16xf32>
      %get3A_1006 = arith.index_cast %add3A_974 : i32 to index
      %get3A_1007 = arith.constant 64 : index
      %get3A_1008 = tpu.vector_load %arg8[%get3A_1006, %get3A_1007] {strides = array<i32>} : memref<80x128xf32, #tpu.memory_space<vmem>>, vector<16xf32>,
      %get3A_1009 = arith.index_cast %add3A_974 : i32 to index
      %get3A_1010 = arith.constant 64 : index
      %get3A_1011 = tpu.vector_load %arg9[%get3A_1009, %get3A_1010] {strides = array<i32>} : memref<80x128xf32, #tpu.memory_space<vmem>>, vector<16xf32>,
      %mul3A_1012 = arith.mulf %get3A_1008, %get3A_1011 : vector<16xf32>
      %add3A_1013 = arith.addf %add3A_1005, %mul3A_1012 : vector<16xf32>
      %get3A_1014 = arith.index_cast %add3A_974 : i32 to index
      %get3A_1015 = arith.constant 80 : index
      %get3A_1016 = tpu.vector_load %arg8[%get3A_1014, %get3A_1015] {strides = array<i32>} : memref<80x128xf32, #tpu.memory_space<vmem>>, vector<16xf32>,
      %get3A_1017 = arith.index_cast %add3A_974 : i32 to index
      %get3A_1018 = arith.constant 80 : index
      %get3A_1019 = tpu.vector_load %arg9[%get3A_1017, %get3A_1018] {strides = array<i32>} : memref<80x128xf32, #tpu.memory_space<vmem>>, vector<16xf32>,
      %mul3A_1020 = arith.mulf %get3A_1016, %get3A_1019 : vector<16xf32>
      %add3A_1021 = arith.addf %add3A_1013, %mul3A_1020 : vector<16xf32>
      %get3A_1022 = arith.index_cast %add3A_974 : i32 to index
      %get3A_1023 = arith.constant 96 : index
      %get3A_1024 = tpu.vector_load %arg8[%get3A_1022, %get3A_1023] {strides = array<i32>} : memref<80x128xf32, #tpu.memory_space<vmem>>, vector<16xf32>,
      %get3A_1025 = arith.index_cast %add3A_974 : i32 to index
      %get3A_1026 = arith.constant 96 : index
      %get3A_1027 = tpu.vector_load %arg9[%get3A_1025, %get3A_1026] {strides = array<i32>} : memref<80x128xf32, #tpu.memory_space<vmem>>, vector<16xf32>,
      %mul3A_1028 = arith.mulf %get3A_1024, %get3A_1027 : vector<16xf32>
      %add3A_1029 = arith.addf %add3A_1021, %mul3A_1028 : vector<16xf32>
      %get3A_1030 = arith.index_cast %add3A_974 : i32 to index
      %get3A_1031 = arith.constant 112 : index
      %get3A_1032 = tpu.vector_load %arg8[%get3A_1030, %get3A_1031] {strides = array<i32>} : memref<80x128xf32, #tpu.memory_space<vmem>>, vector<16xf32>,
      %get3A_1033 = arith.index_cast %add3A_974 : i32 to index
      %get3A_1034 = arith.constant 112 : index
      %get3A_1035 = tpu.vector_load %arg9[%get3A_1033, %get3A_1034] {strides = array<i32>} : memref<80x128xf32, #tpu.memory_space<vmem>>, vector<16xf32>,
      %mul3A_1036 = arith.mulf %get3A_1032, %get3A_1035 : vector<16xf32>
      %add3A_1037 = arith.addf %add3A_1029, %mul3A_1036 : vector<16xf32>
      %swap3A_1038 = arith.constant 13 : i32
      %swap3A_1039 = arith.index_cast %swap3A_1038 : i32 to index
      %swap3A_1040 = arith.constant 0 : index
      %swap3A_1041 = tpu.vector_load %arg13[%swap3A_1039, %swap3A_1040] {strides = array<i32>} : memref<16x17xf32, #tpu.memory_space<vmem>>, vector<16xf32>,
      tpu.vector_store %arg13[%swap3A_1039, %swap3A_1040], %add3A_1037 {strides = array<i32>} : memref<16x17xf32, #tpu.memory_space<vmem>>, vector<16xf32>,
      %mul3A_1042 = arith.constant 16 : i32
      %mul3A_1043 = arith.muli %scan3A_48, %mul3A_1042 : i32
      %add3A_1044 = arith.constant 14 : i32
      %add3A_1045 = arith.addi %mul3A_1043, %add3A_1044 : i32
      %get3A_1046 = arith.index_cast %add3A_1045 : i32 to index
      %get3A_1047 = arith.constant 0 : index
      %get3A_1048 = tpu.vector_load %arg8[%get3A_1046, %get3A_1047] {strides = array<i32>} : memref<80x128xf32, #tpu.memory_space<vmem>>, vector<16xf32>,
      %get3A_1049 = arith.index_cast %add3A_1045 : i32 to index
      %get3A_1050 = arith.constant 0 : index
      %get3A_1051 = tpu.vector_load %arg9[%get3A_1049, %get3A_1050] {strides = array<i32>} : memref<80x128xf32, #tpu.memory_space<vmem>>, vector<16xf32>,
      %mul3A_1052 = arith.mulf %get3A_1048, %get3A_1051 : vector<16xf32>
      %get3A_1053 = arith.index_cast %add3A_1045 : i32 to index
      %get3A_1054 = arith.constant 16 : index
      %get3A_1055 = tpu.vector_load %arg8[%get3A_1053, %get3A_1054] {strides = array<i32>} : memref<80x128xf32, #tpu.memory_space<vmem>>, vector<16xf32>,
      %get3A_1056 = arith.index_cast %add3A_1045 : i32 to index
      %get3A_1057 = arith.constant 16 : index
      %get3A_1058 = tpu.vector_load %arg9[%get3A_1056, %get3A_1057] {strides = array<i32>} : memref<80x128xf32, #tpu.memory_space<vmem>>, vector<16xf32>,
      %mul3A_1059 = arith.mulf %get3A_1055, %get3A_1058 : vector<16xf32>
      %add3A_1060 = arith.addf %mul3A_1052, %mul3A_1059 : vector<16xf32>
      %get3A_1061 = arith.index_cast %add3A_1045 : i32 to index
      %get3A_1062 = arith.constant 32 : index
      %get3A_1063 = tpu.vector_load %arg8[%get3A_1061, %get3A_1062] {strides = array<i32>} : memref<80x128xf32, #tpu.memory_space<vmem>>, vector<16xf32>,
      %get3A_1064 = arith.index_cast %add3A_1045 : i32 to index
      %get3A_1065 = arith.constant 32 : index
      %get3A_1066 = tpu.vector_load %arg9[%get3A_1064, %get3A_1065] {strides = array<i32>} : memref<80x128xf32, #tpu.memory_space<vmem>>, vector<16xf32>,
      %mul3A_1067 = arith.mulf %get3A_1063, %get3A_1066 : vector<16xf32>
      %add3A_1068 = arith.addf %add3A_1060, %mul3A_1067 : vector<16xf32>
      %get3A_1069 = arith.index_cast %add3A_1045 : i32 to index
      %get3A_1070 = arith.constant 48 : index
      %get3A_1071 = tpu.vector_load %arg8[%get3A_1069, %get3A_1070] {strides = array<i32>} : memref<80x128xf32, #tpu.memory_space<vmem>>, vector<16xf32>,
      %get3A_1072 = arith.index_cast %add3A_1045 : i32 to index
      %get3A_1073 = arith.constant 48 : index
      %get3A_1074 = tpu.vector_load %arg9[%get3A_1072, %get3A_1073] {strides = array<i32>} : memref<80x128xf32, #tpu.memory_space<vmem>>, vector<16xf32>,
      %mul3A_1075 = arith.mulf %get3A_1071, %get3A_1074 : vector<16xf32>
      %add3A_1076 = arith.addf %add3A_1068, %mul3A_1075 : vector<16xf32>
      %get3A_1077 = arith.index_cast %add3A_1045 : i32 to index
      %get3A_1078 = arith.constant 64 : index
      %get3A_1079 = tpu.vector_load %arg8[%get3A_1077, %get3A_1078] {strides = array<i32>} : memref<80x128xf32, #tpu.memory_space<vmem>>, vector<16xf32>,
      %get3A_1080 = arith.index_cast %add3A_1045 : i32 to index
      %get3A_1081 = arith.constant 64 : index
      %get3A_1082 = tpu.vector_load %arg9[%get3A_1080, %get3A_1081] {strides = array<i32>} : memref<80x128xf32, #tpu.memory_space<vmem>>, vector<16xf32>,
      %mul3A_1083 = arith.mulf %get3A_1079, %get3A_1082 : vector<16xf32>
      %add3A_1084 = arith.addf %add3A_1076, %mul3A_1083 : vector<16xf32>
      %get3A_1085 = arith.index_cast %add3A_1045 : i32 to index
      %get3A_1086 = arith.constant 80 : index
      %get3A_1087 = tpu.vector_load %arg8[%get3A_1085, %get3A_1086] {strides = array<i32>} : memref<80x128xf32, #tpu.memory_space<vmem>>, vector<16xf32>,
      %get3A_1088 = arith.index_cast %add3A_1045 : i32 to index
      %get3A_1089 = arith.constant 80 : index
      %get3A_1090 = tpu.vector_load %arg9[%get3A_1088, %get3A_1089] {strides = array<i32>} : memref<80x128xf32, #tpu.memory_space<vmem>>, vector<16xf32>,
      %mul3A_1091 = arith.mulf %get3A_1087, %get3A_1090 : vector<16xf32>
      %add3A_1092 = arith.addf %add3A_1084, %mul3A_1091 : vector<16xf32>
      %get3A_1093 = arith.index_cast %add3A_1045 : i32 to index
      %get3A_1094 = arith.constant 96 : index
      %get3A_1095 = tpu.vector_load %arg8[%get3A_1093, %get3A_1094] {strides = array<i32>} : memref<80x128xf32, #tpu.memory_space<vmem>>, vector<16xf32>,
      %get3A_1096 = arith.index_cast %add3A_1045 : i32 to index
      %get3A_1097 = arith.constant 96 : index
      %get3A_1098 = tpu.vector_load %arg9[%get3A_1096, %get3A_1097] {strides = array<i32>} : memref<80x128xf32, #tpu.memory_space<vmem>>, vector<16xf32>,
      %mul3A_1099 = arith.mulf %get3A_1095, %get3A_1098 : vector<16xf32>
      %add3A_1100 = arith.addf %add3A_1092, %mul3A_1099 : vector<16xf32>
      %get3A_1101 = arith.index_cast %add3A_1045 : i32 to index
      %get3A_1102 = arith.constant 112 : index
      %get3A_1103 = tpu.vector_load %arg8[%get3A_1101, %get3A_1102] {strides = array<i32>} : memref<80x128xf32, #tpu.memory_space<vmem>>, vector<16xf32>,
      %get3A_1104 = arith.index_cast %add3A_1045 : i32 to index
      %get3A_1105 = arith.constant 112 : index
      %get3A_1106 = tpu.vector_load %arg9[%get3A_1104, %get3A_1105] {strides = array<i32>} : memref<80x128xf32, #tpu.memory_space<vmem>>, vector<16xf32>,
      %mul3A_1107 = arith.mulf %get3A_1103, %get3A_1106 : vector<16xf32>
      %add3A_1108 = arith.addf %add3A_1100, %mul3A_1107 : vector<16xf32>
      %swap3A_1109 = arith.constant 14 : i32
      %swap3A_1110 = arith.index_cast %swap3A_1109 : i32 to index
      %swap3A_1111 = arith.constant 0 : index
      %swap3A_1112 = tpu.vector_load %arg13[%swap3A_1110, %swap3A_1111] {strides = array<i32>} : memref<16x17xf32, #tpu.memory_space<vmem>>, vector<16xf32>,
      tpu.vector_store %arg13[%swap3A_1110, %swap3A_1111], %add3A_1108 {strides = array<i32>} : memref<16x17xf32, #tpu.memory_space<vmem>>, vector<16xf32>,
      %mul3A_1113 = arith.constant 16 : i32
      %mul3A_1114 = arith.muli %scan3A_48, %mul3A_1113 : i32
      %add3A_1115 = arith.constant 15 : i32
      %add3A_1116 = arith.addi %mul3A_1114, %add3A_1115 : i32
      %get3A_1117 = arith.index_cast %add3A_1116 : i32 to index
      %get3A_1118 = arith.constant 0 : index
      %get3A_1119 = tpu.vector_load %arg8[%get3A_1117, %get3A_1118] {strides = array<i32>} : memref<80x128xf32, #tpu.memory_space<vmem>>, vector<16xf32>,
      %get3A_1120 = arith.index_cast %add3A_1116 : i32 to index
      %get3A_1121 = arith.constant 0 : index
      %get3A_1122 = tpu.vector_load %arg9[%get3A_1120, %get3A_1121] {strides = array<i32>} : memref<80x128xf32, #tpu.memory_space<vmem>>, vector<16xf32>,
      %mul3A_1123 = arith.mulf %get3A_1119, %get3A_1122 : vector<16xf32>
      %get3A_1124 = arith.index_cast %add3A_1116 : i32 to index
      %get3A_1125 = arith.constant 16 : index
      %get3A_1126 = tpu.vector_load %arg8[%get3A_1124, %get3A_1125] {strides = array<i32>} : memref<80x128xf32, #tpu.memory_space<vmem>>, vector<16xf32>,
      %get3A_1127 = arith.index_cast %add3A_1116 : i32 to index
      %get3A_1128 = arith.constant 16 : index
      %get3A_1129 = tpu.vector_load %arg9[%get3A_1127, %get3A_1128] {strides = array<i32>} : memref<80x128xf32, #tpu.memory_space<vmem>>, vector<16xf32>,
      %mul3A_1130 = arith.mulf %get3A_1126, %get3A_1129 : vector<16xf32>
      %add3A_1131 = arith.addf %mul3A_1123, %mul3A_1130 : vector<16xf32>
      %get3A_1132 = arith.index_cast %add3A_1116 : i32 to index
      %get3A_1133 = arith.constant 32 : index
      %get3A_1134 = tpu.vector_load %arg8[%get3A_1132, %get3A_1133] {strides = array<i32>} : memref<80x128xf32, #tpu.memory_space<vmem>>, vector<16xf32>,
      %get3A_1135 = arith.index_cast %add3A_1116 : i32 to index
      %get3A_1136 = arith.constant 32 : index
      %get3A_1137 = tpu.vector_load %arg9[%get3A_1135, %get3A_1136] {strides = array<i32>} : memref<80x128xf32, #tpu.memory_space<vmem>>, vector<16xf32>,
      %mul3A_1138 = arith.mulf %get3A_1134, %get3A_1137 : vector<16xf32>
      %add3A_1139 = arith.addf %add3A_1131, %mul3A_1138 : vector<16xf32>
      %get3A_1140 = arith.index_cast %add3A_1116 : i32 to index
      %get3A_1141 = arith.constant 48 : index
      %get3A_1142 = tpu.vector_load %arg8[%get3A_1140, %get3A_1141] {strides = array<i32>} : memref<80x128xf32, #tpu.memory_space<vmem>>, vector<16xf32>,
      %get3A_1143 = arith.index_cast %add3A_1116 : i32 to index
      %get3A_1144 = arith.constant 48 : index
      %get3A_1145 = tpu.vector_load %arg9[%get3A_1143, %get3A_1144] {strides = array<i32>} : memref<80x128xf32, #tpu.memory_space<vmem>>, vector<16xf32>,
      %mul3A_1146 = arith.mulf %get3A_1142, %get3A_1145 : vector<16xf32>
      %add3A_1147 = arith.addf %add3A_1139, %mul3A_1146 : vector<16xf32>
      %get3A_1148 = arith.index_cast %add3A_1116 : i32 to index
      %get3A_1149 = arith.constant 64 : index
      %get3A_1150 = tpu.vector_load %arg8[%get3A_1148, %get3A_1149] {strides = array<i32>} : memref<80x128xf32, #tpu.memory_space<vmem>>, vector<16xf32>,
      %get3A_1151 = arith.index_cast %add3A_1116 : i32 to index
      %get3A_1152 = arith.constant 64 : index
      %get3A_1153 = tpu.vector_load %arg9[%get3A_1151, %get3A_1152] {strides = array<i32>} : memref<80x128xf32, #tpu.memory_space<vmem>>, vector<16xf32>,
      %mul3A_1154 = arith.mulf %get3A_1150, %get3A_1153 : vector<16xf32>
      %add3A_1155 = arith.addf %add3A_1147, %mul3A_1154 : vector<16xf32>
      %get3A_1156 = arith.index_cast %add3A_1116 : i32 to index
      %get3A_1157 = arith.constant 80 : index
      %get3A_1158 = tpu.vector_load %arg8[%get3A_1156, %get3A_1157] {strides = array<i32>} : memref<80x128xf32, #tpu.memory_space<vmem>>, vector<16xf32>,
      %get3A_1159 = arith.index_cast %add3A_1116 : i32 to index
      %get3A_1160 = arith.constant 80 : index
      %get3A_1161 = tpu.vector_load %arg9[%get3A_1159, %get3A_1160] {strides = array<i32>} : memref<80x128xf32, #tpu.memory_space<vmem>>, vector<16xf32>,
      %mul3A_1162 = arith.mulf %get3A_1158, %get3A_1161 : vector<16xf32>
      %add3A_1163 = arith.addf %add3A_1155, %mul3A_1162 : vector<16xf32>
      %get3A_1164 = arith.index_cast %add3A_1116 : i32 to index
      %get3A_1165 = arith.constant 96 : index
      %get3A_1166 = tpu.vector_load %arg8[%get3A_1164, %get3A_1165] {strides = array<i32>} : memref<80x128xf32, #tpu.memory_space<vmem>>, vector<16xf32>,
      %get3A_1167 = arith.index_cast %add3A_1116 : i32 to index
      %get3A_1168 = arith.constant 96 : index
      %get3A_1169 = tpu.vector_load %arg9[%get3A_1167, %get3A_1168] {strides = array<i32>} : memref<80x128xf32, #tpu.memory_space<vmem>>, vector<16xf32>,
      %mul3A_1170 = arith.mulf %get3A_1166, %get3A_1169 : vector<16xf32>
      %add3A_1171 = arith.addf %add3A_1163, %mul3A_1170 : vector<16xf32>
      %get3A_1172 = arith.index_cast %add3A_1116 : i32 to index
      %get3A_1173 = arith.constant 112 : index
      %get3A_1174 = tpu.vector_load %arg8[%get3A_1172, %get3A_1173] {strides = array<i32>} : memref<80x128xf32, #tpu.memory_space<vmem>>, vector<16xf32>,
      %get3A_1175 = arith.index_cast %add3A_1116 : i32 to index
      %get3A_1176 = arith.constant 112 : index
      %get3A_1177 = tpu.vector_load %arg9[%get3A_1175, %get3A_1176] {strides = array<i32>} : memref<80x128xf32, #tpu.memory_space<vmem>>, vector<16xf32>,
      %mul3A_1178 = arith.mulf %get3A_1174, %get3A_1177 : vector<16xf32>
      %add3A_1179 = arith.addf %add3A_1171, %mul3A_1178 : vector<16xf32>
      %swap3A_1180 = arith.constant 15 : i32
      %swap3A_1181 = arith.index_cast %swap3A_1180 : i32 to index
      %swap3A_1182 = arith.constant 0 : index
      %swap3A_1183 = tpu.vector_load %arg13[%swap3A_1181, %swap3A_1182] {strides = array<i32>} : memref<16x17xf32, #tpu.memory_space<vmem>>, vector<16xf32>,
      tpu.vector_store %arg13[%swap3A_1181, %swap3A_1182], %add3A_1179 {strides = array<i32>} : memref<16x17xf32, #tpu.memory_space<vmem>>, vector<16xf32>,
      %broadcast_in_dim3A = arith.constant 0.000000e+00 : f32
      %broadcast_in_dim3A_1184 = vector.broadcast %broadcast_in_dim3A : f32 to vector<16xf32>
      %broadcast_in_dim3A_1185 = arith.constant 0 : i32
      %broadcast_in_dim3A_1186 = vector.broadcast %broadcast_in_dim3A_1185 : i32 to vector<16xi32>
      %gather3A = tpu.vector_load_idx %arg13[%iota3A, %broadcast_in_dim3A_1186] : memref<16x17xf32, #tpu.memory_space<vmem>>[vector<16xi32>, vector<16xi32>], vector<16xf32>,
      %add3A_1187 = arith.addf %broadcast_in_dim3A_1184, %gather3A : vector<16xf32>
      %broadcast_in_dim3A_1188 = arith.constant 1 : i32
      %broadcast_in_dim3A_1189 = vector.broadcast %broadcast_in_dim3A_1188 : i32 to vector<16xi32>
      %gather3A_1190 = tpu.vector_load_idx %arg13[%iota3A, %broadcast_in_dim3A_1189] : memref<16x17xf32, #tpu.memory_space<vmem>>[vector<16xi32>, vector<16xi32>], vector<16xf32>,
      %add3A_1191 = arith.addf %add3A_1187, %gather3A_1190 : vector<16xf32>
      %broadcast_in_dim3A_1192 = arith.constant 2 : i32
      %broadcast_in_dim3A_1193 = vector.broadcast %broadcast_in_dim3A_1192 : i32 to vector<16xi32>
      %gather3A_1194 = tpu.vector_load_idx %arg13[%iota3A, %broadcast_in_dim3A_1193] : memref<16x17xf32, #tpu.memory_space<vmem>>[vector<16xi32>, vector<16xi32>], vector<16xf32>,
      %add3A_1195 = arith.addf %add3A_1191, %gather3A_1194 : vector<16xf32>
      %broadcast_in_dim3A_1196 = arith.constant 3 : i32
      %broadcast_in_dim3A_1197 = vector.broadcast %broadcast_in_dim3A_1196 : i32 to vector<16xi32>
      %gather3A_1198 = tpu.vector_load_idx %arg13[%iota3A, %broadcast_in_dim3A_1197] : memref<16x17xf32, #tpu.memory_space<vmem>>[vector<16xi32>, vector<16xi32>], vector<16xf32>,
      %add3A_1199 = arith.addf %add3A_1195, %gather3A_1198 : vector<16xf32>
      %broadcast_in_dim3A_1200 = arith.constant 4 : i32
      %broadcast_in_dim3A_1201 = vector.broadcast %broadcast_in_dim3A_1200 : i32 to vector<16xi32>
      %gather3A_1202 = tpu.vector_load_idx %arg13[%iota3A, %broadcast_in_dim3A_1201] : memref<16x17xf32, #tpu.memory_space<vmem>>[vector<16xi32>, vector<16xi32>], vector<16xf32>,
      %add3A_1203 = arith.addf %add3A_1199, %gather3A_1202 : vector<16xf32>
      %broadcast_in_dim3A_1204 = arith.constant 5 : i32
      %broadcast_in_dim3A_1205 = vector.broadcast %broadcast_in_dim3A_1204 : i32 to vector<16xi32>
      %gather3A_1206 = tpu.vector_load_idx %arg13[%iota3A, %broadcast_in_dim3A_1205] : memref<16x17xf32, #tpu.memory_space<vmem>>[vector<16xi32>, vector<16xi32>], vector<16xf32>,
      %add3A_1207 = arith.addf %add3A_1203, %gather3A_1206 : vector<16xf32>
      %broadcast_in_dim3A_1208 = arith.constant 6 : i32
      %broadcast_in_dim3A_1209 = vector.broadcast %broadcast_in_dim3A_1208 : i32 to vector<16xi32>
      %gather3A_1210 = tpu.vector_load_idx %arg13[%iota3A, %broadcast_in_dim3A_1209] : memref<16x17xf32, #tpu.memory_space<vmem>>[vector<16xi32>, vector<16xi32>], vector<16xf32>,
      %add3A_1211 = arith.addf %add3A_1207, %gather3A_1210 : vector<16xf32>
      %broadcast_in_dim3A_1212 = arith.constant 7 : i32
      %broadcast_in_dim3A_1213 = vector.broadcast %broadcast_in_dim3A_1212 : i32 to vector<16xi32>
      %gather3A_1214 = tpu.vector_load_idx %arg13[%iota3A, %broadcast_in_dim3A_1213] : memref<16x17xf32, #tpu.memory_space<vmem>>[vector<16xi32>, vector<16xi32>], vector<16xf32>,
      %add3A_1215 = arith.addf %add3A_1211, %gather3A_1214 : vector<16xf32>
      %broadcast_in_dim3A_1216 = arith.constant 8 : i32
      %broadcast_in_dim3A_1217 = vector.broadcast %broadcast_in_dim3A_1216 : i32 to vector<16xi32>
      %gather3A_1218 = tpu.vector_load_idx %arg13[%iota3A, %broadcast_in_dim3A_1217] : memref<16x17xf32, #tpu.memory_space<vmem>>[vector<16xi32>, vector<16xi32>], vector<16xf32>,
      %add3A_1219 = arith.addf %add3A_1215, %gather3A_1218 : vector<16xf32>
      %broadcast_in_dim3A_1220 = arith.constant 9 : i32
      %broadcast_in_dim3A_1221 = vector.broadcast %broadcast_in_dim3A_1220 : i32 to vector<16xi32>
      %gather3A_1222 = tpu.vector_load_idx %arg13[%iota3A, %broadcast_in_dim3A_1221] : memref<16x17xf32, #tpu.memory_space<vmem>>[vector<16xi32>, vector<16xi32>], vector<16xf32>,
      %add3A_1223 = arith.addf %add3A_1219, %gather3A_1222 : vector<16xf32>
      %broadcast_in_dim3A_1224 = arith.constant 10 : i32
      %broadcast_in_dim3A_1225 = vector.broadcast %broadcast_in_dim3A_1224 : i32 to vector<16xi32>
      %gather3A_1226 = tpu.vector_load_idx %arg13[%iota3A, %broadcast_in_dim3A_1225] : memref<16x17xf32, #tpu.memory_space<vmem>>[vector<16xi32>, vector<16xi32>], vector<16xf32>,
      %add3A_1227 = arith.addf %add3A_1223, %gather3A_1226 : vector<16xf32>
      %broadcast_in_dim3A_1228 = arith.constant 11 : i32
      %broadcast_in_dim3A_1229 = vector.broadcast %broadcast_in_dim3A_1228 : i32 to vector<16xi32>
      %gather3A_1230 = tpu.vector_load_idx %arg13[%iota3A, %broadcast_in_dim3A_1229] : memref<16x17xf32, #tpu.memory_space<vmem>>[vector<16xi32>, vector<16xi32>], vector<16xf32>,
      %add3A_1231 = arith.addf %add3A_1227, %gather3A_1230 : vector<16xf32>
      %broadcast_in_dim3A_1232 = arith.constant 12 : i32
      %broadcast_in_dim3A_1233 = vector.broadcast %broadcast_in_dim3A_1232 : i32 to vector<16xi32>
      %gather3A_1234 = tpu.vector_load_idx %arg13[%iota3A, %broadcast_in_dim3A_1233] : memref<16x17xf32, #tpu.memory_space<vmem>>[vector<16xi32>, vector<16xi32>], vector<16xf32>,
      %add3A_1235 = arith.addf %add3A_1231, %gather3A_1234 : vector<16xf32>
      %broadcast_in_dim3A_1236 = arith.constant 13 : i32
      %broadcast_in_dim3A_1237 = vector.broadcast %broadcast_in_dim3A_1236 : i32 to vector<16xi32>
      %gather3A_1238 = tpu.vector_load_idx %arg13[%iota3A, %broadcast_in_dim3A_1237] : memref<16x17xf32, #tpu.memory_space<vmem>>[vector<16xi32>, vector<16xi32>], vector<16xf32>,
      %add3A_1239 = arith.addf %add3A_1235, %gather3A_1238 : vector<16xf32>
      %broadcast_in_dim3A_1240 = arith.constant 14 : i32
      %broadcast_in_dim3A_1241 = vector.broadcast %broadcast_in_dim3A_1240 : i32 to vector<16xi32>
      %gather3A_1242 = tpu.vector_load_idx %arg13[%iota3A, %broadcast_in_dim3A_1241] : memref<16x17xf32, #tpu.memory_space<vmem>>[vector<16xi32>, vector<16xi32>], vector<16xf32>,
      %add3A_1243 = arith.addf %add3A_1239, %gather3A_1242 : vector<16xf32>
      %broadcast_in_dim3A_1244 = arith.constant 15 : i32
      %broadcast_in_dim3A_1245 = vector.broadcast %broadcast_in_dim3A_1244 : i32 to vector<16xi32>
      %gather3A_1246 = tpu.vector_load_idx %arg13[%iota3A, %broadcast_in_dim3A_1245] : memref<16x17xf32, #tpu.memory_space<vmem>>[vector<16xi32>, vector<16xi32>], vector<16xf32>,
      %add3A_1247 = arith.addf %add3A_1243, %gather3A_1246 : vector<16xf32>
      %exp3A = math.exp %add3A_1247 : vector<16xf32>
      %mul3A_1248 = arith.constant 16 : i32
      %mul3A_1249 = arith.muli %scan3A_48, %mul3A_1248 : i32
      %add3A_1250 = arith.constant 9920 : i32
      %add3A_1251 = arith.addi %add3A_1250, %mul3A_1249 : i32
      %swap3A_1252 = arith.index_cast %add3A_1251 : i32 to index
      %swap3A_1253 = tpu.vector_load %arg12[%swap3A_1252] {strides = array<i32>} : memref<10000xf32, #tpu.memory_space<vmem>>, vector<16xf32>,
      tpu.vector_store %arg12[%swap3A_1252], %exp3A {strides = array<i32>} : memref<10000xf32, #tpu.memory_space<vmem>>, vector<16xf32>,
      %scan3A_1254 = arith.constant 0 : i32
      scf.yield %scan3A_1254 : i32
    }
    %scan3A_44 = arith.constant 5 : i32
    "tpu.region"() ({
      %run_scoped3A = tpu.sem_alloc : memref<!tpu.dma_semaphore, #tpu.memory_space<semaphore_mem>>
      %dma_start3A_48 = tpu.memref_slice %arg4[%mul3A_2] : memref<320000xf32, #tpu.memory_space<hbm>> -> memref<10000xf32, #tpu.memory_space<hbm>>
      %dma_start3A_49 = tpu.memref_slice %arg4[%mul3A_2] : memref<320000xf32, #tpu.memory_space<hbm>> -> memref<10000xf32, #tpu.memory_space<hbm>>
      tpu.enqueue_dma source(%arg12 : memref<10000xf32, #tpu.memory_space<vmem>>) target(%dma_start3A_49 : memref<10000xf32, #tpu.memory_space<hbm>>) target_semaphore(%run_scoped3A : memref<!tpu.dma_semaphore, #tpu.memory_space<semaphore_mem>>)
      %dma_wait3A_50 = tpu.memref_slice %arg4[%mul3A_2] : memref<320000xf32, #tpu.memory_space<hbm>> -> memref<10000xf32, #tpu.memory_space<hbm>>
      %dma_wait3A_51 = tpu.memref_slice %arg4[%mul3A_2] : memref<320000xf32, #tpu.memory_space<hbm>> -> memref<10000xf32, #tpu.memory_space<hbm>>
      tpu.wait_dma2 semaphore(%run_scoped3A : memref<!tpu.dma_semaphore, #tpu.memory_space<semaphore_mem>>) src(%arg12 : memref<10000xf32, #tpu.memory_space<vmem>>) dst(%dma_wait3A_51 : memref<10000xf32, #tpu.memory_space<hbm>>)
      tpu.yield
    }) : () -> ()
    "tpu.region"() ({
      %run_scoped3A = tpu.sem_alloc : memref<!tpu.dma_semaphore, #tpu.memory_space<semaphore_mem>>
      %dma_start3A_48 = arith.constant 0 : i32
      %dma_start3A_49 = tpu.memref_slice %arg15[%dma_start3A_48] : memref<10240xf32, #tpu.memory_space<vmem_shared>> -> memref<10240xf32, #tpu.memory_space<vmem_shared>>
      tpu.enqueue_indirect_dma source(%arg12 : memref<10000xf32, #tpu.memory_space<vmem>>) target(%dma_start3A_49 : memref<10240xf32, #tpu.memory_space<vmem_shared>>) offsets(%arg6 : memref<10000xi32, #tpu.memory_space<vmem>>) semaphore(%run_scoped3A : memref<!tpu.dma_semaphore, #tpu.memory_space<semaphore_mem>>) {add = true}
      %dma_wait3A_50 = arith.constant 0 : i32
      %dma_wait3A_51 = tpu.memref_slice %arg15[%dma_wait3A_50] : memref<10240xf32, #tpu.memory_space<vmem_shared>> -> memref<10240xf32, #tpu.memory_space<vmem_shared>>
      tpu.wait_indirect_dma semaphore(%run_scoped3A : memref<!tpu.dma_semaphore, #tpu.memory_space<semaphore_mem>>) src(%arg12 : memref<10000xf32, #tpu.memory_space<vmem>>) dst(%dma_wait3A_51 : memref<10240xf32, #tpu.memory_space<vmem_shared>>)
      tpu.yield
    }) : () -> ()
    %barrier3A_45 = arith.constant 0 : index
    tpu.barrier barrier_id(%barrier3A_45)
    %eq3A = arith.constant 0 : i32
    %eq3A_46 = arith.cmpi eq, %arg1, %eq3A : i32
    %convert_element_type3A = arith.extui %eq3A_46 : i1 to i32
    %cond3A = arith.constant 0 : i32
    %cond3A_47 = arith.cmpi ne, %convert_element_type3A, %cond3A : i32
    scf.if %cond3A_47 {
      %mul3A_48 = arith.constant 10240 : i32
      %mul3A_49 = arith.muli %arg0, %mul3A_48 : i32
      "tpu.region"() ({
        %run_scoped3A = tpu.sem_alloc : memref<!tpu.dma_semaphore, #tpu.memory_space<semaphore_mem>>
        %dma_start3A_50 = tpu.memref_slice %arg5[%mul3A_49] : memref<20480xf32, #tpu.memory_space<hbm>> -> memref<10240xf32, #tpu.memory_space<hbm>>
        tpu.enqueue_dma source(%arg15 : memref<10240xf32, #tpu.memory_space<vmem_shared>>) target(%dma_start3A_50 : memref<10240xf32, #tpu.memory_space<hbm>>) target_semaphore(%run_scoped3A : memref<!tpu.dma_semaphore, #tpu.memory_space<semaphore_mem>>)
        %dma_wait3A_51 = tpu.memref_slice %arg5[%mul3A_49] : memref<20480xf32, #tpu.memory_space<hbm>> -> memref<10240xf32, #tpu.memory_space<hbm>>
        tpu.wait_dma2 semaphore(%run_scoped3A : memref<!tpu.dma_semaphore, #tpu.memory_space<semaphore_mem>>) src(%arg15 : memref<10240xf32, #tpu.memory_space<vmem_shared>>) dst(%dma_wait3A_51 : memref<10240xf32, #tpu.memory_space<hbm>>)
        tpu.yield
      }) : () -> ()
    } else {
    }
    return
  }
}

#map = affine_map<(d0, d1) -> (0)>
module attributes {stable_mosaic.version = 14 : i64} {
  func.func @_norm_body(%arg0: i32, %arg1: i32, %arg2: memref<320000xf32, #tpu.memory_space<hbm>>, %arg3: memref<640000xi32, #tpu.memory_space<hbm>>, %arg4: memref<20480xf32, #tpu.memory_space<hbm>>, %arg5: memref<320000xf32, #tpu.memory_space<hbm>>, %arg6: memref<10240xf32, #tpu.memory_space<vmem>>, %arg7: memref<10240xf32, #tpu.memory_space<vmem>>, %arg8: memref<10000xi32, #tpu.memory_space<vmem>>, %arg9: memref<10000xf32, #tpu.memory_space<vmem>>, %arg10: memref<10000xf32, #tpu.memory_space<vmem>>, %arg11: memref<!tpu.dma_semaphore, #tpu.memory_space<semaphore_mem>>, %arg12: memref<!tpu.dma_semaphore, #tpu.memory_space<semaphore_mem>>, %arg13: memref<!tpu.dma_semaphore, #tpu.memory_space<semaphore_mem>>, %arg14: memref<!tpu.dma_semaphore, #tpu.memory_space<semaphore_mem>>) attributes {dimension_semantics = [#tpu.dimension_semantics<core_parallel>, #tpu.dimension_semantics<subcore_parallel>], iteration_bounds = array<i64: 2, 16>, scalar_prefetch = 0 : i64, scratch_operands = 9 : i64, tpu.core_type = #tpu.core_type<sc_vector_subcore>, window_params = [{transform_indices = #map}, {transform_indices = #map}, {transform_indices = #map}, {transform_indices = #map}]} {
    %mul3A = arith.constant 2 : i32
    %mul3A_0 = arith.muli %arg1, %mul3A : i32
    %add3A = arith.addi %mul3A_0, %arg0 : i32
    %mul3A_1 = arith.constant 10000 : i32
    %mul3A_2 = arith.muli %add3A, %mul3A_1 : i32
    %dma_start3A = arith.constant 0 : i32
    %dma_start3A_3 = tpu.memref_slice %arg4[%dma_start3A] : memref<20480xf32, #tpu.memory_space<hbm>> -> memref<10240xf32, #tpu.memory_space<hbm>>
    %dma_start3A_4 = arith.constant 0 : i32
    %dma_start3A_5 = tpu.memref_slice %arg4[%dma_start3A_4] : memref<20480xf32, #tpu.memory_space<hbm>> -> memref<10240xf32, #tpu.memory_space<hbm>>
    tpu.enqueue_dma source(%dma_start3A_5 : memref<10240xf32, #tpu.memory_space<hbm>>) target(%arg6 : memref<10240xf32, #tpu.memory_space<vmem>>) target_semaphore(%arg11 : memref<!tpu.dma_semaphore, #tpu.memory_space<semaphore_mem>>)
    %dma_start3A_6 = arith.constant 10240 : i32
    %dma_start3A_7 = tpu.memref_slice %arg4[%dma_start3A_6] : memref<20480xf32, #tpu.memory_space<hbm>> -> memref<10240xf32, #tpu.memory_space<hbm>>
    %dma_start3A_8 = arith.constant 10240 : i32
    %dma_start3A_9 = tpu.memref_slice %arg4[%dma_start3A_8] : memref<20480xf32, #tpu.memory_space<hbm>> -> memref<10240xf32, #tpu.memory_space<hbm>>
    tpu.enqueue_dma source(%dma_start3A_9 : memref<10240xf32, #tpu.memory_space<hbm>>) target(%arg7 : memref<10240xf32, #tpu.memory_space<vmem>>) target_semaphore(%arg12 : memref<!tpu.dma_semaphore, #tpu.memory_space<semaphore_mem>>)
    %dma_start3A_10 = tpu.memref_slice %arg3[%mul3A_2] : memref<640000xi32, #tpu.memory_space<hbm>> -> memref<10000xi32, #tpu.memory_space<hbm>>
    %dma_start3A_11 = tpu.memref_slice %arg3[%mul3A_2] : memref<640000xi32, #tpu.memory_space<hbm>> -> memref<10000xi32, #tpu.memory_space<hbm>>
    tpu.enqueue_dma source(%dma_start3A_11 : memref<10000xi32, #tpu.memory_space<hbm>>) target(%arg8 : memref<10000xi32, #tpu.memory_space<vmem>>) target_semaphore(%arg13 : memref<!tpu.dma_semaphore, #tpu.memory_space<semaphore_mem>>)
    %dma_start3A_12 = tpu.memref_slice %arg2[%mul3A_2] : memref<320000xf32, #tpu.memory_space<hbm>> -> memref<10000xf32, #tpu.memory_space<hbm>>
    %dma_start3A_13 = tpu.memref_slice %arg2[%mul3A_2] : memref<320000xf32, #tpu.memory_space<hbm>> -> memref<10000xf32, #tpu.memory_space<hbm>>
    tpu.enqueue_dma source(%dma_start3A_13 : memref<10000xf32, #tpu.memory_space<hbm>>) target(%arg9 : memref<10000xf32, #tpu.memory_space<vmem>>) target_semaphore(%arg14 : memref<!tpu.dma_semaphore, #tpu.memory_space<semaphore_mem>>)
    %dma_wait3A = arith.constant 0 : i32
    %dma_wait3A_14 = tpu.memref_slice %arg4[%dma_wait3A] : memref<20480xf32, #tpu.memory_space<hbm>> -> memref<10240xf32, #tpu.memory_space<hbm>>
    %dma_wait3A_15 = arith.constant 0 : i32
    %dma_wait3A_16 = tpu.memref_slice %arg4[%dma_wait3A_15] : memref<20480xf32, #tpu.memory_space<hbm>> -> memref<10240xf32, #tpu.memory_space<hbm>>
    tpu.wait_dma2 semaphore(%arg11 : memref<!tpu.dma_semaphore, #tpu.memory_space<semaphore_mem>>) src(%dma_wait3A_16 : memref<10240xf32, #tpu.memory_space<hbm>>) dst(%arg6 : memref<10240xf32, #tpu.memory_space<vmem>>)
    %dma_wait3A_17 = arith.constant 10240 : i32
    %dma_wait3A_18 = tpu.memref_slice %arg4[%dma_wait3A_17] : memref<20480xf32, #tpu.memory_space<hbm>> -> memref<10240xf32, #tpu.memory_space<hbm>>
    %dma_wait3A_19 = arith.constant 10240 : i32
    %dma_wait3A_20 = tpu.memref_slice %arg4[%dma_wait3A_19] : memref<20480xf32, #tpu.memory_space<hbm>> -> memref<10240xf32, #tpu.memory_space<hbm>>
    tpu.wait_dma2 semaphore(%arg12 : memref<!tpu.dma_semaphore, #tpu.memory_space<semaphore_mem>>) src(%dma_wait3A_20 : memref<10240xf32, #tpu.memory_space<hbm>>) dst(%arg7 : memref<10240xf32, #tpu.memory_space<vmem>>)
    %dma_wait3A_21 = tpu.memref_slice %arg3[%mul3A_2] : memref<640000xi32, #tpu.memory_space<hbm>> -> memref<10000xi32, #tpu.memory_space<hbm>>
    %dma_wait3A_22 = tpu.memref_slice %arg3[%mul3A_2] : memref<640000xi32, #tpu.memory_space<hbm>> -> memref<10000xi32, #tpu.memory_space<hbm>>
    tpu.wait_dma2 semaphore(%arg13 : memref<!tpu.dma_semaphore, #tpu.memory_space<semaphore_mem>>) src(%dma_wait3A_22 : memref<10000xi32, #tpu.memory_space<hbm>>) dst(%arg8 : memref<10000xi32, #tpu.memory_space<vmem>>)
    %dma_wait3A_23 = tpu.memref_slice %arg2[%mul3A_2] : memref<320000xf32, #tpu.memory_space<hbm>> -> memref<10000xf32, #tpu.memory_space<hbm>>
    %dma_wait3A_24 = tpu.memref_slice %arg2[%mul3A_2] : memref<320000xf32, #tpu.memory_space<hbm>> -> memref<10000xf32, #tpu.memory_space<hbm>>
    tpu.wait_dma2 semaphore(%arg14 : memref<!tpu.dma_semaphore, #tpu.memory_space<semaphore_mem>>) src(%dma_wait3A_24 : memref<10000xf32, #tpu.memory_space<hbm>>) dst(%arg9 : memref<10000xf32, #tpu.memory_space<vmem>>)
    %scan3A = arith.constant 0 : i32
    %scan3A_25 = arith.constant 0 : i32
    %scan3A_26 = arith.constant 625 : i32
    %scan3A_27 = arith.addi %scan3A_25, %scan3A_26 : i32
    %scan3A_28 = arith.constant 1 : i32
    %scan3A_29 = scf.for %scan3A_31 = %scan3A_25 to %scan3A_27 step %scan3A_28 iter_args(%scan3A_32 = %scan3A) -> (i32)  : i32 {
      %mul3A_33 = arith.constant 16 : i32
      %mul3A_34 = arith.muli %scan3A_31, %mul3A_33 : i32
      %get3A = arith.index_cast %mul3A_34 : i32 to index
      %get3A_35 = tpu.vector_load %arg8[%get3A] {strides = array<i32>} : memref<10000xi32, #tpu.memory_space<vmem>>, vector<16xi32>,
      %gather3A = tpu.vector_load_idx %arg6[%get3A_35] : memref<10240xf32, #tpu.memory_space<vmem>>[vector<16xi32>], vector<16xf32>,
      %gather3A_36 = tpu.vector_load_idx %arg7[%get3A_35] : memref<10240xf32, #tpu.memory_space<vmem>>[vector<16xi32>], vector<16xf32>,
      %add3A_37 = arith.addf %gather3A, %gather3A_36 : vector<16xf32>
      %get3A_38 = arith.index_cast %mul3A_34 : i32 to index
      %get3A_39 = tpu.vector_load %arg9[%get3A_38] {strides = array<i32>} : memref<10000xf32, #tpu.memory_space<vmem>>, vector<16xf32>,
      %div3A = arith.divf %get3A_39, %add3A_37 : vector<16xf32>
      %swap3A = arith.index_cast %mul3A_34 : i32 to index
      %swap3A_40 = tpu.vector_load %arg10[%swap3A] {strides = array<i32>} : memref<10000xf32, #tpu.memory_space<vmem>>, vector<16xf32>,
      tpu.vector_store %arg10[%swap3A], %div3A {strides = array<i32>} : memref<10000xf32, #tpu.memory_space<vmem>>, vector<16xf32>,
      %scan3A_41 = arith.constant 0 : i32
      scf.yield %scan3A_41 : i32
    }
    %scan3A_30 = arith.constant 625 : i32
    "tpu.region"() ({
      %run_scoped3A = tpu.sem_alloc : memref<!tpu.dma_semaphore, #tpu.memory_space<semaphore_mem>>
      %dma_start3A_31 = tpu.memref_slice %arg5[%mul3A_2] : memref<320000xf32, #tpu.memory_space<hbm>> -> memref<10000xf32, #tpu.memory_space<hbm>>
      %dma_start3A_32 = tpu.memref_slice %arg5[%mul3A_2] : memref<320000xf32, #tpu.memory_space<hbm>> -> memref<10000xf32, #tpu.memory_space<hbm>>
      tpu.enqueue_dma source(%arg10 : memref<10000xf32, #tpu.memory_space<vmem>>) target(%dma_start3A_32 : memref<10000xf32, #tpu.memory_space<hbm>>) target_semaphore(%run_scoped3A : memref<!tpu.dma_semaphore, #tpu.memory_space<semaphore_mem>>)
      %dma_wait3A_33 = tpu.memref_slice %arg5[%mul3A_2] : memref<320000xf32, #tpu.memory_space<hbm>> -> memref<10000xf32, #tpu.memory_space<hbm>>
      %dma_wait3A_34 = tpu.memref_slice %arg5[%mul3A_2] : memref<320000xf32, #tpu.memory_space<hbm>> -> memref<10000xf32, #tpu.memory_space<hbm>>
      tpu.wait_dma2 semaphore(%run_scoped3A : memref<!tpu.dma_semaphore, #tpu.memory_space<semaphore_mem>>) src(%arg10 : memref<10000xf32, #tpu.memory_space<vmem>>) dst(%dma_wait3A_34 : memref<10000xf32, #tpu.memory_space<hbm>>)
      tpu.yield
    }) : () -> ()
    return
  }
}

module attributes {stable_mosaic.version = 14 : i64} {
  func.func @_proj_body(%arg0: i32, %arg1: memref<1000x128xf32, #tpu.memory_space<vmem>>, %arg2: memref<128x128xf32, #tpu.memory_space<vmem>>, %arg3: memref<8x128xf32, #tpu.memory_space<vmem>>, %arg4: memref<1000x128xf32, #tpu.memory_space<vmem>>) attributes {dimension_semantics = [#tpu.dimension_semantics<arbitrary>], iteration_bounds = array<i64: 20>, scalar_prefetch = 0 : i64, scratch_operands = 0 : i64, tpu.core_type = #tpu.core_type<tc>, window_params = [{transform_indices = @transform_0, window_bounds = array<i64: 1000, 128>}, {transform_indices = @transform_1, window_bounds = array<i64: 128, 128>}, {transform_indices = @transform_2, window_bounds = array<i64: 8, 128>}, {transform_indices = @transform_3, window_bounds = array<i64: 1000, 128>}]} {
    %get3A = arith.constant 0 : index
    %get3A_0 = arith.constant 0 : index
    %get3A_1 = vector.load %arg1[%get3A, %get3A_0] : memref<1000x128xf32, #tpu.memory_space<vmem>>, vector<1000x128xf32>
    %get3A_2 = arith.constant 0 : index
    %get3A_3 = arith.constant 0 : index
    %get3A_4 = vector.load %arg2[%get3A_2, %get3A_3] : memref<128x128xf32, #tpu.memory_space<vmem>>, vector<128x128xf32>
    %dot_general3A = arith.constant dense<0.000000e+00> : vector<1000x128xf32>
    %dot_general3A_5 = tpu.matmul %get3A_1, %get3A_4, %dot_general3A {dimension_numbers = #tpu.dot_dimension_numbers<[1], [1], [0], [0], [0, 0, 1, 0], [], []>, transpose_lhs_hint = false} : vector<1000x128xf32>, vector<128x128xf32>, vector<1000x128xf32> -> vector<1000x128xf32>
    %get3A_6 = arith.constant 0 : index
    %get3A_7 = arith.constant 0 : index
    %get3A_8 = vector.load %arg3[%get3A_6, %get3A_7] : memref<8x128xf32, #tpu.memory_space<vmem>>, vector<1x128xf32>
    %add3A = vector.broadcast %get3A_8 : vector<1x128xf32> to vector<1000x128xf32>
    %add3A_9 = arith.addf %dot_general3A_5, %add3A : vector<1000x128xf32>
    %swap3A = arith.constant 0 : index
    %swap3A_10 = arith.constant 0 : index
    %swap3A_11 = vector.load %arg4[%swap3A, %swap3A_10] : memref<1000x128xf32, #tpu.memory_space<vmem>>, vector<1000x128xf32>
    tpu.vector_store %arg4[%swap3A, %swap3A_10], %add3A_9 {strides = array<i32>} : memref<1000x128xf32, #tpu.memory_space<vmem>>, vector<1000x128xf32>,
    return
  }
  func.func @transform_0(%arg0: i32) -> (i32, i32) {
    %jit3A = arith.constant 10 : i32
    %eq3A = arith.constant 0 : i32
    %eq3A_0 = arith.cmpi eq, %jit3A, %eq3A : i32
    %jit3A_1 = arith.constant 1 : i32
    %select_n3A = arith.select %eq3A_0, %jit3A_1, %jit3A : i32
    %rem3A = arith.remsi %arg0, %select_n3A : i32
    %ne3A = arith.constant 0 : i32
    %ne3A_2 = arith.cmpi ne, %rem3A, %ne3A : i32
    %lt3A = arith.constant 0 : i32
    %lt3A_3 = arith.cmpi slt, %rem3A, %lt3A : i32
    %lt3A_4 = arith.constant 0 : i32
    %lt3A_5 = arith.cmpi slt, %select_n3A, %lt3A_4 : i32
    %ne3A_6 = arith.xori %lt3A_3, %lt3A_5 : i1
    %and3A = arith.andi %ne3A_6, %ne3A_2 : i1
    %add3A = arith.addi %rem3A, %select_n3A : i32
    %select_n3A_7 = arith.select %and3A, %add3A, %rem3A : i32
    %c0_i32 = arith.constant 0 : i32
    %c0_i32_8 = arith.constant 0 : i32
    return %select_n3A_7, %c0_i32 : i32, i32
  }
  func.func @transform_1(%arg0: i32) -> (i32, i32) {
    %jit3A = arith.constant 10 : i32
    %div3A = arith.divsi %arg0, %jit3A : i32
    %sign3A = arith.constant 0 : i32
    %sign3A_0 = arith.cmpi sgt, %arg0, %sign3A : i32
    %sign3A_1 = arith.extui %sign3A_0 : i1 to i32
    %sign3A_2 = arith.constant 0 : i32
    %sign3A_3 = arith.cmpi slt, %arg0, %sign3A_2 : i32
    %sign3A_4 = arith.extui %sign3A_3 : i1 to i32
    %sign3A_5 = arith.subi %sign3A_1, %sign3A_4 : i32
    %sign3A_6 = arith.constant 0 : i32
    %sign3A_7 = arith.cmpi sgt, %jit3A, %sign3A_6 : i32
    %sign3A_8 = arith.extui %sign3A_7 : i1 to i32
    %sign3A_9 = arith.constant 0 : i32
    %sign3A_10 = arith.cmpi slt, %jit3A, %sign3A_9 : i32
    %sign3A_11 = arith.extui %sign3A_10 : i1 to i32
    %sign3A_12 = arith.subi %sign3A_8, %sign3A_11 : i32
    %ne3A = arith.cmpi ne, %sign3A_5, %sign3A_12 : i32
    %rem3A = arith.remsi %arg0, %jit3A : i32
    %ne3A_13 = arith.constant 0 : i32
    %ne3A_14 = arith.cmpi ne, %rem3A, %ne3A_13 : i32
    %and3A = arith.andi %ne3A, %ne3A_14 : i1
    %sub3A = arith.constant 1 : i32
    %sub3A_15 = arith.subi %div3A, %sub3A : i32
    %select_n3A = arith.select %and3A, %sub3A_15, %div3A : i32
    %c0_i32 = arith.constant 0 : i32
    %c0_i32_16 = arith.constant 0 : i32
    return %select_n3A, %c0_i32 : i32, i32
  }
  func.func @transform_2(%arg0: i32) -> (i32, i32) {
    %jit3A = arith.constant 10 : i32
    %div3A = arith.divsi %arg0, %jit3A : i32
    %sign3A = arith.constant 0 : i32
    %sign3A_0 = arith.cmpi sgt, %arg0, %sign3A : i32
    %sign3A_1 = arith.extui %sign3A_0 : i1 to i32
    %sign3A_2 = arith.constant 0 : i32
    %sign3A_3 = arith.cmpi slt, %arg0, %sign3A_2 : i32
    %sign3A_4 = arith.extui %sign3A_3 : i1 to i32
    %sign3A_5 = arith.subi %sign3A_1, %sign3A_4 : i32
    %sign3A_6 = arith.constant 0 : i32
    %sign3A_7 = arith.cmpi sgt, %jit3A, %sign3A_6 : i32
    %sign3A_8 = arith.extui %sign3A_7 : i1 to i32
    %sign3A_9 = arith.constant 0 : i32
    %sign3A_10 = arith.cmpi slt, %jit3A, %sign3A_9 : i32
    %sign3A_11 = arith.extui %sign3A_10 : i1 to i32
    %sign3A_12 = arith.subi %sign3A_8, %sign3A_11 : i32
    %ne3A = arith.cmpi ne, %sign3A_5, %sign3A_12 : i32
    %rem3A = arith.remsi %arg0, %jit3A : i32
    %ne3A_13 = arith.constant 0 : i32
    %ne3A_14 = arith.cmpi ne, %rem3A, %ne3A_13 : i32
    %and3A = arith.andi %ne3A, %ne3A_14 : i1
    %sub3A = arith.constant 1 : i32
    %sub3A_15 = arith.subi %div3A, %sub3A : i32
    %select_n3A = arith.select %and3A, %sub3A_15, %div3A : i32
    %c0_i32 = arith.constant 0 : i32
    %c0_i32_16 = arith.constant 0 : i32
    return %select_n3A, %c0_i32 : i32, i32
  }
  func.func @transform_3(%arg0: i32) -> (i32, i32) {
    %c0_i32 = arith.constant 0 : i32
    %c0_i32_0 = arith.constant 0 : i32
    return %arg0, %c0_i32 : i32, i32
  }
}

</mosaic_0001>

<sc_bundles>
// kernel: kernel.5.cloned.1.call-start
scs
__scs_entry_jumppad:
0x0: {  	(pc) =	sbr.rel $0x88, $3  }
0x1: {  	(tag) =	ssettag $0x0;
	lr =	simm.s32 $0x1  }
0x2: {  	[smem:$0x3F9D] =	sst lr;
	_ =	strace $0xD0000000  }
0x3: {  	_ = 	snop  }
0x4: {  	_ = 	snop  }
0x5: {  	_ = 	snop  }
0x6: {  	_ = 	snop  }
0x7: {  	_ = 	snop  }
__scs_overlays_trampoline_lowered:
0x8: {  	[smem:$0x3FAC] =	sst s0  }
0x9: {  	[smem:$0x3FAD] =	sst s1  }
0xa: {  	[smem:$0x3FAE] =	sst s2  }
0xb: {  	[smem:$0x3FAF] =	sst s3  }
0xc: {  	[smem:$0x3FB0] =	sst s4  }
0xd: {  	[smem:$0x3FB1] =	sst s5  }
0xe: {  	[smem:$0x3FB2] =	sst s6  }
0xf: {  	[smem:$0x3FB3] =	sst s7  }
0x10: {  	[smem:$0x3FB4] =	sst s8  }
0x11: {  	[smem:$0x3FB5] =	sst s9;
	s0 =	simm.s32 @!p0 $0x0  }
0x12: {  	s1 =	sld [smem:$0x3F9B];
	s0 =	simm.s32 @p0 $0x1  }
0x13: {  	[smem:$0x3FB6] =	sst s0;
	s0 =	simm.s32 @!p1 $0x0  }
0x14: {  	s2 =	sld [smem:$0x3F9A];
	s0 =	simm.s32 @p1 $0x1  }
0x15: {  	[smem:$0x3FB7] =	sst s0;
	s0 =	simm.s32 @!p2 $0x0  }
0x16: {  	s3 =	sld [smem:$0x3FDB];
	s0 =	simm.s32 @p2 $0x1  }
0x17: {  	s4 =	simm.s32 $0x1BF5;
	[smem:$0x3FB9] =	sst s0  }
0x18: {  	s0 =	sld [smem:$0x3F9C];
	_ =	swait.ge [sflag:s4], $0x0  }
0x19: {  	s7 =	sld [smem:$0x3F9D]  }
0x1a: {  	s8 =	sadd.s32 $0xFFFFE003, lr  }
0x1b: {  	s9 =	sadd.s32 $0xFFFFFEF7, lr;
	s5 =	simm.s32 $0xFFFFFFFF;
	p2 =	slt.u32 s8, $0xFFFFF086  }
0x1c: {  	p1 =	slt.u32 s9, $0xF7A;
	s5 =	simm.s32 @!p2 $0x0  }
0x1d: {  	s5 =	simm.s32 @p1 $0x1;
	p0 =	seq.s32 s7, s2  }
0x1e: {  	s7 =	smul.u32 @!p0 $0xF7A, s2;
	p2 =	seq.s32 @!p0 s5, $0x0  }
0x1f: {  	s9 =	smul.u32 $0xF7A, s1;
	s8 =	simm.s32 @!p0 $0x1BF5;
	p2 =	por !p2, p0  }
0x20: {  	[sflag:s8] =	ssyncset.s32 @!p0 $0xFFFFF086;
	s6 =	sadd.s32 @!p0 s3, s7;
	s7 =	simm.s32 @!p0 $0x108  }
0x21: {  	s3 =	sadd.s32 s3, s9;
	s6 =	sadd.s32 @!p0 $0x88, s6;
	s7 =	simm.s32 @p2 $0x1082  }
0x22: {  	[simem:s7], [sflag:s8] =	dma.local @!p0 [hbm:s6], $0xF7A  }
0x23: {  	s9 =	sor.u32 $0xD0000000, s2;
	s6 =	simm.s32 $0x108;
	_ =	swait.ge @!p0 [sflag:s8], $0x0  }
0x24: {  	s3 =	sadd.s32 $0x88, s3;
	s6 =	simm.s32 @!p1 $0x1082;
	[sflag:s4] =	ssyncset.s32 $0xFFFFF086  }
0x25: {  	[simem:s6], [sflag:s4] =	dma.local [hbm:s3], $0xF7A  }
0x26: {  	[smem:$0x3F9D] =	sst s1;
	(tag) =	ssettag s2;
	_ =	strace s9  }
0x27: {  	s1 =	sld [smem:$0x3FAD]  }
0x28: {  	s2 =	sld [smem:$0x3FAE]  }
0x29: {  	s4 =	sld [smem:$0x3FB0]  }
0x2a: {  	p0 =	seq.s32 s5, $0x0;
	s5 =	sld [smem:$0x3FB1]  }
0x2b: {  	s6 =	sld [smem:$0x3FB2]  }
0x2c: {  	s7 =	sld [smem:$0x3FB3]  }
0x2d: {  	s3 =	simm.s32 $0x108;
	s8 =	sld [smem:$0x3FB4]  }
0x2e: {  	s3 =	simm.s32 @!p0 $0x1082;
	s9 =	sld [smem:$0x3FB5]  }
0x2f: {  	lr =	sadd.s32 s0, s3;
	s0 =	sld [smem:$0x3FAC]  }
0x30: {  	s3 =	sld [smem:$0x3FAF]  }
0x31: {  	[smem:$0x3FB8] =	sst s10  }
0x32: {  	s10 =	sld [smem:$0x3FB6];
	_ =	sdelay $0x3  }
0x33: {  	p0 =	seq.s32 s10, $0x1;
	s10 =	sld [smem:$0x3FB8];
	_ =	sdelay $0x3  }
0x34: {  	[smem:$0x3FB8] =	sst s10  }
0x35: {  	s10 =	sld [smem:$0x3FB7];
	_ =	sdelay $0x3  }
0x36: {  	p1 =	seq.s32 s10, $0x1;
	s10 =	sld [smem:$0x3FB8];
	_ =	sdelay $0x3  }
0x37: {  	[smem:$0x3FB8] =	sst s10  }
0x38: {  	s10 =	sld [smem:$0x3FB9]  }
0x39: {  	_ = 	snop;
	(pc) =	sbr.ind lr, $3  }
0x3a: {  	_ = 	snop  }
0x3b: {  	_ = 	snop  }
0x3c: {  	p2 =	seq.s32 s10, $0x1;
	s10 =	sld [smem:$0x3FB8]  }
0x3d: {  	_ =	shalt  }
0x3e: {  	_ =	shalt  }
0x3f: {  	_ =	shalt  }
0x40: {  	_ =	shalt  }
0x41: {  	_ =	shalt  }
0x42: {  	_ =	shalt  }
0x43: {  	_ =	shalt  }
0x44: {  	_ =	shalt  }
0x45: {  	_ =	shalt  }
0x46: {  	_ =	shalt  }
0x47: {  	_ =	shalt  }
0x48: {  	_ =	shalt  }
0x49: {  	_ =	shalt  }
0x4a: {  	_ =	shalt  }
0x4b: {  	_ =	shalt  }
0x4c: {  	_ =	shalt  }
0x4d: {  	_ =	shalt  }
0x4e: {  	_ =	shalt  }
0x4f: {  	_ =	shalt  }
0x50: {  	_ =	shalt  }
0x51: {  	_ =	shalt  }
0x52: {  	_ =	shalt  }
0x53: {  	_ =	shalt  }
0x54: {  	_ =	shalt  }
0x55: {  	_ =	shalt  }
0x56: {  	_ =	shalt  }
0x57: {  	_ =	shalt  }
0x58: {  	_ =	shalt  }
0x59: {  	_ =	shalt  }
0x5a: {  	_ =	shalt  }
0x5b: {  	_ =	shalt  }
0x5c: {  	_ =	shalt  }
0x5d: {  	_ =	shalt  }
0x5e: {  	_ =	shalt  }
0x5f: {  	_ =	shalt  }
0x60: {  	_ =	shalt  }
0x61: {  	_ =	shalt  }
0x62: {  	_ =	shalt  }
0x63: {  	_ =	shalt  }
0x64: {  	_ =	shalt  }
0x65: {  	_ =	shalt  }
0x66: {  	_ =	shalt  }
0x67: {  	_ =	shalt  }
0x68: {  	_ =	shalt  }
0x69: {  	_ =	shalt  }
0x6a: {  	_ =	shalt  }
0x6b: {  	_ =	shalt  }
0x6c: {  	_ =	shalt  }
0x6d: {  	_ =	shalt  }
0x6e: {  	_ =	shalt  }
0x6f: {  	_ =	shalt  }
0x70: {  	_ =	shalt  }
0x71: {  	_ =	shalt  }
0x72: {  	_ =	shalt  }
0x73: {  	_ =	shalt  }
0x74: {  	_ =	shalt  }
0x75: {  	_ =	shalt  }
0x76: {  	_ =	shalt  }
0x77: {  	_ =	shalt  }
0x78: {  	_ =	shalt  }
0x79: {  	_ =	shalt  }
0x7a: {  	_ =	shalt  }
0x7b: {  	_ =	shalt  }
0x7c: {  	_ =	shalt  }
0x7d: {  	_ =	shalt  }
0x7e: {  	_ =	shalt  }
0x7f: {  	_ =	shalt  }
0x80: {  	_ =	shalt  }
0x81: {  	_ =	shalt  }
0x82: {  	_ =	shalt  }
0x83: {  	_ =	shalt  }
0x84: {  	_ =	shalt  }
0x85: {  	_ =	shalt  }
0x86: {  	_ =	shalt  }
0x87: {  	_ =	shalt  }
.Lfunc_end0:
.L_simem_size_0:
called_computation_lowered:
.L_overlay_start_0:
0x88: {  	s2 =	sld [smem:$0x3FD9]  }
0x89: {  	s3 =	sld [smem:$0x3FFE];
	_ =	sdelay $0x1  }
0x8a: {  	s1 =	srdreg.scid  }
0x8b: {  	s0 =	sand.u32 $0x1, s1  }
0x8c: {  	s16 =	sshll.u32 s0, $0xA;
	s2 =	sadd.s32 s3, s2  }
0x8d: {  	s2 =	sadd.s32 s2, s16  }
0x8e: {  	[smem:$0x3FC4] =	sst s2  }
0x8f: {  	_ = 	snop  }
0x90: {  	(tm) =	ssettm $0x1  }
0x91: {  	s17 =	sld [smem:$0x3FFB];
	_ =	sdelay $0x3  }
0x92: {  	_ =	strace s17  }
0x93: {  	s2 =	sld [smem:$0x3FFC];
	_ =	sdelay $0x3  }
0x94: {  	_ =	strace s2  }
0x95: {  	s2 =	sld [smem:$0x3FFD];
	_ =	sdelay $0x3  }
0x96: {  	_ =	strace s2  }
0x97: {  	_ =	strace $0x8FFFFFFF  }
0x98: {  	s18 =	sld [smem:$0x3FDB];
	_ =	sdelay $0x1  }
0x99: {  	s19 =	simm.s32 $_scs_section_size  }
0x9a: {  	s4 =	simm.s32 $_size__tile_overlayer_lowered;
	s5 =	simm.s32 $_tile_overlayer_lowered  }
0x9b: {  	s22 =	simm.s32 $0x1BFF;
	s21 =	sshll.u32 s5, $0x1;
	s2 =	sadd.s32 s19, s18  }
0x9c: {  	s6 =	simm.s32 $0x0;
	s20 =	sshll.u32 s4, $0x1;
	s4 =	sadd.s32 s21, s2  }
0x9d: {  	[timem:s6], [sflag:s22] =	dma.local [hbm:s4], s20  }
0x9e: {  	_ =	swait.ge [sflag:s22], s20  }
0x9f: {  	s3 =	ssub.s32 $0x0, s20;
	[sflag:s22] =	ssyncset.done $0x0  }
0xa0: {  	[sflag:s22] =	ssyncadd.s32 s3;
	_ =	sdelay $0x1  }
0xa1: {  	s23 =	simm.s32 $0x1B8B  }
0xa2: {  	_ =	swait.ge [sflag:s23], $0x1  }
0xa3: {  	[sflag:s23] =	ssyncset.done $0x0  }
0xa4: {  	s25 =	simm.s32 $0x1B8E;
	s24 =	sld [smem:$0x3FFE];
	[sflag:s23] =	ssyncadd.s32 $0xFFFFFFFF  }
0xa5: {  	s26 =	simm.s32 $execute0_lowered;
	[smem:$0x3FD2] =	sst s25  }
0xa6: {  	s4 =	sshll.u32 s26, $0x1;
	_ =	strace $0x80000046;
	[dreg:$0x1] =	wrdreg $0xFFFFFFFF  }
0xa7: {  	s28 =	simm.s32 $_size_execute0_lowered;
	s2 =	sadd.s32 s2, s4;
	[dreg:$0x0] =	wrdreg $0x0  }
0xa8: {  	s4 =	sshll.u32 s28, $0x1;
	[dreg:$0x2] =	wrdreg s2  }
0xa9: {  	[dreg:$0x3] =	wrdreg s4  }
0xaa: {  	[dreg:$0x4] =	wrdreg $0xC0  }
0xab: {  	_ =	task [dreg:s6], $0x5FFFF  }
0xac: {  	[dreg:$0x1] =	wrdreg $0xFFFFFFFF  }
0xad: {  	[dreg:$0x0] =	wrdreg $0x60  }
0xae: {  	[dreg:$0x2] =	wrdreg s24  }
0xaf: {  	[dreg:$0x3] =	wrdreg $0x121000  }
0xb0: {  	[dreg:$0x4] =	wrdreg $0x9  }
0xb1: {  	_ =	task.clear_ibuf [dreg:s6], $0x5FFFF;
	_ =	strace $0x90000046  }
0xb2: {  	s29 =	simm.s32 $0x9;
	_ =	strace $0x80000048  }
0xb3: {  	_ =	swait.ge [sflag:s29], $0x1  }
0xb4: {  	[sflag:s29] =	ssyncadd.s32 $0xFFFFFFFF  }
0xb5: {  	_ =	strace $0x90000048  }
0xb6: {  	_ =	sfence  }
0xb7: {  	s30 =	sld [smem:$0x0];
	_ =	sdelay $0x2  }
0xb8: {  	s31 =	sshll.u32 s1, $0xD;
	s1 =	sshrl.u32 s1, $0x2  }
0xb9: {  	s3 =	sand.u32 $0x4000, s31;
	s1 =	sadd.s32 s1, s30  }
0xba: {  	s0 =	sor.u32 s3, s0;
	s1 =	sshll.u32 s1, $0x11  }
0xbb: {  	s0 =	sor.u32 s1, s0  }
0xbc: {  	s0 =	sadd.s32 $0x8F2B, s0  }
0xbd: {  	[sflag:s0] =	ssyncadd.remote.s32 $0x1  }
0xbe: {  	_ =	sfence.sel $0xFFFF  }
0xbf: {  	[dreg:$0x0] =	wrdreg $0xFFFFFFFF;
	(pc) =	sbr.abs _section_cstart, $3  }
0xc0: {  	[dreg:$0x1] =	wrdreg $0xFFFFFFFF  }
0xc1: {  	_ =	task.clear_ibuf [dreg:s6], $0x2FFFF;
	_ =	strace $0x9FFFFFFF  }
0xc2: {  	(tm) =	ssettm $0x7FFFFFFF  }
0xc3: {  	_ =	shalt  }
tec
execute0_lowered:
.L_overlay_start_1:
0x0: {  	(tag) =	ssettag $0x1  }
0x1: {  	s0 =	srdreg.scid  }
0x2: {  	s23 =	stileid.u32;
	s4 =	rddreg [dreg:$0x0]  }
0x3: {  	s1 =	rddreg [dreg:$0x1];
	s2 =	simm.s32 $0x0;
	s11 =	simm.s32 $0x5  }
0x4: {  	s12 =	simm.s32 $0x2780;
	s13 =	simm.s32 $0x50;
	s14 =	simm.s32 $0x4F00  }
0x5: {  	s15 =	simm.s32 $0x7700;
	s16 =	simm.s32 $0x9F00;
	s17 =	simm.s32 $0xC700  }
0x6: {  	s18 =	simm.s32 $0x1;
	s19 =	simm.s32 $0x2;
	s20 =	simm.s32 $0x11680  }
0x7: {  	s21 =	simm.s32 $0x3;
	s22 =	simm.s32 $0x4;
	s24 =	simm.s32 $0x2710  }
0x8: {  	s25 =	simm.s32 $0x0;
	s5 =	sand.u32 $0x1, s0;
	s0 =	rddreg [dreg:$0x2]  }
0x9: {  	v0 =	vlaneseq.u32;
	s29 =	sshll.u32 s23, $0x1;
	[smem:$0x7FF] =	sst s2;
	s8 =	smul.u32 $0xA00, s23  }
0xa: {  	v0 =	vmul.u32 $0x80, v0;
	p0 =	sne.s32 s23, $0x0;
	s3 =	sor.u32 s5, s29;
	s6 =	smul.u32 $0x500, s5  }
0xb: {  	v1 =	vimm.f32 $0.0e+00;
	s23 =	simm.s32 $0xEF00;
	s5 =	ssub.s32 $0x2, s5;
	s3 =	smul.u32 $0x2710, s3  }
0xc: {  	_ =	strace $0x80000047;
	s30 =	sshrl.u32 s5, $0x1;
	s31 =	sshrl.u32 s8, $0x2;
	v2 =	vor.u32 $0x1, v0;
	v3 =	vor.u32 $0x2, v0;
	v4 =	vor.u32 $0x3, v0  }
0xd: {  	v5 =	vor.u32 $0x4, v0;
	v6 =	vor.u32 $0x5, v0;
	v7 =	vor.u32 $0x6, v0;
	s9 =	sadd.s32 s6, s4;
	s10 =	ssub.s32 s5, s30;
	s7 =	sshrl.u32 s3, $0x3  }
0xe: {  	v8 =	vor.u32 $0x7, v0;
	v9 =	vor.u32 $0x8, v0;
	v10 =	vor.u32 $0x9, v0;
	s3 =	sadd.s32 $0x15000, s4;
	s8 =	sadd.s32 $0x6D000, s9;
	s9 =	smax.u32 s10, $0x1  }
0xf: {  	v11 =	vor.u32 $0xA, v0;
	v12 =	vor.u32 $0xB, v0;
	v13 =	vor.u32 $0xC, v0;
	s10 =	simm.s32 $0x11E80;
	s7 =	sadd.s32 s7, s4;
	s4 =	sadd.s32 s31, s1  }
0x10: {  	v14 =	vor.u32 $0xD, v0;
	v15 =	vor.u32 $0xE, v0;
	v16 =	vor.u32 $0xF, v0;
	s5 =	sadd.s32 $0x1600, s7;
	s6 =	sadd.s32 $0xB240, s7;
	s7 =	sadd.s32 $0x63200, s7  }
.LBB2_1:
0x11: {  	[tilespmem:$0x11E80] =	vst v1  }
0x12: {  	[tilespmem:$0x11E90] =	vst v1  }
0x13: {  	[tilespmem:$0x11EA0] =	vst v1  }
0x14: {  	[tilespmem:$0x11EB0] =	vst v1  }
0x15: {  	[tilespmem:$0x11EC0] =	vst v1  }
0x16: {  	[tilespmem:$0x11ED0] =	vst v1  }
0x17: {  	[tilespmem:$0x11EE0] =	vst v1  }
0x18: {  	[tilespmem:$0x11EF0] =	vst v1  }
0x19: {  	[tilespmem:$0x11F00] =	vst v1  }
0x1a: {  	[tilespmem:$0x11F10] =	vst v1  }
0x1b: {  	[tilespmem:$0x11F20] =	vst v1  }
0x1c: {  	[tilespmem:$0x11F30] =	vst v1  }
0x1d: {  	[tilespmem:$0x11F40] =	vst v1  }
0x1e: {  	[tilespmem:$0x11F50] =	vst v1  }
0x1f: {  	[tilespmem:$0x11F60] =	vst v1  }
0x20: {  	[tilespmem:$0x11F70] =	vst v1  }
0x21: {  	[tilespmem:$0x11F80] =	vst v1  }
0x22: {  	[tilespmem:$0x11F90] =	vst v1  }
0x23: {  	[tilespmem:$0x11FA0] =	vst v1  }
0x24: {  	[tilespmem:$0x11FB0] =	vst v1  }
0x25: {  	[tilespmem:$0x11FC0] =	vst v1  }
0x26: {  	[tilespmem:$0x11FD0] =	vst v1  }
0x27: {  	[tilespmem:$0x11FE0] =	vst v1  }
0x28: {  	[tilespmem:$0x11FF0] =	vst v1  }
0x29: {  	[tilespmem:$0x12000] =	vst v1  }
0x2a: {  	[tilespmem:$0x12010] =	vst v1  }
0x2b: {  	[tilespmem:$0x12020] =	vst v1  }
0x2c: {  	[tilespmem:$0x12030] =	vst v1  }
0x2d: {  	[tilespmem:$0x12040] =	vst v1  }
0x2e: {  	[tilespmem:$0x12050] =	vst v1  }
0x2f: {  	[tilespmem:$0x12060] =	vst v1  }
0x30: {  	[tilespmem:$0x12070] =	vst v1  }
0x31: {  	[tilespmem:$0x12080] =	vst v1  }
0x32: {  	[tilespmem:$0x12090] =	vst v1  }
0x33: {  	[tilespmem:$0x120A0] =	vst v1  }
0x34: {  	[tilespmem:$0x120B0] =	vst v1  }
0x35: {  	[tilespmem:$0x120C0] =	vst v1  }
0x36: {  	[tilespmem:$0x120D0] =	vst v1  }
0x37: {  	[tilespmem:$0x120E0] =	vst v1  }
0x38: {  	[tilespmem:$0x120F0] =	vst v1  }
0x39: {  	[spmem:s4] =	stream.linear.scatter [tilespmem:s10], [sflag:$0x5], $0x280, $0x38;
	[tilespmem:$0x12380] =	vst v63  }
0x3a: {  	_ =	swait.ge [sflag:s11], $0x280  }
0x3b: {  	[sflag:s11] =	ssyncset.done $0x0  }
0x3c: {  	[sflag:s11] =	ssyncadd.s32 $0xFFFFFD80  }
0x3d: {  	[bflag:$0x0] =	sbarrier.arrive $0xFFFF  }
0x3e: {  	[tilespmem:s2], [sflag:$0x5] =	stream.linear.gather [hbm4b:s5+s2], $0x2710, $0x38;
	[tilespmem:$0x12380] =	vst v63  }
0x3f: {  	_ =	swait.ge [sflag:s11], $0x2710  }
0x40: {  	[sflag:s11] =	ssyncset.done $0x0  }
0x41: {  	[sflag:s11] =	ssyncadd.s32 $0xFFFFD8F0  }
0x42: {  	[tilespmem:s12], [sflag:$0x5] =	stream.linear.gather [hbm4b:s6+s2], $0x2710, $0x38;
	[tilespmem:$0x12380] =	vst v63  }
0x43: {  	_ =	swait.ge [sflag:s11], $0x2710  }
0x44: {  	[sflag:s11] =	ssyncset.done $0x0  }
0x45: {  	[sflag:s11] =	ssyncadd.s32 $0xFFFFD8F0  }
0x46: {  	[tilespmem:s14], [sflag:$0x1] =	stream.indirect.gather [hbm4b:s3+s13], $0x80, s2, s13, $0xb8;
	[tilespmem:$0x12380] =	vst v63  }
0x47: {  	s26 =	simm.s32 $0x0  }
0x48: {  	[tilespmem:s15], [sflag:$0x2] =	stream.indirect.gather [hbm4b:s3+s13], $0x80, s12, s13, $0xb8;
	[tilespmem:$0x12380] =	vst v63  }
.LBB2_2:
0x49: {  	s29 =	smul.u32 $0xA0, s26;
	_ =	sdelay $0x1  }
0x4a: {  	s28 =	sadd.s32 $0x50, s29  }
0x4b: {  	[tilespmem:s16], [sflag:$0x3] =	stream.indirect.gather [hbm4b:s3+s13], $0x80, s28, s13, $0xb8;
	[tilespmem:$0x12380] =	vst v63  }
0x4c: {  	s30 =	sadd.s32 $0x27D0, s29  }
0x4d: {  	[tilespmem:s17], [sflag:$0x4] =	stream.indirect.gather [hbm4b:s3+s13], $0x80, s30, s13, $0xb8;
	[tilespmem:$0x12380] =	vst v63  }
0x4e: {  	_ =	swait.ge [sflag:s18], $0x2800  }
0x4f: {  	s30 =	smul.u32 $0x280, s26;
	[sflag:s18] =	ssyncset.done $0x0  }
0x50: {  	[sflag:s18] =	ssyncadd.s32 $0xFFFFD800  }
0x51: {  	s30 =	sshra.s32 s30, $0x2;
	_ =	swait.ge [sflag:s19], $0x2800  }
0x52: {  	s31 =	sadd.s32 $0xEF00, s30;
	[sflag:s19] =	ssyncset.done $0x0  }
0x53: {  	s30 =	simm.s32 $0x0;
	v17 =	vmov s31;
	[sflag:s19] =	ssyncadd.s32 $0xFFFFD800  }
.LBB2_3:
0x54: {  	s31 =	sshll.u32 s30, $0xB  }
0x55: {  	v18 =	vld [tilespmem:s31+$0x4F00]  }
0x56: {  	v19 =	vld [tilespmem:s31+$0x7700]  }
0x57: {  	v20 =	vld [tilespmem:s31+$0x4F10]  }
0x58: {  	v21 =	vld [tilespmem:s31+$0x7710]  }
0x59: {  	v22 =	vld [tilespmem:s31+$0x4F20]  }
0x5a: {  	v23 =	vld [tilespmem:s31+$0x7720]  }
0x5b: {  	v24 =	vld [tilespmem:s31+$0x4F30]  }
0x5c: {  	v25 =	vld [tilespmem:s31+$0x7730]  }
0x5d: {  	v54 =	vld [tilespmem:s31+$0x4F40];
	v18 =	vmul.f32 v19, v18;
	v19 =	vmul.f32 v21, v20  }
0x5e: {  	v55 =	vld [tilespmem:s31+$0x7740]  }
0x5f: {  	v56 =	vld [tilespmem:s31+$0x4F50];
	v18 =	vadd.f32 v19, v18;
	v19 =	vmul.f32 v23, v22  }
0x60: {  	v57 =	vld [tilespmem:s31+$0x7750]  }
0x61: {  	v58 =	vld [tilespmem:s31+$0x4F60];
	v18 =	vadd.f32 v19, v18;
	v19 =	vmul.f32 v25, v24  }
0x62: {  	v59 =	vld [tilespmem:s31+$0x7760]  }
0x63: {  	v60 =	vld [tilespmem:s31+$0x4F70];
	v18 =	vadd.f32 v19, v18;
	v19 =	vmul.f32 v55, v54  }
0x64: {  	v61 =	vld [tilespmem:s31+$0x7770]  }
0x65: {  	v18 =	vadd.f32 v19, v18;
	v19 =	vmul.f32 v57, v56;
	_ =	sdelay $0x1  }
0x66: {  	v18 =	vadd.f32 v19, v18;
	v19 =	vmul.f32 v59, v58;
	_ =	sdelay $0x1  }
0x67: {  	v18 =	vadd.f32 v19, v18;
	v19 =	vmul.f32 v61, v60;
	_ =	sdelay $0x1  }
0x68: {  	v18 =	vadd.f32 v19, v18;
	_ =	sdelay $0x1  }
0x69: {  	[tilespmem:$0x11680] =	vst v18  }
0x6a: {  	v18 =	vld [tilespmem:s31+$0x4F80]  }
0x6b: {  	v19 =	vld [tilespmem:s31+$0x7780]  }
0x6c: {  	v62 =	vld [tilespmem:s31+$0x4F90]  }
0x6d: {  	v63 =	vld [tilespmem:s31+$0x7790]  }
0x6e: {  	v28 =	vld [tilespmem:s31+$0x4FA0]  }
0x6f: {  	v29 =	vld [tilespmem:s31+$0x77A0]  }
0x70: {  	v30 =	vld [tilespmem:s31+$0x4FB0]  }
0x71: {  	v31 =	vld [tilespmem:s31+$0x77B0]  }
0x72: {  	v32 =	vld [tilespmem:s31+$0x4FC0];
	v18 =	vmul.f32 v19, v18;
	v19 =	vmul.f32 v63, v62  }
0x73: {  	v33 =	vld [tilespmem:s31+$0x77C0]  }
0x74: {  	v34 =	vld [tilespmem:s31+$0x4FD0];
	v18 =	vadd.f32 v19, v18;
	v19 =	vmul.f32 v29, v28  }
0x75: {  	v35 =	vld [tilespmem:s31+$0x77D0]  }
0x76: {  	v36 =	vld [tilespmem:s31+$0x4FE0];
	v18 =	vadd.f32 v19, v18;
	v19 =	vmul.f32 v31, v30  }
0x77: {  	v37 =	vld [tilespmem:s31+$0x77E0]  }
0x78: {  	v38 =	vld [tilespmem:s31+$0x4FF0];
	v18 =	vadd.f32 v19, v18;
	v19 =	vmul.f32 v33, v32  }
0x79: {  	v39 =	vld [tilespmem:s31+$0x77F0]  }
0x7a: {  	v18 =	vadd.f32 v19, v18;
	v19 =	vmul.f32 v35, v34;
	_ =	sdelay $0x1  }
0x7b: {  	v18 =	vadd.f32 v19, v18;
	v19 =	vmul.f32 v37, v36;
	_ =	sdelay $0x1  }
0x7c: {  	v18 =	vadd.f32 v19, v18;
	v19 =	vmul.f32 v39, v38;
	_ =	sdelay $0x1  }
0x7d: {  	v18 =	vadd.f32 v19, v18;
	_ =	sdelay $0x1  }
0x7e: {  	[tilespmem:$0x11700] =	vst v18  }
0x7f: {  	v18 =	vld [tilespmem:s31+$0x5000]  }
0x80: {  	v19 =	vld [tilespmem:s31+$0x7800]  }
0x81: {  	v40 =	vld [tilespmem:s31+$0x5010]  }
0x82: {  	v41 =	vld [tilespmem:s31+$0x7810]  }
0x83: {  	v42 =	vld [tilespmem:s31+$0x5020]  }
0x84: {  	v43 =	vld [tilespmem:s31+$0x7820]  }
0x85: {  	v44 =	vld [tilespmem:s31+$0x5030]  }
0x86: {  	v45 =	vld [tilespmem:s31+$0x7830]  }
0x87: {  	v46 =	vld [tilespmem:s31+$0x5040];
	v18 =	vmul.f32 v19, v18;
	v19 =	vmul.f32 v41, v40  }
0x88: {  	v47 =	vld [tilespmem:s31+$0x7840]  }
0x89: {  	v48 =	vld [tilespmem:s31+$0x5050];
	v18 =	vadd.f32 v19, v18;
	v19 =	vmul.f32 v43, v42  }
0x8a: {  	v49 =	vld [tilespmem:s31+$0x7850]  }
0x8b: {  	v50 =	vld [tilespmem:s31+$0x5060];
	v18 =	vadd.f32 v19, v18;
	v19 =	vmul.f32 v45, v44  }
0x8c: {  	v51 =	vld [tilespmem:s31+$0x7860]  }
0x8d: {  	v52 =	vld [tilespmem:s31+$0x5070];
	v18 =	vadd.f32 v19, v18;
	v19 =	vmul.f32 v47, v46  }
0x8e: {  	v53 =	vld [tilespmem:s31+$0x7870]  }
0x8f: {  	v18 =	vadd.f32 v19, v18;
	v19 =	vmul.f32 v49, v48;
	_ =	sdelay $0x1  }
0x90: {  	v18 =	vadd.f32 v19, v18;
	v19 =	vmul.f32 v51, v50;
	_ =	sdelay $0x1  }
0x91: {  	v18 =	vadd.f32 v19, v18;
	v19 =	vmul.f32 v53, v52;
	_ =	sdelay $0x1  }
0x92: {  	v18 =	vadd.f32 v19, v18;
	_ =	sdelay $0x1  }
0x93: {  	[tilespmem:$0x11780] =	vst v18  }
0x94: {  	v18 =	vld [tilespmem:s31+$0x5080]  }
0x95: {  	v19 =	vld [tilespmem:s31+$0x7880]  }
0x96: {  	v54 =	vld [tilespmem:s31+$0x5090]  }
0x97: {  	v55 =	vld [tilespmem:s31+$0x7890]  }
0x98: {  	v56 =	vld [tilespmem:s31+$0x50A0]  }
0x99: {  	v57 =	vld [tilespmem:s31+$0x78A0]  }
0x9a: {  	v58 =	vld [tilespmem:s31+$0x50B0]  }
0x9b: {  	v59 =	vld [tilespmem:s31+$0x78B0]  }
0x9c: {  	v60 =	vld [tilespmem:s31+$0x50C0];
	v18 =	vmul.f32 v19, v18;
	v19 =	vmul.f32 v55, v54  }
0x9d: {  	v61 =	vld [tilespmem:s31+$0x78C0]  }
0x9e: {  	v62 =	vld [tilespmem:s31+$0x50D0];
	v18 =	vadd.f32 v19, v18;
	v19 =	vmul.f32 v57, v56  }
0x9f: {  	v63 =	vld [tilespmem:s31+$0x78D0]  }
0xa0: {  	v28 =	vld [tilespmem:s31+$0x50E0];
	v18 =	vadd.f32 v19, v18;
	v19 =	vmul.f32 v59, v58  }
0xa1: {  	v29 =	vld [tilespmem:s31+$0x78E0]  }
0xa2: {  	v30 =	vld [tilespmem:s31+$0x50F0];
	v18 =	vadd.f32 v19, v18;
	v19 =	vmul.f32 v61, v60  }
0xa3: {  	v31 =	vld [tilespmem:s31+$0x78F0]  }
0xa4: {  	v18 =	vadd.f32 v19, v18;
	v19 =	vmul.f32 v63, v62;
	_ =	sdelay $0x1  }
0xa5: {  	v18 =	vadd.f32 v19, v18;
	v19 =	vmul.f32 v29, v28;
	_ =	sdelay $0x1  }
0xa6: {  	v18 =	vadd.f32 v19, v18;
	v19 =	vmul.f32 v31, v30;
	_ =	sdelay $0x1  }
0xa7: {  	v18 =	vadd.f32 v19, v18;
	_ =	sdelay $0x1  }
0xa8: {  	[tilespmem:$0x11800] =	vst v18  }
0xa9: {  	v18 =	vld [tilespmem:s31+$0x5100]  }
0xaa: {  	v19 =	vld [tilespmem:s31+$0x7900]  }
0xab: {  	v32 =	vld [tilespmem:s31+$0x5110]  }
0xac: {  	v33 =	vld [tilespmem:s31+$0x7910]  }
0xad: {  	v34 =	vld [tilespmem:s31+$0x5120]  }
0xae: {  	v35 =	vld [tilespmem:s31+$0x7920]  }
0xaf: {  	v36 =	vld [tilespmem:s31+$0x5130]  }
0xb0: {  	v37 =	vld [tilespmem:s31+$0x7930]  }
0xb1: {  	v38 =	vld [tilespmem:s31+$0x5140];
	v18 =	vmul.f32 v19, v18;
	v19 =	vmul.f32 v33, v32  }
0xb2: {  	v39 =	vld [tilespmem:s31+$0x7940]  }
0xb3: {  	v40 =	vld [tilespmem:s31+$0x5150];
	v18 =	vadd.f32 v19, v18;
	v19 =	vmul.f32 v35, v34  }
0xb4: {  	v41 =	vld [tilespmem:s31+$0x7950]  }
0xb5: {  	v42 =	vld [tilespmem:s31+$0x5160];
	v18 =	vadd.f32 v19, v18;
	v19 =	vmul.f32 v37, v36  }
0xb6: {  	v43 =	vld [tilespmem:s31+$0x7960]  }
0xb7: {  	v44 =	vld [tilespmem:s31+$0x5170];
	v18 =	vadd.f32 v19, v18;
	v19 =	vmul.f32 v39, v38  }
0xb8: {  	v45 =	vld [tilespmem:s31+$0x7970]  }
0xb9: {  	v18 =	vadd.f32 v19, v18;
	v19 =	vmul.f32 v41, v40;
	_ =	sdelay $0x1  }
0xba: {  	v18 =	vadd.f32 v19, v18;
	v19 =	vmul.f32 v43, v42;
	_ =	sdelay $0x1  }
0xbb: {  	v18 =	vadd.f32 v19, v18;
	v19 =	vmul.f32 v45, v44;
	_ =	sdelay $0x1  }
0xbc: {  	v18 =	vadd.f32 v19, v18;
	_ =	sdelay $0x1  }
0xbd: {  	[tilespmem:$0x11880] =	vst v18  }
0xbe: {  	v18 =	vld [tilespmem:s31+$0x5180]  }
0xbf: {  	v19 =	vld [tilespmem:s31+$0x7980]  }
0xc0: {  	v46 =	vld [tilespmem:s31+$0x5190]  }
0xc1: {  	v47 =	vld [tilespmem:s31+$0x7990]  }
0xc2: {  	v48 =	vld [tilespmem:s31+$0x51A0]  }
0xc3: {  	v49 =	vld [tilespmem:s31+$0x79A0]  }
0xc4: {  	v50 =	vld [tilespmem:s31+$0x51B0]  }
0xc5: {  	v51 =	vld [tilespmem:s31+$0x79B0]  }
0xc6: {  	v52 =	vld [tilespmem:s31+$0x51C0];
	v18 =	vmul.f32 v19, v18;
	v19 =	vmul.f32 v47, v46  }
0xc7: {  	v53 =	vld [tilespmem:s31+$0x79C0]  }
0xc8: {  	v54 =	vld [tilespmem:s31+$0x51D0];
	v18 =	vadd.f32 v19, v18;
	v19 =	vmul.f32 v49, v48  }
0xc9: {  	v55 =	vld [tilespmem:s31+$0x79D0]  }
0xca: {  	v56 =	vld [tilespmem:s31+$0x51E0];
	v18 =	vadd.f32 v19, v18;
	v19 =	vmul.f32 v51, v50  }
0xcb: {  	v57 =	vld [tilespmem:s31+$0x79E0]  }
0xcc: {  	v58 =	vld [tilespmem:s31+$0x51F0];
	v18 =	vadd.f32 v19, v18;
	v19 =	vmul.f32 v53, v52  }
0xcd: {  	v59 =	vld [tilespmem:s31+$0x79F0]  }
0xce: {  	v18 =	vadd.f32 v19, v18;
	v19 =	vmul.f32 v55, v54;
	_ =	sdelay $0x1  }
0xcf: {  	v18 =	vadd.f32 v19, v18;
	v19 =	vmul.f32 v57, v56;
	_ =	sdelay $0x1  }
0xd0: {  	v18 =	vadd.f32 v19, v18;
	v19 =	vmul.f32 v59, v58;
	_ =	sdelay $0x1  }
0xd1: {  	v18 =	vadd.f32 v19, v18;
	_ =	sdelay $0x1  }
0xd2: {  	[tilespmem:$0x11900] =	vst v18  }
0xd3: {  	v18 =	vld [tilespmem:s31+$0x5200]  }
0xd4: {  	v19 =	vld [tilespmem:s31+$0x7A00]  }
0xd5: {  	v60 =	vld [tilespmem:s31+$0x5210]  }
0xd6: {  	v61 =	vld [tilespmem:s31+$0x7A10]  }
0xd7: {  	v62 =	vld [tilespmem:s31+$0x5220]  }
0xd8: {  	v63 =	vld [tilespmem:s31+$0x7A20]  }
0xd9: {  	v28 =	vld [tilespmem:s31+$0x5230]  }
0xda: {  	v29 =	vld [tilespmem:s31+$0x7A30]  }
0xdb: {  	v30 =	vld [tilespmem:s31+$0x5240];
	v18 =	vmul.f32 v19, v18;
	v19 =	vmul.f32 v61, v60  }
0xdc: {  	v31 =	vld [tilespmem:s31+$0x7A40]  }
0xdd: {  	v32 =	vld [tilespmem:s31+$0x5250];
	v18 =	vadd.f32 v19, v18;
	v19 =	vmul.f32 v63, v62  }
0xde: {  	v33 =	vld [tilespmem:s31+$0x7A50]  }
0xdf: {  	v34 =	vld [tilespmem:s31+$0x5260];
	v18 =	vadd.f32 v19, v18;
	v19 =	vmul.f32 v29, v28  }
0xe0: {  	v35 =	vld [tilespmem:s31+$0x7A60]  }
0xe1: {  	v36 =	vld [tilespmem:s31+$0x5270];
	v18 =	vadd.f32 v19, v18;
	v19 =	vmul.f32 v31, v30  }
0xe2: {  	v37 =	vld [tilespmem:s31+$0x7A70]  }
0xe3: {  	v18 =	vadd.f32 v19, v18;
	v19 =	vmul.f32 v33, v32;
	_ =	sdelay $0x1  }
0xe4: {  	v18 =	vadd.f32 v19, v18;
	v19 =	vmul.f32 v35, v34;
	_ =	sdelay $0x1  }
0xe5: {  	v18 =	vadd.f32 v19, v18;
	v19 =	vmul.f32 v37, v36;
	_ =	sdelay $0x1  }
0xe6: {  	v18 =	vadd.f32 v19, v18;
	_ =	sdelay $0x1  }
0xe7: {  	[tilespmem:$0x11980] =	vst v18  }
0xe8: {  	v18 =	vld [tilespmem:s31+$0x5280]  }
0xe9: {  	v19 =	vld [tilespmem:s31+$0x7A80]  }
0xea: {  	v38 =	vld [tilespmem:s31+$0x5290]  }
0xeb: {  	v39 =	vld [tilespmem:s31+$0x7A90]  }
0xec: {  	v40 =	vld [tilespmem:s31+$0x52A0]  }
0xed: {  	v41 =	vld [tilespmem:s31+$0x7AA0]  }
0xee: {  	v42 =	vld [tilespmem:s31+$0x52B0]  }
0xef: {  	v43 =	vld [tilespmem:s31+$0x7AB0]  }
0xf0: {  	v44 =	vld [tilespmem:s31+$0x52C0];
	v18 =	vmul.f32 v19, v18;
	v19 =	vmul.f32 v39, v38  }
0xf1: {  	v45 =	vld [tilespmem:s31+$0x7AC0]  }
0xf2: {  	v46 =	vld [tilespmem:s31+$0x52D0];
	v18 =	vadd.f32 v19, v18;
	v19 =	vmul.f32 v41, v40  }
0xf3: {  	v47 =	vld [tilespmem:s31+$0x7AD0]  }
0xf4: {  	v48 =	vld [tilespmem:s31+$0x52E0];
	v18 =	vadd.f32 v19, v18;
	v19 =	vmul.f32 v43, v42  }
0xf5: {  	v49 =	vld [tilespmem:s31+$0x7AE0]  }
0xf6: {  	v50 =	vld [tilespmem:s31+$0x52F0];
	v18 =	vadd.f32 v19, v18;
	v19 =	vmul.f32 v45, v44  }
0xf7: {  	v51 =	vld [tilespmem:s31+$0x7AF0]  }
0xf8: {  	v18 =	vadd.f32 v19, v18;
	v19 =	vmul.f32 v47, v46;
	_ =	sdelay $0x1  }
0xf9: {  	v18 =	vadd.f32 v19, v18;
	v19 =	vmul.f32 v49, v48;
	_ =	sdelay $0x1  }
0xfa: {  	v18 =	vadd.f32 v19, v18;
	v19 =	vmul.f32 v51, v50;
	_ =	sdelay $0x1  }
0xfb: {  	v18 =	vadd.f32 v19, v18;
	_ =	sdelay $0x1  }
0xfc: {  	[tilespmem:$0x11A00] =	vst v18  }
0xfd: {  	v18 =	vld [tilespmem:s31+$0x5300]  }
0xfe: {  	v19 =	vld [tilespmem:s31+$0x7B00]  }
0xff: {  	v52 =	vld [tilespmem:s31+$0x5310]  }
0x100: {  	v53 =	vld [tilespmem:s31+$0x7B10]  }
0x101: {  	v54 =	vld [tilespmem:s31+$0x5320]  }
0x102: {  	v55 =	vld [tilespmem:s31+$0x7B20]  }
0x103: {  	v56 =	vld [tilespmem:s31+$0x5330]  }
0x104: {  	v57 =	vld [tilespmem:s31+$0x7B30]  }
0x105: {  	v58 =	vld [tilespmem:s31+$0x5340];
	v18 =	vmul.f32 v19, v18;
	v19 =	vmul.f32 v53, v52  }
0x106: {  	v59 =	vld [tilespmem:s31+$0x7B40]  }
0x107: {  	v60 =	vld [tilespmem:s31+$0x5350];
	v18 =	vadd.f32 v19, v18;
	v19 =	vmul.f32 v55, v54  }
0x108: {  	v61 =	vld [tilespmem:s31+$0x7B50]  }
0x109: {  	v62 =	vld [tilespmem:s31+$0x5360];
	v18 =	vadd.f32 v19, v18;
	v19 =	vmul.f32 v57, v56  }
0x10a: {  	v63 =	vld [tilespmem:s31+$0x7B60]  }
0x10b: {  	v26 =	vld [tilespmem:s31+$0x5370];
	v18 =	vadd.f32 v19, v18;
	v19 =	vmul.f32 v59, v58  }
0x10c: {  	v27 =	vld [tilespmem:s31+$0x7B70]  }
0x10d: {  	v18 =	vadd.f32 v19, v18;
	v19 =	vmul.f32 v61, v60;
	_ =	sdelay $0x1  }
0x10e: {  	v18 =	vadd.f32 v19, v18;
	v19 =	vmul.f32 v63, v62;
	_ =	sdelay $0x1  }
0x10f: {  	v18 =	vadd.f32 v19, v18;
	v19 =	vmul.f32 v27, v26;
	_ =	sdelay $0x1  }
0x110: {  	v18 =	vadd.f32 v19, v18;
	_ =	sdelay $0x1  }
0x111: {  	[tilespmem:$0x11A80] =	vst v18  }
0x112: {  	v18 =	vld [tilespmem:s31+$0x5380]  }
0x113: {  	v19 =	vld [tilespmem:s31+$0x7B80]  }
0x114: {  	v28 =	vld [tilespmem:s31+$0x5390]  }
0x115: {  	v29 =	vld [tilespmem:s31+$0x7B90]  }
0x116: {  	v30 =	vld [tilespmem:s31+$0x53A0]  }
0x117: {  	v31 =	vld [tilespmem:s31+$0x7BA0]  }
0x118: {  	v32 =	vld [tilespmem:s31+$0x53B0]  }
0x119: {  	v33 =	vld [tilespmem:s31+$0x7BB0]  }
0x11a: {  	v34 =	vld [tilespmem:s31+$0x53C0];
	v18 =	vmul.f32 v19, v18;
	v19 =	vmul.f32 v29, v28  }
0x11b: {  	v35 =	vld [tilespmem:s31+$0x7BC0]  }
0x11c: {  	v36 =	vld [tilespmem:s31+$0x53D0];
	v18 =	vadd.f32 v19, v18;
	v19 =	vmul.f32 v31, v30  }
0x11d: {  	v37 =	vld [tilespmem:s31+$0x7BD0]  }
0x11e: {  	v38 =	vld [tilespmem:s31+$0x53E0];
	v18 =	vadd.f32 v19, v18;
	v19 =	vmul.f32 v33, v32  }
0x11f: {  	v39 =	vld [tilespmem:s31+$0x7BE0]  }
0x120: {  	v40 =	vld [tilespmem:s31+$0x53F0];
	v18 =	vadd.f32 v19, v18;
	v19 =	vmul.f32 v35, v34  }
0x121: {  	v41 =	vld [tilespmem:s31+$0x7BF0]  }
0x122: {  	v18 =	vadd.f32 v19, v18;
	v19 =	vmul.f32 v37, v36;
	_ =	sdelay $0x1  }
0x123: {  	v18 =	vadd.f32 v19, v18;
	v19 =	vmul.f32 v39, v38;
	_ =	sdelay $0x1  }
0x124: {  	v18 =	vadd.f32 v19, v18;
	v19 =	vmul.f32 v41, v40;
	_ =	sdelay $0x1  }
0x125: {  	v18 =	vadd.f32 v19, v18;
	_ =	sdelay $0x1  }
0x126: {  	[tilespmem:$0x11B00] =	vst v18  }
0x127: {  	v18 =	vld [tilespmem:s31+$0x5400]  }
0x128: {  	v19 =	vld [tilespmem:s31+$0x7C00]  }
0x129: {  	v42 =	vld [tilespmem:s31+$0x5410]  }
0x12a: {  	v43 =	vld [tilespmem:s31+$0x7C10]  }
0x12b: {  	v44 =	vld [tilespmem:s31+$0x5420]  }
0x12c: {  	v45 =	vld [tilespmem:s31+$0x7C20]  }
0x12d: {  	v46 =	vld [tilespmem:s31+$0x5430]  }
0x12e: {  	v47 =	vld [tilespmem:s31+$0x7C30]  }
0x12f: {  	v48 =	vld [tilespmem:s31+$0x5440];
	v18 =	vmul.f32 v19, v18;
	v19 =	vmul.f32 v43, v42  }
0x130: {  	v49 =	vld [tilespmem:s31+$0x7C40]  }
0x131: {  	v50 =	vld [tilespmem:s31+$0x5450];
	v18 =	vadd.f32 v19, v18;
	v19 =	vmul.f32 v45, v44  }
0x132: {  	v51 =	vld [tilespmem:s31+$0x7C50]  }
0x133: {  	v52 =	vld [tilespmem:s31+$0x5460];
	v18 =	vadd.f32 v19, v18;
	v19 =	vmul.f32 v47, v46  }
0x134: {  	v53 =	vld [tilespmem:s31+$0x7C60]  }
0x135: {  	v54 =	vld [tilespmem:s31+$0x5470];
	v18 =	vadd.f32 v19, v18;
	v19 =	vmul.f32 v49, v48  }
0x136: {  	v55 =	vld [tilespmem:s31+$0x7C70]  }
0x137: {  	v18 =	vadd.f32 v19, v18;
	v19 =	vmul.f32 v51, v50;
	_ =	sdelay $0x1  }
0x138: {  	v18 =	vadd.f32 v19, v18;
	v19 =	vmul.f32 v53, v52;
	_ =	sdelay $0x1  }
0x139: {  	v18 =	vadd.f32 v19, v18;
	v19 =	vmul.f32 v55, v54;
	_ =	sdelay $0x1  }
0x13a: {  	v18 =	vadd.f32 v19, v18;
	_ =	sdelay $0x1  }
0x13b: {  	[tilespmem:$0x11B80] =	vst v18  }
0x13c: {  	v18 =	vld [tilespmem:s31+$0x5480]  }
0x13d: {  	v19 =	vld [tilespmem:s31+$0x7C80]  }
0x13e: {  	v56 =	vld [tilespmem:s31+$0x5490]  }
0x13f: {  	v57 =	vld [tilespmem:s31+$0x7C90]  }
0x140: {  	v58 =	vld [tilespmem:s31+$0x54A0]  }
0x141: {  	v59 =	vld [tilespmem:s31+$0x7CA0]  }
0x142: {  	v60 =	vld [tilespmem:s31+$0x54B0]  }
0x143: {  	v61 =	vld [tilespmem:s31+$0x7CB0]  }
0x144: {  	v62 =	vld [tilespmem:s31+$0x54C0];
	v18 =	vmul.f32 v19, v18;
	v19 =	vmul.f32 v57, v56  }
0x145: {  	v63 =	vld [tilespmem:s31+$0x7CC0]  }
0x146: {  	v28 =	vld [tilespmem:s31+$0x54D0];
	v18 =	vadd.f32 v19, v18;
	v19 =	vmul.f32 v59, v58  }
0x147: {  	v29 =	vld [tilespmem:s31+$0x7CD0]  }
0x148: {  	v30 =	vld [tilespmem:s31+$0x54E0];
	v18 =	vadd.f32 v19, v18;
	v19 =	vmul.f32 v61, v60  }
0x149: {  	v31 =	vld [tilespmem:s31+$0x7CE0]  }
0x14a: {  	v32 =	vld [tilespmem:s31+$0x54F0];
	v18 =	vadd.f32 v19, v18;
	v19 =	vmul.f32 v63, v62  }
0x14b: {  	v33 =	vld [tilespmem:s31+$0x7CF0]  }
0x14c: {  	v18 =	vadd.f32 v19, v18;
	v19 =	vmul.f32 v29, v28;
	_ =	sdelay $0x1  }
0x14d: {  	v18 =	vadd.f32 v19, v18;
	v19 =	vmul.f32 v31, v30;
	_ =	sdelay $0x1  }
0x14e: {  	v18 =	vadd.f32 v19, v18;
	v19 =	vmul.f32 v33, v32;
	_ =	sdelay $0x1  }
0x14f: {  	v18 =	vadd.f32 v19, v18;
	_ =	sdelay $0x1  }
0x150: {  	[tilespmem:$0x11C00] =	vst v18  }
0x151: {  	v18 =	vld [tilespmem:s31+$0x5500]  }
0x152: {  	v19 =	vld [tilespmem:s31+$0x7D00]  }
0x153: {  	v34 =	vld [tilespmem:s31+$0x5510]  }
0x154: {  	v35 =	vld [tilespmem:s31+$0x7D10]  }
0x155: {  	v36 =	vld [tilespmem:s31+$0x5520]  }
0x156: {  	v37 =	vld [tilespmem:s31+$0x7D20]  }
0x157: {  	v38 =	vld [tilespmem:s31+$0x5530]  }
0x158: {  	v39 =	vld [tilespmem:s31+$0x7D30]  }
0x159: {  	v40 =	vld [tilespmem:s31+$0x5540];
	v18 =	vmul.f32 v19, v18;
	v19 =	vmul.f32 v35, v34  }
0x15a: {  	v41 =	vld [tilespmem:s31+$0x7D40]  }
0x15b: {  	v42 =	vld [tilespmem:s31+$0x5550];
	v18 =	vadd.f32 v19, v18;
	v19 =	vmul.f32 v37, v36  }
0x15c: {  	v43 =	vld [tilespmem:s31+$0x7D50]  }
0x15d: {  	v44 =	vld [tilespmem:s31+$0x5560];
	v18 =	vadd.f32 v19, v18;
	v19 =	vmul.f32 v39, v38  }
0x15e: {  	v45 =	vld [tilespmem:s31+$0x7D60]  }
0x15f: {  	v46 =	vld [tilespmem:s31+$0x5570];
	v18 =	vadd.f32 v19, v18;
	v19 =	vmul.f32 v41, v40  }
0x160: {  	v47 =	vld [tilespmem:s31+$0x7D70]  }
0x161: {  	v18 =	vadd.f32 v19, v18;
	v19 =	vmul.f32 v43, v42;
	_ =	sdelay $0x1  }
0x162: {  	v18 =	vadd.f32 v19, v18;
	v19 =	vmul.f32 v45, v44;
	_ =	sdelay $0x1  }
0x163: {  	v18 =	vadd.f32 v19, v18;
	v19 =	vmul.f32 v47, v46;
	_ =	sdelay $0x1  }
0x164: {  	v18 =	vadd.f32 v19, v18;
	_ =	sdelay $0x1  }
0x165: {  	[tilespmem:$0x11C80] =	vst v18  }
0x166: {  	v18 =	vld [tilespmem:s31+$0x5580]  }
0x167: {  	v19 =	vld [tilespmem:s31+$0x7D80]  }
0x168: {  	v48 =	vld [tilespmem:s31+$0x5590]  }
0x169: {  	v49 =	vld [tilespmem:s31+$0x7D90]  }
0x16a: {  	v50 =	vld [tilespmem:s31+$0x55A0]  }
0x16b: {  	v51 =	vld [tilespmem:s31+$0x7DA0]  }
0x16c: {  	v52 =	vld [tilespmem:s31+$0x55B0]  }
0x16d: {  	v53 =	vld [tilespmem:s31+$0x7DB0]  }
0x16e: {  	v54 =	vld [tilespmem:s31+$0x55C0];
	v18 =	vmul.f32 v19, v18;
	v19 =	vmul.f32 v49, v48  }
0x16f: {  	v55 =	vld [tilespmem:s31+$0x7DC0]  }
0x170: {  	v56 =	vld [tilespmem:s31+$0x55D0];
	v18 =	vadd.f32 v19, v18;
	v19 =	vmul.f32 v51, v50  }
0x171: {  	v57 =	vld [tilespmem:s31+$0x7DD0]  }
0x172: {  	v58 =	vld [tilespmem:s31+$0x55E0];
	v18 =	vadd.f32 v19, v18;
	v19 =	vmul.f32 v53, v52  }
0x173: {  	v59 =	vld [tilespmem:s31+$0x7DE0]  }
0x174: {  	v60 =	vld [tilespmem:s31+$0x55F0];
	v18 =	vadd.f32 v19, v18;
	v19 =	vmul.f32 v55, v54  }
0x175: {  	v61 =	vld [tilespmem:s31+$0x7DF0]  }
0x176: {  	v18 =	vadd.f32 v19, v18;
	v19 =	vmul.f32 v57, v56;
	_ =	sdelay $0x1  }
0x177: {  	v18 =	vadd.f32 v19, v18;
	v19 =	vmul.f32 v59, v58;
	_ =	sdelay $0x1  }
0x178: {  	v18 =	vadd.f32 v19, v18;
	v19 =	vmul.f32 v61, v60;
	_ =	sdelay $0x1  }
0x179: {  	v18 =	vadd.f32 v19, v18;
	_ =	sdelay $0x1  }
0x17a: {  	[tilespmem:$0x11D00] =	vst v18  }
0x17b: {  	v18 =	vld [tilespmem:s31+$0x5600]  }
0x17c: {  	v19 =	vld [tilespmem:s31+$0x7E00]  }
0x17d: {  	v62 =	vld [tilespmem:s31+$0x5610]  }
0x17e: {  	v63 =	vld [tilespmem:s31+$0x7E10]  }
0x17f: {  	v28 =	vld [tilespmem:s31+$0x5620]  }
0x180: {  	v29 =	vld [tilespmem:s31+$0x7E20]  }
0x181: {  	v30 =	vld [tilespmem:s31+$0x5630]  }
0x182: {  	v31 =	vld [tilespmem:s31+$0x7E30]  }
0x183: {  	v32 =	vld [tilespmem:s31+$0x5640];
	v18 =	vmul.f32 v19, v18;
	v19 =	vmul.f32 v63, v62  }
0x184: {  	v33 =	vld [tilespmem:s31+$0x7E40]  }
0x185: {  	v34 =	vld [tilespmem:s31+$0x5650];
	v18 =	vadd.f32 v19, v18;
	v19 =	vmul.f32 v29, v28  }
0x186: {  	v35 =	vld [tilespmem:s31+$0x7E50]  }
0x187: {  	v36 =	vld [tilespmem:s31+$0x5660];
	v18 =	vadd.f32 v19, v18;
	v19 =	vmul.f32 v31, v30  }
0x188: {  	v37 =	vld [tilespmem:s31+$0x7E60]  }
0x189: {  	v38 =	vld [tilespmem:s31+$0x5670];
	v18 =	vadd.f32 v19, v18;
	v19 =	vmul.f32 v33, v32  }
0x18a: {  	v39 =	vld [tilespmem:s31+$0x7E70]  }
0x18b: {  	v18 =	vadd.f32 v19, v18;
	v19 =	vmul.f32 v35, v34;
	_ =	sdelay $0x1  }
0x18c: {  	v18 =	vadd.f32 v19, v18;
	v19 =	vmul.f32 v37, v36;
	_ =	sdelay $0x1  }
0x18d: {  	v18 =	vadd.f32 v19, v18;
	v19 =	vmul.f32 v39, v38;
	_ =	sdelay $0x1  }
0x18e: {  	v18 =	vadd.f32 v19, v18;
	_ =	sdelay $0x1  }
0x18f: {  	[tilespmem:$0x11D80] =	vst v18  }
0x190: {  	v18 =	vld [tilespmem:s31+$0x5680]  }
0x191: {  	v19 =	vld [tilespmem:s31+$0x7E80]  }
0x192: {  	v40 =	vld [tilespmem:s31+$0x5690]  }
0x193: {  	v41 =	vld [tilespmem:s31+$0x7E90]  }
0x194: {  	v42 =	vld [tilespmem:s31+$0x56A0]  }
0x195: {  	v43 =	vld [tilespmem:s31+$0x7EA0]  }
0x196: {  	v44 =	vld [tilespmem:s31+$0x56B0]  }
0x197: {  	v45 =	vld [tilespmem:s31+$0x7EB0]  }
0x198: {  	v46 =	vld [tilespmem:s31+$0x56C0];
	v18 =	vmul.f32 v19, v18;
	v19 =	vmul.f32 v41, v40  }
0x199: {  	v47 =	vld [tilespmem:s31+$0x7EC0]  }
0x19a: {  	v48 =	vld [tilespmem:s31+$0x56D0];
	v18 =	vadd.f32 v19, v18;
	v19 =	vmul.f32 v43, v42  }
0x19b: {  	v49 =	vld [tilespmem:s31+$0x7ED0]  }
0x19c: {  	v50 =	vld [tilespmem:s31+$0x56E0];
	v18 =	vadd.f32 v19, v18;
	v19 =	vmul.f32 v45, v44  }
0x19d: {  	v51 =	vld [tilespmem:s31+$0x7EE0]  }
0x19e: {  	v52 =	vld [tilespmem:s31+$0x56F0];
	v18 =	vadd.f32 v19, v18;
	v19 =	vmul.f32 v47, v46  }
0x19f: {  	v53 =	vld [tilespmem:s31+$0x7EF0]  }
0x1a0: {  	v18 =	vadd.f32 v19, v18;
	v19 =	vmul.f32 v49, v48;
	_ =	sdelay $0x1  }
0x1a1: {  	v18 =	vadd.f32 v19, v18;
	v19 =	vmul.f32 v51, v50;
	_ =	sdelay $0x1  }
0x1a2: {  	v18 =	vadd.f32 v19, v18;
	v19 =	vmul.f32 v53, v52;
	_ =	sdelay $0x1  }
0x1a3: {  	v18 =	vadd.f32 v19, v18;
	_ =	sdelay $0x1  }
0x1a4: {  	[tilespmem:$0x11E00] =	vst v18  }
0x1a5: {  	v18 =	vld.idx.msk [tilespmem:v0+s20+$0x0], $0xffff;
	_ =	sdelay $0x1  }
0x1a6: {  	v19 =	vld.idx.msk [tilespmem:v2+s20+$0x0], $0xffff;
	_ =	sdelay $0x1  }
0x1a7: {  	v54 =	vld.idx.msk [tilespmem:v3+s20+$0x0], $0xffff  }
0x1a8: {  	v18 =	vadd.f32 $0.0e+00, v18  }
0x1a9: {  	v55 =	vld.idx.msk [tilespmem:v4+s20+$0x0], $0xffff  }
0x1aa: {  	v18 =	vadd.f32 v19, v18  }
0x1ab: {  	v19 =	vld.idx.msk [tilespmem:v5+s20+$0x0], $0xffff  }
0x1ac: {  	v18 =	vadd.f32 v54, v18  }
0x1ad: {  	v56 =	vld.idx.msk [tilespmem:v6+s20+$0x0], $0xffff  }
0x1ae: {  	v18 =	vadd.f32 v55, v18  }
0x1af: {  	v57 =	vld.idx.msk [tilespmem:v7+s20+$0x0], $0xffff  }
0x1b0: {  	v18 =	vadd.f32 v19, v18  }
0x1b1: {  	v19 =	vld.idx.msk [tilespmem:v8+s20+$0x0], $0xffff  }
0x1b2: {  	v18 =	vadd.f32 v56, v18  }
0x1b3: {  	v58 =	vld.idx.msk [tilespmem:v9+s20+$0x0], $0xffff  }
0x1b4: {  	v18 =	vadd.f32 v57, v18  }
0x1b5: {  	v59 =	vld.idx.msk [tilespmem:v10+s20+$0x0], $0xffff  }
0x1b6: {  	v18 =	vadd.f32 v19, v18  }
0x1b7: {  	v19 =	vld.idx.msk [tilespmem:v11+s20+$0x0], $0xffff  }
0x1b8: {  	v18 =	vadd.f32 v58, v18  }
0x1b9: {  	v60 =	vld.idx.msk [tilespmem:v12+s20+$0x0], $0xffff  }
0x1ba: {  	v18 =	vadd.f32 v59, v18  }
0x1bb: {  	v61 =	vld.idx.msk [tilespmem:v13+s20+$0x0], $0xffff  }
0x1bc: {  	v18 =	vadd.f32 v19, v18  }
0x1bd: {  	v19 =	vld.idx.msk [tilespmem:v14+s20+$0x0], $0xffff  }
0x1be: {  	v18 =	vadd.f32 v60, v18  }
0x1bf: {  	v62 =	vld.idx.msk [tilespmem:v15+s20+$0x0], $0xffff  }
0x1c0: {  	v18 =	vadd.f32 v61, v18  }
0x1c1: {  	v63 =	vld.idx.msk [tilespmem:v16+s20+$0x0], $0xffff  }
0x1c2: {  	v18 =	vadd.f32 v19, v18;
	_ =	sdelay $0x1  }
0x1c3: {  	v18 =	vadd.f32 v62, v18;
	_ =	sdelay $0x1  }
0x1c4: {  	v18 =	vadd.f32 v63, v18;
	_ =	sdelay $0x1  }
0x1c5: {  	v18 =	vmul.f32 $1.442695020e+00, v18;
	_ =	sdelay $0x1  }
0x1c6: {  	(erf) = vpow2.f32 v18;
	_ =	sdelay $0x4  }
0x1c7: {  	p1 =	sne.s32 s30, $0x4  }
.Ltmp0:
0x1c8: {  	_ = 	snop;
	(pc) =	sbr.rel @p1 .LBB2_3-.Ltmp0, $4  }
0x1c9: {  	_ = 	snop  }
0x1ca: {  	s31 =	sshll.u32 s30, $0x4  }
0x1cb: {  	s31 =	sand.u32 $0x3FFFFFF0, s31;
	v18 =	vpop (erf)  }
0x1cc: {  	s30 =	sadd.s32 $0x1, s30;
	[tilespmem:v17+s31+$0x0 ss:$0x1] =	vst.idx.msk $0xffff, v18  }
0x1cd: {  	s30 =	sadd.s32 $0xA0, s29  }
0x1ce: {  	[tilespmem:s14], [sflag:$0x1] =	stream.indirect.gather [hbm4b:s3+s13], $0x80, s30, s13, $0xb8;
	[tilespmem:$0x12380] =	vst v63  }
0x1cf: {  	s30 =	sadd.s32 $0x2820, s29  }
0x1d0: {  	[tilespmem:s15], [sflag:$0x2] =	stream.indirect.gather [hbm4b:s3+s13], $0x80, s30, s13, $0xb8;
	[tilespmem:$0x12380] =	vst v63  }
0x1d1: {  	_ =	swait.ge [sflag:s21], $0x2800  }
0x1d2: {  	[sflag:s21] =	ssyncset.done $0x0  }
0x1d3: {  	[sflag:s21] =	ssyncadd.s32 $0xFFFFD800  }
0x1d4: {  	_ =	swait.ge [sflag:s22], $0x2800  }
0x1d5: {  	s31 =	sadd.s32 $0xEF00, s28;
	[sflag:s22] =	ssyncset.done $0x0  }
0x1d6: {  	s28 =	simm.s32 $0x0;
	v17 =	vmov s31;
	[sflag:s22] =	ssyncadd.s32 $0xFFFFD800  }
.LBB2_5:
0x1d7: {  	s29 =	sshll.u32 s28, $0xB  }
0x1d8: {  	v18 =	vld [tilespmem:s29+$0x9F00]  }
0x1d9: {  	v19 =	vld [tilespmem:s29+$0xC700]  }
0x1da: {  	v20 =	vld [tilespmem:s29+$0x9F10]  }
0x1db: {  	v21 =	vld [tilespmem:s29+$0xC710]  }
0x1dc: {  	v22 =	vld [tilespmem:s29+$0x9F20]  }
0x1dd: {  	v23 =	vld [tilespmem:s29+$0xC720]  }
0x1de: {  	v24 =	vld [tilespmem:s29+$0x9F30]  }
0x1df: {  	v25 =	vld [tilespmem:s29+$0xC730]  }
0x1e0: {  	v54 =	vld [tilespmem:s29+$0x9F40];
	v18 =	vmul.f32 v19, v18;
	v19 =	vmul.f32 v21, v20  }
0x1e1: {  	v55 =	vld [tilespmem:s29+$0xC740]  }
0x1e2: {  	v56 =	vld [tilespmem:s29+$0x9F50];
	v18 =	vadd.f32 v19, v18;
	v19 =	vmul.f32 v23, v22  }
0x1e3: {  	v57 =	vld [tilespmem:s29+$0xC750]  }
0x1e4: {  	v58 =	vld [tilespmem:s29+$0x9F60];
	v18 =	vadd.f32 v19, v18;
	v19 =	vmul.f32 v25, v24  }
0x1e5: {  	v59 =	vld [tilespmem:s29+$0xC760]  }
0x1e6: {  	v60 =	vld [tilespmem:s29+$0x9F70];
	v18 =	vadd.f32 v19, v18;
	v19 =	vmul.f32 v55, v54  }
0x1e7: {  	v61 =	vld [tilespmem:s29+$0xC770]  }
0x1e8: {  	v18 =	vadd.f32 v19, v18;
	v19 =	vmul.f32 v57, v56;
	_ =	sdelay $0x1  }
0x1e9: {  	v18 =	vadd.f32 v19, v18;
	v19 =	vmul.f32 v59, v58;
	_ =	sdelay $0x1  }
0x1ea: {  	v18 =	vadd.f32 v19, v18;
	v19 =	vmul.f32 v61, v60;
	_ =	sdelay $0x1  }
0x1eb: {  	v18 =	vadd.f32 v19, v18;
	_ =	sdelay $0x1  }
0x1ec: {  	[tilespmem:$0x11680] =	vst v18  }
0x1ed: {  	v18 =	vld [tilespmem:s29+$0x9F80]  }
0x1ee: {  	v19 =	vld [tilespmem:s29+$0xC780]  }
0x1ef: {  	v62 =	vld [tilespmem:s29+$0x9F90]  }
0x1f0: {  	v63 =	vld [tilespmem:s29+$0xC790]  }
0x1f1: {  	v28 =	vld [tilespmem:s29+$0x9FA0]  }
0x1f2: {  	v29 =	vld [tilespmem:s29+$0xC7A0]  }
0x1f3: {  	v30 =	vld [tilespmem:s29+$0x9FB0]  }
0x1f4: {  	v31 =	vld [tilespmem:s29+$0xC7B0]  }
0x1f5: {  	v32 =	vld [tilespmem:s29+$0x9FC0];
	v18 =	vmul.f32 v19, v18;
	v19 =	vmul.f32 v63, v62  }
0x1f6: {  	v33 =	vld [tilespmem:s29+$0xC7C0]  }
0x1f7: {  	v34 =	vld [tilespmem:s29+$0x9FD0];
	v18 =	vadd.f32 v19, v18;
	v19 =	vmul.f32 v29, v28  }
0x1f8: {  	v35 =	vld [tilespmem:s29+$0xC7D0]  }
0x1f9: {  	v36 =	vld [tilespmem:s29+$0x9FE0];
	v18 =	vadd.f32 v19, v18;
	v19 =	vmul.f32 v31, v30  }
0x1fa: {  	v37 =	vld [tilespmem:s29+$0xC7E0]  }
0x1fb: {  	v38 =	vld [tilespmem:s29+$0x9FF0];
	v18 =	vadd.f32 v19, v18;
	v19 =	vmul.f32 v33, v32  }
0x1fc: {  	v39 =	vld [tilespmem:s29+$0xC7F0]  }
0x1fd: {  	v18 =	vadd.f32 v19, v18;
	v19 =	vmul.f32 v35, v34;
	_ =	sdelay $0x1  }
0x1fe: {  	v18 =	vadd.f32 v19, v18;
	v19 =	vmul.f32 v37, v36;
	_ =	sdelay $0x1  }
0x1ff: {  	v18 =	vadd.f32 v19, v18;
	v19 =	vmul.f32 v39, v38;
	_ =	sdelay $0x1  }
0x200: {  	v18 =	vadd.f32 v19, v18;
	_ =	sdelay $0x1  }
0x201: {  	[tilespmem:$0x11700] =	vst v18  }
0x202: {  	v18 =	vld [tilespmem:s29+$0xA000]  }
0x203: {  	v19 =	vld [tilespmem:s29+$0xC800]  }
0x204: {  	v40 =	vld [tilespmem:s29+$0xA010]  }
0x205: {  	v41 =	vld [tilespmem:s29+$0xC810]  }
0x206: {  	v42 =	vld [tilespmem:s29+$0xA020]  }
0x207: {  	v43 =	vld [tilespmem:s29+$0xC820]  }
0x208: {  	v44 =	vld [tilespmem:s29+$0xA030]  }
0x209: {  	v45 =	vld [tilespmem:s29+$0xC830]  }
0x20a: {  	v46 =	vld [tilespmem:s29+$0xA040];
	v18 =	vmul.f32 v19, v18;
	v19 =	vmul.f32 v41, v40  }
0x20b: {  	v47 =	vld [tilespmem:s29+$0xC840]  }
0x20c: {  	v48 =	vld [tilespmem:s29+$0xA050];
	v18 =	vadd.f32 v19, v18;
	v19 =	vmul.f32 v43, v42  }
0x20d: {  	v49 =	vld [tilespmem:s29+$0xC850]  }
0x20e: {  	v50 =	vld [tilespmem:s29+$0xA060];
	v18 =	vadd.f32 v19, v18;
	v19 =	vmul.f32 v45, v44  }
0x20f: {  	v51 =	vld [tilespmem:s29+$0xC860]  }
0x210: {  	v52 =	vld [tilespmem:s29+$0xA070];
	v18 =	vadd.f32 v19, v18;
	v19 =	vmul.f32 v47, v46  }
0x211: {  	v53 =	vld [tilespmem:s29+$0xC870]  }
0x212: {  	v18 =	vadd.f32 v19, v18;
	v19 =	vmul.f32 v49, v48;
	_ =	sdelay $0x1  }
0x213: {  	v18 =	vadd.f32 v19, v18;
	v19 =	vmul.f32 v51, v50;
	_ =	sdelay $0x1  }
0x214: {  	v18 =	vadd.f32 v19, v18;
	v19 =	vmul.f32 v53, v52;
	_ =	sdelay $0x1  }
0x215: {  	v18 =	vadd.f32 v19, v18;
	_ =	sdelay $0x1  }
0x216: {  	[tilespmem:$0x11780] =	vst v18  }
0x217: {  	v18 =	vld [tilespmem:s29+$0xA080]  }
0x218: {  	v19 =	vld [tilespmem:s29+$0xC880]  }
0x219: {  	v54 =	vld [tilespmem:s29+$0xA090]  }
0x21a: {  	v55 =	vld [tilespmem:s29+$0xC890]  }
0x21b: {  	v56 =	vld [tilespmem:s29+$0xA0A0]  }
0x21c: {  	v57 =	vld [tilespmem:s29+$0xC8A0]  }
0x21d: {  	v58 =	vld [tilespmem:s29+$0xA0B0]  }
0x21e: {  	v59 =	vld [tilespmem:s29+$0xC8B0]  }
0x21f: {  	v60 =	vld [tilespmem:s29+$0xA0C0];
	v18 =	vmul.f32 v19, v18;
	v19 =	vmul.f32 v55, v54  }
0x220: {  	v61 =	vld [tilespmem:s29+$0xC8C0]  }
0x221: {  	v62 =	vld [tilespmem:s29+$0xA0D0];
	v18 =	vadd.f32 v19, v18;
	v19 =	vmul.f32 v57, v56  }
0x222: {  	v63 =	vld [tilespmem:s29+$0xC8D0]  }
0x223: {  	v28 =	vld [tilespmem:s29+$0xA0E0];
	v18 =	vadd.f32 v19, v18;
	v19 =	vmul.f32 v59, v58  }
0x224: {  	v29 =	vld [tilespmem:s29+$0xC8E0]  }
0x225: {  	v30 =	vld [tilespmem:s29+$0xA0F0];
	v18 =	vadd.f32 v19, v18;
	v19 =	vmul.f32 v61, v60  }
0x226: {  	v31 =	vld [tilespmem:s29+$0xC8F0]  }
0x227: {  	v18 =	vadd.f32 v19, v18;
	v19 =	vmul.f32 v63, v62;
	_ =	sdelay $0x1  }
0x228: {  	v18 =	vadd.f32 v19, v18;
	v19 =	vmul.f32 v29, v28;
	_ =	sdelay $0x1  }
0x229: {  	v18 =	vadd.f32 v19, v18;
	v19 =	vmul.f32 v31, v30;
	_ =	sdelay $0x1  }
0x22a: {  	v18 =	vadd.f32 v19, v18;
	_ =	sdelay $0x1  }
0x22b: {  	[tilespmem:$0x11800] =	vst v18  }
0x22c: {  	v18 =	vld [tilespmem:s29+$0xA100]  }
0x22d: {  	v19 =	vld [tilespmem:s29+$0xC900]  }
0x22e: {  	v32 =	vld [tilespmem:s29+$0xA110]  }
0x22f: {  	v33 =	vld [tilespmem:s29+$0xC910]  }
0x230: {  	v34 =	vld [tilespmem:s29+$0xA120]  }
0x231: {  	v35 =	vld [tilespmem:s29+$0xC920]  }
0x232: {  	v36 =	vld [tilespmem:s29+$0xA130]  }
0x233: {  	v37 =	vld [tilespmem:s29+$0xC930]  }
0x234: {  	v38 =	vld [tilespmem:s29+$0xA140];
	v18 =	vmul.f32 v19, v18;
	v19 =	vmul.f32 v33, v32  }
0x235: {  	v39 =	vld [tilespmem:s29+$0xC940]  }
0x236: {  	v40 =	vld [tilespmem:s29+$0xA150];
	v18 =	vadd.f32 v19, v18;
	v19 =	vmul.f32 v35, v34  }
0x237: {  	v41 =	vld [tilespmem:s29+$0xC950]  }
0x238: {  	v42 =	vld [tilespmem:s29+$0xA160];
	v18 =	vadd.f32 v19, v18;
	v19 =	vmul.f32 v37, v36  }
0x239: {  	v43 =	vld [tilespmem:s29+$0xC960]  }
0x23a: {  	v44 =	vld [tilespmem:s29+$0xA170];
	v18 =	vadd.f32 v19, v18;
	v19 =	vmul.f32 v39, v38  }
0x23b: {  	v45 =	vld [tilespmem:s29+$0xC970]  }
0x23c: {  	v18 =	vadd.f32 v19, v18;
	v19 =	vmul.f32 v41, v40;
	_ =	sdelay $0x1  }
0x23d: {  	v18 =	vadd.f32 v19, v18;
	v19 =	vmul.f32 v43, v42;
	_ =	sdelay $0x1  }
0x23e: {  	v18 =	vadd.f32 v19, v18;
	v19 =	vmul.f32 v45, v44;
	_ =	sdelay $0x1  }
0x23f: {  	v18 =	vadd.f32 v19, v18;
	_ =	sdelay $0x1  }
0x240: {  	[tilespmem:$0x11880] =	vst v18  }
0x241: {  	v18 =	vld [tilespmem:s29+$0xA180]  }
0x242: {  	v19 =	vld [tilespmem:s29+$0xC980]  }
0x243: {  	v46 =	vld [tilespmem:s29+$0xA190]  }
0x244: {  	v47 =	vld [tilespmem:s29+$0xC990]  }
0x245: {  	v48 =	vld [tilespmem:s29+$0xA1A0]  }
0x246: {  	v49 =	vld [tilespmem:s29+$0xC9A0]  }
0x247: {  	v50 =	vld [tilespmem:s29+$0xA1B0]  }
0x248: {  	v51 =	vld [tilespmem:s29+$0xC9B0]  }
0x249: {  	v52 =	vld [tilespmem:s29+$0xA1C0];
	v18 =	vmul.f32 v19, v18;
	v19 =	vmul.f32 v47, v46  }
0x24a: {  	v53 =	vld [tilespmem:s29+$0xC9C0]  }
0x24b: {  	v54 =	vld [tilespmem:s29+$0xA1D0];
	v18 =	vadd.f32 v19, v18;
	v19 =	vmul.f32 v49, v48  }
0x24c: {  	v55 =	vld [tilespmem:s29+$0xC9D0]  }
0x24d: {  	v56 =	vld [tilespmem:s29+$0xA1E0];
	v18 =	vadd.f32 v19, v18;
	v19 =	vmul.f32 v51, v50  }
0x24e: {  	v57 =	vld [tilespmem:s29+$0xC9E0]  }
0x24f: {  	v58 =	vld [tilespmem:s29+$0xA1F0];
	v18 =	vadd.f32 v19, v18;
	v19 =	vmul.f32 v53, v52  }
0x250: {  	v59 =	vld [tilespmem:s29+$0xC9F0]  }
0x251: {  	v18 =	vadd.f32 v19, v18;
	v19 =	vmul.f32 v55, v54;
	_ =	sdelay $0x1  }
0x252: {  	v18 =	vadd.f32 v19, v18;
	v19 =	vmul.f32 v57, v56;
	_ =	sdelay $0x1  }
0x253: {  	v18 =	vadd.f32 v19, v18;
	v19 =	vmul.f32 v59, v58;
	_ =	sdelay $0x1  }
0x254: {  	v18 =	vadd.f32 v19, v18;
	_ =	sdelay $0x1  }
0x255: {  	[tilespmem:$0x11900] =	vst v18  }
0x256: {  	v18 =	vld [tilespmem:s29+$0xA200]  }
0x257: {  	v19 =	vld [tilespmem:s29+$0xCA00]  }
0x258: {  	v60 =	vld [tilespmem:s29+$0xA210]  }
0x259: {  	v61 =	vld [tilespmem:s29+$0xCA10]  }
0x25a: {  	v62 =	vld [tilespmem:s29+$0xA220]  }
0x25b: {  	v63 =	vld [tilespmem:s29+$0xCA20]  }
0x25c: {  	v28 =	vld [tilespmem:s29+$0xA230]  }
0x25d: {  	v29 =	vld [tilespmem:s29+$0xCA30]  }
0x25e: {  	v30 =	vld [tilespmem:s29+$0xA240];
	v18 =	vmul.f32 v19, v18;
	v19 =	vmul.f32 v61, v60  }
0x25f: {  	v31 =	vld [tilespmem:s29+$0xCA40]  }
0x260: {  	v32 =	vld [tilespmem:s29+$0xA250];
	v18 =	vadd.f32 v19, v18;
	v19 =	vmul.f32 v63, v62  }
0x261: {  	v33 =	vld [tilespmem:s29+$0xCA50]  }
0x262: {  	v34 =	vld [tilespmem:s29+$0xA260];
	v18 =	vadd.f32 v19, v18;
	v19 =	vmul.f32 v29, v28  }
0x263: {  	v35 =	vld [tilespmem:s29+$0xCA60]  }
0x264: {  	v36 =	vld [tilespmem:s29+$0xA270];
	v18 =	vadd.f32 v19, v18;
	v19 =	vmul.f32 v31, v30  }
0x265: {  	v37 =	vld [tilespmem:s29+$0xCA70]  }
0x266: {  	v18 =	vadd.f32 v19, v18;
	v19 =	vmul.f32 v33, v32;
	_ =	sdelay $0x1  }
0x267: {  	v18 =	vadd.f32 v19, v18;
	v19 =	vmul.f32 v35, v34;
	_ =	sdelay $0x1  }
0x268: {  	v18 =	vadd.f32 v19, v18;
	v19 =	vmul.f32 v37, v36;
	_ =	sdelay $0x1  }
0x269: {  	v18 =	vadd.f32 v19, v18;
	_ =	sdelay $0x1  }
0x26a: {  	[tilespmem:$0x11980] =	vst v18  }
0x26b: {  	v18 =	vld [tilespmem:s29+$0xA280]  }
0x26c: {  	v19 =	vld [tilespmem:s29+$0xCA80]  }
0x26d: {  	v38 =	vld [tilespmem:s29+$0xA290]  }
0x26e: {  	v39 =	vld [tilespmem:s29+$0xCA90]  }
0x26f: {  	v40 =	vld [tilespmem:s29+$0xA2A0]  }
0x270: {  	v41 =	vld [tilespmem:s29+$0xCAA0]  }
0x271: {  	v42 =	vld [tilespmem:s29+$0xA2B0]  }
0x272: {  	v43 =	vld [tilespmem:s29+$0xCAB0]  }
0x273: {  	v44 =	vld [tilespmem:s29+$0xA2C0];
	v18 =	vmul.f32 v19, v18;
	v19 =	vmul.f32 v39, v38  }
0x274: {  	v45 =	vld [tilespmem:s29+$0xCAC0]  }
0x275: {  	v46 =	vld [tilespmem:s29+$0xA2D0];
	v18 =	vadd.f32 v19, v18;
	v19 =	vmul.f32 v41, v40  }
0x276: {  	v47 =	vld [tilespmem:s29+$0xCAD0]  }
0x277: {  	v48 =	vld [tilespmem:s29+$0xA2E0];
	v18 =	vadd.f32 v19, v18;
	v19 =	vmul.f32 v43, v42  }
0x278: {  	v49 =	vld [tilespmem:s29+$0xCAE0]  }
0x279: {  	v50 =	vld [tilespmem:s29+$0xA2F0];
	v18 =	vadd.f32 v19, v18;
	v19 =	vmul.f32 v45, v44  }
0x27a: {  	v51 =	vld [tilespmem:s29+$0xCAF0]  }
0x27b: {  	v18 =	vadd.f32 v19, v18;
	v19 =	vmul.f32 v47, v46;
	_ =	sdelay $0x1  }
0x27c: {  	v18 =	vadd.f32 v19, v18;
	v19 =	vmul.f32 v49, v48;
	_ =	sdelay $0x1  }
0x27d: {  	v18 =	vadd.f32 v19, v18;
	v19 =	vmul.f32 v51, v50;
	_ =	sdelay $0x1  }
0x27e: {  	v18 =	vadd.f32 v19, v18;
	_ =	sdelay $0x1  }
0x27f: {  	[tilespmem:$0x11A00] =	vst v18  }
0x280: {  	v18 =	vld [tilespmem:s29+$0xA300]  }
0x281: {  	v19 =	vld [tilespmem:s29+$0xCB00]  }
0x282: {  	v52 =	vld [tilespmem:s29+$0xA310]  }
0x283: {  	v53 =	vld [tilespmem:s29+$0xCB10]  }
0x284: {  	v54 =	vld [tilespmem:s29+$0xA320]  }
0x285: {  	v55 =	vld [tilespmem:s29+$0xCB20]  }
0x286: {  	v56 =	vld [tilespmem:s29+$0xA330]  }
0x287: {  	v57 =	vld [tilespmem:s29+$0xCB30]  }
0x288: {  	v58 =	vld [tilespmem:s29+$0xA340];
	v18 =	vmul.f32 v19, v18;
	v19 =	vmul.f32 v53, v52  }
0x289: {  	v59 =	vld [tilespmem:s29+$0xCB40]  }
0x28a: {  	v60 =	vld [tilespmem:s29+$0xA350];
	v18 =	vadd.f32 v19, v18;
	v19 =	vmul.f32 v55, v54  }
0x28b: {  	v61 =	vld [tilespmem:s29+$0xCB50]  }
0x28c: {  	v62 =	vld [tilespmem:s29+$0xA360];
	v18 =	vadd.f32 v19, v18;
	v19 =	vmul.f32 v57, v56  }
0x28d: {  	v63 =	vld [tilespmem:s29+$0xCB60]  }
0x28e: {  	v26 =	vld [tilespmem:s29+$0xA370];
	v18 =	vadd.f32 v19, v18;
	v19 =	vmul.f32 v59, v58  }
0x28f: {  	v27 =	vld [tilespmem:s29+$0xCB70]  }
0x290: {  	v18 =	vadd.f32 v19, v18;
	v19 =	vmul.f32 v61, v60;
	_ =	sdelay $0x1  }
0x291: {  	v18 =	vadd.f32 v19, v18;
	v19 =	vmul.f32 v63, v62;
	_ =	sdelay $0x1  }
0x292: {  	v18 =	vadd.f32 v19, v18;
	v19 =	vmul.f32 v27, v26;
	_ =	sdelay $0x1  }
0x293: {  	v18 =	vadd.f32 v19, v18;
	_ =	sdelay $0x1  }
0x294: {  	[tilespmem:$0x11A80] =	vst v18  }
0x295: {  	v18 =	vld [tilespmem:s29+$0xA380]  }
0x296: {  	v19 =	vld [tilespmem:s29+$0xCB80]  }
0x297: {  	v28 =	vld [tilespmem:s29+$0xA390]  }
0x298: {  	v29 =	vld [tilespmem:s29+$0xCB90]  }
0x299: {  	v30 =	vld [tilespmem:s29+$0xA3A0]  }
0x29a: {  	v31 =	vld [tilespmem:s29+$0xCBA0]  }
0x29b: {  	v32 =	vld [tilespmem:s29+$0xA3B0]  }
0x29c: {  	v33 =	vld [tilespmem:s29+$0xCBB0]  }
0x29d: {  	v34 =	vld [tilespmem:s29+$0xA3C0];
	v18 =	vmul.f32 v19, v18;
	v19 =	vmul.f32 v29, v28  }
0x29e: {  	v35 =	vld [tilespmem:s29+$0xCBC0]  }
0x29f: {  	v36 =	vld [tilespmem:s29+$0xA3D0];
	v18 =	vadd.f32 v19, v18;
	v19 =	vmul.f32 v31, v30  }
0x2a0: {  	v37 =	vld [tilespmem:s29+$0xCBD0]  }
0x2a1: {  	v38 =	vld [tilespmem:s29+$0xA3E0];
	v18 =	vadd.f32 v19, v18;
	v19 =	vmul.f32 v33, v32  }
0x2a2: {  	v39 =	vld [tilespmem:s29+$0xCBE0]  }
0x2a3: {  	v40 =	vld [tilespmem:s29+$0xA3F0];
	v18 =	vadd.f32 v19, v18;
	v19 =	vmul.f32 v35, v34  }
0x2a4: {  	v41 =	vld [tilespmem:s29+$0xCBF0]  }
0x2a5: {  	v18 =	vadd.f32 v19, v18;
	v19 =	vmul.f32 v37, v36;
	_ =	sdelay $0x1  }
0x2a6: {  	v18 =	vadd.f32 v19, v18;
	v19 =	vmul.f32 v39, v38;
	_ =	sdelay $0x1  }
0x2a7: {  	v18 =	vadd.f32 v19, v18;
	v19 =	vmul.f32 v41, v40;
	_ =	sdelay $0x1  }
0x2a8: {  	v18 =	vadd.f32 v19, v18;
	_ =	sdelay $0x1  }
0x2a9: {  	[tilespmem:$0x11B00] =	vst v18  }
0x2aa: {  	v18 =	vld [tilespmem:s29+$0xA400]  }
0x2ab: {  	v19 =	vld [tilespmem:s29+$0xCC00]  }
0x2ac: {  	v42 =	vld [tilespmem:s29+$0xA410]  }
0x2ad: {  	v43 =	vld [tilespmem:s29+$0xCC10]  }
0x2ae: {  	v44 =	vld [tilespmem:s29+$0xA420]  }
0x2af: {  	v45 =	vld [tilespmem:s29+$0xCC20]  }
0x2b0: {  	v46 =	vld [tilespmem:s29+$0xA430]  }
0x2b1: {  	v47 =	vld [tilespmem:s29+$0xCC30]  }
0x2b2: {  	v48 =	vld [tilespmem:s29+$0xA440];
	v18 =	vmul.f32 v19, v18;
	v19 =	vmul.f32 v43, v42  }
0x2b3: {  	v49 =	vld [tilespmem:s29+$0xCC40]  }
0x2b4: {  	v50 =	vld [tilespmem:s29+$0xA450];
	v18 =	vadd.f32 v19, v18;
	v19 =	vmul.f32 v45, v44  }
0x2b5: {  	v51 =	vld [tilespmem:s29+$0xCC50]  }
0x2b6: {  	v52 =	vld [tilespmem:s29+$0xA460];
	v18 =	vadd.f32 v19, v18;
	v19 =	vmul.f32 v47, v46  }
0x2b7: {  	v53 =	vld [tilespmem:s29+$0xCC60]  }
0x2b8: {  	v54 =	vld [tilespmem:s29+$0xA470];
	v18 =	vadd.f32 v19, v18;
	v19 =	vmul.f32 v49, v48  }
0x2b9: {  	v55 =	vld [tilespmem:s29+$0xCC70]  }
0x2ba: {  	v18 =	vadd.f32 v19, v18;
	v19 =	vmul.f32 v51, v50;
	_ =	sdelay $0x1  }
0x2bb: {  	v18 =	vadd.f32 v19, v18;
	v19 =	vmul.f32 v53, v52;
	_ =	sdelay $0x1  }
0x2bc: {  	v18 =	vadd.f32 v19, v18;
	v19 =	vmul.f32 v55, v54;
	_ =	sdelay $0x1  }
0x2bd: {  	v18 =	vadd.f32 v19, v18;
	_ =	sdelay $0x1  }
0x2be: {  	[tilespmem:$0x11B80] =	vst v18  }
0x2bf: {  	v18 =	vld [tilespmem:s29+$0xA480]  }
0x2c0: {  	v19 =	vld [tilespmem:s29+$0xCC80]  }
0x2c1: {  	v56 =	vld [tilespmem:s29+$0xA490]  }
0x2c2: {  	v57 =	vld [tilespmem:s29+$0xCC90]  }
0x2c3: {  	v58 =	vld [tilespmem:s29+$0xA4A0]  }
0x2c4: {  	v59 =	vld [tilespmem:s29+$0xCCA0]  }
0x2c5: {  	v60 =	vld [tilespmem:s29+$0xA4B0]  }
0x2c6: {  	v61 =	vld [tilespmem:s29+$0xCCB0]  }
0x2c7: {  	v62 =	vld [tilespmem:s29+$0xA4C0];
	v18 =	vmul.f32 v19, v18;
	v19 =	vmul.f32 v57, v56  }
0x2c8: {  	v63 =	vld [tilespmem:s29+$0xCCC0]  }
0x2c9: {  	v28 =	vld [tilespmem:s29+$0xA4D0];
	v18 =	vadd.f32 v19, v18;
	v19 =	vmul.f32 v59, v58  }
0x2ca: {  	v29 =	vld [tilespmem:s29+$0xCCD0]  }
0x2cb: {  	v30 =	vld [tilespmem:s29+$0xA4E0];
	v18 =	vadd.f32 v19, v18;
	v19 =	vmul.f32 v61, v60  }
0x2cc: {  	v31 =	vld [tilespmem:s29+$0xCCE0]  }
0x2cd: {  	v32 =	vld [tilespmem:s29+$0xA4F0];
	v18 =	vadd.f32 v19, v18;
	v19 =	vmul.f32 v63, v62  }
0x2ce: {  	v33 =	vld [tilespmem:s29+$0xCCF0]  }
0x2cf: {  	v18 =	vadd.f32 v19, v18;
	v19 =	vmul.f32 v29, v28;
	_ =	sdelay $0x1  }
0x2d0: {  	v18 =	vadd.f32 v19, v18;
	v19 =	vmul.f32 v31, v30;
	_ =	sdelay $0x1  }
0x2d1: {  	v18 =	vadd.f32 v19, v18;
	v19 =	vmul.f32 v33, v32;
	_ =	sdelay $0x1  }
0x2d2: {  	v18 =	vadd.f32 v19, v18;
	_ =	sdelay $0x1  }
0x2d3: {  	[tilespmem:$0x11C00] =	vst v18  }
0x2d4: {  	v18 =	vld [tilespmem:s29+$0xA500]  }
0x2d5: {  	v19 =	vld [tilespmem:s29+$0xCD00]  }
0x2d6: {  	v34 =	vld [tilespmem:s29+$0xA510]  }
0x2d7: {  	v35 =	vld [tilespmem:s29+$0xCD10]  }
0x2d8: {  	v36 =	vld [tilespmem:s29+$0xA520]  }
0x2d9: {  	v37 =	vld [tilespmem:s29+$0xCD20]  }
0x2da: {  	v38 =	vld [tilespmem:s29+$0xA530]  }
0x2db: {  	v39 =	vld [tilespmem:s29+$0xCD30]  }
0x2dc: {  	v40 =	vld [tilespmem:s29+$0xA540];
	v18 =	vmul.f32 v19, v18;
	v19 =	vmul.f32 v35, v34  }
0x2dd: {  	v41 =	vld [tilespmem:s29+$0xCD40]  }
0x2de: {  	v42 =	vld [tilespmem:s29+$0xA550];
	v18 =	vadd.f32 v19, v18;
	v19 =	vmul.f32 v37, v36  }
0x2df: {  	v43 =	vld [tilespmem:s29+$0xCD50]  }
0x2e0: {  	v44 =	vld [tilespmem:s29+$0xA560];
	v18 =	vadd.f32 v19, v18;
	v19 =	vmul.f32 v39, v38  }
0x2e1: {  	v45 =	vld [tilespmem:s29+$0xCD60]  }
0x2e2: {  	v46 =	vld [tilespmem:s29+$0xA570];
	v18 =	vadd.f32 v19, v18;
	v19 =	vmul.f32 v41, v40  }
0x2e3: {  	v47 =	vld [tilespmem:s29+$0xCD70]  }
0x2e4: {  	v18 =	vadd.f32 v19, v18;
	v19 =	vmul.f32 v43, v42;
	_ =	sdelay $0x1  }
0x2e5: {  	v18 =	vadd.f32 v19, v18;
	v19 =	vmul.f32 v45, v44;
	_ =	sdelay $0x1  }
0x2e6: {  	v18 =	vadd.f32 v19, v18;
	v19 =	vmul.f32 v47, v46;
	_ =	sdelay $0x1  }
0x2e7: {  	v18 =	vadd.f32 v19, v18;
	_ =	sdelay $0x1  }
0x2e8: {  	[tilespmem:$0x11C80] =	vst v18  }
0x2e9: {  	v18 =	vld [tilespmem:s29+$0xA580]  }
0x2ea: {  	v19 =	vld [tilespmem:s29+$0xCD80]  }
0x2eb: {  	v48 =	vld [tilespmem:s29+$0xA590]  }
0x2ec: {  	v49 =	vld [tilespmem:s29+$0xCD90]  }
0x2ed: {  	v50 =	vld [tilespmem:s29+$0xA5A0]  }
0x2ee: {  	v51 =	vld [tilespmem:s29+$0xCDA0]  }
0x2ef: {  	v52 =	vld [tilespmem:s29+$0xA5B0]  }
0x2f0: {  	v53 =	vld [tilespmem:s29+$0xCDB0]  }
0x2f1: {  	v54 =	vld [tilespmem:s29+$0xA5C0];
	v18 =	vmul.f32 v19, v18;
	v19 =	vmul.f32 v49, v48  }
0x2f2: {  	v55 =	vld [tilespmem:s29+$0xCDC0]  }
0x2f3: {  	v56 =	vld [tilespmem:s29+$0xA5D0];
	v18 =	vadd.f32 v19, v18;
	v19 =	vmul.f32 v51, v50  }
0x2f4: {  	v57 =	vld [tilespmem:s29+$0xCDD0]  }
0x2f5: {  	v58 =	vld [tilespmem:s29+$0xA5E0];
	v18 =	vadd.f32 v19, v18;
	v19 =	vmul.f32 v53, v52  }
0x2f6: {  	v59 =	vld [tilespmem:s29+$0xCDE0]  }
0x2f7: {  	v60 =	vld [tilespmem:s29+$0xA5F0];
	v18 =	vadd.f32 v19, v18;
	v19 =	vmul.f32 v55, v54  }
0x2f8: {  	v61 =	vld [tilespmem:s29+$0xCDF0]  }
0x2f9: {  	v18 =	vadd.f32 v19, v18;
	v19 =	vmul.f32 v57, v56;
	_ =	sdelay $0x1  }
0x2fa: {  	v18 =	vadd.f32 v19, v18;
	v19 =	vmul.f32 v59, v58;
	_ =	sdelay $0x1  }
0x2fb: {  	v18 =	vadd.f32 v19, v18;
	v19 =	vmul.f32 v61, v60;
	_ =	sdelay $0x1  }
0x2fc: {  	v18 =	vadd.f32 v19, v18;
	_ =	sdelay $0x1  }
0x2fd: {  	[tilespmem:$0x11D00] =	vst v18  }
0x2fe: {  	v18 =	vld [tilespmem:s29+$0xA600]  }
0x2ff: {  	v19 =	vld [tilespmem:s29+$0xCE00]  }
0x300: {  	v62 =	vld [tilespmem:s29+$0xA610]  }
0x301: {  	v63 =	vld [tilespmem:s29+$0xCE10]  }
0x302: {  	v28 =	vld [tilespmem:s29+$0xA620]  }
0x303: {  	v29 =	vld [tilespmem:s29+$0xCE20]  }
0x304: {  	v30 =	vld [tilespmem:s29+$0xA630]  }
0x305: {  	v31 =	vld [tilespmem:s29+$0xCE30]  }
0x306: {  	v32 =	vld [tilespmem:s29+$0xA640];
	v18 =	vmul.f32 v19, v18;
	v19 =	vmul.f32 v63, v62  }
0x307: {  	v33 =	vld [tilespmem:s29+$0xCE40]  }
0x308: {  	v34 =	vld [tilespmem:s29+$0xA650];
	v18 =	vadd.f32 v19, v18;
	v19 =	vmul.f32 v29, v28  }
0x309: {  	v35 =	vld [tilespmem:s29+$0xCE50]  }
0x30a: {  	v36 =	vld [tilespmem:s29+$0xA660];
	v18 =	vadd.f32 v19, v18;
	v19 =	vmul.f32 v31, v30  }
0x30b: {  	v37 =	vld [tilespmem:s29+$0xCE60]  }
0x30c: {  	v38 =	vld [tilespmem:s29+$0xA670];
	v18 =	vadd.f32 v19, v18;
	v19 =	vmul.f32 v33, v32  }
0x30d: {  	v39 =	vld [tilespmem:s29+$0xCE70]  }
0x30e: {  	v18 =	vadd.f32 v19, v18;
	v19 =	vmul.f32 v35, v34;
	_ =	sdelay $0x1  }
0x30f: {  	v18 =	vadd.f32 v19, v18;
	v19 =	vmul.f32 v37, v36;
	_ =	sdelay $0x1  }
0x310: {  	v18 =	vadd.f32 v19, v18;
	v19 =	vmul.f32 v39, v38;
	_ =	sdelay $0x1  }
0x311: {  	v18 =	vadd.f32 v19, v18;
	_ =	sdelay $0x1  }
0x312: {  	[tilespmem:$0x11D80] =	vst v18  }
0x313: {  	v18 =	vld [tilespmem:s29+$0xA680]  }
0x314: {  	v19 =	vld [tilespmem:s29+$0xCE80]  }
0x315: {  	v40 =	vld [tilespmem:s29+$0xA690]  }
0x316: {  	v41 =	vld [tilespmem:s29+$0xCE90]  }
0x317: {  	v42 =	vld [tilespmem:s29+$0xA6A0]  }
0x318: {  	v43 =	vld [tilespmem:s29+$0xCEA0]  }
0x319: {  	v44 =	vld [tilespmem:s29+$0xA6B0]  }
0x31a: {  	v45 =	vld [tilespmem:s29+$0xCEB0]  }
0x31b: {  	v46 =	vld [tilespmem:s29+$0xA6C0];
	v18 =	vmul.f32 v19, v18;
	v19 =	vmul.f32 v41, v40  }
0x31c: {  	v47 =	vld [tilespmem:s29+$0xCEC0]  }
0x31d: {  	v48 =	vld [tilespmem:s29+$0xA6D0];
	v18 =	vadd.f32 v19, v18;
	v19 =	vmul.f32 v43, v42  }
0x31e: {  	v49 =	vld [tilespmem:s29+$0xCED0]  }
0x31f: {  	v50 =	vld [tilespmem:s29+$0xA6E0];
	v18 =	vadd.f32 v19, v18;
	v19 =	vmul.f32 v45, v44  }
0x320: {  	v51 =	vld [tilespmem:s29+$0xCEE0]  }
0x321: {  	v52 =	vld [tilespmem:s29+$0xA6F0];
	v18 =	vadd.f32 v19, v18;
	v19 =	vmul.f32 v47, v46  }
0x322: {  	v53 =	vld [tilespmem:s29+$0xCEF0]  }
0x323: {  	v18 =	vadd.f32 v19, v18;
	v19 =	vmul.f32 v49, v48;
	_ =	sdelay $0x1  }
0x324: {  	v18 =	vadd.f32 v19, v18;
	v19 =	vmul.f32 v51, v50;
	_ =	sdelay $0x1  }
0x325: {  	v18 =	vadd.f32 v19, v18;
	v19 =	vmul.f32 v53, v52;
	_ =	sdelay $0x1  }
0x326: {  	v18 =	vadd.f32 v19, v18;
	_ =	sdelay $0x1  }
0x327: {  	[tilespmem:$0x11E00] =	vst v18  }
0x328: {  	v18 =	vld.idx.msk [tilespmem:v0+s20+$0x0], $0xffff;
	_ =	sdelay $0x1  }
0x329: {  	v19 =	vld.idx.msk [tilespmem:v2+s20+$0x0], $0xffff;
	_ =	sdelay $0x1  }
0x32a: {  	v54 =	vld.idx.msk [tilespmem:v3+s20+$0x0], $0xffff  }
0x32b: {  	v18 =	vadd.f32 $0.0e+00, v18  }
0x32c: {  	v55 =	vld.idx.msk [tilespmem:v4+s20+$0x0], $0xffff  }
0x32d: {  	v18 =	vadd.f32 v19, v18  }
0x32e: {  	v19 =	vld.idx.msk [tilespmem:v5+s20+$0x0], $0xffff  }
0x32f: {  	v18 =	vadd.f32 v54, v18  }
0x330: {  	v56 =	vld.idx.msk [tilespmem:v6+s20+$0x0], $0xffff  }
0x331: {  	v18 =	vadd.f32 v55, v18  }
0x332: {  	v57 =	vld.idx.msk [tilespmem:v7+s20+$0x0], $0xffff  }
0x333: {  	v18 =	vadd.f32 v19, v18  }
0x334: {  	v19 =	vld.idx.msk [tilespmem:v8+s20+$0x0], $0xffff  }
0x335: {  	v18 =	vadd.f32 v56, v18  }
0x336: {  	v58 =	vld.idx.msk [tilespmem:v9+s20+$0x0], $0xffff  }
0x337: {  	v18 =	vadd.f32 v57, v18  }
0x338: {  	v59 =	vld.idx.msk [tilespmem:v10+s20+$0x0], $0xffff  }
0x339: {  	v18 =	vadd.f32 v19, v18  }
0x33a: {  	v19 =	vld.idx.msk [tilespmem:v11+s20+$0x0], $0xffff  }
0x33b: {  	v18 =	vadd.f32 v58, v18  }
0x33c: {  	v60 =	vld.idx.msk [tilespmem:v12+s20+$0x0], $0xffff  }
0x33d: {  	v18 =	vadd.f32 v59, v18  }
0x33e: {  	v61 =	vld.idx.msk [tilespmem:v13+s20+$0x0], $0xffff  }
0x33f: {  	v18 =	vadd.f32 v19, v18  }
0x340: {  	v19 =	vld.idx.msk [tilespmem:v14+s20+$0x0], $0xffff  }
0x341: {  	v18 =	vadd.f32 v60, v18  }
0x342: {  	v62 =	vld.idx.msk [tilespmem:v15+s20+$0x0], $0xffff  }
0x343: {  	v18 =	vadd.f32 v61, v18  }
0x344: {  	v63 =	vld.idx.msk [tilespmem:v16+s20+$0x0], $0xffff  }
0x345: {  	v18 =	vadd.f32 v19, v18;
	_ =	sdelay $0x1  }
0x346: {  	v18 =	vadd.f32 v62, v18;
	_ =	sdelay $0x1  }
0x347: {  	v18 =	vadd.f32 v63, v18;
	_ =	sdelay $0x1  }
0x348: {  	v18 =	vmul.f32 $1.442695020e+00, v18;
	_ =	sdelay $0x1  }
0x349: {  	(erf) = vpow2.f32 v18;
	_ =	sdelay $0x4  }
0x34a: {  	p1 =	sne.s32 s28, $0x4  }
.Ltmp1:
0x34b: {  	_ = 	snop;
	(pc) =	sbr.rel @p1 .LBB2_5-.Ltmp1, $4  }
0x34c: {  	_ = 	snop  }
0x34d: {  	s31 =	sshll.u32 s28, $0x4  }
0x34e: {  	s29 =	sand.u32 $0x3FFFFFF0, s31;
	v18 =	vpop (erf)  }
0x34f: {  	s28 =	sadd.s32 $0x1, s28;
	[tilespmem:v17+s29+$0x0 ss:$0x1] =	vst.idx.msk $0xffff, v18  }
0x350: {  	s26 =	sadd.s32 $0x1, s26  }
0x351: {  	p1 =	sne.s32 s26, $0x3E  }
.Ltmp2:
0x352: {  	_ = 	snop;
	(pc) =	sbr.rel @p1 .LBB2_2-.Ltmp2, $1  }
0x353: {  	_ =	sdelay $0x3  }
0x354: {  	_ =	swait.ge [sflag:s18], $0x2800  }
0x355: {  	[sflag:s18] =	ssyncset.done $0x0  }
0x356: {  	[sflag:s18] =	ssyncadd.s32 $0xFFFFD800  }
0x357: {  	_ =	swait.ge [sflag:s19], $0x2800  }
0x358: {  	[sflag:s19] =	ssyncset.done $0x0  }
0x359: {  	s26 =	simm.s32 $0x0;
	[sflag:s19] =	ssyncadd.s32 $0xFFFFD800  }
.LBB2_8:
0x35a: {  	s28 =	sshll.u32 s26, $0xB  }
0x35b: {  	v17 =	vld [tilespmem:s28+$0x4F00]  }
0x35c: {  	v18 =	vld [tilespmem:s28+$0x7700]  }
0x35d: {  	v19 =	vld [tilespmem:s28+$0x4F10]  }
0x35e: {  	v20 =	vld [tilespmem:s28+$0x7710]  }
0x35f: {  	v21 =	vld [tilespmem:s28+$0x4F20]  }
0x360: {  	v22 =	vld [tilespmem:s28+$0x7720]  }
0x361: {  	v23 =	vld [tilespmem:s28+$0x4F30]  }
0x362: {  	v24 =	vld [tilespmem:s28+$0x7730]  }
0x363: {  	v32 =	vld [tilespmem:s28+$0x7740];
	v17 =	vmul.f32 v18, v17;
	v18 =	vmul.f32 v20, v19  }
0x364: {  	v19 =	vld [tilespmem:s28+$0x4F40]  }
0x365: {  	v33 =	vld [tilespmem:s28+$0x4F50];
	v17 =	vadd.f32 v18, v17;
	v18 =	vmul.f32 v22, v21  }
0x366: {  	v34 =	vld [tilespmem:s28+$0x7750]  }
0x367: {  	v35 =	vld [tilespmem:s28+$0x4F60];
	v17 =	vadd.f32 v18, v17;
	v18 =	vmul.f32 v24, v23  }
0x368: {  	v36 =	vld [tilespmem:s28+$0x7760]  }
0x369: {  	v37 =	vld [tilespmem:s28+$0x7770];
	v17 =	vadd.f32 v18, v17;
	v18 =	vmul.f32 v32, v19  }
0x36a: {  	v19 =	vld [tilespmem:s28+$0x4F70]  }
0x36b: {  	v17 =	vadd.f32 v18, v17;
	v18 =	vmul.f32 v34, v33;
	_ =	sdelay $0x1  }
0x36c: {  	v17 =	vadd.f32 v18, v17;
	v18 =	vmul.f32 v36, v35;
	_ =	sdelay $0x1  }
0x36d: {  	v17 =	vadd.f32 v18, v17;
	v18 =	vmul.f32 v37, v19;
	_ =	sdelay $0x1  }
0x36e: {  	v17 =	vadd.f32 v18, v17;
	_ =	sdelay $0x1  }
0x36f: {  	[tilespmem:$0x11680] =	vst v17  }
0x370: {  	v17 =	vld [tilespmem:s28+$0x4F80]  }
0x371: {  	v18 =	vld [tilespmem:s28+$0x7780]  }
0x372: {  	v19 =	vld [tilespmem:s28+$0x4F90]  }
0x373: {  	v38 =	vld [tilespmem:s28+$0x7790]  }
0x374: {  	v39 =	vld [tilespmem:s28+$0x4FA0]  }
0x375: {  	v40 =	vld [tilespmem:s28+$0x77A0]  }
0x376: {  	v41 =	vld [tilespmem:s28+$0x4FB0]  }
0x377: {  	v42 =	vld [tilespmem:s28+$0x77B0]  }
0x378: {  	v43 =	vld [tilespmem:s28+$0x77C0];
	v17 =	vmul.f32 v18, v17;
	v18 =	vmul.f32 v38, v19  }
0x379: {  	v19 =	vld [tilespmem:s28+$0x4FC0]  }
0x37a: {  	v44 =	vld [tilespmem:s28+$0x4FD0];
	v17 =	vadd.f32 v18, v17;
	v18 =	vmul.f32 v40, v39  }
0x37b: {  	v45 =	vld [tilespmem:s28+$0x77D0]  }
0x37c: {  	v46 =	vld [tilespmem:s28+$0x4FE0];
	v17 =	vadd.f32 v18, v17;
	v18 =	vmul.f32 v42, v41  }
0x37d: {  	v47 =	vld [tilespmem:s28+$0x77E0]  }
0x37e: {  	v48 =	vld [tilespmem:s28+$0x77F0];
	v17 =	vadd.f32 v18, v17;
	v18 =	vmul.f32 v43, v19  }
0x37f: {  	v19 =	vld [tilespmem:s28+$0x4FF0]  }
0x380: {  	v17 =	vadd.f32 v18, v17;
	v18 =	vmul.f32 v45, v44;
	_ =	sdelay $0x1  }
0x381: {  	v17 =	vadd.f32 v18, v17;
	v18 =	vmul.f32 v47, v46;
	_ =	sdelay $0x1  }
0x382: {  	v17 =	vadd.f32 v18, v17;
	v18 =	vmul.f32 v48, v19;
	_ =	sdelay $0x1  }
0x383: {  	v17 =	vadd.f32 v18, v17;
	_ =	sdelay $0x1  }
0x384: {  	[tilespmem:$0x11700] =	vst v17  }
0x385: {  	v17 =	vld [tilespmem:s28+$0x5000]  }
0x386: {  	v18 =	vld [tilespmem:s28+$0x7800]  }
0x387: {  	v19 =	vld [tilespmem:s28+$0x5010]  }
0x388: {  	v49 =	vld [tilespmem:s28+$0x7810]  }
0x389: {  	v50 =	vld [tilespmem:s28+$0x5020]  }
0x38a: {  	v51 =	vld [tilespmem:s28+$0x7820]  }
0x38b: {  	v52 =	vld [tilespmem:s28+$0x5030]  }
0x38c: {  	v53 =	vld [tilespmem:s28+$0x7830]  }
0x38d: {  	v54 =	vld [tilespmem:s28+$0x7840];
	v17 =	vmul.f32 v18, v17;
	v18 =	vmul.f32 v49, v19  }
0x38e: {  	v19 =	vld [tilespmem:s28+$0x5040]  }
0x38f: {  	v55 =	vld [tilespmem:s28+$0x5050];
	v17 =	vadd.f32 v18, v17;
	v18 =	vmul.f32 v51, v50  }
0x390: {  	v56 =	vld [tilespmem:s28+$0x7850]  }
0x391: {  	v57 =	vld [tilespmem:s28+$0x5060];
	v17 =	vadd.f32 v18, v17;
	v18 =	vmul.f32 v53, v52  }
0x392: {  	v58 =	vld [tilespmem:s28+$0x7860]  }
0x393: {  	v59 =	vld [tilespmem:s28+$0x7870];
	v17 =	vadd.f32 v18, v17;
	v18 =	vmul.f32 v54, v19  }
0x394: {  	v19 =	vld [tilespmem:s28+$0x5070]  }
0x395: {  	v17 =	vadd.f32 v18, v17;
	v18 =	vmul.f32 v56, v55;
	_ =	sdelay $0x1  }
0x396: {  	v17 =	vadd.f32 v18, v17;
	v18 =	vmul.f32 v58, v57;
	_ =	sdelay $0x1  }
0x397: {  	v17 =	vadd.f32 v18, v17;
	v18 =	vmul.f32 v59, v19;
	_ =	sdelay $0x1  }
0x398: {  	v17 =	vadd.f32 v18, v17;
	_ =	sdelay $0x1  }
0x399: {  	[tilespmem:$0x11780] =	vst v17  }
0x39a: {  	v17 =	vld [tilespmem:s28+$0x5080]  }
0x39b: {  	v18 =	vld [tilespmem:s28+$0x7880]  }
0x39c: {  	v19 =	vld [tilespmem:s28+$0x5090]  }
0x39d: {  	v60 =	vld [tilespmem:s28+$0x7890]  }
0x39e: {  	v61 =	vld [tilespmem:s28+$0x50A0]  }
0x39f: {  	v62 =	vld [tilespmem:s28+$0x78A0]  }
0x3a0: {  	v63 =	vld [tilespmem:s28+$0x50B0]  }
0x3a1: {  	v28 =	vld [tilespmem:s28+$0x78B0]  }
0x3a2: {  	v29 =	vld [tilespmem:s28+$0x78C0];
	v17 =	vmul.f32 v18, v17;
	v18 =	vmul.f32 v60, v19  }
0x3a3: {  	v19 =	vld [tilespmem:s28+$0x50C0]  }
0x3a4: {  	v30 =	vld [tilespmem:s28+$0x50D0];
	v17 =	vadd.f32 v18, v17;
	v18 =	vmul.f32 v62, v61  }
0x3a5: {  	v31 =	vld [tilespmem:s28+$0x78D0]  }
0x3a6: {  	v32 =	vld [tilespmem:s28+$0x50E0];
	v17 =	vadd.f32 v18, v17;
	v18 =	vmul.f32 v28, v63  }
0x3a7: {  	v33 =	vld [tilespmem:s28+$0x78E0]  }
0x3a8: {  	v34 =	vld [tilespmem:s28+$0x78F0];
	v17 =	vadd.f32 v18, v17;
	v18 =	vmul.f32 v29, v19  }
0x3a9: {  	v19 =	vld [tilespmem:s28+$0x50F0]  }
0x3aa: {  	v17 =	vadd.f32 v18, v17;
	v18 =	vmul.f32 v31, v30;
	_ =	sdelay $0x1  }
0x3ab: {  	v17 =	vadd.f32 v18, v17;
	v18 =	vmul.f32 v33, v32;
	_ =	sdelay $0x1  }
0x3ac: {  	v17 =	vadd.f32 v18, v17;
	v18 =	vmul.f32 v34, v19;
	_ =	sdelay $0x1  }
0x3ad: {  	v17 =	vadd.f32 v18, v17;
	_ =	sdelay $0x1  }
0x3ae: {  	[tilespmem:$0x11800] =	vst v17  }
0x3af: {  	v17 =	vld [tilespmem:s28+$0x5100]  }
0x3b0: {  	v18 =	vld [tilespmem:s28+$0x7900]  }
0x3b1: {  	v19 =	vld [tilespmem:s28+$0x5110]  }
0x3b2: {  	v35 =	vld [tilespmem:s28+$0x7910]  }
0x3b3: {  	v36 =	vld [tilespmem:s28+$0x5120]  }
0x3b4: {  	v37 =	vld [tilespmem:s28+$0x7920]  }
0x3b5: {  	v38 =	vld [tilespmem:s28+$0x5130]  }
0x3b6: {  	v39 =	vld [tilespmem:s28+$0x7930]  }
0x3b7: {  	v40 =	vld [tilespmem:s28+$0x7940];
	v17 =	vmul.f32 v18, v17;
	v18 =	vmul.f32 v35, v19  }
0x3b8: {  	v19 =	vld [tilespmem:s28+$0x5140]  }
0x3b9: {  	v41 =	vld [tilespmem:s28+$0x5150];
	v17 =	vadd.f32 v18, v17;
	v18 =	vmul.f32 v37, v36  }
0x3ba: {  	v42 =	vld [tilespmem:s28+$0x7950]  }
0x3bb: {  	v43 =	vld [tilespmem:s28+$0x5160];
	v17 =	vadd.f32 v18, v17;
	v18 =	vmul.f32 v39, v38  }
0x3bc: {  	v44 =	vld [tilespmem:s28+$0x7960]  }
0x3bd: {  	v45 =	vld [tilespmem:s28+$0x7970];
	v17 =	vadd.f32 v18, v17;
	v18 =	vmul.f32 v40, v19  }
0x3be: {  	v19 =	vld [tilespmem:s28+$0x5170]  }
0x3bf: {  	v17 =	vadd.f32 v18, v17;
	v18 =	vmul.f32 v42, v41;
	_ =	sdelay $0x1  }
0x3c0: {  	v17 =	vadd.f32 v18, v17;
	v18 =	vmul.f32 v44, v43;
	_ =	sdelay $0x1  }
0x3c1: {  	v17 =	vadd.f32 v18, v17;
	v18 =	vmul.f32 v45, v19;
	_ =	sdelay $0x1  }
0x3c2: {  	v17 =	vadd.f32 v18, v17;
	_ =	sdelay $0x1  }
0x3c3: {  	[tilespmem:$0x11880] =	vst v17  }
0x3c4: {  	v17 =	vld [tilespmem:s28+$0x5180]  }
0x3c5: {  	v18 =	vld [tilespmem:s28+$0x7980]  }
0x3c6: {  	v19 =	vld [tilespmem:s28+$0x5190]  }
0x3c7: {  	v46 =	vld [tilespmem:s28+$0x7990]  }
0x3c8: {  	v47 =	vld [tilespmem:s28+$0x51A0]  }
0x3c9: {  	v48 =	vld [tilespmem:s28+$0x79A0]  }
0x3ca: {  	v49 =	vld [tilespmem:s28+$0x51B0]  }
0x3cb: {  	v50 =	vld [tilespmem:s28+$0x79B0]  }
0x3cc: {  	v51 =	vld [tilespmem:s28+$0x79C0];
	v17 =	vmul.f32 v18, v17;
	v18 =	vmul.f32 v46, v19  }
0x3cd: {  	v19 =	vld [tilespmem:s28+$0x51C0]  }
0x3ce: {  	v52 =	vld [tilespmem:s28+$0x51D0];
	v17 =	vadd.f32 v18, v17;
	v18 =	vmul.f32 v48, v47  }
0x3cf: {  	v53 =	vld [tilespmem:s28+$0x79D0]  }
0x3d0: {  	v54 =	vld [tilespmem:s28+$0x51E0];
	v17 =	vadd.f32 v18, v17;
	v18 =	vmul.f32 v50, v49  }
0x3d1: {  	v55 =	vld [tilespmem:s28+$0x79E0]  }
0x3d2: {  	v56 =	vld [tilespmem:s28+$0x79F0];
	v17 =	vadd.f32 v18, v17;
	v18 =	vmul.f32 v51, v19  }
0x3d3: {  	v19 =	vld [tilespmem:s28+$0x51F0]  }
0x3d4: {  	v17 =	vadd.f32 v18, v17;
	v18 =	vmul.f32 v53, v52;
	_ =	sdelay $0x1  }
0x3d5: {  	v17 =	vadd.f32 v18, v17;
	v18 =	vmul.f32 v55, v54;
	_ =	sdelay $0x1  }
0x3d6: {  	v17 =	vadd.f32 v18, v17;
	v18 =	vmul.f32 v56, v19;
	_ =	sdelay $0x1  }
0x3d7: {  	v17 =	vadd.f32 v18, v17;
	_ =	sdelay $0x1  }
0x3d8: {  	[tilespmem:$0x11900] =	vst v17  }
0x3d9: {  	v17 =	vld [tilespmem:s28+$0x5200]  }
0x3da: {  	v18 =	vld [tilespmem:s28+$0x7A00]  }
0x3db: {  	v19 =	vld [tilespmem:s28+$0x5210]  }
0x3dc: {  	v57 =	vld [tilespmem:s28+$0x7A10]  }
0x3dd: {  	v58 =	vld [tilespmem:s28+$0x5220]  }
0x3de: {  	v59 =	vld [tilespmem:s28+$0x7A20]  }
0x3df: {  	v60 =	vld [tilespmem:s28+$0x5230]  }
0x3e0: {  	v61 =	vld [tilespmem:s28+$0x7A30]  }
0x3e1: {  	v62 =	vld [tilespmem:s28+$0x7A40];
	v17 =	vmul.f32 v18, v17;
	v18 =	vmul.f32 v57, v19  }
0x3e2: {  	v19 =	vld [tilespmem:s28+$0x5240]  }
0x3e3: {  	v63 =	vld [tilespmem:s28+$0x5250];
	v17 =	vadd.f32 v18, v17;
	v18 =	vmul.f32 v59, v58  }
0x3e4: {  	v28 =	vld [tilespmem:s28+$0x7A50]  }
0x3e5: {  	v29 =	vld [tilespmem:s28+$0x5260];
	v17 =	vadd.f32 v18, v17;
	v18 =	vmul.f32 v61, v60  }
0x3e6: {  	v30 =	vld [tilespmem:s28+$0x7A60]  }
0x3e7: {  	v31 =	vld [tilespmem:s28+$0x7A70];
	v17 =	vadd.f32 v18, v17;
	v18 =	vmul.f32 v62, v19  }
0x3e8: {  	v19 =	vld [tilespmem:s28+$0x5270]  }
0x3e9: {  	v17 =	vadd.f32 v18, v17;
	v18 =	vmul.f32 v28, v63;
	_ =	sdelay $0x1  }
0x3ea: {  	v17 =	vadd.f32 v18, v17;
	v18 =	vmul.f32 v30, v29;
	_ =	sdelay $0x1  }
0x3eb: {  	v17 =	vadd.f32 v18, v17;
	v18 =	vmul.f32 v31, v19;
	_ =	sdelay $0x1  }
0x3ec: {  	v17 =	vadd.f32 v18, v17;
	_ =	sdelay $0x1  }
0x3ed: {  	[tilespmem:$0x11980] =	vst v17  }
0x3ee: {  	v17 =	vld [tilespmem:s28+$0x5280]  }
0x3ef: {  	v18 =	vld [tilespmem:s28+$0x7A80]  }
0x3f0: {  	v19 =	vld [tilespmem:s28+$0x5290]  }
0x3f1: {  	v32 =	vld [tilespmem:s28+$0x7A90]  }
0x3f2: {  	v33 =	vld [tilespmem:s28+$0x52A0]  }
0x3f3: {  	v34 =	vld [tilespmem:s28+$0x7AA0]  }
0x3f4: {  	v35 =	vld [tilespmem:s28+$0x52B0]  }
0x3f5: {  	v36 =	vld [tilespmem:s28+$0x7AB0]  }
0x3f6: {  	v37 =	vld [tilespmem:s28+$0x7AC0];
	v17 =	vmul.f32 v18, v17;
	v18 =	vmul.f32 v32, v19  }
0x3f7: {  	v19 =	vld [tilespmem:s28+$0x52C0]  }
0x3f8: {  	v38 =	vld [tilespmem:s28+$0x52D0];
	v17 =	vadd.f32 v18, v17;
	v18 =	vmul.f32 v34, v33  }
0x3f9: {  	v39 =	vld [tilespmem:s28+$0x7AD0]  }
0x3fa: {  	v40 =	vld [tilespmem:s28+$0x52E0];
	v17 =	vadd.f32 v18, v17;
	v18 =	vmul.f32 v36, v35  }
0x3fb: {  	v41 =	vld [tilespmem:s28+$0x7AE0]  }
0x3fc: {  	v42 =	vld [tilespmem:s28+$0x7AF0];
	v17 =	vadd.f32 v18, v17;
	v18 =	vmul.f32 v37, v19  }
0x3fd: {  	v19 =	vld [tilespmem:s28+$0x52F0]  }
0x3fe: {  	v17 =	vadd.f32 v18, v17;
	v18 =	vmul.f32 v39, v38;
	_ =	sdelay $0x1  }
0x3ff: {  	v17 =	vadd.f32 v18, v17;
	v18 =	vmul.f32 v41, v40;
	_ =	sdelay $0x1  }
0x400: {  	v17 =	vadd.f32 v18, v17;
	v18 =	vmul.f32 v42, v19;
	_ =	sdelay $0x1  }
0x401: {  	v17 =	vadd.f32 v18, v17;
	_ =	sdelay $0x1  }
0x402: {  	[tilespmem:$0x11A00] =	vst v17  }
0x403: {  	v17 =	vld [tilespmem:s28+$0x5300]  }
0x404: {  	v18 =	vld [tilespmem:s28+$0x7B00]  }
0x405: {  	v19 =	vld [tilespmem:s28+$0x5310]  }
0x406: {  	v43 =	vld [tilespmem:s28+$0x7B10]  }
0x407: {  	v44 =	vld [tilespmem:s28+$0x5320]  }
0x408: {  	v45 =	vld [tilespmem:s28+$0x7B20]  }
0x409: {  	v46 =	vld [tilespmem:s28+$0x5330]  }
0x40a: {  	v47 =	vld [tilespmem:s28+$0x7B30]  }
0x40b: {  	v48 =	vld [tilespmem:s28+$0x7B40];
	v17 =	vmul.f32 v18, v17;
	v18 =	vmul.f32 v43, v19  }
0x40c: {  	v19 =	vld [tilespmem:s28+$0x5340]  }
0x40d: {  	v49 =	vld [tilespmem:s28+$0x5350];
	v17 =	vadd.f32 v18, v17;
	v18 =	vmul.f32 v45, v44  }
0x40e: {  	v50 =	vld [tilespmem:s28+$0x7B50]  }
0x40f: {  	v51 =	vld [tilespmem:s28+$0x5360];
	v17 =	vadd.f32 v18, v17;
	v18 =	vmul.f32 v47, v46  }
0x410: {  	v52 =	vld [tilespmem:s28+$0x7B60]  }
0x411: {  	v53 =	vld [tilespmem:s28+$0x7B70];
	v17 =	vadd.f32 v18, v17;
	v18 =	vmul.f32 v48, v19  }
0x412: {  	v19 =	vld [tilespmem:s28+$0x5370]  }
0x413: {  	v17 =	vadd.f32 v18, v17;
	v18 =	vmul.f32 v50, v49;
	_ =	sdelay $0x1  }
0x414: {  	v17 =	vadd.f32 v18, v17;
	v18 =	vmul.f32 v52, v51;
	_ =	sdelay $0x1  }
0x415: {  	v17 =	vadd.f32 v18, v17;
	v18 =	vmul.f32 v53, v19;
	_ =	sdelay $0x1  }
0x416: {  	v17 =	vadd.f32 v18, v17;
	_ =	sdelay $0x1  }
0x417: {  	[tilespmem:$0x11A80] =	vst v17  }
0x418: {  	v17 =	vld [tilespmem:s28+$0x5380]  }
0x419: {  	v18 =	vld [tilespmem:s28+$0x7B80]  }
0x41a: {  	v19 =	vld [tilespmem:s28+$0x5390]  }
0x41b: {  	v54 =	vld [tilespmem:s28+$0x7B90]  }
0x41c: {  	v55 =	vld [tilespmem:s28+$0x53A0]  }
0x41d: {  	v56 =	vld [tilespmem:s28+$0x7BA0]  }
0x41e: {  	v57 =	vld [tilespmem:s28+$0x53B0]  }
0x41f: {  	v58 =	vld [tilespmem:s28+$0x7BB0]  }
0x420: {  	v59 =	vld [tilespmem:s28+$0x7BC0];
	v17 =	vmul.f32 v18, v17;
	v18 =	vmul.f32 v54, v19  }
0x421: {  	v19 =	vld [tilespmem:s28+$0x53C0]  }
0x422: {  	v60 =	vld [tilespmem:s28+$0x53D0];
	v17 =	vadd.f32 v18, v17;
	v18 =	vmul.f32 v56, v55  }
0x423: {  	v61 =	vld [tilespmem:s28+$0x7BD0]  }
0x424: {  	v62 =	vld [tilespmem:s28+$0x53E0];
	v17 =	vadd.f32 v18, v17;
	v18 =	vmul.f32 v58, v57  }
0x425: {  	v63 =	vld [tilespmem:s28+$0x7BE0]  }
0x426: {  	v28 =	vld [tilespmem:s28+$0x7BF0];
	v17 =	vadd.f32 v18, v17;
	v18 =	vmul.f32 v59, v19  }
0x427: {  	v19 =	vld [tilespmem:s28+$0x53F0]  }
0x428: {  	v17 =	vadd.f32 v18, v17;
	v18 =	vmul.f32 v61, v60;
	_ =	sdelay $0x1  }
0x429: {  	v17 =	vadd.f32 v18, v17;
	v18 =	vmul.f32 v63, v62;
	_ =	sdelay $0x1  }
0x42a: {  	v17 =	vadd.f32 v18, v17;
	v18 =	vmul.f32 v28, v19;
	_ =	sdelay $0x1  }
0x42b: {  	v17 =	vadd.f32 v18, v17;
	_ =	sdelay $0x1  }
0x42c: {  	[tilespmem:$0x11B00] =	vst v17  }
0x42d: {  	v17 =	vld [tilespmem:s28+$0x5400]  }
0x42e: {  	v18 =	vld [tilespmem:s28+$0x7C00]  }
0x42f: {  	v19 =	vld [tilespmem:s28+$0x5410]  }
0x430: {  	v29 =	vld [tilespmem:s28+$0x7C10]  }
0x431: {  	v30 =	vld [tilespmem:s28+$0x5420]  }
0x432: {  	v31 =	vld [tilespmem:s28+$0x7C20]  }
0x433: {  	v32 =	vld [tilespmem:s28+$0x5430]  }
0x434: {  	v33 =	vld [tilespmem:s28+$0x7C30]  }
0x435: {  	v34 =	vld [tilespmem:s28+$0x7C40];
	v17 =	vmul.f32 v18, v17;
	v18 =	vmul.f32 v29, v19  }
0x436: {  	v19 =	vld [tilespmem:s28+$0x5440]  }
0x437: {  	v35 =	vld [tilespmem:s28+$0x5450];
	v17 =	vadd.f32 v18, v17;
	v18 =	vmul.f32 v31, v30  }
0x438: {  	v36 =	vld [tilespmem:s28+$0x7C50]  }
0x439: {  	v37 =	vld [tilespmem:s28+$0x5460];
	v17 =	vadd.f32 v18, v17;
	v18 =	vmul.f32 v33, v32  }
0x43a: {  	v38 =	vld [tilespmem:s28+$0x7C60]  }
0x43b: {  	v39 =	vld [tilespmem:s28+$0x7C70];
	v17 =	vadd.f32 v18, v17;
	v18 =	vmul.f32 v34, v19  }
0x43c: {  	v19 =	vld [tilespmem:s28+$0x5470]  }
0x43d: {  	v17 =	vadd.f32 v18, v17;
	v18 =	vmul.f32 v36, v35;
	_ =	sdelay $0x1  }
0x43e: {  	v17 =	vadd.f32 v18, v17;
	v18 =	vmul.f32 v38, v37;
	_ =	sdelay $0x1  }
0x43f: {  	v17 =	vadd.f32 v18, v17;
	v18 =	vmul.f32 v39, v19;
	_ =	sdelay $0x1  }
0x440: {  	v17 =	vadd.f32 v18, v17;
	_ =	sdelay $0x1  }
0x441: {  	[tilespmem:$0x11B80] =	vst v17  }
0x442: {  	v17 =	vld [tilespmem:s28+$0x5480]  }
0x443: {  	v18 =	vld [tilespmem:s28+$0x7C80]  }
0x444: {  	v19 =	vld [tilespmem:s28+$0x5490]  }
0x445: {  	v40 =	vld [tilespmem:s28+$0x7C90]  }
0x446: {  	v41 =	vld [tilespmem:s28+$0x54A0]  }
0x447: {  	v42 =	vld [tilespmem:s28+$0x7CA0]  }
0x448: {  	v43 =	vld [tilespmem:s28+$0x54B0]  }
0x449: {  	v44 =	vld [tilespmem:s28+$0x7CB0]  }
0x44a: {  	v45 =	vld [tilespmem:s28+$0x7CC0];
	v17 =	vmul.f32 v18, v17;
	v18 =	vmul.f32 v40, v19  }
0x44b: {  	v19 =	vld [tilespmem:s28+$0x54C0]  }
0x44c: {  	v46 =	vld [tilespmem:s28+$0x54D0];
	v17 =	vadd.f32 v18, v17;
	v18 =	vmul.f32 v42, v41  }
0x44d: {  	v47 =	vld [tilespmem:s28+$0x7CD0]  }
0x44e: {  	v48 =	vld [tilespmem:s28+$0x54E0];
	v17 =	vadd.f32 v18, v17;
	v18 =	vmul.f32 v44, v43  }
0x44f: {  	v49 =	vld [tilespmem:s28+$0x7CE0]  }
0x450: {  	v50 =	vld [tilespmem:s28+$0x7CF0];
	v17 =	vadd.f32 v18, v17;
	v18 =	vmul.f32 v45, v19  }
0x451: {  	v19 =	vld [tilespmem:s28+$0x54F0]  }
0x452: {  	v17 =	vadd.f32 v18, v17;
	v18 =	vmul.f32 v47, v46;
	_ =	sdelay $0x1  }
0x453: {  	v17 =	vadd.f32 v18, v17;
	v18 =	vmul.f32 v49, v48;
	_ =	sdelay $0x1  }
0x454: {  	v17 =	vadd.f32 v18, v17;
	v18 =	vmul.f32 v50, v19;
	_ =	sdelay $0x1  }
0x455: {  	v17 =	vadd.f32 v18, v17;
	_ =	sdelay $0x1  }
0x456: {  	[tilespmem:$0x11C00] =	vst v17  }
0x457: {  	v17 =	vld [tilespmem:s28+$0x5500]  }
0x458: {  	v18 =	vld [tilespmem:s28+$0x7D00]  }
0x459: {  	v19 =	vld [tilespmem:s28+$0x5510]  }
0x45a: {  	v51 =	vld [tilespmem:s28+$0x7D10]  }
0x45b: {  	v52 =	vld [tilespmem:s28+$0x5520]  }
0x45c: {  	v53 =	vld [tilespmem:s28+$0x7D20]  }
0x45d: {  	v54 =	vld [tilespmem:s28+$0x5530]  }
0x45e: {  	v55 =	vld [tilespmem:s28+$0x7D30]  }
0x45f: {  	v56 =	vld [tilespmem:s28+$0x7D40];
	v17 =	vmul.f32 v18, v17;
	v18 =	vmul.f32 v51, v19  }
0x460: {  	v19 =	vld [tilespmem:s28+$0x5540]  }
0x461: {  	v57 =	vld [tilespmem:s28+$0x5550];
	v17 =	vadd.f32 v18, v17;
	v18 =	vmul.f32 v53, v52  }
0x462: {  	v58 =	vld [tilespmem:s28+$0x7D50]  }
0x463: {  	v59 =	vld [tilespmem:s28+$0x5560];
	v17 =	vadd.f32 v18, v17;
	v18 =	vmul.f32 v55, v54  }
0x464: {  	v60 =	vld [tilespmem:s28+$0x7D60]  }
0x465: {  	v61 =	vld [tilespmem:s28+$0x7D70];
	v17 =	vadd.f32 v18, v17;
	v18 =	vmul.f32 v56, v19  }
0x466: {  	v19 =	vld [tilespmem:s28+$0x5570]  }
0x467: {  	v17 =	vadd.f32 v18, v17;
	v18 =	vmul.f32 v58, v57;
	_ =	sdelay $0x1  }
0x468: {  	v17 =	vadd.f32 v18, v17;
	v18 =	vmul.f32 v60, v59;
	_ =	sdelay $0x1  }
0x469: {  	v17 =	vadd.f32 v18, v17;
	v18 =	vmul.f32 v61, v19;
	_ =	sdelay $0x1  }
0x46a: {  	v17 =	vadd.f32 v18, v17;
	_ =	sdelay $0x1  }
0x46b: {  	[tilespmem:$0x11C80] =	vst v17  }
0x46c: {  	v17 =	vld [tilespmem:s28+$0x5580]  }
0x46d: {  	v18 =	vld [tilespmem:s28+$0x7D80]  }
0x46e: {  	v19 =	vld [tilespmem:s28+$0x5590]  }
0x46f: {  	v62 =	vld [tilespmem:s28+$0x7D90]  }
0x470: {  	v63 =	vld [tilespmem:s28+$0x55A0]  }
0x471: {  	v28 =	vld [tilespmem:s28+$0x7DA0]  }
0x472: {  	v29 =	vld [tilespmem:s28+$0x55B0]  }
0x473: {  	v30 =	vld [tilespmem:s28+$0x7DB0]  }
0x474: {  	v31 =	vld [tilespmem:s28+$0x7DC0];
	v17 =	vmul.f32 v18, v17;
	v18 =	vmul.f32 v62, v19  }
0x475: {  	v19 =	vld [tilespmem:s28+$0x55C0]  }
0x476: {  	v32 =	vld [tilespmem:s28+$0x55D0];
	v17 =	vadd.f32 v18, v17;
	v18 =	vmul.f32 v28, v63  }
0x477: {  	v33 =	vld [tilespmem:s28+$0x7DD0]  }
0x478: {  	v34 =	vld [tilespmem:s28+$0x55E0];
	v17 =	vadd.f32 v18, v17;
	v18 =	vmul.f32 v30, v29  }
0x479: {  	v35 =	vld [tilespmem:s28+$0x7DE0]  }
0x47a: {  	v36 =	vld [tilespmem:s28+$0x7DF0];
	v17 =	vadd.f32 v18, v17;
	v18 =	vmul.f32 v31, v19  }
0x47b: {  	v19 =	vld [tilespmem:s28+$0x55F0]  }
0x47c: {  	v17 =	vadd.f32 v18, v17;
	v18 =	vmul.f32 v33, v32;
	_ =	sdelay $0x1  }
0x47d: {  	v17 =	vadd.f32 v18, v17;
	v18 =	vmul.f32 v35, v34;
	_ =	sdelay $0x1  }
0x47e: {  	v17 =	vadd.f32 v18, v17;
	v18 =	vmul.f32 v36, v19;
	_ =	sdelay $0x1  }
0x47f: {  	v17 =	vadd.f32 v18, v17;
	_ =	sdelay $0x1  }
0x480: {  	[tilespmem:$0x11D00] =	vst v17  }
0x481: {  	v17 =	vld [tilespmem:s28+$0x5600]  }
0x482: {  	v18 =	vld [tilespmem:s28+$0x7E00]  }
0x483: {  	v19 =	vld [tilespmem:s28+$0x5610]  }
0x484: {  	v37 =	vld [tilespmem:s28+$0x7E10]  }
0x485: {  	v38 =	vld [tilespmem:s28+$0x5620]  }
0x486: {  	v39 =	vld [tilespmem:s28+$0x7E20]  }
0x487: {  	v40 =	vld [tilespmem:s28+$0x5630]  }
0x488: {  	v41 =	vld [tilespmem:s28+$0x7E30]  }
0x489: {  	v42 =	vld [tilespmem:s28+$0x7E40];
	v17 =	vmul.f32 v18, v17;
	v18 =	vmul.f32 v37, v19  }
0x48a: {  	v19 =	vld [tilespmem:s28+$0x5640]  }
0x48b: {  	v43 =	vld [tilespmem:s28+$0x5650];
	v17 =	vadd.f32 v18, v17;
	v18 =	vmul.f32 v39, v38  }
0x48c: {  	v44 =	vld [tilespmem:s28+$0x7E50]  }
0x48d: {  	v45 =	vld [tilespmem:s28+$0x5660];
	v17 =	vadd.f32 v18, v17;
	v18 =	vmul.f32 v41, v40  }
0x48e: {  	v46 =	vld [tilespmem:s28+$0x7E60]  }
0x48f: {  	v47 =	vld [tilespmem:s28+$0x7E70];
	v17 =	vadd.f32 v18, v17;
	v18 =	vmul.f32 v42, v19  }
0x490: {  	v19 =	vld [tilespmem:s28+$0x5670]  }
0x491: {  	v17 =	vadd.f32 v18, v17;
	v18 =	vmul.f32 v44, v43;
	_ =	sdelay $0x1  }
0x492: {  	v17 =	vadd.f32 v18, v17;
	v18 =	vmul.f32 v46, v45;
	_ =	sdelay $0x1  }
0x493: {  	v17 =	vadd.f32 v18, v17;
	v18 =	vmul.f32 v47, v19;
	_ =	sdelay $0x1  }
0x494: {  	v17 =	vadd.f32 v18, v17;
	_ =	sdelay $0x1  }
0x495: {  	[tilespmem:$0x11D80] =	vst v17  }
0x496: {  	v17 =	vld [tilespmem:s28+$0x5680]  }
0x497: {  	v18 =	vld [tilespmem:s28+$0x7E80]  }
0x498: {  	v19 =	vld [tilespmem:s28+$0x5690]  }
0x499: {  	v48 =	vld [tilespmem:s28+$0x7E90]  }
0x49a: {  	v49 =	vld [tilespmem:s28+$0x56A0]  }
0x49b: {  	v50 =	vld [tilespmem:s28+$0x7EA0]  }
0x49c: {  	v51 =	vld [tilespmem:s28+$0x56B0]  }
0x49d: {  	v52 =	vld [tilespmem:s28+$0x7EB0]  }
0x49e: {  	v53 =	vld [tilespmem:s28+$0x7EC0];
	v17 =	vmul.f32 v18, v17;
	v18 =	vmul.f32 v48, v19  }
0x49f: {  	v19 =	vld [tilespmem:s28+$0x56C0]  }
0x4a0: {  	v54 =	vld [tilespmem:s28+$0x56D0];
	v17 =	vadd.f32 v18, v17;
	v18 =	vmul.f32 v50, v49  }
0x4a1: {  	v55 =	vld [tilespmem:s28+$0x7ED0]  }
0x4a2: {  	v56 =	vld [tilespmem:s28+$0x56E0];
	v17 =	vadd.f32 v18, v17;
	v18 =	vmul.f32 v52, v51  }
0x4a3: {  	v57 =	vld [tilespmem:s28+$0x7EE0]  }
0x4a4: {  	v58 =	vld [tilespmem:s28+$0x7EF0];
	v17 =	vadd.f32 v18, v17;
	v18 =	vmul.f32 v53, v19  }
0x4a5: {  	v19 =	vld [tilespmem:s28+$0x56F0]  }
0x4a6: {  	v17 =	vadd.f32 v18, v17;
	v18 =	vmul.f32 v55, v54;
	_ =	sdelay $0x1  }
0x4a7: {  	v17 =	vadd.f32 v18, v17;
	v18 =	vmul.f32 v57, v56;
	_ =	sdelay $0x1  }
0x4a8: {  	v17 =	vadd.f32 v18, v17;
	v18 =	vmul.f32 v58, v19;
	_ =	sdelay $0x1  }
0x4a9: {  	v17 =	vadd.f32 v18, v17;
	_ =	sdelay $0x1  }
0x4aa: {  	[tilespmem:$0x11E00] =	vst v17  }
0x4ab: {  	v17 =	vld.idx.msk [tilespmem:v0+s20+$0x0], $0xffff;
	_ =	sdelay $0x1  }
0x4ac: {  	v18 =	vld.idx.msk [tilespmem:v2+s20+$0x0], $0xffff;
	_ =	sdelay $0x1  }
0x4ad: {  	v19 =	vld.idx.msk [tilespmem:v3+s20+$0x0], $0xffff  }
0x4ae: {  	v17 =	vadd.f32 $0.0e+00, v17  }
0x4af: {  	v59 =	vld.idx.msk [tilespmem:v4+s20+$0x0], $0xffff  }
0x4b0: {  	v17 =	vadd.f32 v18, v17  }
0x4b1: {  	v18 =	vld.idx.msk [tilespmem:v5+s20+$0x0], $0xffff  }
0x4b2: {  	v17 =	vadd.f32 v19, v17  }
0x4b3: {  	v19 =	vld.idx.msk [tilespmem:v6+s20+$0x0], $0xffff  }
0x4b4: {  	v17 =	vadd.f32 v59, v17  }
0x4b5: {  	v60 =	vld.idx.msk [tilespmem:v7+s20+$0x0], $0xffff  }
0x4b6: {  	v17 =	vadd.f32 v18, v17  }
0x4b7: {  	v18 =	vld.idx.msk [tilespmem:v8+s20+$0x0], $0xffff  }
0x4b8: {  	v17 =	vadd.f32 v19, v17  }
0x4b9: {  	v19 =	vld.idx.msk [tilespmem:v9+s20+$0x0], $0xffff  }
0x4ba: {  	v17 =	vadd.f32 v60, v17  }
0x4bb: {  	v61 =	vld.idx.msk [tilespmem:v10+s20+$0x0], $0xffff  }
0x4bc: {  	v17 =	vadd.f32 v18, v17  }
0x4bd: {  	v18 =	vld.idx.msk [tilespmem:v11+s20+$0x0], $0xffff  }
0x4be: {  	v17 =	vadd.f32 v19, v17  }
0x4bf: {  	v19 =	vld.idx.msk [tilespmem:v12+s20+$0x0], $0xffff  }
0x4c0: {  	v17 =	vadd.f32 v61, v17  }
0x4c1: {  	v62 =	vld.idx.msk [tilespmem:v13+s20+$0x0], $0xffff  }
0x4c2: {  	v17 =	vadd.f32 v18, v17  }
0x4c3: {  	v18 =	vld.idx.msk [tilespmem:v14+s20+$0x0], $0xffff  }
0x4c4: {  	v17 =	vadd.f32 v19, v17  }
0x4c5: {  	v19 =	vld.idx.msk [tilespmem:v15+s20+$0x0], $0xffff  }
0x4c6: {  	v17 =	vadd.f32 v62, v17  }
0x4c7: {  	v63 =	vld.idx.msk [tilespmem:v16+s20+$0x0], $0xffff  }
0x4c8: {  	v17 =	vadd.f32 v18, v17;
	_ =	sdelay $0x1  }
0x4c9: {  	v17 =	vadd.f32 v19, v17;
	_ =	sdelay $0x1  }
0x4ca: {  	v17 =	vadd.f32 v63, v17;
	_ =	sdelay $0x1  }
0x4cb: {  	v17 =	vmul.f32 $1.442695020e+00, v17;
	_ =	sdelay $0x1  }
0x4cc: {  	(erf) = vpow2.f32 v17;
	_ =	sdelay $0x4  }
0x4cd: {  	p1 =	sne.s32 s26, $0x4  }
.Ltmp3:
0x4ce: {  	_ = 	snop;
	(pc) =	sbr.rel @p1 .LBB2_8-.Ltmp3, $4  }
0x4cf: {  	_ = 	snop  }
0x4d0: {  	s31 =	sshll.u32 s26, $0x4  }
0x4d1: {  	s28 =	sand.u32 $0x3FFFFFF0, s31;
	v17 =	vpop (erf)  }
0x4d2: {  	s26 =	sadd.s32 $0x1, s26;
	[tilespmem:s28+$0x115C0] =	vst v17  }
0x4d3: {  	[hbm4b:s7+s2] =	stream.linear.scatter [tilespmem:s23], [sflag:$0x5], $0x2710, $0x38;
	[tilespmem:$0x12380] =	vst v63  }
0x4d4: {  	_ =	swait.ge [sflag:s11], $0x2710  }
0x4d5: {  	[sflag:s11] =	ssyncset.done $0x0  }
0x4d6: {  	[sflag:s11] =	ssyncadd.s32 $0xFFFFD8F0  }
0x4d7: {  	[spmem:s1] =	stream.indirect.scatter.add.f32 [tilespmem:s23], [sflag:$0x5], $0x1, s2, s24, $0xb8;
	[tilespmem:$0x12380] =	vst v63  }
0x4d8: {  	_ =	swait.ge [sflag:s11], $0x2710  }
0x4d9: {  	[sflag:s11] =	ssyncset.done $0x0  }
0x4da: {  	s26 =	sshrl.u32 @!p0 s1, $0x3;
	s25 =	sadd.s32 $0x1, s25;
	[sflag:s11] =	ssyncadd.s32 $0xFFFFD8F0  }
0x4db: {  	s28 =	simm.s32 @!p0 $0x1C05;
	p1 =	sne.s32 s25, s9;
	[bflag:$0x0] =	sbarrier.arrive $0xFFFF  }
0x4dc: {  	[hbm:s8], [sflag:s28] =	dma.local @!p0 [spmem:s26], $0x500  }
.Ltmp4:
0x4dd: {  	_ = 	snop;
	(pc) =	sbr.rel @p1 .LBB2_1-.Ltmp4, $4  }
0x4de: {  	s26 =	simm.s32 @!p0 $0x5  }
0x4df: {  	_ =	swait.ge @!p0 [sflag:s26], $0x500  }
0x4e0: {  	[sflag:s26] =	ssyncset.done @!p0 $0x0  }
0x4e1: {  	[sflag:s26] =	ssyncadd.s32 @!p0 $0xFFFFFB00  }
0x4e2: {  	_ =	sfence.sel $0x180000  }
0x4e3: {  	[bflag:$0x0] =	sbarrier.arrive $0xFFFF  }
0x4e4: {  	_ =	strace $0x90000047  }
0x4e5: {  	s0 =	sadd.s32 @!p0 $0x100000, s0;
	[bflag:$0x2] =	sbarrier.arrive $0xFFFF  }
0x4e6: {  	[sflag:s0] =	ssyncadd.tile.s32 @!p0 $0x1;
	_ =	shalt  }
.Lfunc_end2:
_tile_overlayer_lowered:
.L_overlay_start_2:
0x4e7: {  	(tag) =	ssettag $0x2  }
0x4e8: {  	s0 =	rddreg [dreg:$0x0];
	s2 =	stileid.u32  }
0x4e9: {  	s1 =	rddreg [dreg:$0x1];
	p0 =	sne.s32 s2, $0x0  }
0x4ea: {  	s3 =	rddreg [dreg:$0x2];
	[bflag:$0x3] =	sbarrier.arrive $0xFFFF;
	s2 =	simm.s32 @!p0 $0x1C05  }
0x4eb: {  	[timem:s3], [sflag:s2] =	dma.local @!p0 [hbm:s0], s1  }
0x4ec: {  	s0 =	simm.s32 @!p0 $0x5  }
0x4ed: {  	_ =	swait.ge @!p0 [sflag:s0], s1  }
0x4ee: {  	s1 =	ssub.s32 @!p0 $0x0, s1;
	[sflag:s0] =	ssyncset.done @!p0 $0x0  }
0x4ef: {  	[sflag:s0] =	ssyncadd.s32 @!p0 s1  }
0x4f0: {  	[bflag:$0x3] =	sbarrier.arrive $0xFFFF  }
0x4f1: {  	_ =	shalt  }

// kernel: kernel.8.cloned.1.call-start
scs
__scs_entry_jumppad:
0x0: {  	(pc) =	sbr.rel $0x88, $3  }
0x1: {  	(tag) =	ssettag $0x0;
	lr =	simm.s32 $0x1  }
0x2: {  	[smem:$0x3F9D] =	sst lr;
	_ =	strace $0xD0000000  }
0x3: {  	_ = 	snop  }
0x4: {  	_ = 	snop  }
0x5: {  	_ = 	snop  }
0x6: {  	_ = 	snop  }
0x7: {  	_ = 	snop  }
__scs_overlays_trampoline_lowered:
0x8: {  	[smem:$0x3FAC] =	sst s0  }
0x9: {  	[smem:$0x3FAD] =	sst s1  }
0xa: {  	[smem:$0x3FAE] =	sst s2  }
0xb: {  	[smem:$0x3FAF] =	sst s3  }
0xc: {  	[smem:$0x3FB0] =	sst s4  }
0xd: {  	[smem:$0x3FB1] =	sst s5  }
0xe: {  	[smem:$0x3FB2] =	sst s6  }
0xf: {  	[smem:$0x3FB3] =	sst s7  }
0x10: {  	[smem:$0x3FB4] =	sst s8  }
0x11: {  	[smem:$0x3FB5] =	sst s9;
	s0 =	simm.s32 @!p0 $0x0  }
0x12: {  	s1 =	sld [smem:$0x3F9B];
	s0 =	simm.s32 @p0 $0x1  }
0x13: {  	[smem:$0x3FB6] =	sst s0;
	s0 =	simm.s32 @!p1 $0x0  }
0x14: {  	s2 =	sld [smem:$0x3F9A];
	s0 =	simm.s32 @p1 $0x1  }
0x15: {  	[smem:$0x3FB7] =	sst s0;
	s0 =	simm.s32 @!p2 $0x0  }
0x16: {  	s3 =	sld [smem:$0x3FDB];
	s0 =	simm.s32 @p2 $0x1  }
0x17: {  	s4 =	simm.s32 $0x1BF5;
	[smem:$0x3FB9] =	sst s0  }
0x18: {  	s0 =	sld [smem:$0x3F9C];
	_ =	swait.ge [sflag:s4], $0x0  }
0x19: {  	s7 =	sld [smem:$0x3F9D]  }
0x1a: {  	s8 =	sadd.s32 $0xFFFFE003, lr  }
0x1b: {  	s9 =	sadd.s32 $0xFFFFFEF7, lr;
	s5 =	simm.s32 $0xFFFFFFFF;
	p2 =	slt.u32 s8, $0xFFFFF086  }
0x1c: {  	p1 =	slt.u32 s9, $0xF7A;
	s5 =	simm.s32 @!p2 $0x0  }
0x1d: {  	s5 =	simm.s32 @p1 $0x1;
	p0 =	seq.s32 s7, s2  }
0x1e: {  	s7 =	smul.u32 @!p0 $0xF7A, s2;
	p2 =	seq.s32 @!p0 s5, $0x0  }
0x1f: {  	s9 =	smul.u32 $0xF7A, s1;
	s8 =	simm.s32 @!p0 $0x1BF5;
	p2 =	por !p2, p0  }
0x20: {  	[sflag:s8] =	ssyncset.s32 @!p0 $0xFFFFF086;
	s6 =	sadd.s32 @!p0 s3, s7;
	s7 =	simm.s32 @!p0 $0x108  }
0x21: {  	s3 =	sadd.s32 s3, s9;
	s6 =	sadd.s32 @!p0 $0x88, s6;
	s7 =	simm.s32 @p2 $0x1082  }
0x22: {  	[simem:s7], [sflag:s8] =	dma.local @!p0 [hbm:s6], $0xF7A  }
0x23: {  	s9 =	sor.u32 $0xD0000000, s2;
	s6 =	simm.s32 $0x108;
	_ =	swait.ge @!p0 [sflag:s8], $0x0  }
0x24: {  	s3 =	sadd.s32 $0x88, s3;
	s6 =	simm.s32 @!p1 $0x1082;
	[sflag:s4] =	ssyncset.s32 $0xFFFFF086  }
0x25: {  	[simem:s6], [sflag:s4] =	dma.local [hbm:s3], $0xF7A  }
0x26: {  	[smem:$0x3F9D] =	sst s1;
	(tag) =	ssettag s2;
	_ =	strace s9  }
0x27: {  	s1 =	sld [smem:$0x3FAD]  }
0x28: {  	s2 =	sld [smem:$0x3FAE]  }
0x29: {  	s4 =	sld [smem:$0x3FB0]  }
0x2a: {  	p0 =	seq.s32 s5, $0x0;
	s5 =	sld [smem:$0x3FB1]  }
0x2b: {  	s6 =	sld [smem:$0x3FB2]  }
0x2c: {  	s7 =	sld [smem:$0x3FB3]  }
0x2d: {  	s3 =	simm.s32 $0x108;
	s8 =	sld [smem:$0x3FB4]  }
0x2e: {  	s3 =	simm.s32 @!p0 $0x1082;
	s9 =	sld [smem:$0x3FB5]  }
0x2f: {  	lr =	sadd.s32 s0, s3;
	s0 =	sld [smem:$0x3FAC]  }
0x30: {  	s3 =	sld [smem:$0x3FAF]  }
0x31: {  	[smem:$0x3FB8] =	sst s10  }
0x32: {  	s10 =	sld [smem:$0x3FB6];
	_ =	sdelay $0x3  }
0x33: {  	p0 =	seq.s32 s10, $0x1;
	s10 =	sld [smem:$0x3FB8];
	_ =	sdelay $0x3  }
0x34: {  	[smem:$0x3FB8] =	sst s10  }
0x35: {  	s10 =	sld [smem:$0x3FB7];
	_ =	sdelay $0x3  }
0x36: {  	p1 =	seq.s32 s10, $0x1;
	s10 =	sld [smem:$0x3FB8];
	_ =	sdelay $0x3  }
0x37: {  	[smem:$0x3FB8] =	sst s10  }
0x38: {  	s10 =	sld [smem:$0x3FB9]  }
0x39: {  	_ = 	snop;
	(pc) =	sbr.ind lr, $3  }
0x3a: {  	_ = 	snop  }
0x3b: {  	_ = 	snop  }
0x3c: {  	p2 =	seq.s32 s10, $0x1;
	s10 =	sld [smem:$0x3FB8]  }
0x3d: {  	_ =	shalt  }
0x3e: {  	_ =	shalt  }
0x3f: {  	_ =	shalt  }
0x40: {  	_ =	shalt  }
0x41: {  	_ =	shalt  }
0x42: {  	_ =	shalt  }
0x43: {  	_ =	shalt  }
0x44: {  	_ =	shalt  }
0x45: {  	_ =	shalt  }
0x46: {  	_ =	shalt  }
0x47: {  	_ =	shalt  }
0x48: {  	_ =	shalt  }
0x49: {  	_ =	shalt  }
0x4a: {  	_ =	shalt  }
0x4b: {  	_ =	shalt  }
0x4c: {  	_ =	shalt  }
0x4d: {  	_ =	shalt  }
0x4e: {  	_ =	shalt  }
0x4f: {  	_ =	shalt  }
0x50: {  	_ =	shalt  }
0x51: {  	_ =	shalt  }
0x52: {  	_ =	shalt  }
0x53: {  	_ =	shalt  }
0x54: {  	_ =	shalt  }
0x55: {  	_ =	shalt  }
0x56: {  	_ =	shalt  }
0x57: {  	_ =	shalt  }
0x58: {  	_ =	shalt  }
0x59: {  	_ =	shalt  }
0x5a: {  	_ =	shalt  }
0x5b: {  	_ =	shalt  }
0x5c: {  	_ =	shalt  }
0x5d: {  	_ =	shalt  }
0x5e: {  	_ =	shalt  }
0x5f: {  	_ =	shalt  }
0x60: {  	_ =	shalt  }
0x61: {  	_ =	shalt  }
0x62: {  	_ =	shalt  }
0x63: {  	_ =	shalt  }
0x64: {  	_ =	shalt  }
0x65: {  	_ =	shalt  }
0x66: {  	_ =	shalt  }
0x67: {  	_ =	shalt  }
0x68: {  	_ =	shalt  }
0x69: {  	_ =	shalt  }
0x6a: {  	_ =	shalt  }
0x6b: {  	_ =	shalt  }
0x6c: {  	_ =	shalt  }
0x6d: {  	_ =	shalt  }
0x6e: {  	_ =	shalt  }
0x6f: {  	_ =	shalt  }
0x70: {  	_ =	shalt  }
0x71: {  	_ =	shalt  }
0x72: {  	_ =	shalt  }
0x73: {  	_ =	shalt  }
0x74: {  	_ =	shalt  }
0x75: {  	_ =	shalt  }
0x76: {  	_ =	shalt  }
0x77: {  	_ =	shalt  }
0x78: {  	_ =	shalt  }
0x79: {  	_ =	shalt  }
0x7a: {  	_ =	shalt  }
0x7b: {  	_ =	shalt  }
0x7c: {  	_ =	shalt  }
0x7d: {  	_ =	shalt  }
0x7e: {  	_ =	shalt  }
0x7f: {  	_ =	shalt  }
0x80: {  	_ =	shalt  }
0x81: {  	_ =	shalt  }
0x82: {  	_ =	shalt  }
0x83: {  	_ =	shalt  }
0x84: {  	_ =	shalt  }
0x85: {  	_ =	shalt  }
0x86: {  	_ =	shalt  }
0x87: {  	_ =	shalt  }
.Lfunc_end0:
.L_simem_size_0:
called_computation.1_lowered:
.L_overlay_start_0:
0x88: {  	s2 =	sld [smem:$0x3FD9]  }
0x89: {  	s3 =	sld [smem:$0x3FFE];
	_ =	sdelay $0x1  }
0x8a: {  	s1 =	srdreg.scid  }
0x8b: {  	s0 =	sand.u32 $0x1, s1  }
0x8c: {  	s14 =	sshll.u32 s0, $0xA;
	s2 =	sadd.s32 s3, s2  }
0x8d: {  	s2 =	sadd.s32 s2, s14  }
0x8e: {  	[smem:$0x3FC4] =	sst s2  }
0x8f: {  	_ = 	snop  }
0x90: {  	s2 =	sld [smem:$0x3FD0];
	_ =	sdelay $0x2  }
0x91: {  	s15 =	simm.s32 $0xA;
	s4 =	simm.s32 $0x10  }
0x92: {  	[smem:s4], [sflag:s15] =	dma.local [hbm:s2], $0x1  }
0x93: {  	_ =	swait.eq [sflag:s15], $0x1  }
0x94: {  	[sflag:s15] =	ssyncset.done $0x0  }
0x95: {  	[sflag:s15] =	ssyncadd.s32 $0xFFFFFFFF  }
0x96: {  	s16 =	sld [smem:$0x12];
	(tm) =	ssettm $0x1  }
0x97: {  	s17 =	sld [smem:$0x3FFB];
	_ =	sdelay $0x3  }
0x98: {  	_ =	strace s17  }
0x99: {  	s3 =	sld [smem:$0x3FFC];
	_ =	sdelay $0x3  }
0x9a: {  	_ =	strace s3  }
0x9b: {  	s3 =	sld [smem:$0x3FFD];
	_ =	sdelay $0x3  }
0x9c: {  	_ =	strace s3  }
0x9d: {  	_ =	strace $0x8FFFFFFF  }
0x9e: {  	s18 =	sld [smem:$0x3FDB];
	_ =	sdelay $0x1  }
0x9f: {  	s19 =	simm.s32 $_scs_section_size  }
0xa0: {  	s5 =	simm.s32 $_size__tile_overlayer_lowered;
	s6 =	simm.s32 $_tile_overlayer_lowered  }
0xa1: {  	s22 =	simm.s32 $0x1BFF;
	s21 =	sshll.u32 s6, $0x1;
	s3 =	sadd.s32 s19, s18  }
0xa2: {  	s7 =	simm.s32 $0x0;
	s20 =	sshll.u32 s5, $0x1;
	s5 =	sadd.s32 s21, s3  }
0xa3: {  	[timem:s7], [sflag:s22] =	dma.local [hbm:s5], s20  }
0xa4: {  	_ =	swait.ge [sflag:s22], s20  }
0xa5: {  	s4 =	ssub.s32 $0x0, s20;
	[sflag:s22] =	ssyncset.done $0x0  }
0xa6: {  	[sflag:s22] =	ssyncadd.s32 s4;
	_ =	sdelay $0x1  }
0xa7: {  	s23 =	simm.s32 $0x1B8B  }
0xa8: {  	_ =	swait.ge [sflag:s23], $0x1  }
0xa9: {  	[sflag:s23] =	ssyncset.done $0x0  }
0xaa: {  	s25 =	simm.s32 $0x1B8E;
	s24 =	sld [smem:$0x3FFE];
	[sflag:s23] =	ssyncadd.s32 $0xFFFFFFFF  }
0xab: {  	s26 =	simm.s32 $execute0_lowered;
	[smem:$0x3FD2] =	sst s25  }
0xac: {  	s5 =	sshll.u32 s26, $0x1;
	_ =	strace $0x80000049;
	[dreg:$0x1] =	wrdreg $0xFFFFFFFF  }
0xad: {  	s28 =	simm.s32 $_size_execute0_lowered;
	s3 =	sadd.s32 s3, s5;
	[dreg:$0x0] =	wrdreg $0x0  }
0xae: {  	s5 =	sshll.u32 s28, $0x1;
	[dreg:$0x2] =	wrdreg s3  }
0xaf: {  	[dreg:$0x3] =	wrdreg s5  }
0xb0: {  	[dreg:$0x4] =	wrdreg $0xC0  }
0xb1: {  	_ =	task [dreg:s7], $0x5FFFF  }
0xb2: {  	[dreg:$0x1] =	wrdreg $0xFFFFFFFF  }
0xb3: {  	[dreg:$0x0] =	wrdreg $0x60  }
0xb4: {  	[dreg:$0x2] =	wrdreg s24  }
0xb5: {  	[dreg:$0x3] =	wrdreg s16  }
0xb6: {  	[dreg:$0x4] =	wrdreg $0x9  }
0xb7: {  	_ =	task.clear_ibuf [dreg:s7], $0x5FFFF;
	_ =	strace $0x90000049  }
0xb8: {  	s29 =	simm.s32 $0x9;
	_ =	strace $0x8000004B  }
0xb9: {  	_ =	swait.ge [sflag:s29], $0x1  }
0xba: {  	[sflag:s29] =	ssyncadd.s32 $0xFFFFFFFF  }
0xbb: {  	_ =	strace $0x9000004B  }
0xbc: {  	_ =	sfence  }
0xbd: {  	s30 =	sld [smem:$0x0];
	_ =	sdelay $0x2  }
0xbe: {  	s31 =	sshll.u32 s1, $0xD;
	s1 =	sshrl.u32 s1, $0x2  }
0xbf: {  	s3 =	sand.u32 $0x4000, s31;
	s1 =	sadd.s32 s1, s30  }
0xc0: {  	s0 =	sor.u32 s3, s0;
	s1 =	sshll.u32 s1, $0x11  }
0xc1: {  	s0 =	sor.u32 s1, s0  }
0xc2: {  	s0 =	sadd.s32 $0x8F2B, s0  }
0xc3: {  	[sflag:s0] =	ssyncadd.remote.s32 $0x1  }
0xc4: {  	_ =	sfence.sel $0xFFFF  }
0xc5: {  	[dreg:$0x0] =	wrdreg $0xFFFFFFFF;
	(pc) =	sbr.abs _section_cstart, $3  }
0xc6: {  	[dreg:$0x1] =	wrdreg $0xFFFFFFFF  }
0xc7: {  	_ =	task.clear_ibuf [dreg:s7], $0x2FFFF;
	_ =	strace $0x9FFFFFFF  }
0xc8: {  	(tm) =	ssettm $0x7FFFFFFF  }
0xc9: {  	_ =	shalt  }
tec
execute0_lowered:
.L_overlay_start_1:
0x0: {  	(tag) =	ssettag $0x1  }
0x1: {  	s4 =	rddreg [dreg:$0x0];
	s1 =	srdreg.scid  }
0x2: {  	s0 =	stileid.u32;
	s7 =	rddreg [dreg:$0x1];
	s2 =	simm.s32 $0x0  }
0x3: {  	s11 =	simm.s32 $0x7780;
	s12 =	simm.s32 $0x1;
	s13 =	simm.s32 $0x2  }
0x4: {  	s14 =	simm.s32 $0x3;
	s15 =	simm.s32 $0x4;
	s16 =	simm.s32 $0x9F00  }
0x5: {  	s17 =	simm.s32 $0x5;
	s3 =	sand.u32 $0x1, s1;
	s5 =	sshll.u32 s0, $0x1  }
0x6: {  	s18 =	simm.s32 $0x0;
	s1 =	rddreg [dreg:$0x2];
	s5 =	sor.u32 s3, s5  }
0x7: {  	[smem:$0x7FF] =	sst s2;
	s31 =	ssub.s32 $0x2, s3;
	s8 =	smul.u32 $0x4E2, s5  }
0x8: {  	_ =	strace $0x8000004A;
	s3 =	sadd.s32 $0x6D000, s4;
	s6 =	sshrl.u32 s31, $0x1  }
0x9: {  	s10 =	ssub.s32 s31, s6;
	s9 =	sadd.s32 s8, s4;
	s4 =	sadd.s32 $0x6D500, s4  }
0xa: {  	s7 =	sadd.s32 s7, s8;
	s8 =	smax.u32 s10, $0x1;
	s10 =	simm.s32 $0x5000  }
0xb: {  	s5 =	sadd.s32 $0x1600, s9;
	s6 =	sadd.s32 $0x63200, s9;
	s9 =	simm.s32 $0x2800  }
.LBB2_1:
0xc: {  	[tilespmem:s2], [sflag:$0x1] =	stream.linear.gather [hbm4b:s3+s2], $0x2800, $0x38;
	[tilespmem:$0xC680] =	vst v63  }
0xd: {  	_ = 	snop  }
0xe: {  	[tilespmem:s9], [sflag:$0x2] =	stream.linear.gather [hbm4b:s4+s2], $0x2800, $0x38;
	[tilespmem:$0xC680] =	vst v63  }
0xf: {  	_ = 	snop  }
0x10: {  	[tilespmem:s10], [sflag:$0x3] =	stream.linear.gather [hbm4b:s5+s2], $0x2710, $0x38;
	[tilespmem:$0xC680] =	vst v63  }
0x11: {  	_ = 	snop  }
0x12: {  	[tilespmem:s11], [sflag:$0x4] =	stream.linear.gather [hbm4b:s6+s2], $0x2710, $0x38;
	[tilespmem:$0xC680] =	vst v63  }
0x13: {  	_ =	swait.ge [sflag:s12], $0x2800  }
0x14: {  	[sflag:s12] =	ssyncset.done $0x0  }
0x15: {  	[sflag:s12] =	ssyncadd.s32 $0xFFFFD800  }
0x16: {  	_ =	swait.ge [sflag:s13], $0x2800  }
0x17: {  	[sflag:s13] =	ssyncset.done $0x0  }
0x18: {  	[sflag:s13] =	ssyncadd.s32 $0xFFFFD800  }
0x19: {  	_ =	swait.ge [sflag:s14], $0x2710  }
0x1a: {  	[sflag:s14] =	ssyncset.done $0x0  }
0x1b: {  	[sflag:s14] =	ssyncadd.s32 $0xFFFFD8F0  }
0x1c: {  	_ =	swait.ge [sflag:s15], $0x2710  }
0x1d: {  	[sflag:s15] =	ssyncset.done $0x0  }
0x1e: {  	s19 =	simm.s32 $0x0;
	[sflag:s15] =	ssyncadd.s32 $0xFFFFD8F0  }
0x1f: {  	v0 =	vld [tilespmem:s19+$0x5000];
	_ =	sdelay $0x7  }
0x20: {  	v1 =	vld.idx.msk [tilespmem:v0+s9+$0x0], $0xffff  }
0x21: {  	v0 =	vld.idx.msk [tilespmem:v0+s2+$0x0], $0xffff;
	_ =	sdelay $0x4  }
0x22: {  	v0 =	vadd.f32 v1, v0;
	_ =	sdelay $0x1  }
0x23: {  	(erf) = vrcp.f32 v0;
	_ =	sdelay $0x3  }
0x24: {  	s21 =	simm.s32 $0x10;
	v1 =	vld [tilespmem:s19+$0x7780]  }
0x25: {  	s20 =	simm.s32 $0x80;
	v0 =	vld [tilespmem:s21+$0x5000]  }
.LBB2_2:
0x26: {  	p0 =	sne.s32 s20, $0x9C00;
	_ =	sdelay $0x2  }
0x27: {  	v2 =	vpop (erf)  }
0x28: {  	v1 =	vmul.f32 v2, v1;
	_ =	sdelay $0x1  }
0x29: {  	[tilespmem:s19+$0x9F00] =	vst v1;
	s19 =	smov.u32 s21  }
0x2a: {  	v1 =	vld.idx.msk [tilespmem:v0+s9+$0x0], $0xffff  }
0x2b: {  	v0 =	vld.idx.msk [tilespmem:v0+s2+$0x0], $0xffff;
	_ =	sdelay $0x5  }
0x2c: {  	v0 =	vadd.f32 v1, v0;
	_ =	sdelay $0x1  }
0x2d: {  	(erf) = vrcp.f32 v0  }
.Ltmp0:
0x2e: {  	(pc) =	sbr.rel @p0 .LBB2_2-.Ltmp0, $3  }
0x2f: {  	_ =	sdelay $0x1  }
0x30: {  	s21 =	sshra.s32 s20, $0x2;
	v1 =	vld [tilespmem:s19+$0x7780]  }
0x31: {  	s20 =	sadd.s32 $0x40, s20;
	v0 =	vld [tilespmem:s21+$0x5000]  }
0x32: {  	_ =	sdelay $0x3  }
0x33: {  	v2 =	vpop (erf)  }
0x34: {  	v1 =	vmul.f32 v2, v1;
	_ =	sdelay $0x1  }
0x35: {  	[tilespmem:s19+$0x9F00] =	vst v1  }
0x36: {  	v1 =	vld.idx.msk [tilespmem:v0+s9+$0x0], $0xffff  }
0x37: {  	v61 =	vld.idx.msk [tilespmem:v0+s2+$0x0], $0xffff;
	_ =	sdelay $0x4  }
0x38: {  	v0 =	vadd.f32 v1, v61;
	_ =	sdelay $0x1  }
0x39: {  	(erf) = vrcp.f32 v0;
	_ =	sdelay $0x4  }
0x3a: {  	v62 =	vld [tilespmem:s21+$0x7780];
	_ =	sdelay $0x3  }
0x3b: {  	v63 =	vpop (erf)  }
0x3c: {  	s18 =	sadd.s32 $0x1, s18;
	v0 =	vmul.f32 v63, v62  }
0x3d: {  	p0 =	sne.s32 s18, s8  }
.Ltmp1:
0x3e: {  	[tilespmem:s21+$0x9F00] =	vst v0;
	(pc) =	sbr.rel @p0 .LBB2_1-.Ltmp1, $4  }
0x3f: {  	[hbm4b:s7+s2] =	stream.linear.scatter [tilespmem:s16], [sflag:$0x5], $0x2710, $0x38;
	[tilespmem:$0xC680] =	vst v63  }
0x40: {  	_ =	swait.ge [sflag:s17], $0x2710  }
0x41: {  	[sflag:s17] =	ssyncset.done $0x0  }
0x42: {  	[sflag:s17] =	ssyncadd.s32 $0xFFFFD8F0  }
0x43: {  	_ =	sfence.sel $0x180000  }
0x44: {  	[bflag:$0x0] =	sbarrier.arrive $0xFFFF  }
0x45: {  	p0 =	sne.s32 s0, $0x0;
	_ =	strace $0x9000004A  }
0x46: {  	s0 =	sadd.s32 @!p0 $0x100000, s1;
	[bflag:$0x2] =	sbarrier.arrive $0xFFFF  }
0x47: {  	[sflag:s0] =	ssyncadd.tile.s32 @!p0 $0x1;
	_ =	shalt  }
.Lfunc_end2:
_tile_overlayer_lowered:
.L_overlay_start_2:
0x48: {  	(tag) =	ssettag $0x2  }
0x49: {  	s0 =	rddreg [dreg:$0x0];
	s2 =	stileid.u32  }
0x4a: {  	s1 =	rddreg [dreg:$0x1];
	p0 =	sne.s32 s2, $0x0  }
0x4b: {  	s3 =	rddreg [dreg:$0x2];
	[bflag:$0x3] =	sbarrier.arrive $0xFFFF;
	s2 =	simm.s32 @!p0 $0x1C05  }
0x4c: {  	[timem:s3], [sflag:s2] =	dma.local @!p0 [hbm:s0], s1  }
0x4d: {  	s0 =	simm.s32 @!p0 $0x5  }
0x4e: {  	_ =	swait.ge @!p0 [sflag:s0], s1  }
0x4f: {  	s1 =	ssub.s32 @!p0 $0x0, s1;
	[sflag:s0] =	ssyncset.done @!p0 $0x0  }
0x50: {  	[sflag:s0] =	ssyncadd.s32 @!p0 s1  }
0x51: {  	[bflag:$0x3] =	sbarrier.arrive $0xFFFF  }
0x52: {  	_ =	shalt  }

</sc_bundles>
